<compile_context>
chip_gen: v7x
topology: tpu7x:2x2x1
jax: 0.10.2.dev20260603
libtpu: 0.0.44.dev20260713+nightly
codegen_flags: <defaults>
</compile_context>

<pallas_src>
import jax
import jax.numpy as jnp
from jax import lax
from jax.experimental import pallas as pl
from jax.experimental.pallas import tpu as pltpu
from jax.experimental.pallas import tpu_sc as plsc

DIM = 128
ALPHA = 0.2
NUM_NODE = 100000
N_ITEM = 10000
N_TGT = 1024
E_INT = 320000
E_AGG = 51200
NPOS = 200

NC, NS, L = 2, 16, 16
NW = NC * NS

_MESH = dict(core_axis_name="c", subcore_axis_name="s", num_cores=NC,
             num_subcores=NS)
_SC_PARAMS = pltpu.CompilerParams(needs_layout_passes=False)


def _wid():
    return lax.axis_index("s") * NC + lax.axis_index("c")


HN_PAD = 10240
HN_PER_W = HN_PAD // NW


def _hn_body(emb, iid, hn_out, idx_v, rows_v, sem):
    base = _wid() * HN_PER_W
    pltpu.sync_copy(iid.at[pl.ds(base, HN_PER_W)], idx_v)
    pltpu.async_copy(emb.at[idx_v], rows_v, sem).wait()
    pltpu.sync_copy(rows_v, hn_out.at[pl.ds(base, HN_PER_W)])


def _gather_hn(emb, iid_pad):
    return pl.kernel(
        _hn_body,
        out_type=jax.ShapeDtypeStruct((HN_PAD, DIM), jnp.float32),
        mesh=plsc.VectorSubcoreMesh(**_MESH),
        compiler_params=_SC_PARAMS,
        scratch_types=[
            pltpu.VMEM((HN_PER_W,), jnp.int32),
            pltpu.VMEM((HN_PER_W, DIM), jnp.float32),
            pltpu.SemaphoreType.DMA,
        ],
    )(emb, iid_pad)


EK = 40
E_PER_S = E_INT // NS
NCHUNK = E_PER_S // EK
NPAIR = NCHUNK // 2
N_ITEM_PAD = 10240
HALF = 5120
TRASH = HALF
HALF_PAD = HALF + 128
ZROWS_PER_S = HALF_PAD // NS
HROWS_PER_S = HALF // NS


def _edge_body(hn, src, dst, pw, ft_out,
               src_v0, dst_v0, ldst_v0, hs_v0, hd_v0, msg_v0, w_v0,
               src_v1, dst_v1, ldst_v1, hs_v1, hd_v1, msg_v1, w_v1,
               pw_v, num_sp, den_sp,
               sg1_0, sg2_0, ss_0, sg1_1, sg2_1, ss_1):
    c = lax.axis_index("c")
    s = lax.axis_index("s")
    srcs = (src_v0, src_v1)
    dsts = (dst_v0, dst_v1)
    ldsts = (ldst_v0, ldst_v1)
    hss = (hs_v0, hs_v1)
    hds = (hd_v0, hd_v1)
    msgs = (msg_v0, msg_v1)
    ws = (w_v0, w_v1)
    sg1 = (sg1_0, sg1_1)
    sg2 = (sg2_0, sg2_1)
    ss = (ss_0, ss_1)

    def zfill(i, carry):
        zv = jnp.zeros((L,), jnp.float32)
        for j in range(DIM // L):
            msg_v0[i, pl.ds(j * L, L)] = zv
        return carry

    lax.fori_loop(0, EK, zfill, 0)
    for k in range(0, 320, 40):
        pltpu.sync_copy(msg_v0.at[pl.ds(0, 40)],
                        num_sp.at[pl.ds(s * ZROWS_PER_S + k, 40)])
        pltpu.sync_copy(msg_v0.at[pl.ds(0, 40)],
                        den_sp.at[pl.ds(s * ZROWS_PER_S + k, 40)])
    pltpu.sync_copy(msg_v0.at[pl.ds(0, 8)],
                    num_sp.at[pl.ds(s * ZROWS_PER_S + 320, 8)])
    pltpu.sync_copy(msg_v0.at[pl.ds(0, 8)],
                    den_sp.at[pl.ds(s * ZROWS_PER_S + 320, 8)])
    pltpu.sync_copy(pw, pw_v)
    plsc.subcore_barrier()

    base0 = s * E_PER_S
    lo = c * HALF
    pw_regs = [pw_v[pl.ds(j * L, L)] for j in range(DIM // L)]

    def start_chunk(ci, P):
        base = base0 + ci * EK
        pltpu.sync_copy(src.at[pl.ds(base, EK)], srcs[P])
        pltpu.sync_copy(dst.at[pl.ds(base, EK)], dsts[P])
        pltpu.async_copy(hn.at[srcs[P]], hss[P], sg1[P])
        pltpu.async_copy(hn.at[dsts[P]], hds[P], sg2[P])

    def process(pi, P):
        pltpu.make_async_copy(hn.at[srcs[P]], hss[P], sg1[P]).wait()
        pltpu.make_async_copy(hn.at[dsts[P]], hds[P], sg2[P]).wait()

        @pl.when(pi > 0)
        def _():
            pltpu.make_async_copy(msgs[P], num_sp.at[ldsts[P]], ss[P]).wait()
            pltpu.make_async_copy(ws[P], den_sp.at[ldsts[P]], ss[P]).wait()

        for g in list(range(0, EK - 15, 16)) + ([EK - 16] if EK % 16 else []):
            d = dsts[P][pl.ds(g, 16)]
            ld = d - lo
            ok = (ld >= 0) & (ld < HALF)
            ldsts[P][pl.ds(g, 16)] = jnp.where(ok, ld, TRASH)

        def edge(i, carry2):
            hs_regs = []
            acc = jnp.zeros((L,), jnp.float32)
            for j in range(DIM // L):
                a = hss[P][i, pl.ds(j * L, L)]
                b = hds[P][i, pl.ds(j * L, L)]
                hs_regs.append(a)
                acc = acc + a * b * pw_regs[j]
            e = jnp.sum(acc)
            ev = jnp.full((L,), e)
            ev = jnp.where(ev > 0, ev, ALPHA * ev)
            wv = jnp.exp(ev)
            for j in range(DIM // L):
                ws[P][i, pl.ds(j * L, L)] = wv
                msgs[P][i, pl.ds(j * L, L)] = hs_regs[j] * wv
            return carry2

        lax.fori_loop(0, EK, edge, 0)
        pltpu.async_copy(msgs[P], num_sp.at[ldsts[P]], ss[P], add=True)
        pltpu.async_copy(ws[P], den_sp.at[ldsts[P]], ss[P], add=True)

    start_chunk(0, 0)

    def pair(pi, carry):
        c0 = pi * 2
        start_chunk(c0 + 1, 1)
        process(pi, 0)

        @pl.when(pi < NPAIR - 1)
        def _():
            start_chunk(c0 + 2, 0)

        process(pi, 1)
        return carry

    lax.fori_loop(0, NPAIR, pair, 0)
    for P in range(2):
        pltpu.make_async_copy(msgs[P], num_sp.at[ldsts[P]], ss[P]).wait()
        pltpu.make_async_copy(ws[P], den_sp.at[ldsts[P]], ss[P]).wait()
    plsc.subcore_barrier()

    ro = s * HROWS_PER_S
    for p in range(HROWS_PER_S // EK):
        pltpu.sync_copy(num_sp.at[pl.ds(ro + p * EK, EK)],
                        hs_v0.at[pl.ds(0, EK)])
        pltpu.sync_copy(den_sp.at[pl.ds(ro + p * EK, EK)],
                        w_v0.at[pl.ds(0, EK)])

        def ftdiv(i, carry):
            dv = w_v0[i, pl.ds(0, L)]
            rinv = jnp.full((L,), 1.0) / jnp.where(dv > 0, dv, 1.0)
            for j in range(DIM // L):
                hs_v0[i, pl.ds(j * L, L)] = hs_v0[i, pl.ds(j * L, L)] * rinv
            return carry

        lax.fori_loop(0, EK, ftdiv, 0)
        pltpu.sync_copy(hs_v0.at[pl.ds(0, EK)],
                        ft_out.at[pl.ds(c * HALF + ro + p * EK, EK)])


def _edge_agg(hn, src, dst, pw):
    per_parity = [
        pltpu.VMEM((EK,), jnp.int32),
        pltpu.VMEM((EK,), jnp.int32),
        pltpu.VMEM((EK,), jnp.int32),
        pltpu.VMEM((EK, DIM), jnp.float32),
        pltpu.VMEM((EK, DIM), jnp.float32),
        pltpu.VMEM((EK, DIM), jnp.float32),
        pltpu.VMEM((EK, DIM), jnp.float32),
    ]
    return pl.kernel(
        _edge_body,
        out_type=jax.ShapeDtypeStruct((N_ITEM_PAD, DIM), jnp.float32),
        mesh=plsc.VectorSubcoreMesh(**_MESH),
        compiler_params=_SC_PARAMS,
        scratch_types=(per_parity + per_parity
                       + [pltpu.VMEM((DIM,), jnp.float32),
                          pltpu.VMEM_SHARED((HALF_PAD, DIM), jnp.float32),
                          pltpu.VMEM_SHARED((HALF_PAD, DIM), jnp.float32)]
                       + [pltpu.SemaphoreType.DMA] * 6),
    )(hn, src, dst, pw)


AK = 200
A_PER_W = E_AGG // NW
ACH = A_PER_W // AK


def _agg_body(ft, asrc, eft_out, idx_v, rows_v, sem):
    base0 = _wid() * A_PER_W

    def chunk(ci, carry):
        base = base0 + ci * AK
        pltpu.sync_copy(asrc.at[pl.ds(base, AK)], idx_v)
        pltpu.async_copy(ft.at[idx_v], rows_v, sem).wait()
        pltpu.sync_copy(rows_v, eft_out.at[pl.ds(base, AK)])
        return carry

    lax.fori_loop(0, ACH, chunk, 0)


def _agg_gather(ft, asrc):
    return pl.kernel(
        _agg_body,
        out_type=jax.ShapeDtypeStruct((E_AGG, DIM), jnp.float32),
        mesh=plsc.VectorSubcoreMesh(**_MESH),
        compiler_params=_SC_PARAMS,
        scratch_types=[
            pltpu.VMEM((AK,), jnp.int32),
            pltpu.VMEM((AK, DIM), jnp.float32),
            pltpu.SemaphoreType.DMA,
        ],
    )(ft, asrc)


EB = 512
NEB = E_AGG // EB


def _sel_body(eft_ref, pid_ref, adst_ref, pos_ref, tgt_ref, qw_ref, rw_ref,
              out_ref, f_sc, msum_sc, cnt_sc):
    p = pl.program_id(0)
    j = pl.program_id(1)

    adst_blk = adst_ref[0, 0, :]
    eft = eft_ref[...]
    oneD = (adst_blk[:, None]
            == lax.broadcasted_iota(jnp.int32, (EB, N_TGT), 1)
            ).astype(jnp.float32)

    @pl.when(jnp.logical_and(p == 0, j == 0))
    def _():
        msum_sc[...] = jnp.zeros_like(msum_sc)
        cnt_sc[...] = jnp.zeros_like(cnt_sc)

    @pl.when(p == 0)
    def _():
        msum_sc[...] += lax.dot_general(oneD, eft, (((0,), (0,)), ((), ())),
                                        preferred_element_type=jnp.float32)
        cnt_sc[...] += lax.dot_general(oneD, jnp.ones((EB, 8), jnp.float32),
                                       (((0,), (0,)), ((), ())),
                                       preferred_element_type=jnp.float32)

    @pl.when(jnp.logical_and(p == 1, j == 0))
    def _():
        meanv = msum_sc[...] / jnp.maximum(cnt_sc[...][:, 0:1], 1.0)
        f = lax.dot_general(tgt_ref[...], rw_ref[:, :DIM],
                            (((1,), (1,)), ((), ())),
                            preferred_element_type=jnp.float32)
        f = f + lax.dot_general(meanv, rw_ref[:, DIM:],
                                (((1,), (1,)), ((), ())),
                                preferred_element_type=jnp.float32)
        f_sc[...] = f
        out_ref[...] = jnp.zeros_like(out_ref)

    @pl.when(p == 1)
    def _():
        pid_blk = pid_ref[0, 0, :]
        oneP = (pid_blk[:, None]
                == lax.broadcasted_iota(jnp.int32, (EB, NPOS), 1)
                ).astype(jnp.float32)
        posP = lax.dot_general(pos_ref[...], qw_ref[:, DIM:],
                               (((1,), (1,)), ((), ())),
                               preferred_element_type=jnp.float32)
        z = lax.dot_general(eft, qw_ref[:, :DIM], (((1,), (1,)), ((), ())),
                            preferred_element_type=jnp.float32)
        z = z + jnp.dot(oneP, posP, preferred_element_type=jnp.float32)
        e2 = jnp.tanh(z)
        f_e = jnp.dot(oneD, f_sc[...], preferred_element_type=jnp.float32)
        coef = jnp.sum(e2 * f_e, axis=1, keepdims=True)
        out_ref[...] += lax.dot_general(oneD, eft * coef,
                                        (((0,), (0,)), ((), ())),
                                        preferred_element_type=jnp.float32)


def _select_kernel(eft, pid3, adst3, pos_emb, tgt_emb, q_w, r_w):
    return pl.pallas_call(
        _sel_body,
        grid=(2, NEB),
        in_specs=[
            pl.BlockSpec((EB, DIM), lambda p, j: (j, 0)),
            pl.BlockSpec((1, 1, EB), lambda p, j: (j, 0, 0)),
            pl.BlockSpec((1, 1, EB), lambda p, j: (j, 0, 0)),
            pl.BlockSpec((NPOS, DIM), lambda p, j: (0, 0)),
            pl.BlockSpec((1, DIM), lambda p, j: (0, 0)),
            pl.BlockSpec((DIM, 2 * DIM), lambda p, j: (0, 0)),
            pl.BlockSpec((DIM, 2 * DIM), lambda p, j: (0, 0)),
        ],
        out_specs=pl.BlockSpec((N_TGT, DIM), lambda p, j: (0, 0)),
        out_shape=jax.ShapeDtypeStruct((N_TGT, DIM), jnp.float32),
        scratch_shapes=[
            pltpu.VMEM((N_TGT, DIM), jnp.float32),
            pltpu.VMEM((N_TGT, DIM), jnp.float32),
            pltpu.VMEM((N_TGT, 8), jnp.float32),
        ],
    )(eft, pid3, adst3, pos_emb, tgt_emb, q_w, r_w)


CB = 2048
NCB = (NUM_NODE - 1 + CB - 1) // CB


def _scores_body(sel_ref, b_ref, out_ref):
    out_ref[...] = lax.dot_general(sel_ref[...], b_ref[...],
                                   (((1,), (1,)), ((), ())),
                                   preferred_element_type=jnp.float32)


def _scores_kernel(select, b):
    return pl.pallas_call(
        _scores_body,
        grid=(NCB,),
        in_specs=[
            pl.BlockSpec((N_TGT, DIM), lambda j: (0, 0)),
            pl.BlockSpec((CB, DIM), lambda j: (j, 0)),
        ],
        out_specs=pl.BlockSpec((N_TGT, CB), lambda j: (0, j)),
        out_shape=jax.ShapeDtypeStruct((N_TGT, NUM_NODE - 1), jnp.float32),
    )(select, b)


def kernel(iid, edge_index_interacts, agg_src, agg_dst, pid, tid,
           emb, pos_emb, tgt_emb, pi_w, q_w, r_w):
    iid_pad = jnp.pad(iid, (0, HN_PAD - N_ITEM))
    src = edge_index_interacts[0]
    dst = edge_index_interacts[1]
    pw = jnp.reshape(pi_w, (DIM,))

    hn = _gather_hn(emb, iid_pad)
    ft = _edge_agg(hn, src, dst, pw)
    eft = _agg_gather(ft, agg_src)
    pid3 = pid.reshape(NEB, 1, EB)
    adst3 = agg_dst.reshape(NEB, 1, EB)
    select = _select_kernel(eft, pid3, adst3, pos_emb, tgt_emb, q_w, r_w)
    b = lax.slice(emb, (1, 0), (NUM_NODE, DIM))
    return _scores_kernel(select, b)

# --- scband reference (transcript-rebuilt; emitter-appended) ---
"""Pipeline reference for scband-session-graph-82910048682598 (READ-ONLY COPY).

The authoritative reference and input builder live on the scoring server;
editing this copy changes nothing except your own understanding.
"""

import jax, jax.numpy as jnp
import numpy as np

DIM = 128
ALPHA = 0.2
NUM_NODE = 100000
N_ITEM = 10000
E_INT = 320000
N_TGT = 1024
E_AGG = 51200


def setup_inputs(seed: int = 0) -> dict:
    key = jax.random.key(seed)
    ks = jax.random.split(key, 12)
    iid = jax.random.randint(ks[0], (N_ITEM,), 0, NUM_NODE, dtype=jnp.int32)
    edge_index_interacts = jax.random.randint(ks[1], (2, E_INT), 0, N_ITEM, dtype=jnp.int32)
    agg_src = jax.random.randint(ks[2], (E_AGG,), 0, N_ITEM, dtype=jnp.int32)
    agg_dst = jnp.sort(jax.random.randint(ks[3], (E_AGG,), 0, N_TGT, dtype=jnp.int32))
    pid = jax.random.randint(ks[4], (E_AGG,), 0, 200, dtype=jnp.int32)
    tid = jnp.zeros((N_TGT,), dtype=jnp.int32)
    stdv = 1.0 / np.sqrt(DIM)
    emb = jax.random.uniform(ks[5], (NUM_NODE, DIM), minval=-stdv, maxval=stdv, dtype=jnp.float32)
    pos_emb = jax.random.uniform(ks[6], (200, DIM), minval=-stdv, maxval=stdv, dtype=jnp.float32)
    tgt_emb = jax.random.uniform(ks[7], (1, DIM), minval=-stdv, maxval=stdv, dtype=jnp.float32)
    pi_w = jax.random.uniform(ks[8], (1, DIM), minval=-stdv, maxval=stdv, dtype=jnp.float32)
    q_w = jax.random.uniform(ks[9], (DIM, 2 * DIM), minval=-stdv, maxval=stdv, dtype=jnp.float32)
    r_w = jax.random.uniform(ks[10], (DIM, 2 * DIM), minval=-stdv, maxval=stdv, dtype=jnp.float32)
    return {"iid": iid, "edge_index_interacts": edge_index_interacts, "agg_src": agg_src,
            "agg_dst": agg_dst, "pid": pid, "tid": tid, "emb": emb, "pos_emb": pos_emb,
            "tgt_emb": tgt_emb, "pi_w": pi_w, "q_w": q_w, "r_w": r_w}


def reference(iid, edge_index_interacts, agg_src, agg_dst, pid, tid,
              emb, pos_emb, tgt_emb, pi_w, q_w, r_w):
    # embedding lookups
    h_n = jnp.take(emb, iid, axis=0)          # [N_item, dim]
    h_p = jnp.take(pos_emb, pid, axis=0)      # [E_agg, dim]
    h_t = jnp.take(tgt_emb, tid, axis=0)      # [N_tgt, dim]

    # ---- interacts subgraph: GAT-style edge softmax aggregation ----
    src = edge_index_interacts[0]
    dst = edge_index_interacts[1]
    n_item = h_n.shape[0]
    e = (h_n[src] * h_n[dst]) @ pi_w.T        # [E_int, 1]  (fn.u_mul_v then pi linear)
    e = jnp.where(e > 0, e, ALPHA * e)        # leaky relu
    emax = jax.ops.segment_max(e, dst, num_segments=n_item)
    ee = jnp.exp(e - emax[dst])
    den = jax.ops.segment_sum(ee, dst, num_segments=n_item)
    a = ee / den[dst]                         # edge_softmax (dropout disabled / eval)
    ft_item = jax.ops.segment_sum(h_n[src] * a, dst, num_segments=n_item)

    # ---- agg subgraph: item -> target ----
    n_tgt = h_t.shape[0]
    edge_ft = ft_item[agg_src]                # copy_src ft to edges
    e2 = jnp.tanh(jnp.concatenate([edge_ft, h_p], axis=-1) @ q_w.T)  # [E_agg, dim]
    ones = jnp.ones((edge_ft.shape[0], 1), dtype=edge_ft.dtype)
    cnt = jax.ops.segment_sum(ones, agg_dst, num_segments=n_tgt)
    mean = jax.ops.segment_sum(edge_ft, agg_dst, num_segments=n_tgt) / jnp.maximum(cnt, 1.0)
    f = jnp.concatenate([h_t, mean], axis=-1) @ r_w.T                # [N_tgt, dim]
    # udf_agg: m = src_ft * sum(e * dst_ft, -1, keepdim), reduce sum over dst
    coef = jnp.sum(e2 * f[agg_dst], axis=-1, keepdims=True)
    select = jax.ops.segment_sum(edge_ft * coef, agg_dst, num_segments=n_tgt)

    # ---- score over item vocabulary (rows 1..num_node-1) ----
    b = emb[1:NUM_NODE]
    scores = select @ b.T                     # [N_tgt, num_node-1]
    return scores

if __name__ == "__main__":
    import jax
    _d = setup_inputs()
    print(jax.jit(kernel)(*tuple(_d.values())))

</pallas_src>

<mosaic_0001>
#map = affine_map<(d0, d1) -> (0, 0)>
#map1 = affine_map<(d0, d1) -> (0)>
module attributes {stable_mosaic.version = 14 : i64} {
  func.func @_edge_body(%arg0: i32, %arg1: i32, %arg2: memref<10240x128xf32, #tpu.memory_space<hbm>>, %arg3: memref<320000xi32, #tpu.memory_space<hbm>>, %arg4: memref<320000xi32, #tpu.memory_space<hbm>>, %arg5: memref<128xf32, #tpu.memory_space<hbm>>, %arg6: memref<10240x128xf32, #tpu.memory_space<hbm>>, %arg7: memref<40xi32, #tpu.memory_space<vmem>>, %arg8: memref<40xi32, #tpu.memory_space<vmem>>, %arg9: memref<40xi32, #tpu.memory_space<vmem>>, %arg10: memref<40x128xf32, #tpu.memory_space<vmem>>, %arg11: memref<40x128xf32, #tpu.memory_space<vmem>>, %arg12: memref<40x128xf32, #tpu.memory_space<vmem>>, %arg13: memref<40x128xf32, #tpu.memory_space<vmem>>, %arg14: memref<40xi32, #tpu.memory_space<vmem>>, %arg15: memref<40xi32, #tpu.memory_space<vmem>>, %arg16: memref<40xi32, #tpu.memory_space<vmem>>, %arg17: memref<40x128xf32, #tpu.memory_space<vmem>>, %arg18: memref<40x128xf32, #tpu.memory_space<vmem>>, %arg19: memref<40x128xf32, #tpu.memory_space<vmem>>, %arg20: memref<40x128xf32, #tpu.memory_space<vmem>>, %arg21: memref<128xf32, #tpu.memory_space<vmem>>, %arg22: memref<5248x128xf32, #tpu.memory_space<vmem_shared>>, %arg23: memref<5248x128xf32, #tpu.memory_space<vmem_shared>>, %arg24: memref<!tpu.dma_semaphore, #tpu.memory_space<semaphore_mem>>, %arg25: memref<!tpu.dma_semaphore, #tpu.memory_space<semaphore_mem>>, %arg26: memref<!tpu.dma_semaphore, #tpu.memory_space<semaphore_mem>>, %arg27: memref<!tpu.dma_semaphore, #tpu.memory_space<semaphore_mem>>, %arg28: memref<!tpu.dma_semaphore, #tpu.memory_space<semaphore_mem>>, %arg29: memref<!tpu.dma_semaphore, #tpu.memory_space<semaphore_mem>>) attributes {dimension_semantics = [#tpu.dimension_semantics<core_parallel>, #tpu.dimension_semantics<subcore_parallel>], iteration_bounds = array<i64: 2, 16>, scalar_prefetch = 0 : i64, scratch_operands = 23 : i64, tpu.core_type = #tpu.core_type<sc_vector_subcore>, window_params = [{transform_indices = #map}, {transform_indices = #map1}, {transform_indices = #map1}, {transform_indices = #map1}, {transform_indices = #map}]} {
    %scan3A = arith.constant 0 : i32
    %scan3A_0 = arith.constant 0 : i32
    %scan3A_1 = arith.constant 40 : i32
    %scan3A_2 = arith.addi %scan3A_0, %scan3A_1 : i32
    %scan3A_3 = arith.constant 1 : i32
    scf.for %scan3A_241 = %scan3A_0 to %scan3A_2 step %scan3A_3  : i32 {
      %broadcast_in_dim3A = arith.constant 0.000000e+00 : f32
      %broadcast_in_dim3A_242 = vector.broadcast %broadcast_in_dim3A : f32 to vector<16xf32>
      %swap3A = arith.index_cast %scan3A_241 : i32 to index
      %swap3A_243 = arith.constant 0 : index
      %swap3A_244 = tpu.vector_load %arg12[%swap3A, %swap3A_243] {strides = array<i32>} : memref<40x128xf32, #tpu.memory_space<vmem>>, vector<16xf32>,
      tpu.vector_store %arg12[%swap3A, %swap3A_243], %broadcast_in_dim3A_242 {strides = array<i32>} : memref<40x128xf32, #tpu.memory_space<vmem>>, vector<16xf32>,
      %swap3A_245 = arith.index_cast %scan3A_241 : i32 to index
      %swap3A_246 = arith.constant 16 : index
      %swap3A_247 = tpu.vector_load %arg12[%swap3A_245, %swap3A_246] {strides = array<i32>} : memref<40x128xf32, #tpu.memory_space<vmem>>, vector<16xf32>,
      tpu.vector_store %arg12[%swap3A_245, %swap3A_246], %broadcast_in_dim3A_242 {strides = array<i32>} : memref<40x128xf32, #tpu.memory_space<vmem>>, vector<16xf32>,
      %swap3A_248 = arith.index_cast %scan3A_241 : i32 to index
      %swap3A_249 = arith.constant 32 : index
      %swap3A_250 = tpu.vector_load %arg12[%swap3A_248, %swap3A_249] {strides = array<i32>} : memref<40x128xf32, #tpu.memory_space<vmem>>, vector<16xf32>,
      tpu.vector_store %arg12[%swap3A_248, %swap3A_249], %broadcast_in_dim3A_242 {strides = array<i32>} : memref<40x128xf32, #tpu.memory_space<vmem>>, vector<16xf32>,
      %swap3A_251 = arith.index_cast %scan3A_241 : i32 to index
      %swap3A_252 = arith.constant 48 : index
      %swap3A_253 = tpu.vector_load %arg12[%swap3A_251, %swap3A_252] {strides = array<i32>} : memref<40x128xf32, #tpu.memory_space<vmem>>, vector<16xf32>,
      tpu.vector_store %arg12[%swap3A_251, %swap3A_252], %broadcast_in_dim3A_242 {strides = array<i32>} : memref<40x128xf32, #tpu.memory_space<vmem>>, vector<16xf32>,
      %swap3A_254 = arith.index_cast %scan3A_241 : i32 to index
      %swap3A_255 = arith.constant 64 : index
      %swap3A_256 = tpu.vector_load %arg12[%swap3A_254, %swap3A_255] {strides = array<i32>} : memref<40x128xf32, #tpu.memory_space<vmem>>, vector<16xf32>,
      tpu.vector_store %arg12[%swap3A_254, %swap3A_255], %broadcast_in_dim3A_242 {strides = array<i32>} : memref<40x128xf32, #tpu.memory_space<vmem>>, vector<16xf32>,
      %swap3A_257 = arith.index_cast %scan3A_241 : i32 to index
      %swap3A_258 = arith.constant 80 : index
      %swap3A_259 = tpu.vector_load %arg12[%swap3A_257, %swap3A_258] {strides = array<i32>} : memref<40x128xf32, #tpu.memory_space<vmem>>, vector<16xf32>,
      tpu.vector_store %arg12[%swap3A_257, %swap3A_258], %broadcast_in_dim3A_242 {strides = array<i32>} : memref<40x128xf32, #tpu.memory_space<vmem>>, vector<16xf32>,
      %swap3A_260 = arith.index_cast %scan3A_241 : i32 to index
      %swap3A_261 = arith.constant 96 : index
      %swap3A_262 = tpu.vector_load %arg12[%swap3A_260, %swap3A_261] {strides = array<i32>} : memref<40x128xf32, #tpu.memory_space<vmem>>, vector<16xf32>,
      tpu.vector_store %arg12[%swap3A_260, %swap3A_261], %broadcast_in_dim3A_242 {strides = array<i32>} : memref<40x128xf32, #tpu.memory_space<vmem>>, vector<16xf32>,
      %swap3A_263 = arith.index_cast %scan3A_241 : i32 to index
      %swap3A_264 = arith.constant 112 : index
      %swap3A_265 = tpu.vector_load %arg12[%swap3A_263, %swap3A_264] {strides = array<i32>} : memref<40x128xf32, #tpu.memory_space<vmem>>, vector<16xf32>,
      tpu.vector_store %arg12[%swap3A_263, %swap3A_264], %broadcast_in_dim3A_242 {strides = array<i32>} : memref<40x128xf32, #tpu.memory_space<vmem>>, vector<16xf32>,
    }
    %scan3A_4 = arith.constant 40 : i32
    %mul3A = arith.constant 328 : i32
    %mul3A_5 = arith.muli %arg1, %mul3A : i32
    %add3A = arith.constant 0 : i32
    %add3A_6 = arith.addi %mul3A_5, %add3A : i32
    "tpu.region"() ({
      %run_scoped3A = tpu.sem_alloc : memref<!tpu.dma_semaphore, #tpu.memory_space<semaphore_mem>>
      %dma_start3A_241 = arith.constant 0 : i32
      %dma_start3A_242 = arith.constant 0 : i32
      %dma_start3A_243 = tpu.memref_slice %arg12[%dma_start3A_241, %dma_start3A_242] : memref<40x128xf32, #tpu.memory_space<vmem>> -> memref<40x128xf32, #tpu.memory_space<vmem>>
      %dma_start3A_244 = arith.constant 0 : i32
      %dma_start3A_245 = tpu.memref_slice %arg22[%add3A_6, %dma_start3A_244] : memref<5248x128xf32, #tpu.memory_space<vmem_shared>> -> memref<40x128xf32, #tpu.memory_space<vmem_shared>>
      %dma_start3A_246 = arith.constant 0 : i32
      %dma_start3A_247 = tpu.memref_slice %arg22[%add3A_6, %dma_start3A_246] : memref<5248x128xf32, #tpu.memory_space<vmem_shared>> -> memref<40x128xf32, #tpu.memory_space<vmem_shared>>
      %dma_start3A_248 = arith.constant 0 : i32
      %dma_start3A_249 = arith.constant 0 : i32
      %dma_start3A_250 = tpu.memref_slice %arg12[%dma_start3A_248, %dma_start3A_249] : memref<40x128xf32, #tpu.memory_space<vmem>> -> memref<40x128xf32, #tpu.memory_space<vmem>>
      tpu.enqueue_dma source(%dma_start3A_250 : memref<40x128xf32, #tpu.memory_space<vmem>>) target(%dma_start3A_247 : memref<40x128xf32, #tpu.memory_space<vmem_shared>>) target_semaphore(%run_scoped3A : memref<!tpu.dma_semaphore, #tpu.memory_space<semaphore_mem>>)
      %dma_wait3A_251 = arith.constant 0 : i32
      %dma_wait3A_252 = arith.constant 0 : i32
      %dma_wait3A_253 = tpu.memref_slice %arg12[%dma_wait3A_251, %dma_wait3A_252] : memref<40x128xf32, #tpu.memory_space<vmem>> -> memref<40x128xf32, #tpu.memory_space<vmem>>
      %dma_wait3A_254 = arith.constant 0 : i32
      %dma_wait3A_255 = tpu.memref_slice %arg22[%add3A_6, %dma_wait3A_254] : memref<5248x128xf32, #tpu.memory_space<vmem_shared>> -> memref<40x128xf32, #tpu.memory_space<vmem_shared>>
      %dma_wait3A_256 = arith.constant 0 : i32
      %dma_wait3A_257 = tpu.memref_slice %arg22[%add3A_6, %dma_wait3A_256] : memref<5248x128xf32, #tpu.memory_space<vmem_shared>> -> memref<40x128xf32, #tpu.memory_space<vmem_shared>>
      %dma_wait3A_258 = arith.constant 0 : i32
      %dma_wait3A_259 = arith.constant 0 : i32
      %dma_wait3A_260 = tpu.memref_slice %arg12[%dma_wait3A_258, %dma_wait3A_259] : memref<40x128xf32, #tpu.memory_space<vmem>> -> memref<40x128xf32, #tpu.memory_space<vmem>>
      tpu.wait_dma2 semaphore(%run_scoped3A : memref<!tpu.dma_semaphore, #tpu.memory_space<semaphore_mem>>) src(%dma_wait3A_260 : memref<40x128xf32, #tpu.memory_space<vmem>>) dst(%dma_wait3A_257 : memref<40x128xf32, #tpu.memory_space<vmem_shared>>)
      tpu.yield
    }) : () -> ()
    %mul3A_7 = arith.constant 328 : i32
    %mul3A_8 = arith.muli %arg1, %mul3A_7 : i32
    %add3A_9 = arith.constant 0 : i32
    %add3A_10 = arith.addi %mul3A_8, %add3A_9 : i32
    "tpu.region"() ({
      %run_scoped3A = tpu.sem_alloc : memref<!tpu.dma_semaphore, #tpu.memory_space<semaphore_mem>>
      %dma_start3A_241 = arith.constant 0 : i32
      %dma_start3A_242 = arith.constant 0 : i32
      %dma_start3A_243 = tpu.memref_slice %arg12[%dma_start3A_241, %dma_start3A_242] : memref<40x128xf32, #tpu.memory_space<vmem>> -> memref<40x128xf32, #tpu.memory_space<vmem>>
      %dma_start3A_244 = arith.constant 0 : i32
      %dma_start3A_245 = tpu.memref_slice %arg23[%add3A_10, %dma_start3A_244] : memref<5248x128xf32, #tpu.memory_space<vmem_shared>> -> memref<40x128xf32, #tpu.memory_space<vmem_shared>>
      %dma_start3A_246 = arith.constant 0 : i32
      %dma_start3A_247 = tpu.memref_slice %arg23[%add3A_10, %dma_start3A_246] : memref<5248x128xf32, #tpu.memory_space<vmem_shared>> -> memref<40x128xf32, #tpu.memory_space<vmem_shared>>
      %dma_start3A_248 = arith.constant 0 : i32
      %dma_start3A_249 = arith.constant 0 : i32
      %dma_start3A_250 = tpu.memref_slice %arg12[%dma_start3A_248, %dma_start3A_249] : memref<40x128xf32, #tpu.memory_space<vmem>> -> memref<40x128xf32, #tpu.memory_space<vmem>>
      tpu.enqueue_dma source(%dma_start3A_250 : memref<40x128xf32, #tpu.memory_space<vmem>>) target(%dma_start3A_247 : memref<40x128xf32, #tpu.memory_space<vmem_shared>>) target_semaphore(%run_scoped3A : memref<!tpu.dma_semaphore, #tpu.memory_space<semaphore_mem>>)
      %dma_wait3A_251 = arith.constant 0 : i32
      %dma_wait3A_252 = arith.constant 0 : i32
      %dma_wait3A_253 = tpu.memref_slice %arg12[%dma_wait3A_251, %dma_wait3A_252] : memref<40x128xf32, #tpu.memory_space<vmem>> -> memref<40x128xf32, #tpu.memory_space<vmem>>
      %dma_wait3A_254 = arith.constant 0 : i32
      %dma_wait3A_255 = tpu.memref_slice %arg23[%add3A_10, %dma_wait3A_254] : memref<5248x128xf32, #tpu.memory_space<vmem_shared>> -> memref<40x128xf32, #tpu.memory_space<vmem_shared>>
      %dma_wait3A_256 = arith.constant 0 : i32
      %dma_wait3A_257 = tpu.memref_slice %arg23[%add3A_10, %dma_wait3A_256] : memref<5248x128xf32, #tpu.memory_space<vmem_shared>> -> memref<40x128xf32, #tpu.memory_space<vmem_shared>>
      %dma_wait3A_258 = arith.constant 0 : i32
      %dma_wait3A_259 = arith.constant 0 : i32
      %dma_wait3A_260 = tpu.memref_slice %arg12[%dma_wait3A_258, %dma_wait3A_259] : memref<40x128xf32, #tpu.memory_space<vmem>> -> memref<40x128xf32, #tpu.memory_space<vmem>>
      tpu.wait_dma2 semaphore(%run_scoped3A : memref<!tpu.dma_semaphore, #tpu.memory_space<semaphore_mem>>) src(%dma_wait3A_260 : memref<40x128xf32, #tpu.memory_space<vmem>>) dst(%dma_wait3A_257 : memref<40x128xf32, #tpu.memory_space<vmem_shared>>)
      tpu.yield
    }) : () -> ()
    %mul3A_11 = arith.constant 328 : i32
    %mul3A_12 = arith.muli %arg1, %mul3A_11 : i32
    %add3A_13 = arith.constant 40 : i32
    %add3A_14 = arith.addi %mul3A_12, %add3A_13 : i32
    "tpu.region"() ({
      %run_scoped3A = tpu.sem_alloc : memref<!tpu.dma_semaphore, #tpu.memory_space<semaphore_mem>>
      %dma_start3A_241 = arith.constant 0 : i32
      %dma_start3A_242 = arith.constant 0 : i32
      %dma_start3A_243 = tpu.memref_slice %arg12[%dma_start3A_241, %dma_start3A_242] : memref<40x128xf32, #tpu.memory_space<vmem>> -> memref<40x128xf32, #tpu.memory_space<vmem>>
      %dma_start3A_244 = arith.constant 0 : i32
      %dma_start3A_245 = tpu.memref_slice %arg22[%add3A_14, %dma_start3A_244] : memref<5248x128xf32, #tpu.memory_space<vmem_shared>> -> memref<40x128xf32, #tpu.memory_space<vmem_shared>>
      %dma_start3A_246 = arith.constant 0 : i32
      %dma_start3A_247 = tpu.memref_slice %arg22[%add3A_14, %dma_start3A_246] : memref<5248x128xf32, #tpu.memory_space<vmem_shared>> -> memref<40x128xf32, #tpu.memory_space<vmem_shared>>
      %dma_start3A_248 = arith.constant 0 : i32
      %dma_start3A_249 = arith.constant 0 : i32
      %dma_start3A_250 = tpu.memref_slice %arg12[%dma_start3A_248, %dma_start3A_249] : memref<40x128xf32, #tpu.memory_space<vmem>> -> memref<40x128xf32, #tpu.memory_space<vmem>>
      tpu.enqueue_dma source(%dma_start3A_250 : memref<40x128xf32, #tpu.memory_space<vmem>>) target(%dma_start3A_247 : memref<40x128xf32, #tpu.memory_space<vmem_shared>>) target_semaphore(%run_scoped3A : memref<!tpu.dma_semaphore, #tpu.memory_space<semaphore_mem>>)
      %dma_wait3A_251 = arith.constant 0 : i32
      %dma_wait3A_252 = arith.constant 0 : i32
      %dma_wait3A_253 = tpu.memref_slice %arg12[%dma_wait3A_251, %dma_wait3A_252] : memref<40x128xf32, #tpu.memory_space<vmem>> -> memref<40x128xf32, #tpu.memory_space<vmem>>
      %dma_wait3A_254 = arith.constant 0 : i32
      %dma_wait3A_255 = tpu.memref_slice %arg22[%add3A_14, %dma_wait3A_254] : memref<5248x128xf32, #tpu.memory_space<vmem_shared>> -> memref<40x128xf32, #tpu.memory_space<vmem_shared>>
      %dma_wait3A_256 = arith.constant 0 : i32
      %dma_wait3A_257 = tpu.memref_slice %arg22[%add3A_14, %dma_wait3A_256] : memref<5248x128xf32, #tpu.memory_space<vmem_shared>> -> memref<40x128xf32, #tpu.memory_space<vmem_shared>>
      %dma_wait3A_258 = arith.constant 0 : i32
      %dma_wait3A_259 = arith.constant 0 : i32
      %dma_wait3A_260 = tpu.memref_slice %arg12[%dma_wait3A_258, %dma_wait3A_259] : memref<40x128xf32, #tpu.memory_space<vmem>> -> memref<40x128xf32, #tpu.memory_space<vmem>>
      tpu.wait_dma2 semaphore(%run_scoped3A : memref<!tpu.dma_semaphore, #tpu.memory_space<semaphore_mem>>) src(%dma_wait3A_260 : memref<40x128xf32, #tpu.memory_space<vmem>>) dst(%dma_wait3A_257 : memref<40x128xf32, #tpu.memory_space<vmem_shared>>)
      tpu.yield
    }) : () -> ()
    %mul3A_15 = arith.constant 328 : i32
    %mul3A_16 = arith.muli %arg1, %mul3A_15 : i32
    %add3A_17 = arith.constant 40 : i32
    %add3A_18 = arith.addi %mul3A_16, %add3A_17 : i32
    "tpu.region"() ({
      %run_scoped3A = tpu.sem_alloc : memref<!tpu.dma_semaphore, #tpu.memory_space<semaphore_mem>>
      %dma_start3A_241 = arith.constant 0 : i32
      %dma_start3A_242 = arith.constant 0 : i32
      %dma_start3A_243 = tpu.memref_slice %arg12[%dma_start3A_241, %dma_start3A_242] : memref<40x128xf32, #tpu.memory_space<vmem>> -> memref<40x128xf32, #tpu.memory_space<vmem>>
      %dma_start3A_244 = arith.constant 0 : i32
      %dma_start3A_245 = tpu.memref_slice %arg23[%add3A_18, %dma_start3A_244] : memref<5248x128xf32, #tpu.memory_space<vmem_shared>> -> memref<40x128xf32, #tpu.memory_space<vmem_shared>>
      %dma_start3A_246 = arith.constant 0 : i32
      %dma_start3A_247 = tpu.memref_slice %arg23[%add3A_18, %dma_start3A_246] : memref<5248x128xf32, #tpu.memory_space<vmem_shared>> -> memref<40x128xf32, #tpu.memory_space<vmem_shared>>
      %dma_start3A_248 = arith.constant 0 : i32
      %dma_start3A_249 = arith.constant 0 : i32
      %dma_start3A_250 = tpu.memref_slice %arg12[%dma_start3A_248, %dma_start3A_249] : memref<40x128xf32, #tpu.memory_space<vmem>> -> memref<40x128xf32, #tpu.memory_space<vmem>>
      tpu.enqueue_dma source(%dma_start3A_250 : memref<40x128xf32, #tpu.memory_space<vmem>>) target(%dma_start3A_247 : memref<40x128xf32, #tpu.memory_space<vmem_shared>>) target_semaphore(%run_scoped3A : memref<!tpu.dma_semaphore, #tpu.memory_space<semaphore_mem>>)
      %dma_wait3A_251 = arith.constant 0 : i32
      %dma_wait3A_252 = arith.constant 0 : i32
      %dma_wait3A_253 = tpu.memref_slice %arg12[%dma_wait3A_251, %dma_wait3A_252] : memref<40x128xf32, #tpu.memory_space<vmem>> -> memref<40x128xf32, #tpu.memory_space<vmem>>
      %dma_wait3A_254 = arith.constant 0 : i32
      %dma_wait3A_255 = tpu.memref_slice %arg23[%add3A_18, %dma_wait3A_254] : memref<5248x128xf32, #tpu.memory_space<vmem_shared>> -> memref<40x128xf32, #tpu.memory_space<vmem_shared>>
      %dma_wait3A_256 = arith.constant 0 : i32
      %dma_wait3A_257 = tpu.memref_slice %arg23[%add3A_18, %dma_wait3A_256] : memref<5248x128xf32, #tpu.memory_space<vmem_shared>> -> memref<40x128xf32, #tpu.memory_space<vmem_shared>>
      %dma_wait3A_258 = arith.constant 0 : i32
      %dma_wait3A_259 = arith.constant 0 : i32
      %dma_wait3A_260 = tpu.memref_slice %arg12[%dma_wait3A_258, %dma_wait3A_259] : memref<40x128xf32, #tpu.memory_space<vmem>> -> memref<40x128xf32, #tpu.memory_space<vmem>>
      tpu.wait_dma2 semaphore(%run_scoped3A : memref<!tpu.dma_semaphore, #tpu.memory_space<semaphore_mem>>) src(%dma_wait3A_260 : memref<40x128xf32, #tpu.memory_space<vmem>>) dst(%dma_wait3A_257 : memref<40x128xf32, #tpu.memory_space<vmem_shared>>)
      tpu.yield
    }) : () -> ()
    %mul3A_19 = arith.constant 328 : i32
    %mul3A_20 = arith.muli %arg1, %mul3A_19 : i32
    %add3A_21 = arith.constant 80 : i32
    %add3A_22 = arith.addi %mul3A_20, %add3A_21 : i32
    "tpu.region"() ({
      %run_scoped3A = tpu.sem_alloc : memref<!tpu.dma_semaphore, #tpu.memory_space<semaphore_mem>>
      %dma_start3A_241 = arith.constant 0 : i32
      %dma_start3A_242 = arith.constant 0 : i32
      %dma_start3A_243 = tpu.memref_slice %arg12[%dma_start3A_241, %dma_start3A_242] : memref<40x128xf32, #tpu.memory_space<vmem>> -> memref<40x128xf32, #tpu.memory_space<vmem>>
      %dma_start3A_244 = arith.constant 0 : i32
      %dma_start3A_245 = tpu.memref_slice %arg22[%add3A_22, %dma_start3A_244] : memref<5248x128xf32, #tpu.memory_space<vmem_shared>> -> memref<40x128xf32, #tpu.memory_space<vmem_shared>>
      %dma_start3A_246 = arith.constant 0 : i32
      %dma_start3A_247 = tpu.memref_slice %arg22[%add3A_22, %dma_start3A_246] : memref<5248x128xf32, #tpu.memory_space<vmem_shared>> -> memref<40x128xf32, #tpu.memory_space<vmem_shared>>
      %dma_start3A_248 = arith.constant 0 : i32
      %dma_start3A_249 = arith.constant 0 : i32
      %dma_start3A_250 = tpu.memref_slice %arg12[%dma_start3A_248, %dma_start3A_249] : memref<40x128xf32, #tpu.memory_space<vmem>> -> memref<40x128xf32, #tpu.memory_space<vmem>>
      tpu.enqueue_dma source(%dma_start3A_250 : memref<40x128xf32, #tpu.memory_space<vmem>>) target(%dma_start3A_247 : memref<40x128xf32, #tpu.memory_space<vmem_shared>>) target_semaphore(%run_scoped3A : memref<!tpu.dma_semaphore, #tpu.memory_space<semaphore_mem>>)
      %dma_wait3A_251 = arith.constant 0 : i32
      %dma_wait3A_252 = arith.constant 0 : i32
      %dma_wait3A_253 = tpu.memref_slice %arg12[%dma_wait3A_251, %dma_wait3A_252] : memref<40x128xf32, #tpu.memory_space<vmem>> -> memref<40x128xf32, #tpu.memory_space<vmem>>
      %dma_wait3A_254 = arith.constant 0 : i32
      %dma_wait3A_255 = tpu.memref_slice %arg22[%add3A_22, %dma_wait3A_254] : memref<5248x128xf32, #tpu.memory_space<vmem_shared>> -> memref<40x128xf32, #tpu.memory_space<vmem_shared>>
      %dma_wait3A_256 = arith.constant 0 : i32
      %dma_wait3A_257 = tpu.memref_slice %arg22[%add3A_22, %dma_wait3A_256] : memref<5248x128xf32, #tpu.memory_space<vmem_shared>> -> memref<40x128xf32, #tpu.memory_space<vmem_shared>>
      %dma_wait3A_258 = arith.constant 0 : i32
      %dma_wait3A_259 = arith.constant 0 : i32
      %dma_wait3A_260 = tpu.memref_slice %arg12[%dma_wait3A_258, %dma_wait3A_259] : memref<40x128xf32, #tpu.memory_space<vmem>> -> memref<40x128xf32, #tpu.memory_space<vmem>>
      tpu.wait_dma2 semaphore(%run_scoped3A : memref<!tpu.dma_semaphore, #tpu.memory_space<semaphore_mem>>) src(%dma_wait3A_260 : memref<40x128xf32, #tpu.memory_space<vmem>>) dst(%dma_wait3A_257 : memref<40x128xf32, #tpu.memory_space<vmem_shared>>)
      tpu.yield
    }) : () -> ()
    %mul3A_23 = arith.constant 328 : i32
    %mul3A_24 = arith.muli %arg1, %mul3A_23 : i32
    %add3A_25 = arith.constant 80 : i32
    %add3A_26 = arith.addi %mul3A_24, %add3A_25 : i32
    "tpu.region"() ({
      %run_scoped3A = tpu.sem_alloc : memref<!tpu.dma_semaphore, #tpu.memory_space<semaphore_mem>>
      %dma_start3A_241 = arith.constant 0 : i32
      %dma_start3A_242 = arith.constant 0 : i32
      %dma_start3A_243 = tpu.memref_slice %arg12[%dma_start3A_241, %dma_start3A_242] : memref<40x128xf32, #tpu.memory_space<vmem>> -> memref<40x128xf32, #tpu.memory_space<vmem>>
      %dma_start3A_244 = arith.constant 0 : i32
      %dma_start3A_245 = tpu.memref_slice %arg23[%add3A_26, %dma_start3A_244] : memref<5248x128xf32, #tpu.memory_space<vmem_shared>> -> memref<40x128xf32, #tpu.memory_space<vmem_shared>>
      %dma_start3A_246 = arith.constant 0 : i32
      %dma_start3A_247 = tpu.memref_slice %arg23[%add3A_26, %dma_start3A_246] : memref<5248x128xf32, #tpu.memory_space<vmem_shared>> -> memref<40x128xf32, #tpu.memory_space<vmem_shared>>
      %dma_start3A_248 = arith.constant 0 : i32
      %dma_start3A_249 = arith.constant 0 : i32
      %dma_start3A_250 = tpu.memref_slice %arg12[%dma_start3A_248, %dma_start3A_249] : memref<40x128xf32, #tpu.memory_space<vmem>> -> memref<40x128xf32, #tpu.memory_space<vmem>>
      tpu.enqueue_dma source(%dma_start3A_250 : memref<40x128xf32, #tpu.memory_space<vmem>>) target(%dma_start3A_247 : memref<40x128xf32, #tpu.memory_space<vmem_shared>>) target_semaphore(%run_scoped3A : memref<!tpu.dma_semaphore, #tpu.memory_space<semaphore_mem>>)
      %dma_wait3A_251 = arith.constant 0 : i32
      %dma_wait3A_252 = arith.constant 0 : i32
      %dma_wait3A_253 = tpu.memref_slice %arg12[%dma_wait3A_251, %dma_wait3A_252] : memref<40x128xf32, #tpu.memory_space<vmem>> -> memref<40x128xf32, #tpu.memory_space<vmem>>
      %dma_wait3A_254 = arith.constant 0 : i32
      %dma_wait3A_255 = tpu.memref_slice %arg23[%add3A_26, %dma_wait3A_254] : memref<5248x128xf32, #tpu.memory_space<vmem_shared>> -> memref<40x128xf32, #tpu.memory_space<vmem_shared>>
      %dma_wait3A_256 = arith.constant 0 : i32
      %dma_wait3A_257 = tpu.memref_slice %arg23[%add3A_26, %dma_wait3A_256] : memref<5248x128xf32, #tpu.memory_space<vmem_shared>> -> memref<40x128xf32, #tpu.memory_space<vmem_shared>>
      %dma_wait3A_258 = arith.constant 0 : i32
      %dma_wait3A_259 = arith.constant 0 : i32
      %dma_wait3A_260 = tpu.memref_slice %arg12[%dma_wait3A_258, %dma_wait3A_259] : memref<40x128xf32, #tpu.memory_space<vmem>> -> memref<40x128xf32, #tpu.memory_space<vmem>>
      tpu.wait_dma2 semaphore(%run_scoped3A : memref<!tpu.dma_semaphore, #tpu.memory_space<semaphore_mem>>) src(%dma_wait3A_260 : memref<40x128xf32, #tpu.memory_space<vmem>>) dst(%dma_wait3A_257 : memref<40x128xf32, #tpu.memory_space<vmem_shared>>)
      tpu.yield
    }) : () -> ()
    %mul3A_27 = arith.constant 328 : i32
    %mul3A_28 = arith.muli %arg1, %mul3A_27 : i32
    %add3A_29 = arith.constant 120 : i32
    %add3A_30 = arith.addi %mul3A_28, %add3A_29 : i32
    "tpu.region"() ({
      %run_scoped3A = tpu.sem_alloc : memref<!tpu.dma_semaphore, #tpu.memory_space<semaphore_mem>>
      %dma_start3A_241 = arith.constant 0 : i32
      %dma_start3A_242 = arith.constant 0 : i32
      %dma_start3A_243 = tpu.memref_slice %arg12[%dma_start3A_241, %dma_start3A_242] : memref<40x128xf32, #tpu.memory_space<vmem>> -> memref<40x128xf32, #tpu.memory_space<vmem>>
      %dma_start3A_244 = arith.constant 0 : i32
      %dma_start3A_245 = tpu.memref_slice %arg22[%add3A_30, %dma_start3A_244] : memref<5248x128xf32, #tpu.memory_space<vmem_shared>> -> memref<40x128xf32, #tpu.memory_space<vmem_shared>>
      %dma_start3A_246 = arith.constant 0 : i32
      %dma_start3A_247 = tpu.memref_slice %arg22[%add3A_30, %dma_start3A_246] : memref<5248x128xf32, #tpu.memory_space<vmem_shared>> -> memref<40x128xf32, #tpu.memory_space<vmem_shared>>
      %dma_start3A_248 = arith.constant 0 : i32
      %dma_start3A_249 = arith.constant 0 : i32
      %dma_start3A_250 = tpu.memref_slice %arg12[%dma_start3A_248, %dma_start3A_249] : memref<40x128xf32, #tpu.memory_space<vmem>> -> memref<40x128xf32, #tpu.memory_space<vmem>>
      tpu.enqueue_dma source(%dma_start3A_250 : memref<40x128xf32, #tpu.memory_space<vmem>>) target(%dma_start3A_247 : memref<40x128xf32, #tpu.memory_space<vmem_shared>>) target_semaphore(%run_scoped3A : memref<!tpu.dma_semaphore, #tpu.memory_space<semaphore_mem>>)
      %dma_wait3A_251 = arith.constant 0 : i32
      %dma_wait3A_252 = arith.constant 0 : i32
      %dma_wait3A_253 = tpu.memref_slice %arg12[%dma_wait3A_251, %dma_wait3A_252] : memref<40x128xf32, #tpu.memory_space<vmem>> -> memref<40x128xf32, #tpu.memory_space<vmem>>
      %dma_wait3A_254 = arith.constant 0 : i32
      %dma_wait3A_255 = tpu.memref_slice %arg22[%add3A_30, %dma_wait3A_254] : memref<5248x128xf32, #tpu.memory_space<vmem_shared>> -> memref<40x128xf32, #tpu.memory_space<vmem_shared>>
      %dma_wait3A_256 = arith.constant 0 : i32
      %dma_wait3A_257 = tpu.memref_slice %arg22[%add3A_30, %dma_wait3A_256] : memref<5248x128xf32, #tpu.memory_space<vmem_shared>> -> memref<40x128xf32, #tpu.memory_space<vmem_shared>>
      %dma_wait3A_258 = arith.constant 0 : i32
      %dma_wait3A_259 = arith.constant 0 : i32
      %dma_wait3A_260 = tpu.memref_slice %arg12[%dma_wait3A_258, %dma_wait3A_259] : memref<40x128xf32, #tpu.memory_space<vmem>> -> memref<40x128xf32, #tpu.memory_space<vmem>>
      tpu.wait_dma2 semaphore(%run_scoped3A : memref<!tpu.dma_semaphore, #tpu.memory_space<semaphore_mem>>) src(%dma_wait3A_260 : memref<40x128xf32, #tpu.memory_space<vmem>>) dst(%dma_wait3A_257 : memref<40x128xf32, #tpu.memory_space<vmem_shared>>)
      tpu.yield
    }) : () -> ()
    %mul3A_31 = arith.constant 328 : i32
    %mul3A_32 = arith.muli %arg1, %mul3A_31 : i32
    %add3A_33 = arith.constant 120 : i32
    %add3A_34 = arith.addi %mul3A_32, %add3A_33 : i32
    "tpu.region"() ({
      %run_scoped3A = tpu.sem_alloc : memref<!tpu.dma_semaphore, #tpu.memory_space<semaphore_mem>>
      %dma_start3A_241 = arith.constant 0 : i32
      %dma_start3A_242 = arith.constant 0 : i32
      %dma_start3A_243 = tpu.memref_slice %arg12[%dma_start3A_241, %dma_start3A_242] : memref<40x128xf32, #tpu.memory_space<vmem>> -> memref<40x128xf32, #tpu.memory_space<vmem>>
      %dma_start3A_244 = arith.constant 0 : i32
      %dma_start3A_245 = tpu.memref_slice %arg23[%add3A_34, %dma_start3A_244] : memref<5248x128xf32, #tpu.memory_space<vmem_shared>> -> memref<40x128xf32, #tpu.memory_space<vmem_shared>>
      %dma_start3A_246 = arith.constant 0 : i32
      %dma_start3A_247 = tpu.memref_slice %arg23[%add3A_34, %dma_start3A_246] : memref<5248x128xf32, #tpu.memory_space<vmem_shared>> -> memref<40x128xf32, #tpu.memory_space<vmem_shared>>
      %dma_start3A_248 = arith.constant 0 : i32
      %dma_start3A_249 = arith.constant 0 : i32
      %dma_start3A_250 = tpu.memref_slice %arg12[%dma_start3A_248, %dma_start3A_249] : memref<40x128xf32, #tpu.memory_space<vmem>> -> memref<40x128xf32, #tpu.memory_space<vmem>>
      tpu.enqueue_dma source(%dma_start3A_250 : memref<40x128xf32, #tpu.memory_space<vmem>>) target(%dma_start3A_247 : memref<40x128xf32, #tpu.memory_space<vmem_shared>>) target_semaphore(%run_scoped3A : memref<!tpu.dma_semaphore, #tpu.memory_space<semaphore_mem>>)
      %dma_wait3A_251 = arith.constant 0 : i32
      %dma_wait3A_252 = arith.constant 0 : i32
      %dma_wait3A_253 = tpu.memref_slice %arg12[%dma_wait3A_251, %dma_wait3A_252] : memref<40x128xf32, #tpu.memory_space<vmem>> -> memref<40x128xf32, #tpu.memory_space<vmem>>
      %dma_wait3A_254 = arith.constant 0 : i32
      %dma_wait3A_255 = tpu.memref_slice %arg23[%add3A_34, %dma_wait3A_254] : memref<5248x128xf32, #tpu.memory_space<vmem_shared>> -> memref<40x128xf32, #tpu.memory_space<vmem_shared>>
      %dma_wait3A_256 = arith.constant 0 : i32
      %dma_wait3A_257 = tpu.memref_slice %arg23[%add3A_34, %dma_wait3A_256] : memref<5248x128xf32, #tpu.memory_space<vmem_shared>> -> memref<40x128xf32, #tpu.memory_space<vmem_shared>>
      %dma_wait3A_258 = arith.constant 0 : i32
      %dma_wait3A_259 = arith.constant 0 : i32
      %dma_wait3A_260 = tpu.memref_slice %arg12[%dma_wait3A_258, %dma_wait3A_259] : memref<40x128xf32, #tpu.memory_space<vmem>> -> memref<40x128xf32, #tpu.memory_space<vmem>>
      tpu.wait_dma2 semaphore(%run_scoped3A : memref<!tpu.dma_semaphore, #tpu.memory_space<semaphore_mem>>) src(%dma_wait3A_260 : memref<40x128xf32, #tpu.memory_space<vmem>>) dst(%dma_wait3A_257 : memref<40x128xf32, #tpu.memory_space<vmem_shared>>)
      tpu.yield
    }) : () -> ()
    %mul3A_35 = arith.constant 328 : i32
    %mul3A_36 = arith.muli %arg1, %mul3A_35 : i32
    %add3A_37 = arith.constant 160 : i32
    %add3A_38 = arith.addi %mul3A_36, %add3A_37 : i32
    "tpu.region"() ({
      %run_scoped3A = tpu.sem_alloc : memref<!tpu.dma_semaphore, #tpu.memory_space<semaphore_mem>>
      %dma_start3A_241 = arith.constant 0 : i32
      %dma_start3A_242 = arith.constant 0 : i32
      %dma_start3A_243 = tpu.memref_slice %arg12[%dma_start3A_241, %dma_start3A_242] : memref<40x128xf32, #tpu.memory_space<vmem>> -> memref<40x128xf32, #tpu.memory_space<vmem>>
      %dma_start3A_244 = arith.constant 0 : i32
      %dma_start3A_245 = tpu.memref_slice %arg22[%add3A_38, %dma_start3A_244] : memref<5248x128xf32, #tpu.memory_space<vmem_shared>> -> memref<40x128xf32, #tpu.memory_space<vmem_shared>>
      %dma_start3A_246 = arith.constant 0 : i32
      %dma_start3A_247 = tpu.memref_slice %arg22[%add3A_38, %dma_start3A_246] : memref<5248x128xf32, #tpu.memory_space<vmem_shared>> -> memref<40x128xf32, #tpu.memory_space<vmem_shared>>
      %dma_start3A_248 = arith.constant 0 : i32
      %dma_start3A_249 = arith.constant 0 : i32
      %dma_start3A_250 = tpu.memref_slice %arg12[%dma_start3A_248, %dma_start3A_249] : memref<40x128xf32, #tpu.memory_space<vmem>> -> memref<40x128xf32, #tpu.memory_space<vmem>>
      tpu.enqueue_dma source(%dma_start3A_250 : memref<40x128xf32, #tpu.memory_space<vmem>>) target(%dma_start3A_247 : memref<40x128xf32, #tpu.memory_space<vmem_shared>>) target_semaphore(%run_scoped3A : memref<!tpu.dma_semaphore, #tpu.memory_space<semaphore_mem>>)
      %dma_wait3A_251 = arith.constant 0 : i32
      %dma_wait3A_252 = arith.constant 0 : i32
      %dma_wait3A_253 = tpu.memref_slice %arg12[%dma_wait3A_251, %dma_wait3A_252] : memref<40x128xf32, #tpu.memory_space<vmem>> -> memref<40x128xf32, #tpu.memory_space<vmem>>
      %dma_wait3A_254 = arith.constant 0 : i32
      %dma_wait3A_255 = tpu.memref_slice %arg22[%add3A_38, %dma_wait3A_254] : memref<5248x128xf32, #tpu.memory_space<vmem_shared>> -> memref<40x128xf32, #tpu.memory_space<vmem_shared>>
      %dma_wait3A_256 = arith.constant 0 : i32
      %dma_wait3A_257 = tpu.memref_slice %arg22[%add3A_38, %dma_wait3A_256] : memref<5248x128xf32, #tpu.memory_space<vmem_shared>> -> memref<40x128xf32, #tpu.memory_space<vmem_shared>>
      %dma_wait3A_258 = arith.constant 0 : i32
      %dma_wait3A_259 = arith.constant 0 : i32
      %dma_wait3A_260 = tpu.memref_slice %arg12[%dma_wait3A_258, %dma_wait3A_259] : memref<40x128xf32, #tpu.memory_space<vmem>> -> memref<40x128xf32, #tpu.memory_space<vmem>>
      tpu.wait_dma2 semaphore(%run_scoped3A : memref<!tpu.dma_semaphore, #tpu.memory_space<semaphore_mem>>) src(%dma_wait3A_260 : memref<40x128xf32, #tpu.memory_space<vmem>>) dst(%dma_wait3A_257 : memref<40x128xf32, #tpu.memory_space<vmem_shared>>)
      tpu.yield
    }) : () -> ()
    %mul3A_39 = arith.constant 328 : i32
    %mul3A_40 = arith.muli %arg1, %mul3A_39 : i32
    %add3A_41 = arith.constant 160 : i32
    %add3A_42 = arith.addi %mul3A_40, %add3A_41 : i32
    "tpu.region"() ({
      %run_scoped3A = tpu.sem_alloc : memref<!tpu.dma_semaphore, #tpu.memory_space<semaphore_mem>>
      %dma_start3A_241 = arith.constant 0 : i32
      %dma_start3A_242 = arith.constant 0 : i32
      %dma_start3A_243 = tpu.memref_slice %arg12[%dma_start3A_241, %dma_start3A_242] : memref<40x128xf32, #tpu.memory_space<vmem>> -> memref<40x128xf32, #tpu.memory_space<vmem>>
      %dma_start3A_244 = arith.constant 0 : i32
      %dma_start3A_245 = tpu.memref_slice %arg23[%add3A_42, %dma_start3A_244] : memref<5248x128xf32, #tpu.memory_space<vmem_shared>> -> memref<40x128xf32, #tpu.memory_space<vmem_shared>>
      %dma_start3A_246 = arith.constant 0 : i32
      %dma_start3A_247 = tpu.memref_slice %arg23[%add3A_42, %dma_start3A_246] : memref<5248x128xf32, #tpu.memory_space<vmem_shared>> -> memref<40x128xf32, #tpu.memory_space<vmem_shared>>
      %dma_start3A_248 = arith.constant 0 : i32
      %dma_start3A_249 = arith.constant 0 : i32
      %dma_start3A_250 = tpu.memref_slice %arg12[%dma_start3A_248, %dma_start3A_249] : memref<40x128xf32, #tpu.memory_space<vmem>> -> memref<40x128xf32, #tpu.memory_space<vmem>>
      tpu.enqueue_dma source(%dma_start3A_250 : memref<40x128xf32, #tpu.memory_space<vmem>>) target(%dma_start3A_247 : memref<40x128xf32, #tpu.memory_space<vmem_shared>>) target_semaphore(%run_scoped3A : memref<!tpu.dma_semaphore, #tpu.memory_space<semaphore_mem>>)
      %dma_wait3A_251 = arith.constant 0 : i32
      %dma_wait3A_252 = arith.constant 0 : i32
      %dma_wait3A_253 = tpu.memref_slice %arg12[%dma_wait3A_251, %dma_wait3A_252] : memref<40x128xf32, #tpu.memory_space<vmem>> -> memref<40x128xf32, #tpu.memory_space<vmem>>
      %dma_wait3A_254 = arith.constant 0 : i32
      %dma_wait3A_255 = tpu.memref_slice %arg23[%add3A_42, %dma_wait3A_254] : memref<5248x128xf32, #tpu.memory_space<vmem_shared>> -> memref<40x128xf32, #tpu.memory_space<vmem_shared>>
      %dma_wait3A_256 = arith.constant 0 : i32
      %dma_wait3A_257 = tpu.memref_slice %arg23[%add3A_42, %dma_wait3A_256] : memref<5248x128xf32, #tpu.memory_space<vmem_shared>> -> memref<40x128xf32, #tpu.memory_space<vmem_shared>>
      %dma_wait3A_258 = arith.constant 0 : i32
      %dma_wait3A_259 = arith.constant 0 : i32
      %dma_wait3A_260 = tpu.memref_slice %arg12[%dma_wait3A_258, %dma_wait3A_259] : memref<40x128xf32, #tpu.memory_space<vmem>> -> memref<40x128xf32, #tpu.memory_space<vmem>>
      tpu.wait_dma2 semaphore(%run_scoped3A : memref<!tpu.dma_semaphore, #tpu.memory_space<semaphore_mem>>) src(%dma_wait3A_260 : memref<40x128xf32, #tpu.memory_space<vmem>>) dst(%dma_wait3A_257 : memref<40x128xf32, #tpu.memory_space<vmem_shared>>)
      tpu.yield
    }) : () -> ()
    %mul3A_43 = arith.constant 328 : i32
    %mul3A_44 = arith.muli %arg1, %mul3A_43 : i32
    %add3A_45 = arith.constant 200 : i32
    %add3A_46 = arith.addi %mul3A_44, %add3A_45 : i32
    "tpu.region"() ({
      %run_scoped3A = tpu.sem_alloc : memref<!tpu.dma_semaphore, #tpu.memory_space<semaphore_mem>>
      %dma_start3A_241 = arith.constant 0 : i32
      %dma_start3A_242 = arith.constant 0 : i32
      %dma_start3A_243 = tpu.memref_slice %arg12[%dma_start3A_241, %dma_start3A_242] : memref<40x128xf32, #tpu.memory_space<vmem>> -> memref<40x128xf32, #tpu.memory_space<vmem>>
      %dma_start3A_244 = arith.constant 0 : i32
      %dma_start3A_245 = tpu.memref_slice %arg22[%add3A_46, %dma_start3A_244] : memref<5248x128xf32, #tpu.memory_space<vmem_shared>> -> memref<40x128xf32, #tpu.memory_space<vmem_shared>>
      %dma_start3A_246 = arith.constant 0 : i32
      %dma_start3A_247 = tpu.memref_slice %arg22[%add3A_46, %dma_start3A_246] : memref<5248x128xf32, #tpu.memory_space<vmem_shared>> -> memref<40x128xf32, #tpu.memory_space<vmem_shared>>
      %dma_start3A_248 = arith.constant 0 : i32
      %dma_start3A_249 = arith.constant 0 : i32
      %dma_start3A_250 = tpu.memref_slice %arg12[%dma_start3A_248, %dma_start3A_249] : memref<40x128xf32, #tpu.memory_space<vmem>> -> memref<40x128xf32, #tpu.memory_space<vmem>>
      tpu.enqueue_dma source(%dma_start3A_250 : memref<40x128xf32, #tpu.memory_space<vmem>>) target(%dma_start3A_247 : memref<40x128xf32, #tpu.memory_space<vmem_shared>>) target_semaphore(%run_scoped3A : memref<!tpu.dma_semaphore, #tpu.memory_space<semaphore_mem>>)
      %dma_wait3A_251 = arith.constant 0 : i32
      %dma_wait3A_252 = arith.constant 0 : i32
      %dma_wait3A_253 = tpu.memref_slice %arg12[%dma_wait3A_251, %dma_wait3A_252] : memref<40x128xf32, #tpu.memory_space<vmem>> -> memref<40x128xf32, #tpu.memory_space<vmem>>
      %dma_wait3A_254 = arith.constant 0 : i32
      %dma_wait3A_255 = tpu.memref_slice %arg22[%add3A_46, %dma_wait3A_254] : memref<5248x128xf32, #tpu.memory_space<vmem_shared>> -> memref<40x128xf32, #tpu.memory_space<vmem_shared>>
      %dma_wait3A_256 = arith.constant 0 : i32
      %dma_wait3A_257 = tpu.memref_slice %arg22[%add3A_46, %dma_wait3A_256] : memref<5248x128xf32, #tpu.memory_space<vmem_shared>> -> memref<40x128xf32, #tpu.memory_space<vmem_shared>>
      %dma_wait3A_258 = arith.constant 0 : i32
      %dma_wait3A_259 = arith.constant 0 : i32
      %dma_wait3A_260 = tpu.memref_slice %arg12[%dma_wait3A_258, %dma_wait3A_259] : memref<40x128xf32, #tpu.memory_space<vmem>> -> memref<40x128xf32, #tpu.memory_space<vmem>>
      tpu.wait_dma2 semaphore(%run_scoped3A : memref<!tpu.dma_semaphore, #tpu.memory_space<semaphore_mem>>) src(%dma_wait3A_260 : memref<40x128xf32, #tpu.memory_space<vmem>>) dst(%dma_wait3A_257 : memref<40x128xf32, #tpu.memory_space<vmem_shared>>)
      tpu.yield
    }) : () -> ()
    %mul3A_47 = arith.constant 328 : i32
    %mul3A_48 = arith.muli %arg1, %mul3A_47 : i32
    %add3A_49 = arith.constant 200 : i32
    %add3A_50 = arith.addi %mul3A_48, %add3A_49 : i32
    "tpu.region"() ({
      %run_scoped3A = tpu.sem_alloc : memref<!tpu.dma_semaphore, #tpu.memory_space<semaphore_mem>>
      %dma_start3A_241 = arith.constant 0 : i32
      %dma_start3A_242 = arith.constant 0 : i32
      %dma_start3A_243 = tpu.memref_slice %arg12[%dma_start3A_241, %dma_start3A_242] : memref<40x128xf32, #tpu.memory_space<vmem>> -> memref<40x128xf32, #tpu.memory_space<vmem>>
      %dma_start3A_244 = arith.constant 0 : i32
      %dma_start3A_245 = tpu.memref_slice %arg23[%add3A_50, %dma_start3A_244] : memref<5248x128xf32, #tpu.memory_space<vmem_shared>> -> memref<40x128xf32, #tpu.memory_space<vmem_shared>>
      %dma_start3A_246 = arith.constant 0 : i32
      %dma_start3A_247 = tpu.memref_slice %arg23[%add3A_50, %dma_start3A_246] : memref<5248x128xf32, #tpu.memory_space<vmem_shared>> -> memref<40x128xf32, #tpu.memory_space<vmem_shared>>
      %dma_start3A_248 = arith.constant 0 : i32
      %dma_start3A_249 = arith.constant 0 : i32
      %dma_start3A_250 = tpu.memref_slice %arg12[%dma_start3A_248, %dma_start3A_249] : memref<40x128xf32, #tpu.memory_space<vmem>> -> memref<40x128xf32, #tpu.memory_space<vmem>>
      tpu.enqueue_dma source(%dma_start3A_250 : memref<40x128xf32, #tpu.memory_space<vmem>>) target(%dma_start3A_247 : memref<40x128xf32, #tpu.memory_space<vmem_shared>>) target_semaphore(%run_scoped3A : memref<!tpu.dma_semaphore, #tpu.memory_space<semaphore_mem>>)
      %dma_wait3A_251 = arith.constant 0 : i32
      %dma_wait3A_252 = arith.constant 0 : i32
      %dma_wait3A_253 = tpu.memref_slice %arg12[%dma_wait3A_251, %dma_wait3A_252] : memref<40x128xf32, #tpu.memory_space<vmem>> -> memref<40x128xf32, #tpu.memory_space<vmem>>
      %dma_wait3A_254 = arith.constant 0 : i32
      %dma_wait3A_255 = tpu.memref_slice %arg23[%add3A_50, %dma_wait3A_254] : memref<5248x128xf32, #tpu.memory_space<vmem_shared>> -> memref<40x128xf32, #tpu.memory_space<vmem_shared>>
      %dma_wait3A_256 = arith.constant 0 : i32
      %dma_wait3A_257 = tpu.memref_slice %arg23[%add3A_50, %dma_wait3A_256] : memref<5248x128xf32, #tpu.memory_space<vmem_shared>> -> memref<40x128xf32, #tpu.memory_space<vmem_shared>>
      %dma_wait3A_258 = arith.constant 0 : i32
      %dma_wait3A_259 = arith.constant 0 : i32
      %dma_wait3A_260 = tpu.memref_slice %arg12[%dma_wait3A_258, %dma_wait3A_259] : memref<40x128xf32, #tpu.memory_space<vmem>> -> memref<40x128xf32, #tpu.memory_space<vmem>>
      tpu.wait_dma2 semaphore(%run_scoped3A : memref<!tpu.dma_semaphore, #tpu.memory_space<semaphore_mem>>) src(%dma_wait3A_260 : memref<40x128xf32, #tpu.memory_space<vmem>>) dst(%dma_wait3A_257 : memref<40x128xf32, #tpu.memory_space<vmem_shared>>)
      tpu.yield
    }) : () -> ()
    %mul3A_51 = arith.constant 328 : i32
    %mul3A_52 = arith.muli %arg1, %mul3A_51 : i32
    %add3A_53 = arith.constant 240 : i32
    %add3A_54 = arith.addi %mul3A_52, %add3A_53 : i32
    "tpu.region"() ({
      %run_scoped3A = tpu.sem_alloc : memref<!tpu.dma_semaphore, #tpu.memory_space<semaphore_mem>>
      %dma_start3A_241 = arith.constant 0 : i32
      %dma_start3A_242 = arith.constant 0 : i32
      %dma_start3A_243 = tpu.memref_slice %arg12[%dma_start3A_241, %dma_start3A_242] : memref<40x128xf32, #tpu.memory_space<vmem>> -> memref<40x128xf32, #tpu.memory_space<vmem>>
      %dma_start3A_244 = arith.constant 0 : i32
      %dma_start3A_245 = tpu.memref_slice %arg22[%add3A_54, %dma_start3A_244] : memref<5248x128xf32, #tpu.memory_space<vmem_shared>> -> memref<40x128xf32, #tpu.memory_space<vmem_shared>>
      %dma_start3A_246 = arith.constant 0 : i32
      %dma_start3A_247 = tpu.memref_slice %arg22[%add3A_54, %dma_start3A_246] : memref<5248x128xf32, #tpu.memory_space<vmem_shared>> -> memref<40x128xf32, #tpu.memory_space<vmem_shared>>
      %dma_start3A_248 = arith.constant 0 : i32
      %dma_start3A_249 = arith.constant 0 : i32
      %dma_start3A_250 = tpu.memref_slice %arg12[%dma_start3A_248, %dma_start3A_249] : memref<40x128xf32, #tpu.memory_space<vmem>> -> memref<40x128xf32, #tpu.memory_space<vmem>>
      tpu.enqueue_dma source(%dma_start3A_250 : memref<40x128xf32, #tpu.memory_space<vmem>>) target(%dma_start3A_247 : memref<40x128xf32, #tpu.memory_space<vmem_shared>>) target_semaphore(%run_scoped3A : memref<!tpu.dma_semaphore, #tpu.memory_space<semaphore_mem>>)
      %dma_wait3A_251 = arith.constant 0 : i32
      %dma_wait3A_252 = arith.constant 0 : i32
      %dma_wait3A_253 = tpu.memref_slice %arg12[%dma_wait3A_251, %dma_wait3A_252] : memref<40x128xf32, #tpu.memory_space<vmem>> -> memref<40x128xf32, #tpu.memory_space<vmem>>
      %dma_wait3A_254 = arith.constant 0 : i32
      %dma_wait3A_255 = tpu.memref_slice %arg22[%add3A_54, %dma_wait3A_254] : memref<5248x128xf32, #tpu.memory_space<vmem_shared>> -> memref<40x128xf32, #tpu.memory_space<vmem_shared>>
      %dma_wait3A_256 = arith.constant 0 : i32
      %dma_wait3A_257 = tpu.memref_slice %arg22[%add3A_54, %dma_wait3A_256] : memref<5248x128xf32, #tpu.memory_space<vmem_shared>> -> memref<40x128xf32, #tpu.memory_space<vmem_shared>>
      %dma_wait3A_258 = arith.constant 0 : i32
      %dma_wait3A_259 = arith.constant 0 : i32
      %dma_wait3A_260 = tpu.memref_slice %arg12[%dma_wait3A_258, %dma_wait3A_259] : memref<40x128xf32, #tpu.memory_space<vmem>> -> memref<40x128xf32, #tpu.memory_space<vmem>>
      tpu.wait_dma2 semaphore(%run_scoped3A : memref<!tpu.dma_semaphore, #tpu.memory_space<semaphore_mem>>) src(%dma_wait3A_260 : memref<40x128xf32, #tpu.memory_space<vmem>>) dst(%dma_wait3A_257 : memref<40x128xf32, #tpu.memory_space<vmem_shared>>)
      tpu.yield
    }) : () -> ()
    %mul3A_55 = arith.constant 328 : i32
    %mul3A_56 = arith.muli %arg1, %mul3A_55 : i32
    %add3A_57 = arith.constant 240 : i32
    %add3A_58 = arith.addi %mul3A_56, %add3A_57 : i32
    "tpu.region"() ({
      %run_scoped3A = tpu.sem_alloc : memref<!tpu.dma_semaphore, #tpu.memory_space<semaphore_mem>>
      %dma_start3A_241 = arith.constant 0 : i32
      %dma_start3A_242 = arith.constant 0 : i32
      %dma_start3A_243 = tpu.memref_slice %arg12[%dma_start3A_241, %dma_start3A_242] : memref<40x128xf32, #tpu.memory_space<vmem>> -> memref<40x128xf32, #tpu.memory_space<vmem>>
      %dma_start3A_244 = arith.constant 0 : i32
      %dma_start3A_245 = tpu.memref_slice %arg23[%add3A_58, %dma_start3A_244] : memref<5248x128xf32, #tpu.memory_space<vmem_shared>> -> memref<40x128xf32, #tpu.memory_space<vmem_shared>>
      %dma_start3A_246 = arith.constant 0 : i32
      %dma_start3A_247 = tpu.memref_slice %arg23[%add3A_58, %dma_start3A_246] : memref<5248x128xf32, #tpu.memory_space<vmem_shared>> -> memref<40x128xf32, #tpu.memory_space<vmem_shared>>
      %dma_start3A_248 = arith.constant 0 : i32
      %dma_start3A_249 = arith.constant 0 : i32
      %dma_start3A_250 = tpu.memref_slice %arg12[%dma_start3A_248, %dma_start3A_249] : memref<40x128xf32, #tpu.memory_space<vmem>> -> memref<40x128xf32, #tpu.memory_space<vmem>>
      tpu.enqueue_dma source(%dma_start3A_250 : memref<40x128xf32, #tpu.memory_space<vmem>>) target(%dma_start3A_247 : memref<40x128xf32, #tpu.memory_space<vmem_shared>>) target_semaphore(%run_scoped3A : memref<!tpu.dma_semaphore, #tpu.memory_space<semaphore_mem>>)
      %dma_wait3A_251 = arith.constant 0 : i32
      %dma_wait3A_252 = arith.constant 0 : i32
      %dma_wait3A_253 = tpu.memref_slice %arg12[%dma_wait3A_251, %dma_wait3A_252] : memref<40x128xf32, #tpu.memory_space<vmem>> -> memref<40x128xf32, #tpu.memory_space<vmem>>
      %dma_wait3A_254 = arith.constant 0 : i32
      %dma_wait3A_255 = tpu.memref_slice %arg23[%add3A_58, %dma_wait3A_254] : memref<5248x128xf32, #tpu.memory_space<vmem_shared>> -> memref<40x128xf32, #tpu.memory_space<vmem_shared>>
      %dma_wait3A_256 = arith.constant 0 : i32
      %dma_wait3A_257 = tpu.memref_slice %arg23[%add3A_58, %dma_wait3A_256] : memref<5248x128xf32, #tpu.memory_space<vmem_shared>> -> memref<40x128xf32, #tpu.memory_space<vmem_shared>>
      %dma_wait3A_258 = arith.constant 0 : i32
      %dma_wait3A_259 = arith.constant 0 : i32
      %dma_wait3A_260 = tpu.memref_slice %arg12[%dma_wait3A_258, %dma_wait3A_259] : memref<40x128xf32, #tpu.memory_space<vmem>> -> memref<40x128xf32, #tpu.memory_space<vmem>>
      tpu.wait_dma2 semaphore(%run_scoped3A : memref<!tpu.dma_semaphore, #tpu.memory_space<semaphore_mem>>) src(%dma_wait3A_260 : memref<40x128xf32, #tpu.memory_space<vmem>>) dst(%dma_wait3A_257 : memref<40x128xf32, #tpu.memory_space<vmem_shared>>)
      tpu.yield
    }) : () -> ()
    %mul3A_59 = arith.constant 328 : i32
    %mul3A_60 = arith.muli %arg1, %mul3A_59 : i32
    %add3A_61 = arith.constant 280 : i32
    %add3A_62 = arith.addi %mul3A_60, %add3A_61 : i32
    "tpu.region"() ({
      %run_scoped3A = tpu.sem_alloc : memref<!tpu.dma_semaphore, #tpu.memory_space<semaphore_mem>>
      %dma_start3A_241 = arith.constant 0 : i32
      %dma_start3A_242 = arith.constant 0 : i32
      %dma_start3A_243 = tpu.memref_slice %arg12[%dma_start3A_241, %dma_start3A_242] : memref<40x128xf32, #tpu.memory_space<vmem>> -> memref<40x128xf32, #tpu.memory_space<vmem>>
      %dma_start3A_244 = arith.constant 0 : i32
      %dma_start3A_245 = tpu.memref_slice %arg22[%add3A_62, %dma_start3A_244] : memref<5248x128xf32, #tpu.memory_space<vmem_shared>> -> memref<40x128xf32, #tpu.memory_space<vmem_shared>>
      %dma_start3A_246 = arith.constant 0 : i32
      %dma_start3A_247 = tpu.memref_slice %arg22[%add3A_62, %dma_start3A_246] : memref<5248x128xf32, #tpu.memory_space<vmem_shared>> -> memref<40x128xf32, #tpu.memory_space<vmem_shared>>
      %dma_start3A_248 = arith.constant 0 : i32
      %dma_start3A_249 = arith.constant 0 : i32
      %dma_start3A_250 = tpu.memref_slice %arg12[%dma_start3A_248, %dma_start3A_249] : memref<40x128xf32, #tpu.memory_space<vmem>> -> memref<40x128xf32, #tpu.memory_space<vmem>>
      tpu.enqueue_dma source(%dma_start3A_250 : memref<40x128xf32, #tpu.memory_space<vmem>>) target(%dma_start3A_247 : memref<40x128xf32, #tpu.memory_space<vmem_shared>>) target_semaphore(%run_scoped3A : memref<!tpu.dma_semaphore, #tpu.memory_space<semaphore_mem>>)
      %dma_wait3A_251 = arith.constant 0 : i32
      %dma_wait3A_252 = arith.constant 0 : i32
      %dma_wait3A_253 = tpu.memref_slice %arg12[%dma_wait3A_251, %dma_wait3A_252] : memref<40x128xf32, #tpu.memory_space<vmem>> -> memref<40x128xf32, #tpu.memory_space<vmem>>
      %dma_wait3A_254 = arith.constant 0 : i32
      %dma_wait3A_255 = tpu.memref_slice %arg22[%add3A_62, %dma_wait3A_254] : memref<5248x128xf32, #tpu.memory_space<vmem_shared>> -> memref<40x128xf32, #tpu.memory_space<vmem_shared>>
      %dma_wait3A_256 = arith.constant 0 : i32
      %dma_wait3A_257 = tpu.memref_slice %arg22[%add3A_62, %dma_wait3A_256] : memref<5248x128xf32, #tpu.memory_space<vmem_shared>> -> memref<40x128xf32, #tpu.memory_space<vmem_shared>>
      %dma_wait3A_258 = arith.constant 0 : i32
      %dma_wait3A_259 = arith.constant 0 : i32
      %dma_wait3A_260 = tpu.memref_slice %arg12[%dma_wait3A_258, %dma_wait3A_259] : memref<40x128xf32, #tpu.memory_space<vmem>> -> memref<40x128xf32, #tpu.memory_space<vmem>>
      tpu.wait_dma2 semaphore(%run_scoped3A : memref<!tpu.dma_semaphore, #tpu.memory_space<semaphore_mem>>) src(%dma_wait3A_260 : memref<40x128xf32, #tpu.memory_space<vmem>>) dst(%dma_wait3A_257 : memref<40x128xf32, #tpu.memory_space<vmem_shared>>)
      tpu.yield
    }) : () -> ()
    %mul3A_63 = arith.constant 328 : i32
    %mul3A_64 = arith.muli %arg1, %mul3A_63 : i32
    %add3A_65 = arith.constant 280 : i32
    %add3A_66 = arith.addi %mul3A_64, %add3A_65 : i32
    "tpu.region"() ({
      %run_scoped3A = tpu.sem_alloc : memref<!tpu.dma_semaphore, #tpu.memory_space<semaphore_mem>>
      %dma_start3A_241 = arith.constant 0 : i32
      %dma_start3A_242 = arith.constant 0 : i32
      %dma_start3A_243 = tpu.memref_slice %arg12[%dma_start3A_241, %dma_start3A_242] : memref<40x128xf32, #tpu.memory_space<vmem>> -> memref<40x128xf32, #tpu.memory_space<vmem>>
      %dma_start3A_244 = arith.constant 0 : i32
      %dma_start3A_245 = tpu.memref_slice %arg23[%add3A_66, %dma_start3A_244] : memref<5248x128xf32, #tpu.memory_space<vmem_shared>> -> memref<40x128xf32, #tpu.memory_space<vmem_shared>>
      %dma_start3A_246 = arith.constant 0 : i32
      %dma_start3A_247 = tpu.memref_slice %arg23[%add3A_66, %dma_start3A_246] : memref<5248x128xf32, #tpu.memory_space<vmem_shared>> -> memref<40x128xf32, #tpu.memory_space<vmem_shared>>
      %dma_start3A_248 = arith.constant 0 : i32
      %dma_start3A_249 = arith.constant 0 : i32
      %dma_start3A_250 = tpu.memref_slice %arg12[%dma_start3A_248, %dma_start3A_249] : memref<40x128xf32, #tpu.memory_space<vmem>> -> memref<40x128xf32, #tpu.memory_space<vmem>>
      tpu.enqueue_dma source(%dma_start3A_250 : memref<40x128xf32, #tpu.memory_space<vmem>>) target(%dma_start3A_247 : memref<40x128xf32, #tpu.memory_space<vmem_shared>>) target_semaphore(%run_scoped3A : memref<!tpu.dma_semaphore, #tpu.memory_space<semaphore_mem>>)
      %dma_wait3A_251 = arith.constant 0 : i32
      %dma_wait3A_252 = arith.constant 0 : i32
      %dma_wait3A_253 = tpu.memref_slice %arg12[%dma_wait3A_251, %dma_wait3A_252] : memref<40x128xf32, #tpu.memory_space<vmem>> -> memref<40x128xf32, #tpu.memory_space<vmem>>
      %dma_wait3A_254 = arith.constant 0 : i32
      %dma_wait3A_255 = tpu.memref_slice %arg23[%add3A_66, %dma_wait3A_254] : memref<5248x128xf32, #tpu.memory_space<vmem_shared>> -> memref<40x128xf32, #tpu.memory_space<vmem_shared>>
      %dma_wait3A_256 = arith.constant 0 : i32
      %dma_wait3A_257 = tpu.memref_slice %arg23[%add3A_66, %dma_wait3A_256] : memref<5248x128xf32, #tpu.memory_space<vmem_shared>> -> memref<40x128xf32, #tpu.memory_space<vmem_shared>>
      %dma_wait3A_258 = arith.constant 0 : i32
      %dma_wait3A_259 = arith.constant 0 : i32
      %dma_wait3A_260 = tpu.memref_slice %arg12[%dma_wait3A_258, %dma_wait3A_259] : memref<40x128xf32, #tpu.memory_space<vmem>> -> memref<40x128xf32, #tpu.memory_space<vmem>>
      tpu.wait_dma2 semaphore(%run_scoped3A : memref<!tpu.dma_semaphore, #tpu.memory_space<semaphore_mem>>) src(%dma_wait3A_260 : memref<40x128xf32, #tpu.memory_space<vmem>>) dst(%dma_wait3A_257 : memref<40x128xf32, #tpu.memory_space<vmem_shared>>)
      tpu.yield
    }) : () -> ()
    %mul3A_67 = arith.constant 328 : i32
    %mul3A_68 = arith.muli %arg1, %mul3A_67 : i32
    %add3A_69 = arith.constant 320 : i32
    %add3A_70 = arith.addi %mul3A_68, %add3A_69 : i32
    "tpu.region"() ({
      %run_scoped3A = tpu.sem_alloc : memref<!tpu.dma_semaphore, #tpu.memory_space<semaphore_mem>>
      %dma_start3A_241 = arith.constant 0 : i32
      %dma_start3A_242 = arith.constant 0 : i32
      %dma_start3A_243 = tpu.memref_slice %arg12[%dma_start3A_241, %dma_start3A_242] : memref<40x128xf32, #tpu.memory_space<vmem>> -> memref<8x128xf32, #tpu.memory_space<vmem>>
      %dma_start3A_244 = arith.constant 0 : i32
      %dma_start3A_245 = tpu.memref_slice %arg22[%add3A_70, %dma_start3A_244] : memref<5248x128xf32, #tpu.memory_space<vmem_shared>> -> memref<8x128xf32, #tpu.memory_space<vmem_shared>>
      %dma_start3A_246 = arith.constant 0 : i32
      %dma_start3A_247 = tpu.memref_slice %arg22[%add3A_70, %dma_start3A_246] : memref<5248x128xf32, #tpu.memory_space<vmem_shared>> -> memref<8x128xf32, #tpu.memory_space<vmem_shared>>
      %dma_start3A_248 = arith.constant 0 : i32
      %dma_start3A_249 = arith.constant 0 : i32
      %dma_start3A_250 = tpu.memref_slice %arg12[%dma_start3A_248, %dma_start3A_249] : memref<40x128xf32, #tpu.memory_space<vmem>> -> memref<8x128xf32, #tpu.memory_space<vmem>>
      tpu.enqueue_dma source(%dma_start3A_250 : memref<8x128xf32, #tpu.memory_space<vmem>>) target(%dma_start3A_247 : memref<8x128xf32, #tpu.memory_space<vmem_shared>>) target_semaphore(%run_scoped3A : memref<!tpu.dma_semaphore, #tpu.memory_space<semaphore_mem>>)
      %dma_wait3A_251 = arith.constant 0 : i32
      %dma_wait3A_252 = arith.constant 0 : i32
      %dma_wait3A_253 = tpu.memref_slice %arg12[%dma_wait3A_251, %dma_wait3A_252] : memref<40x128xf32, #tpu.memory_space<vmem>> -> memref<8x128xf32, #tpu.memory_space<vmem>>
      %dma_wait3A_254 = arith.constant 0 : i32
      %dma_wait3A_255 = tpu.memref_slice %arg22[%add3A_70, %dma_wait3A_254] : memref<5248x128xf32, #tpu.memory_space<vmem_shared>> -> memref<8x128xf32, #tpu.memory_space<vmem_shared>>
      %dma_wait3A_256 = arith.constant 0 : i32
      %dma_wait3A_257 = tpu.memref_slice %arg22[%add3A_70, %dma_wait3A_256] : memref<5248x128xf32, #tpu.memory_space<vmem_shared>> -> memref<8x128xf32, #tpu.memory_space<vmem_shared>>
      %dma_wait3A_258 = arith.constant 0 : i32
      %dma_wait3A_259 = arith.constant 0 : i32
      %dma_wait3A_260 = tpu.memref_slice %arg12[%dma_wait3A_258, %dma_wait3A_259] : memref<40x128xf32, #tpu.memory_space<vmem>> -> memref<8x128xf32, #tpu.memory_space<vmem>>
      tpu.wait_dma2 semaphore(%run_scoped3A : memref<!tpu.dma_semaphore, #tpu.memory_space<semaphore_mem>>) src(%dma_wait3A_260 : memref<8x128xf32, #tpu.memory_space<vmem>>) dst(%dma_wait3A_257 : memref<8x128xf32, #tpu.memory_space<vmem_shared>>)
      tpu.yield
    }) : () -> ()
    %mul3A_71 = arith.constant 328 : i32
    %mul3A_72 = arith.muli %arg1, %mul3A_71 : i32
    %add3A_73 = arith.constant 320 : i32
    %add3A_74 = arith.addi %mul3A_72, %add3A_73 : i32
    "tpu.region"() ({
      %run_scoped3A = tpu.sem_alloc : memref<!tpu.dma_semaphore, #tpu.memory_space<semaphore_mem>>
      %dma_start3A_241 = arith.constant 0 : i32
      %dma_start3A_242 = arith.constant 0 : i32
      %dma_start3A_243 = tpu.memref_slice %arg12[%dma_start3A_241, %dma_start3A_242] : memref<40x128xf32, #tpu.memory_space<vmem>> -> memref<8x128xf32, #tpu.memory_space<vmem>>
      %dma_start3A_244 = arith.constant 0 : i32
      %dma_start3A_245 = tpu.memref_slice %arg23[%add3A_74, %dma_start3A_244] : memref<5248x128xf32, #tpu.memory_space<vmem_shared>> -> memref<8x128xf32, #tpu.memory_space<vmem_shared>>
      %dma_start3A_246 = arith.constant 0 : i32
      %dma_start3A_247 = tpu.memref_slice %arg23[%add3A_74, %dma_start3A_246] : memref<5248x128xf32, #tpu.memory_space<vmem_shared>> -> memref<8x128xf32, #tpu.memory_space<vmem_shared>>
      %dma_start3A_248 = arith.constant 0 : i32
      %dma_start3A_249 = arith.constant 0 : i32
      %dma_start3A_250 = tpu.memref_slice %arg12[%dma_start3A_248, %dma_start3A_249] : memref<40x128xf32, #tpu.memory_space<vmem>> -> memref<8x128xf32, #tpu.memory_space<vmem>>
      tpu.enqueue_dma source(%dma_start3A_250 : memref<8x128xf32, #tpu.memory_space<vmem>>) target(%dma_start3A_247 : memref<8x128xf32, #tpu.memory_space<vmem_shared>>) target_semaphore(%run_scoped3A : memref<!tpu.dma_semaphore, #tpu.memory_space<semaphore_mem>>)
      %dma_wait3A_251 = arith.constant 0 : i32
      %dma_wait3A_252 = arith.constant 0 : i32
      %dma_wait3A_253 = tpu.memref_slice %arg12[%dma_wait3A_251, %dma_wait3A_252] : memref<40x128xf32, #tpu.memory_space<vmem>> -> memref<8x128xf32, #tpu.memory_space<vmem>>
      %dma_wait3A_254 = arith.constant 0 : i32
      %dma_wait3A_255 = tpu.memref_slice %arg23[%add3A_74, %dma_wait3A_254] : memref<5248x128xf32, #tpu.memory_space<vmem_shared>> -> memref<8x128xf32, #tpu.memory_space<vmem_shared>>
      %dma_wait3A_256 = arith.constant 0 : i32
      %dma_wait3A_257 = tpu.memref_slice %arg23[%add3A_74, %dma_wait3A_256] : memref<5248x128xf32, #tpu.memory_space<vmem_shared>> -> memref<8x128xf32, #tpu.memory_space<vmem_shared>>
      %dma_wait3A_258 = arith.constant 0 : i32
      %dma_wait3A_259 = arith.constant 0 : i32
      %dma_wait3A_260 = tpu.memref_slice %arg12[%dma_wait3A_258, %dma_wait3A_259] : memref<40x128xf32, #tpu.memory_space<vmem>> -> memref<8x128xf32, #tpu.memory_space<vmem>>
      tpu.wait_dma2 semaphore(%run_scoped3A : memref<!tpu.dma_semaphore, #tpu.memory_space<semaphore_mem>>) src(%dma_wait3A_260 : memref<8x128xf32, #tpu.memory_space<vmem>>) dst(%dma_wait3A_257 : memref<8x128xf32, #tpu.memory_space<vmem_shared>>)
      tpu.yield
    }) : () -> ()
    "tpu.region"() ({
      %run_scoped3A = tpu.sem_alloc : memref<!tpu.dma_semaphore, #tpu.memory_space<semaphore_mem>>
      tpu.enqueue_dma source(%arg5 : memref<128xf32, #tpu.memory_space<hbm>>) target(%arg21 : memref<128xf32, #tpu.memory_space<vmem>>) target_semaphore(%run_scoped3A : memref<!tpu.dma_semaphore, #tpu.memory_space<semaphore_mem>>)
      tpu.wait_dma2 semaphore(%run_scoped3A : memref<!tpu.dma_semaphore, #tpu.memory_space<semaphore_mem>>) src(%arg5 : memref<128xf32, #tpu.memory_space<hbm>>) dst(%arg21 : memref<128xf32, #tpu.memory_space<vmem>>)
      tpu.yield
    }) : () -> ()
    %barrier3A = arith.constant 0 : index
    tpu.barrier barrier_id(%barrier3A)
    %mul3A_75 = arith.constant 20000 : i32
    %mul3A_76 = arith.muli %arg1, %mul3A_75 : i32
    %mul3A_77 = arith.constant 5120 : i32
    %mul3A_78 = arith.muli %arg0, %mul3A_77 : i32
    %get3A = arith.constant 0 : index
    %get3A_79 = tpu.vector_load %arg21[%get3A] {strides = array<i32>} : memref<128xf32, #tpu.memory_space<vmem>>, vector<16xf32>,
    %get3A_80 = arith.constant 16 : index
    %get3A_81 = tpu.vector_load %arg21[%get3A_80] {strides = array<i32>} : memref<128xf32, #tpu.memory_space<vmem>>, vector<16xf32>,
    %get3A_82 = arith.constant 32 : index
    %get3A_83 = tpu.vector_load %arg21[%get3A_82] {strides = array<i32>} : memref<128xf32, #tpu.memory_space<vmem>>, vector<16xf32>,
    %get3A_84 = arith.constant 48 : index
    %get3A_85 = tpu.vector_load %arg21[%get3A_84] {strides = array<i32>} : memref<128xf32, #tpu.memory_space<vmem>>, vector<16xf32>,
    %get3A_86 = arith.constant 64 : index
    %get3A_87 = tpu.vector_load %arg21[%get3A_86] {strides = array<i32>} : memref<128xf32, #tpu.memory_space<vmem>>, vector<16xf32>,
    %get3A_88 = arith.constant 80 : index
    %get3A_89 = tpu.vector_load %arg21[%get3A_88] {strides = array<i32>} : memref<128xf32, #tpu.memory_space<vmem>>, vector<16xf32>,
    %get3A_90 = arith.constant 96 : index
    %get3A_91 = tpu.vector_load %arg21[%get3A_90] {strides = array<i32>} : memref<128xf32, #tpu.memory_space<vmem>>, vector<16xf32>,
    %get3A_92 = arith.constant 112 : index
    %get3A_93 = tpu.vector_load %arg21[%get3A_92] {strides = array<i32>} : memref<128xf32, #tpu.memory_space<vmem>>, vector<16xf32>,
    %add3A_94 = arith.constant 0 : i32
    %add3A_95 = arith.addi %mul3A_76, %add3A_94 : i32
    "tpu.region"() ({
      %run_scoped3A = tpu.sem_alloc : memref<!tpu.dma_semaphore, #tpu.memory_space<semaphore_mem>>
      %dma_start3A_241 = tpu.memref_slice %arg3[%add3A_95] : memref<320000xi32, #tpu.memory_space<hbm>> -> memref<40xi32, #tpu.memory_space<hbm>>
      %dma_start3A_242 = tpu.memref_slice %arg3[%add3A_95] : memref<320000xi32, #tpu.memory_space<hbm>> -> memref<40xi32, #tpu.memory_space<hbm>>
      tpu.enqueue_dma source(%dma_start3A_242 : memref<40xi32, #tpu.memory_space<hbm>>) target(%arg7 : memref<40xi32, #tpu.memory_space<vmem>>) target_semaphore(%run_scoped3A : memref<!tpu.dma_semaphore, #tpu.memory_space<semaphore_mem>>)
      %dma_wait3A_243 = tpu.memref_slice %arg3[%add3A_95] : memref<320000xi32, #tpu.memory_space<hbm>> -> memref<40xi32, #tpu.memory_space<hbm>>
      %dma_wait3A_244 = tpu.memref_slice %arg3[%add3A_95] : memref<320000xi32, #tpu.memory_space<hbm>> -> memref<40xi32, #tpu.memory_space<hbm>>
      tpu.wait_dma2 semaphore(%run_scoped3A : memref<!tpu.dma_semaphore, #tpu.memory_space<semaphore_mem>>) src(%dma_wait3A_244 : memref<40xi32, #tpu.memory_space<hbm>>) dst(%arg7 : memref<40xi32, #tpu.memory_space<vmem>>)
      tpu.yield
    }) : () -> ()
    "tpu.region"() ({
      %run_scoped3A = tpu.sem_alloc : memref<!tpu.dma_semaphore, #tpu.memory_space<semaphore_mem>>
      %dma_start3A_241 = tpu.memref_slice %arg4[%add3A_95] : memref<320000xi32, #tpu.memory_space<hbm>> -> memref<40xi32, #tpu.memory_space<hbm>>
      %dma_start3A_242 = tpu.memref_slice %arg4[%add3A_95] : memref<320000xi32, #tpu.memory_space<hbm>> -> memref<40xi32, #tpu.memory_space<hbm>>
      tpu.enqueue_dma source(%dma_start3A_242 : memref<40xi32, #tpu.memory_space<hbm>>) target(%arg8 : memref<40xi32, #tpu.memory_space<vmem>>) target_semaphore(%run_scoped3A : memref<!tpu.dma_semaphore, #tpu.memory_space<semaphore_mem>>)
      %dma_wait3A_243 = tpu.memref_slice %arg4[%add3A_95] : memref<320000xi32, #tpu.memory_space<hbm>> -> memref<40xi32, #tpu.memory_space<hbm>>
      %dma_wait3A_244 = tpu.memref_slice %arg4[%add3A_95] : memref<320000xi32, #tpu.memory_space<hbm>> -> memref<40xi32, #tpu.memory_space<hbm>>
      tpu.wait_dma2 semaphore(%run_scoped3A : memref<!tpu.dma_semaphore, #tpu.memory_space<semaphore_mem>>) src(%dma_wait3A_244 : memref<40xi32, #tpu.memory_space<hbm>>) dst(%arg8 : memref<40xi32, #tpu.memory_space<vmem>>)
      tpu.yield
    }) : () -> ()
    %dma_start3A = arith.constant 0 : i32
    %dma_start3A_96 = arith.constant 0 : i32
    %dma_start3A_97 = tpu.memref_slice %arg2[%dma_start3A, %dma_start3A_96] : memref<10240x128xf32, #tpu.memory_space<hbm>> -> memref<10240x128xf32, #tpu.memory_space<hbm>>
    tpu.enqueue_indirect_dma source(%dma_start3A_97 : memref<10240x128xf32, #tpu.memory_space<hbm>>) target(%arg10 : memref<40x128xf32, #tpu.memory_space<vmem>>) offsets(%arg7 : memref<40xi32, #tpu.memory_space<vmem>>) semaphore(%arg24 : memref<!tpu.dma_semaphore, #tpu.memory_space<semaphore_mem>>)
    %dma_start3A_98 = arith.constant 0 : i32
    %dma_start3A_99 = arith.constant 0 : i32
    %dma_start3A_100 = tpu.memref_slice %arg2[%dma_start3A_98, %dma_start3A_99] : memref<10240x128xf32, #tpu.memory_space<hbm>> -> memref<10240x128xf32, #tpu.memory_space<hbm>>
    tpu.enqueue_indirect_dma source(%dma_start3A_100 : memref<10240x128xf32, #tpu.memory_space<hbm>>) target(%arg11 : memref<40x128xf32, #tpu.memory_space<vmem>>) offsets(%arg8 : memref<40xi32, #tpu.memory_space<vmem>>) semaphore(%arg25 : memref<!tpu.dma_semaphore, #tpu.memory_space<semaphore_mem>>)
    %scan3A_101 = arith.constant 0 : i32
    %scan3A_102 = arith.constant 0 : i32
    %scan3A_103 = arith.constant 250 : i32
    %scan3A_104 = arith.addi %scan3A_102, %scan3A_103 : i32
    %scan3A_105 = arith.constant 1 : i32
    scf.for %scan3A_241 = %scan3A_102 to %scan3A_104 step %scan3A_105  : i32 {
      %mul3A_242 = arith.constant 2 : i32
      %mul3A_243 = arith.muli %scan3A_241, %mul3A_242 : i32
      %add3A_244 = arith.constant 1 : i32
      %add3A_245 = arith.addi %mul3A_243, %add3A_244 : i32
      %mul3A_246 = arith.constant 40 : i32
      %mul3A_247 = arith.muli %add3A_245, %mul3A_246 : i32
      %add3A_248 = arith.addi %mul3A_76, %mul3A_247 : i32
      "tpu.region"() ({
        %run_scoped3A = tpu.sem_alloc : memref<!tpu.dma_semaphore, #tpu.memory_space<semaphore_mem>>
        %dma_start3A_391 = tpu.memref_slice %arg3[%add3A_248] : memref<320000xi32, #tpu.memory_space<hbm>> -> memref<40xi32, #tpu.memory_space<hbm>>
        %dma_start3A_392 = tpu.memref_slice %arg3[%add3A_248] : memref<320000xi32, #tpu.memory_space<hbm>> -> memref<40xi32, #tpu.memory_space<hbm>>
        tpu.enqueue_dma source(%dma_start3A_392 : memref<40xi32, #tpu.memory_space<hbm>>) target(%arg14 : memref<40xi32, #tpu.memory_space<vmem>>) target_semaphore(%run_scoped3A : memref<!tpu.dma_semaphore, #tpu.memory_space<semaphore_mem>>)
        %dma_wait3A_393 = tpu.memref_slice %arg3[%add3A_248] : memref<320000xi32, #tpu.memory_space<hbm>> -> memref<40xi32, #tpu.memory_space<hbm>>
        %dma_wait3A_394 = tpu.memref_slice %arg3[%add3A_248] : memref<320000xi32, #tpu.memory_space<hbm>> -> memref<40xi32, #tpu.memory_space<hbm>>
        tpu.wait_dma2 semaphore(%run_scoped3A : memref<!tpu.dma_semaphore, #tpu.memory_space<semaphore_mem>>) src(%dma_wait3A_394 : memref<40xi32, #tpu.memory_space<hbm>>) dst(%arg14 : memref<40xi32, #tpu.memory_space<vmem>>)
        tpu.yield
      }) : () -> ()
      "tpu.region"() ({
        %run_scoped3A = tpu.sem_alloc : memref<!tpu.dma_semaphore, #tpu.memory_space<semaphore_mem>>
        %dma_start3A_391 = tpu.memref_slice %arg4[%add3A_248] : memref<320000xi32, #tpu.memory_space<hbm>> -> memref<40xi32, #tpu.memory_space<hbm>>
        %dma_start3A_392 = tpu.memref_slice %arg4[%add3A_248] : memref<320000xi32, #tpu.memory_space<hbm>> -> memref<40xi32, #tpu.memory_space<hbm>>
        tpu.enqueue_dma source(%dma_start3A_392 : memref<40xi32, #tpu.memory_space<hbm>>) target(%arg15 : memref<40xi32, #tpu.memory_space<vmem>>) target_semaphore(%run_scoped3A : memref<!tpu.dma_semaphore, #tpu.memory_space<semaphore_mem>>)
        %dma_wait3A_393 = tpu.memref_slice %arg4[%add3A_248] : memref<320000xi32, #tpu.memory_space<hbm>> -> memref<40xi32, #tpu.memory_space<hbm>>
        %dma_wait3A_394 = tpu.memref_slice %arg4[%add3A_248] : memref<320000xi32, #tpu.memory_space<hbm>> -> memref<40xi32, #tpu.memory_space<hbm>>
        tpu.wait_dma2 semaphore(%run_scoped3A : memref<!tpu.dma_semaphore, #tpu.memory_space<semaphore_mem>>) src(%dma_wait3A_394 : memref<40xi32, #tpu.memory_space<hbm>>) dst(%arg15 : memref<40xi32, #tpu.memory_space<vmem>>)
        tpu.yield
      }) : () -> ()
      %dma_start3A_249 = arith.constant 0 : i32
      %dma_start3A_250 = arith.constant 0 : i32
      %dma_start3A_251 = tpu.memref_slice %arg2[%dma_start3A_249, %dma_start3A_250] : memref<10240x128xf32, #tpu.memory_space<hbm>> -> memref<10240x128xf32, #tpu.memory_space<hbm>>
      tpu.enqueue_indirect_dma source(%dma_start3A_251 : memref<10240x128xf32, #tpu.memory_space<hbm>>) target(%arg17 : memref<40x128xf32, #tpu.memory_space<vmem>>) offsets(%arg14 : memref<40xi32, #tpu.memory_space<vmem>>) semaphore(%arg27 : memref<!tpu.dma_semaphore, #tpu.memory_space<semaphore_mem>>)
      %dma_start3A_252 = arith.constant 0 : i32
      %dma_start3A_253 = arith.constant 0 : i32
      %dma_start3A_254 = tpu.memref_slice %arg2[%dma_start3A_252, %dma_start3A_253] : memref<10240x128xf32, #tpu.memory_space<hbm>> -> memref<10240x128xf32, #tpu.memory_space<hbm>>
      tpu.enqueue_indirect_dma source(%dma_start3A_254 : memref<10240x128xf32, #tpu.memory_space<hbm>>) target(%arg18 : memref<40x128xf32, #tpu.memory_space<vmem>>) offsets(%arg15 : memref<40xi32, #tpu.memory_space<vmem>>) semaphore(%arg28 : memref<!tpu.dma_semaphore, #tpu.memory_space<semaphore_mem>>)
      %dma_wait3A_255 = arith.constant 0 : i32
      %dma_wait3A_256 = arith.constant 0 : i32
      %dma_wait3A_257 = tpu.memref_slice %arg2[%dma_wait3A_255, %dma_wait3A_256] : memref<10240x128xf32, #tpu.memory_space<hbm>> -> memref<10240x128xf32, #tpu.memory_space<hbm>>
      tpu.wait_indirect_dma semaphore(%arg24 : memref<!tpu.dma_semaphore, #tpu.memory_space<semaphore_mem>>) src(%dma_wait3A_257 : memref<10240x128xf32, #tpu.memory_space<hbm>>) dst(%arg10 : memref<40x128xf32, #tpu.memory_space<vmem>>)
      %dma_wait3A_258 = arith.constant 0 : i32
      %dma_wait3A_259 = arith.constant 0 : i32
      %dma_wait3A_260 = tpu.memref_slice %arg2[%dma_wait3A_258, %dma_wait3A_259] : memref<10240x128xf32, #tpu.memory_space<hbm>> -> memref<10240x128xf32, #tpu.memory_space<hbm>>
      tpu.wait_indirect_dma semaphore(%arg25 : memref<!tpu.dma_semaphore, #tpu.memory_space<semaphore_mem>>) src(%dma_wait3A_260 : memref<10240x128xf32, #tpu.memory_space<hbm>>) dst(%arg11 : memref<40x128xf32, #tpu.memory_space<vmem>>)
      %gt3A = arith.constant 0 : i32
      %gt3A_261 = arith.cmpi sgt, %scan3A_241, %gt3A : i32
      %convert_element_type3A = arith.extui %gt3A_261 : i1 to i32
      %cond3A = arith.constant 0 : i32
      %cond3A_262 = arith.cmpi ne, %convert_element_type3A, %cond3A : i32
      scf.if %cond3A_262 {
        %dma_wait3A_391 = arith.constant 0 : i32
        %dma_wait3A_392 = arith.constant 0 : i32
        %dma_wait3A_393 = tpu.memref_slice %arg22[%dma_wait3A_391, %dma_wait3A_392] : memref<5248x128xf32, #tpu.memory_space<vmem_shared>> -> memref<5248x128xf32, #tpu.memory_space<vmem_shared>>
        tpu.wait_indirect_dma semaphore(%arg26 : memref<!tpu.dma_semaphore, #tpu.memory_space<semaphore_mem>>) src(%arg12 : memref<40x128xf32, #tpu.memory_space<vmem>>) dst(%dma_wait3A_393 : memref<5248x128xf32, #tpu.memory_space<vmem_shared>>)
        %dma_wait3A_394 = arith.constant 0 : i32
        %dma_wait3A_395 = arith.constant 0 : i32
        %dma_wait3A_396 = tpu.memref_slice %arg23[%dma_wait3A_394, %dma_wait3A_395] : memref<5248x128xf32, #tpu.memory_space<vmem_shared>> -> memref<5248x128xf32, #tpu.memory_space<vmem_shared>>
        tpu.wait_indirect_dma semaphore(%arg26 : memref<!tpu.dma_semaphore, #tpu.memory_space<semaphore_mem>>) src(%arg13 : memref<40x128xf32, #tpu.memory_space<vmem>>) dst(%dma_wait3A_396 : memref<5248x128xf32, #tpu.memory_space<vmem_shared>>)
      } else {
      }
      %get3A_263 = arith.constant 0 : index
      %get3A_264 = tpu.vector_load %arg8[%get3A_263] {strides = array<i32>} : memref<40xi32, #tpu.memory_space<vmem>>, vector<16xi32>,
      %sub3A = vector.broadcast %mul3A_78 : i32 to vector<16xi32>
      %sub3A_265 = arith.subi %get3A_264, %sub3A : vector<16xi32>
      %ge3A = arith.constant 0 : i32
      %ge3A_266 = vector.broadcast %ge3A : i32 to vector<16xi32>
      %ge3A_267 = arith.cmpi sge, %sub3A_265, %ge3A_266 : vector<16xi32>
      %lt3A = arith.constant 5120 : i32
      %lt3A_268 = vector.broadcast %lt3A : i32 to vector<16xi32>
      %lt3A_269 = arith.cmpi slt, %sub3A_265, %lt3A_268 : vector<16xi32>
      %and3A = arith.andi %ge3A_267, %lt3A_269 : vector<16xi1>
      %jit3A = arith.constant 5120 : i32
      %broadcast_in_dim3A = vector.broadcast %jit3A : i32 to vector<16xi32>
      %select_n3A = arith.select %and3A, %sub3A_265, %broadcast_in_dim3A : vector<16xi1>, vector<16xi32>
      %swap3A = arith.constant 0 : index
      %swap3A_270 = tpu.vector_load %arg9[%swap3A] {strides = array<i32>} : memref<40xi32, #tpu.memory_space<vmem>>, vector<16xi32>,
      tpu.vector_store %arg9[%swap3A], %select_n3A {strides = array<i32>} : memref<40xi32, #tpu.memory_space<vmem>>, vector<16xi32>,
      %get3A_271 = arith.constant 16 : index
      %get3A_272 = tpu.vector_load %arg8[%get3A_271] {strides = array<i32>} : memref<40xi32, #tpu.memory_space<vmem>>, vector<16xi32>,
      %sub3A_273 = vector.broadcast %mul3A_78 : i32 to vector<16xi32>
      %sub3A_274 = arith.subi %get3A_272, %sub3A_273 : vector<16xi32>
      %ge3A_275 = arith.constant 0 : i32
      %ge3A_276 = vector.broadcast %ge3A_275 : i32 to vector<16xi32>
      %ge3A_277 = arith.cmpi sge, %sub3A_274, %ge3A_276 : vector<16xi32>
      %lt3A_278 = arith.constant 5120 : i32
      %lt3A_279 = vector.broadcast %lt3A_278 : i32 to vector<16xi32>
      %lt3A_280 = arith.cmpi slt, %sub3A_274, %lt3A_279 : vector<16xi32>
      %and3A_281 = arith.andi %ge3A_277, %lt3A_280 : vector<16xi1>
      %jit3A_282 = arith.constant 5120 : i32
      %broadcast_in_dim3A_283 = vector.broadcast %jit3A_282 : i32 to vector<16xi32>
      %select_n3A_284 = arith.select %and3A_281, %sub3A_274, %broadcast_in_dim3A_283 : vector<16xi1>, vector<16xi32>
      %swap3A_285 = arith.constant 16 : index
      %swap3A_286 = tpu.vector_load %arg9[%swap3A_285] {strides = array<i32>} : memref<40xi32, #tpu.memory_space<vmem>>, vector<16xi32>,
      tpu.vector_store %arg9[%swap3A_285], %select_n3A_284 {strides = array<i32>} : memref<40xi32, #tpu.memory_space<vmem>>, vector<16xi32>,
      %get3A_287 = arith.constant 24 : index
      %get3A_288 = tpu.vector_load %arg8[%get3A_287] {strides = array<i32>} : memref<40xi32, #tpu.memory_space<vmem>>, vector<16xi32>,
      %sub3A_289 = vector.broadcast %mul3A_78 : i32 to vector<16xi32>
      %sub3A_290 = arith.subi %get3A_288, %sub3A_289 : vector<16xi32>
      %ge3A_291 = arith.constant 0 : i32
      %ge3A_292 = vector.broadcast %ge3A_291 : i32 to vector<16xi32>
      %ge3A_293 = arith.cmpi sge, %sub3A_290, %ge3A_292 : vector<16xi32>
      %lt3A_294 = arith.constant 5120 : i32
      %lt3A_295 = vector.broadcast %lt3A_294 : i32 to vector<16xi32>
      %lt3A_296 = arith.cmpi slt, %sub3A_290, %lt3A_295 : vector<16xi32>
      %and3A_297 = arith.andi %ge3A_293, %lt3A_296 : vector<16xi1>
      %jit3A_298 = arith.constant 5120 : i32
      %broadcast_in_dim3A_299 = vector.broadcast %jit3A_298 : i32 to vector<16xi32>
      %select_n3A_300 = arith.select %and3A_297, %sub3A_290, %broadcast_in_dim3A_299 : vector<16xi1>, vector<16xi32>
      %swap3A_301 = arith.constant 24 : index
      %swap3A_302 = tpu.vector_load %arg9[%swap3A_301] {strides = array<i32>} : memref<40xi32, #tpu.memory_space<vmem>>, vector<16xi32>,
      tpu.vector_store %arg9[%swap3A_301], %select_n3A_300 {strides = array<i32>} : memref<40xi32, #tpu.memory_space<vmem>>, vector<16xi32>,
      %scan3A_303 = arith.constant 0 : i32
      %scan3A_304 = arith.constant 0 : i32
      %scan3A_305 = arith.constant 40 : i32
      %scan3A_306 = arith.addi %scan3A_304, %scan3A_305 : i32
      %scan3A_307 = arith.constant 1 : i32
      scf.for %scan3A_391 = %scan3A_304 to %scan3A_306 step %scan3A_307  : i32 {
        %broadcast_in_dim3A_392 = arith.constant 0.000000e+00 : f32
        %broadcast_in_dim3A_393 = vector.broadcast %broadcast_in_dim3A_392 : f32 to vector<16xf32>
        %get3A_394 = arith.index_cast %scan3A_391 : i32 to index
        %get3A_395 = arith.constant 0 : index
        %get3A_396 = tpu.vector_load %arg10[%get3A_394, %get3A_395] {strides = array<i32>} : memref<40x128xf32, #tpu.memory_space<vmem>>, vector<16xf32>,
        %get3A_397 = arith.index_cast %scan3A_391 : i32 to index
        %get3A_398 = arith.constant 0 : index
        %get3A_399 = tpu.vector_load %arg11[%get3A_397, %get3A_398] {strides = array<i32>} : memref<40x128xf32, #tpu.memory_space<vmem>>, vector<16xf32>,
        %mul3A_400 = arith.mulf %get3A_396, %get3A_399 : vector<16xf32>
        %mul3A_401 = arith.mulf %mul3A_400, %get3A_79 : vector<16xf32>
        %add3A_402 = arith.addf %broadcast_in_dim3A_393, %mul3A_401 : vector<16xf32>
        %get3A_403 = arith.index_cast %scan3A_391 : i32 to index
        %get3A_404 = arith.constant 16 : index
        %get3A_405 = tpu.vector_load %arg10[%get3A_403, %get3A_404] {strides = array<i32>} : memref<40x128xf32, #tpu.memory_space<vmem>>, vector<16xf32>,
        %get3A_406 = arith.index_cast %scan3A_391 : i32 to index
        %get3A_407 = arith.constant 16 : index
        %get3A_408 = tpu.vector_load %arg11[%get3A_406, %get3A_407] {strides = array<i32>} : memref<40x128xf32, #tpu.memory_space<vmem>>, vector<16xf32>,
        %mul3A_409 = arith.mulf %get3A_405, %get3A_408 : vector<16xf32>
        %mul3A_410 = arith.mulf %mul3A_409, %get3A_81 : vector<16xf32>
        %add3A_411 = arith.addf %add3A_402, %mul3A_410 : vector<16xf32>
        %get3A_412 = arith.index_cast %scan3A_391 : i32 to index
        %get3A_413 = arith.constant 32 : index
        %get3A_414 = tpu.vector_load %arg10[%get3A_412, %get3A_413] {strides = array<i32>} : memref<40x128xf32, #tpu.memory_space<vmem>>, vector<16xf32>,
        %get3A_415 = arith.index_cast %scan3A_391 : i32 to index
        %get3A_416 = arith.constant 32 : index
        %get3A_417 = tpu.vector_load %arg11[%get3A_415, %get3A_416] {strides = array<i32>} : memref<40x128xf32, #tpu.memory_space<vmem>>, vector<16xf32>,
        %mul3A_418 = arith.mulf %get3A_414, %get3A_417 : vector<16xf32>
        %mul3A_419 = arith.mulf %mul3A_418, %get3A_83 : vector<16xf32>
        %add3A_420 = arith.addf %add3A_411, %mul3A_419 : vector<16xf32>
        %get3A_421 = arith.index_cast %scan3A_391 : i32 to index
        %get3A_422 = arith.constant 48 : index
        %get3A_423 = tpu.vector_load %arg10[%get3A_421, %get3A_422] {strides = array<i32>} : memref<40x128xf32, #tpu.memory_space<vmem>>, vector<16xf32>,
        %get3A_424 = arith.index_cast %scan3A_391 : i32 to index
        %get3A_425 = arith.constant 48 : index
        %get3A_426 = tpu.vector_load %arg11[%get3A_424, %get3A_425] {strides = array<i32>} : memref<40x128xf32, #tpu.memory_space<vmem>>, vector<16xf32>,
        %mul3A_427 = arith.mulf %get3A_423, %get3A_426 : vector<16xf32>
        %mul3A_428 = arith.mulf %mul3A_427, %get3A_85 : vector<16xf32>
        %add3A_429 = arith.addf %add3A_420, %mul3A_428 : vector<16xf32>
        %get3A_430 = arith.index_cast %scan3A_391 : i32 to index
        %get3A_431 = arith.constant 64 : index
        %get3A_432 = tpu.vector_load %arg10[%get3A_430, %get3A_431] {strides = array<i32>} : memref<40x128xf32, #tpu.memory_space<vmem>>, vector<16xf32>,
        %get3A_433 = arith.index_cast %scan3A_391 : i32 to index
        %get3A_434 = arith.constant 64 : index
        %get3A_435 = tpu.vector_load %arg11[%get3A_433, %get3A_434] {strides = array<i32>} : memref<40x128xf32, #tpu.memory_space<vmem>>, vector<16xf32>,
        %mul3A_436 = arith.mulf %get3A_432, %get3A_435 : vector<16xf32>
        %mul3A_437 = arith.mulf %mul3A_436, %get3A_87 : vector<16xf32>
        %add3A_438 = arith.addf %add3A_429, %mul3A_437 : vector<16xf32>
        %get3A_439 = arith.index_cast %scan3A_391 : i32 to index
        %get3A_440 = arith.constant 80 : index
        %get3A_441 = tpu.vector_load %arg10[%get3A_439, %get3A_440] {strides = array<i32>} : memref<40x128xf32, #tpu.memory_space<vmem>>, vector<16xf32>,
        %get3A_442 = arith.index_cast %scan3A_391 : i32 to index
        %get3A_443 = arith.constant 80 : index
        %get3A_444 = tpu.vector_load %arg11[%get3A_442, %get3A_443] {strides = array<i32>} : memref<40x128xf32, #tpu.memory_space<vmem>>, vector<16xf32>,
        %mul3A_445 = arith.mulf %get3A_441, %get3A_444 : vector<16xf32>
        %mul3A_446 = arith.mulf %mul3A_445, %get3A_89 : vector<16xf32>
        %add3A_447 = arith.addf %add3A_438, %mul3A_446 : vector<16xf32>
        %get3A_448 = arith.index_cast %scan3A_391 : i32 to index
        %get3A_449 = arith.constant 96 : index
        %get3A_450 = tpu.vector_load %arg10[%get3A_448, %get3A_449] {strides = array<i32>} : memref<40x128xf32, #tpu.memory_space<vmem>>, vector<16xf32>,
        %get3A_451 = arith.index_cast %scan3A_391 : i32 to index
        %get3A_452 = arith.constant 96 : index
        %get3A_453 = tpu.vector_load %arg11[%get3A_451, %get3A_452] {strides = array<i32>} : memref<40x128xf32, #tpu.memory_space<vmem>>, vector<16xf32>,
        %mul3A_454 = arith.mulf %get3A_450, %get3A_453 : vector<16xf32>
        %mul3A_455 = arith.mulf %mul3A_454, %get3A_91 : vector<16xf32>
        %add3A_456 = arith.addf %add3A_447, %mul3A_455 : vector<16xf32>
        %get3A_457 = arith.index_cast %scan3A_391 : i32 to index
        %get3A_458 = arith.constant 112 : index
        %get3A_459 = tpu.vector_load %arg10[%get3A_457, %get3A_458] {strides = array<i32>} : memref<40x128xf32, #tpu.memory_space<vmem>>, vector<16xf32>,
        %get3A_460 = arith.index_cast %scan3A_391 : i32 to index
        %get3A_461 = arith.constant 112 : index
        %get3A_462 = tpu.vector_load %arg11[%get3A_460, %get3A_461] {strides = array<i32>} : memref<40x128xf32, #tpu.memory_space<vmem>>, vector<16xf32>,
        %mul3A_463 = arith.mulf %get3A_459, %get3A_462 : vector<16xf32>
        %mul3A_464 = arith.mulf %mul3A_463, %get3A_93 : vector<16xf32>
        %add3A_465 = arith.addf %add3A_456, %mul3A_464 : vector<16xf32>
        %reduce_sum3A = arith.constant true
        %reduce_sum3A_466 = vector.broadcast %reduce_sum3A : i1 to vector<16xi1>
        %reduce_sum3A_467 = tpu.scan <sum>, %add3A_465 masked %reduce_sum3A_466 : vector<16xf32>, vector<16xi1> -> vector<16xf32>
        %reduce_sum3A_468 = vector.extract %reduce_sum3A_467[15] : f32 from vector<16xf32>
        %broadcast_in_dim3A_469 = vector.broadcast %reduce_sum3A_468 : f32 to vector<16xf32>
        %gt3A_470 = arith.constant 0.000000e+00 : f32
        %gt3A_471 = vector.broadcast %gt3A_470 : f32 to vector<16xf32>
        %gt3A_472 = arith.cmpf ogt, %broadcast_in_dim3A_469, %gt3A_471 : vector<16xf32>
        %mul3A_473 = arith.constant 2.000000e-01 : f32
        %mul3A_474 = vector.broadcast %mul3A_473 : f32 to vector<16xf32>
        %mul3A_475 = arith.mulf %mul3A_474, %broadcast_in_dim3A_469 : vector<16xf32>
        %select_n3A_476 = arith.select %gt3A_472, %broadcast_in_dim3A_469, %mul3A_475 : vector<16xi1>, vector<16xf32>
        %exp3A = math.exp %select_n3A_476 : vector<16xf32>
        %swap3A_477 = arith.index_cast %scan3A_391 : i32 to index
        %swap3A_478 = arith.constant 0 : index
        %swap3A_479 = tpu.vector_load %arg13[%swap3A_477, %swap3A_478] {strides = array<i32>} : memref<40x128xf32, #tpu.memory_space<vmem>>, vector<16xf32>,
        tpu.vector_store %arg13[%swap3A_477, %swap3A_478], %exp3A {strides = array<i32>} : memref<40x128xf32, #tpu.memory_space<vmem>>, vector<16xf32>,
        %mul3A_480 = arith.mulf %get3A_396, %exp3A : vector<16xf32>
        %swap3A_481 = arith.index_cast %scan3A_391 : i32 to index
        %swap3A_482 = arith.constant 0 : index
        %swap3A_483 = tpu.vector_load %arg12[%swap3A_481, %swap3A_482] {strides = array<i32>} : memref<40x128xf32, #tpu.memory_space<vmem>>, vector<16xf32>,
        tpu.vector_store %arg12[%swap3A_481, %swap3A_482], %mul3A_480 {strides = array<i32>} : memref<40x128xf32, #tpu.memory_space<vmem>>, vector<16xf32>,
        %swap3A_484 = arith.index_cast %scan3A_391 : i32 to index
        %swap3A_485 = arith.constant 16 : index
        %swap3A_486 = tpu.vector_load %arg13[%swap3A_484, %swap3A_485] {strides = array<i32>} : memref<40x128xf32, #tpu.memory_space<vmem>>, vector<16xf32>,
        tpu.vector_store %arg13[%swap3A_484, %swap3A_485], %exp3A {strides = array<i32>} : memref<40x128xf32, #tpu.memory_space<vmem>>, vector<16xf32>,
        %mul3A_487 = arith.mulf %get3A_405, %exp3A : vector<16xf32>
        %swap3A_488 = arith.index_cast %scan3A_391 : i32 to index
        %swap3A_489 = arith.constant 16 : index
        %swap3A_490 = tpu.vector_load %arg12[%swap3A_488, %swap3A_489] {strides = array<i32>} : memref<40x128xf32, #tpu.memory_space<vmem>>, vector<16xf32>,
        tpu.vector_store %arg12[%swap3A_488, %swap3A_489], %mul3A_487 {strides = array<i32>} : memref<40x128xf32, #tpu.memory_space<vmem>>, vector<16xf32>,
        %swap3A_491 = arith.index_cast %scan3A_391 : i32 to index
        %swap3A_492 = arith.constant 32 : index
        %swap3A_493 = tpu.vector_load %arg13[%swap3A_491, %swap3A_492] {strides = array<i32>} : memref<40x128xf32, #tpu.memory_space<vmem>>, vector<16xf32>,
        tpu.vector_store %arg13[%swap3A_491, %swap3A_492], %exp3A {strides = array<i32>} : memref<40x128xf32, #tpu.memory_space<vmem>>, vector<16xf32>,
        %mul3A_494 = arith.mulf %get3A_414, %exp3A : vector<16xf32>
        %swap3A_495 = arith.index_cast %scan3A_391 : i32 to index
        %swap3A_496 = arith.constant 32 : index
        %swap3A_497 = tpu.vector_load %arg12[%swap3A_495, %swap3A_496] {strides = array<i32>} : memref<40x128xf32, #tpu.memory_space<vmem>>, vector<16xf32>,
        tpu.vector_store %arg12[%swap3A_495, %swap3A_496], %mul3A_494 {strides = array<i32>} : memref<40x128xf32, #tpu.memory_space<vmem>>, vector<16xf32>,
        %swap3A_498 = arith.index_cast %scan3A_391 : i32 to index
        %swap3A_499 = arith.constant 48 : index
        %swap3A_500 = tpu.vector_load %arg13[%swap3A_498, %swap3A_499] {strides = array<i32>} : memref<40x128xf32, #tpu.memory_space<vmem>>, vector<16xf32>,
        tpu.vector_store %arg13[%swap3A_498, %swap3A_499], %exp3A {strides = array<i32>} : memref<40x128xf32, #tpu.memory_space<vmem>>, vector<16xf32>,
        %mul3A_501 = arith.mulf %get3A_423, %exp3A : vector<16xf32>
        %swap3A_502 = arith.index_cast %scan3A_391 : i32 to index
        %swap3A_503 = arith.constant 48 : index
        %swap3A_504 = tpu.vector_load %arg12[%swap3A_502, %swap3A_503] {strides = array<i32>} : memref<40x128xf32, #tpu.memory_space<vmem>>, vector<16xf32>,
        tpu.vector_store %arg12[%swap3A_502, %swap3A_503], %mul3A_501 {strides = array<i32>} : memref<40x128xf32, #tpu.memory_space<vmem>>, vector<16xf32>,
        %swap3A_505 = arith.index_cast %scan3A_391 : i32 to index
        %swap3A_506 = arith.constant 64 : index
        %swap3A_507 = tpu.vector_load %arg13[%swap3A_505, %swap3A_506] {strides = array<i32>} : memref<40x128xf32, #tpu.memory_space<vmem>>, vector<16xf32>,
        tpu.vector_store %arg13[%swap3A_505, %swap3A_506], %exp3A {strides = array<i32>} : memref<40x128xf32, #tpu.memory_space<vmem>>, vector<16xf32>,
        %mul3A_508 = arith.mulf %get3A_432, %exp3A : vector<16xf32>
        %swap3A_509 = arith.index_cast %scan3A_391 : i32 to index
        %swap3A_510 = arith.constant 64 : index
        %swap3A_511 = tpu.vector_load %arg12[%swap3A_509, %swap3A_510] {strides = array<i32>} : memref<40x128xf32, #tpu.memory_space<vmem>>, vector<16xf32>,
        tpu.vector_store %arg12[%swap3A_509, %swap3A_510], %mul3A_508 {strides = array<i32>} : memref<40x128xf32, #tpu.memory_space<vmem>>, vector<16xf32>,
        %swap3A_512 = arith.index_cast %scan3A_391 : i32 to index
        %swap3A_513 = arith.constant 80 : index
        %swap3A_514 = tpu.vector_load %arg13[%swap3A_512, %swap3A_513] {strides = array<i32>} : memref<40x128xf32, #tpu.memory_space<vmem>>, vector<16xf32>,
        tpu.vector_store %arg13[%swap3A_512, %swap3A_513], %exp3A {strides = array<i32>} : memref<40x128xf32, #tpu.memory_space<vmem>>, vector<16xf32>,
        %mul3A_515 = arith.mulf %get3A_441, %exp3A : vector<16xf32>
        %swap3A_516 = arith.index_cast %scan3A_391 : i32 to index
        %swap3A_517 = arith.constant 80 : index
        %swap3A_518 = tpu.vector_load %arg12[%swap3A_516, %swap3A_517] {strides = array<i32>} : memref<40x128xf32, #tpu.memory_space<vmem>>, vector<16xf32>,
        tpu.vector_store %arg12[%swap3A_516, %swap3A_517], %mul3A_515 {strides = array<i32>} : memref<40x128xf32, #tpu.memory_space<vmem>>, vector<16xf32>,
        %swap3A_519 = arith.index_cast %scan3A_391 : i32 to index
        %swap3A_520 = arith.constant 96 : index
        %swap3A_521 = tpu.vector_load %arg13[%swap3A_519, %swap3A_520] {strides = array<i32>} : memref<40x128xf32, #tpu.memory_space<vmem>>, vector<16xf32>,
        tpu.vector_store %arg13[%swap3A_519, %swap3A_520], %exp3A {strides = array<i32>} : memref<40x128xf32, #tpu.memory_space<vmem>>, vector<16xf32>,
        %mul3A_522 = arith.mulf %get3A_450, %exp3A : vector<16xf32>
        %swap3A_523 = arith.index_cast %scan3A_391 : i32 to index
        %swap3A_524 = arith.constant 96 : index
        %swap3A_525 = tpu.vector_load %arg12[%swap3A_523, %swap3A_524] {strides = array<i32>} : memref<40x128xf32, #tpu.memory_space<vmem>>, vector<16xf32>,
        tpu.vector_store %arg12[%swap3A_523, %swap3A_524], %mul3A_522 {strides = array<i32>} : memref<40x128xf32, #tpu.memory_space<vmem>>, vector<16xf32>,
        %swap3A_526 = arith.index_cast %scan3A_391 : i32 to index
        %swap3A_527 = arith.constant 112 : index
        %swap3A_528 = tpu.vector_load %arg13[%swap3A_526, %swap3A_527] {strides = array<i32>} : memref<40x128xf32, #tpu.memory_space<vmem>>, vector<16xf32>,
        tpu.vector_store %arg13[%swap3A_526, %swap3A_527], %exp3A {strides = array<i32>} : memref<40x128xf32, #tpu.memory_space<vmem>>, vector<16xf32>,
        %mul3A_529 = arith.mulf %get3A_459, %exp3A : vector<16xf32>
        %swap3A_530 = arith.index_cast %scan3A_391 : i32 to index
        %swap3A_531 = arith.constant 112 : index
        %swap3A_532 = tpu.vector_load %arg12[%swap3A_530, %swap3A_531] {strides = array<i32>} : memref<40x128xf32, #tpu.memory_space<vmem>>, vector<16xf32>,
        tpu.vector_store %arg12[%swap3A_530, %swap3A_531], %mul3A_529 {strides = array<i32>} : memref<40x128xf32, #tpu.memory_space<vmem>>, vector<16xf32>,
      }
      %scan3A_308 = arith.constant 40 : i32
      %dma_start3A_309 = arith.constant 0 : i32
      %dma_start3A_310 = arith.constant 0 : i32
      %dma_start3A_311 = tpu.memref_slice %arg22[%dma_start3A_309, %dma_start3A_310] : memref<5248x128xf32, #tpu.memory_space<vmem_shared>> -> memref<5248x128xf32, #tpu.memory_space<vmem_shared>>
      tpu.enqueue_indirect_dma source(%arg12 : memref<40x128xf32, #tpu.memory_space<vmem>>) target(%dma_start3A_311 : memref<5248x128xf32, #tpu.memory_space<vmem_shared>>) offsets(%arg9 : memref<40xi32, #tpu.memory_space<vmem>>) semaphore(%arg26 : memref<!tpu.dma_semaphore, #tpu.memory_space<semaphore_mem>>) {add = true}
      %dma_start3A_312 = arith.constant 0 : i32
      %dma_start3A_313 = arith.constant 0 : i32
      %dma_start3A_314 = tpu.memref_slice %arg23[%dma_start3A_312, %dma_start3A_313] : memref<5248x128xf32, #tpu.memory_space<vmem_shared>> -> memref<5248x128xf32, #tpu.memory_space<vmem_shared>>
      tpu.enqueue_indirect_dma source(%arg13 : memref<40x128xf32, #tpu.memory_space<vmem>>) target(%dma_start3A_314 : memref<5248x128xf32, #tpu.memory_space<vmem_shared>>) offsets(%arg9 : memref<40xi32, #tpu.memory_space<vmem>>) semaphore(%arg26 : memref<!tpu.dma_semaphore, #tpu.memory_space<semaphore_mem>>) {add = true}
      %lt3A_315 = arith.constant 249 : i32
      %lt3A_316 = arith.cmpi slt, %scan3A_241, %lt3A_315 : i32
      %convert_element_type3A_317 = arith.extui %lt3A_316 : i1 to i32
      %cond3A_318 = arith.constant 0 : i32
      %cond3A_319 = arith.cmpi ne, %convert_element_type3A_317, %cond3A_318 : i32
      scf.if %cond3A_319 {
        %add3A_391 = arith.constant 2 : i32
        %add3A_392 = arith.addi %mul3A_243, %add3A_391 : i32
        %mul3A_393 = arith.constant 40 : i32
        %mul3A_394 = arith.muli %add3A_392, %mul3A_393 : i32
        %add3A_395 = arith.addi %mul3A_76, %mul3A_394 : i32
        "tpu.region"() ({
          %run_scoped3A = tpu.sem_alloc : memref<!tpu.dma_semaphore, #tpu.memory_space<semaphore_mem>>
          %dma_start3A_402 = tpu.memref_slice %arg3[%add3A_395] : memref<320000xi32, #tpu.memory_space<hbm>> -> memref<40xi32, #tpu.memory_space<hbm>>
          %dma_start3A_403 = tpu.memref_slice %arg3[%add3A_395] : memref<320000xi32, #tpu.memory_space<hbm>> -> memref<40xi32, #tpu.memory_space<hbm>>
          tpu.enqueue_dma source(%dma_start3A_403 : memref<40xi32, #tpu.memory_space<hbm>>) target(%arg7 : memref<40xi32, #tpu.memory_space<vmem>>) target_semaphore(%run_scoped3A : memref<!tpu.dma_semaphore, #tpu.memory_space<semaphore_mem>>)
          %dma_wait3A_404 = tpu.memref_slice %arg3[%add3A_395] : memref<320000xi32, #tpu.memory_space<hbm>> -> memref<40xi32, #tpu.memory_space<hbm>>
          %dma_wait3A_405 = tpu.memref_slice %arg3[%add3A_395] : memref<320000xi32, #tpu.memory_space<hbm>> -> memref<40xi32, #tpu.memory_space<hbm>>
          tpu.wait_dma2 semaphore(%run_scoped3A : memref<!tpu.dma_semaphore, #tpu.memory_space<semaphore_mem>>) src(%dma_wait3A_405 : memref<40xi32, #tpu.memory_space<hbm>>) dst(%arg7 : memref<40xi32, #tpu.memory_space<vmem>>)
          tpu.yield
        }) : () -> ()
        "tpu.region"() ({
          %run_scoped3A = tpu.sem_alloc : memref<!tpu.dma_semaphore, #tpu.memory_space<semaphore_mem>>
          %dma_start3A_402 = tpu.memref_slice %arg4[%add3A_395] : memref<320000xi32, #tpu.memory_space<hbm>> -> memref<40xi32, #tpu.memory_space<hbm>>
          %dma_start3A_403 = tpu.memref_slice %arg4[%add3A_395] : memref<320000xi32, #tpu.memory_space<hbm>> -> memref<40xi32, #tpu.memory_space<hbm>>
          tpu.enqueue_dma source(%dma_start3A_403 : memref<40xi32, #tpu.memory_space<hbm>>) target(%arg8 : memref<40xi32, #tpu.memory_space<vmem>>) target_semaphore(%run_scoped3A : memref<!tpu.dma_semaphore, #tpu.memory_space<semaphore_mem>>)
          %dma_wait3A_404 = tpu.memref_slice %arg4[%add3A_395] : memref<320000xi32, #tpu.memory_space<hbm>> -> memref<40xi32, #tpu.memory_space<hbm>>
          %dma_wait3A_405 = tpu.memref_slice %arg4[%add3A_395] : memref<320000xi32, #tpu.memory_space<hbm>> -> memref<40xi32, #tpu.memory_space<hbm>>
          tpu.wait_dma2 semaphore(%run_scoped3A : memref<!tpu.dma_semaphore, #tpu.memory_space<semaphore_mem>>) src(%dma_wait3A_405 : memref<40xi32, #tpu.memory_space<hbm>>) dst(%arg8 : memref<40xi32, #tpu.memory_space<vmem>>)
          tpu.yield
        }) : () -> ()
        %dma_start3A_396 = arith.constant 0 : i32
        %dma_start3A_397 = arith.constant 0 : i32
        %dma_start3A_398 = tpu.memref_slice %arg2[%dma_start3A_396, %dma_start3A_397] : memref<10240x128xf32, #tpu.memory_space<hbm>> -> memref<10240x128xf32, #tpu.memory_space<hbm>>
        tpu.enqueue_indirect_dma source(%dma_start3A_398 : memref<10240x128xf32, #tpu.memory_space<hbm>>) target(%arg10 : memref<40x128xf32, #tpu.memory_space<vmem>>) offsets(%arg7 : memref<40xi32, #tpu.memory_space<vmem>>) semaphore(%arg24 : memref<!tpu.dma_semaphore, #tpu.memory_space<semaphore_mem>>)
        %dma_start3A_399 = arith.constant 0 : i32
        %dma_start3A_400 = arith.constant 0 : i32
        %dma_start3A_401 = tpu.memref_slice %arg2[%dma_start3A_399, %dma_start3A_400] : memref<10240x128xf32, #tpu.memory_space<hbm>> -> memref<10240x128xf32, #tpu.memory_space<hbm>>
        tpu.enqueue_indirect_dma source(%dma_start3A_401 : memref<10240x128xf32, #tpu.memory_space<hbm>>) target(%arg11 : memref<40x128xf32, #tpu.memory_space<vmem>>) offsets(%arg8 : memref<40xi32, #tpu.memory_space<vmem>>) semaphore(%arg25 : memref<!tpu.dma_semaphore, #tpu.memory_space<semaphore_mem>>)
      } else {
      }
      %dma_wait3A_320 = arith.constant 0 : i32
      %dma_wait3A_321 = arith.constant 0 : i32
      %dma_wait3A_322 = tpu.memref_slice %arg2[%dma_wait3A_320, %dma_wait3A_321] : memref<10240x128xf32, #tpu.memory_space<hbm>> -> memref<10240x128xf32, #tpu.memory_space<hbm>>
      tpu.wait_indirect_dma semaphore(%arg27 : memref<!tpu.dma_semaphore, #tpu.memory_space<semaphore_mem>>) src(%dma_wait3A_322 : memref<10240x128xf32, #tpu.memory_space<hbm>>) dst(%arg17 : memref<40x128xf32, #tpu.memory_space<vmem>>)
      %dma_wait3A_323 = arith.constant 0 : i32
      %dma_wait3A_324 = arith.constant 0 : i32
      %dma_wait3A_325 = tpu.memref_slice %arg2[%dma_wait3A_323, %dma_wait3A_324] : memref<10240x128xf32, #tpu.memory_space<hbm>> -> memref<10240x128xf32, #tpu.memory_space<hbm>>
      tpu.wait_indirect_dma semaphore(%arg28 : memref<!tpu.dma_semaphore, #tpu.memory_space<semaphore_mem>>) src(%dma_wait3A_325 : memref<10240x128xf32, #tpu.memory_space<hbm>>) dst(%arg18 : memref<40x128xf32, #tpu.memory_space<vmem>>)
      %gt3A_326 = arith.constant 0 : i32
      %gt3A_327 = arith.cmpi sgt, %scan3A_241, %gt3A_326 : i32
      %convert_element_type3A_328 = arith.extui %gt3A_327 : i1 to i32
      %cond3A_329 = arith.constant 0 : i32
      %cond3A_330 = arith.cmpi ne, %convert_element_type3A_328, %cond3A_329 : i32
      scf.if %cond3A_330 {
        %dma_wait3A_391 = arith.constant 0 : i32
        %dma_wait3A_392 = arith.constant 0 : i32
        %dma_wait3A_393 = tpu.memref_slice %arg22[%dma_wait3A_391, %dma_wait3A_392] : memref<5248x128xf32, #tpu.memory_space<vmem_shared>> -> memref<5248x128xf32, #tpu.memory_space<vmem_shared>>
        tpu.wait_indirect_dma semaphore(%arg29 : memref<!tpu.dma_semaphore, #tpu.memory_space<semaphore_mem>>) src(%arg19 : memref<40x128xf32, #tpu.memory_space<vmem>>) dst(%dma_wait3A_393 : memref<5248x128xf32, #tpu.memory_space<vmem_shared>>)
        %dma_wait3A_394 = arith.constant 0 : i32
        %dma_wait3A_395 = arith.constant 0 : i32
        %dma_wait3A_396 = tpu.memref_slice %arg23[%dma_wait3A_394, %dma_wait3A_395] : memref<5248x128xf32, #tpu.memory_space<vmem_shared>> -> memref<5248x128xf32, #tpu.memory_space<vmem_shared>>
        tpu.wait_indirect_dma semaphore(%arg29 : memref<!tpu.dma_semaphore, #tpu.memory_space<semaphore_mem>>) src(%arg20 : memref<40x128xf32, #tpu.memory_space<vmem>>) dst(%dma_wait3A_396 : memref<5248x128xf32, #tpu.memory_space<vmem_shared>>)
      } else {
      }
      %get3A_331 = arith.constant 0 : index
      %get3A_332 = tpu.vector_load %arg15[%get3A_331] {strides = array<i32>} : memref<40xi32, #tpu.memory_space<vmem>>, vector<16xi32>,
      %sub3A_333 = vector.broadcast %mul3A_78 : i32 to vector<16xi32>
      %sub3A_334 = arith.subi %get3A_332, %sub3A_333 : vector<16xi32>
      %ge3A_335 = arith.constant 0 : i32
      %ge3A_336 = vector.broadcast %ge3A_335 : i32 to vector<16xi32>
      %ge3A_337 = arith.cmpi sge, %sub3A_334, %ge3A_336 : vector<16xi32>
      %lt3A_338 = arith.constant 5120 : i32
      %lt3A_339 = vector.broadcast %lt3A_338 : i32 to vector<16xi32>
      %lt3A_340 = arith.cmpi slt, %sub3A_334, %lt3A_339 : vector<16xi32>
      %and3A_341 = arith.andi %ge3A_337, %lt3A_340 : vector<16xi1>
      %jit3A_342 = arith.constant 5120 : i32
      %broadcast_in_dim3A_343 = vector.broadcast %jit3A_342 : i32 to vector<16xi32>
      %select_n3A_344 = arith.select %and3A_341, %sub3A_334, %broadcast_in_dim3A_343 : vector<16xi1>, vector<16xi32>
      %swap3A_345 = arith.constant 0 : index
      %swap3A_346 = tpu.vector_load %arg16[%swap3A_345] {strides = array<i32>} : memref<40xi32, #tpu.memory_space<vmem>>, vector<16xi32>,
      tpu.vector_store %arg16[%swap3A_345], %select_n3A_344 {strides = array<i32>} : memref<40xi32, #tpu.memory_space<vmem>>, vector<16xi32>,
      %get3A_347 = arith.constant 16 : index
      %get3A_348 = tpu.vector_load %arg15[%get3A_347] {strides = array<i32>} : memref<40xi32, #tpu.memory_space<vmem>>, vector<16xi32>,
      %sub3A_349 = vector.broadcast %mul3A_78 : i32 to vector<16xi32>
      %sub3A_350 = arith.subi %get3A_348, %sub3A_349 : vector<16xi32>
      %ge3A_351 = arith.constant 0 : i32
      %ge3A_352 = vector.broadcast %ge3A_351 : i32 to vector<16xi32>
      %ge3A_353 = arith.cmpi sge, %sub3A_350, %ge3A_352 : vector<16xi32>
      %lt3A_354 = arith.constant 5120 : i32
      %lt3A_355 = vector.broadcast %lt3A_354 : i32 to vector<16xi32>
      %lt3A_356 = arith.cmpi slt, %sub3A_350, %lt3A_355 : vector<16xi32>
      %and3A_357 = arith.andi %ge3A_353, %lt3A_356 : vector<16xi1>
      %jit3A_358 = arith.constant 5120 : i32
      %broadcast_in_dim3A_359 = vector.broadcast %jit3A_358 : i32 to vector<16xi32>
      %select_n3A_360 = arith.select %and3A_357, %sub3A_350, %broadcast_in_dim3A_359 : vector<16xi1>, vector<16xi32>
      %swap3A_361 = arith.constant 16 : index
      %swap3A_362 = tpu.vector_load %arg16[%swap3A_361] {strides = array<i32>} : memref<40xi32, #tpu.memory_space<vmem>>, vector<16xi32>,
      tpu.vector_store %arg16[%swap3A_361], %select_n3A_360 {strides = array<i32>} : memref<40xi32, #tpu.memory_space<vmem>>, vector<16xi32>,
      %get3A_363 = arith.constant 24 : index
      %get3A_364 = tpu.vector_load %arg15[%get3A_363] {strides = array<i32>} : memref<40xi32, #tpu.memory_space<vmem>>, vector<16xi32>,
      %sub3A_365 = vector.broadcast %mul3A_78 : i32 to vector<16xi32>
      %sub3A_366 = arith.subi %get3A_364, %sub3A_365 : vector<16xi32>
      %ge3A_367 = arith.constant 0 : i32
      %ge3A_368 = vector.broadcast %ge3A_367 : i32 to vector<16xi32>
      %ge3A_369 = arith.cmpi sge, %sub3A_366, %ge3A_368 : vector<16xi32>
      %lt3A_370 = arith.constant 5120 : i32
      %lt3A_371 = vector.broadcast %lt3A_370 : i32 to vector<16xi32>
      %lt3A_372 = arith.cmpi slt, %sub3A_366, %lt3A_371 : vector<16xi32>
      %and3A_373 = arith.andi %ge3A_369, %lt3A_372 : vector<16xi1>
      %jit3A_374 = arith.constant 5120 : i32
      %broadcast_in_dim3A_375 = vector.broadcast %jit3A_374 : i32 to vector<16xi32>
      %select_n3A_376 = arith.select %and3A_373, %sub3A_366, %broadcast_in_dim3A_375 : vector<16xi1>, vector<16xi32>
      %swap3A_377 = arith.constant 24 : index
      %swap3A_378 = tpu.vector_load %arg16[%swap3A_377] {strides = array<i32>} : memref<40xi32, #tpu.memory_space<vmem>>, vector<16xi32>,
      tpu.vector_store %arg16[%swap3A_377], %select_n3A_376 {strides = array<i32>} : memref<40xi32, #tpu.memory_space<vmem>>, vector<16xi32>,
      %scan3A_379 = arith.constant 0 : i32
      %scan3A_380 = arith.constant 0 : i32
      %scan3A_381 = arith.constant 40 : i32
      %scan3A_382 = arith.addi %scan3A_380, %scan3A_381 : i32
      %scan3A_383 = arith.constant 1 : i32
      scf.for %scan3A_391 = %scan3A_380 to %scan3A_382 step %scan3A_383  : i32 {
        %broadcast_in_dim3A_392 = arith.constant 0.000000e+00 : f32
        %broadcast_in_dim3A_393 = vector.broadcast %broadcast_in_dim3A_392 : f32 to vector<16xf32>
        %get3A_394 = arith.index_cast %scan3A_391 : i32 to index
        %get3A_395 = arith.constant 0 : index
        %get3A_396 = tpu.vector_load %arg17[%get3A_394, %get3A_395] {strides = array<i32>} : memref<40x128xf32, #tpu.memory_space<vmem>>, vector<16xf32>,
        %get3A_397 = arith.index_cast %scan3A_391 : i32 to index
        %get3A_398 = arith.constant 0 : index
        %get3A_399 = tpu.vector_load %arg18[%get3A_397, %get3A_398] {strides = array<i32>} : memref<40x128xf32, #tpu.memory_space<vmem>>, vector<16xf32>,
        %mul3A_400 = arith.mulf %get3A_396, %get3A_399 : vector<16xf32>
        %mul3A_401 = arith.mulf %mul3A_400, %get3A_79 : vector<16xf32>
        %add3A_402 = arith.addf %broadcast_in_dim3A_393, %mul3A_401 : vector<16xf32>
        %get3A_403 = arith.index_cast %scan3A_391 : i32 to index
        %get3A_404 = arith.constant 16 : index
        %get3A_405 = tpu.vector_load %arg17[%get3A_403, %get3A_404] {strides = array<i32>} : memref<40x128xf32, #tpu.memory_space<vmem>>, vector<16xf32>,
        %get3A_406 = arith.index_cast %scan3A_391 : i32 to index
        %get3A_407 = arith.constant 16 : index
        %get3A_408 = tpu.vector_load %arg18[%get3A_406, %get3A_407] {strides = array<i32>} : memref<40x128xf32, #tpu.memory_space<vmem>>, vector<16xf32>,
        %mul3A_409 = arith.mulf %get3A_405, %get3A_408 : vector<16xf32>
        %mul3A_410 = arith.mulf %mul3A_409, %get3A_81 : vector<16xf32>
        %add3A_411 = arith.addf %add3A_402, %mul3A_410 : vector<16xf32>
        %get3A_412 = arith.index_cast %scan3A_391 : i32 to index
        %get3A_413 = arith.constant 32 : index
        %get3A_414 = tpu.vector_load %arg17[%get3A_412, %get3A_413] {strides = array<i32>} : memref<40x128xf32, #tpu.memory_space<vmem>>, vector<16xf32>,
        %get3A_415 = arith.index_cast %scan3A_391 : i32 to index
        %get3A_416 = arith.constant 32 : index
        %get3A_417 = tpu.vector_load %arg18[%get3A_415, %get3A_416] {strides = array<i32>} : memref<40x128xf32, #tpu.memory_space<vmem>>, vector<16xf32>,
        %mul3A_418 = arith.mulf %get3A_414, %get3A_417 : vector<16xf32>
        %mul3A_419 = arith.mulf %mul3A_418, %get3A_83 : vector<16xf32>
        %add3A_420 = arith.addf %add3A_411, %mul3A_419 : vector<16xf32>
        %get3A_421 = arith.index_cast %scan3A_391 : i32 to index
        %get3A_422 = arith.constant 48 : index
        %get3A_423 = tpu.vector_load %arg17[%get3A_421, %get3A_422] {strides = array<i32>} : memref<40x128xf32, #tpu.memory_space<vmem>>, vector<16xf32>,
        %get3A_424 = arith.index_cast %scan3A_391 : i32 to index
        %get3A_425 = arith.constant 48 : index
        %get3A_426 = tpu.vector_load %arg18[%get3A_424, %get3A_425] {strides = array<i32>} : memref<40x128xf32, #tpu.memory_space<vmem>>, vector<16xf32>,
        %mul3A_427 = arith.mulf %get3A_423, %get3A_426 : vector<16xf32>
        %mul3A_428 = arith.mulf %mul3A_427, %get3A_85 : vector<16xf32>
        %add3A_429 = arith.addf %add3A_420, %mul3A_428 : vector<16xf32>
        %get3A_430 = arith.index_cast %scan3A_391 : i32 to index
        %get3A_431 = arith.constant 64 : index
        %get3A_432 = tpu.vector_load %arg17[%get3A_430, %get3A_431] {strides = array<i32>} : memref<40x128xf32, #tpu.memory_space<vmem>>, vector<16xf32>,
        %get3A_433 = arith.index_cast %scan3A_391 : i32 to index
        %get3A_434 = arith.constant 64 : index
        %get3A_435 = tpu.vector_load %arg18[%get3A_433, %get3A_434] {strides = array<i32>} : memref<40x128xf32, #tpu.memory_space<vmem>>, vector<16xf32>,
        %mul3A_436 = arith.mulf %get3A_432, %get3A_435 : vector<16xf32>
        %mul3A_437 = arith.mulf %mul3A_436, %get3A_87 : vector<16xf32>
        %add3A_438 = arith.addf %add3A_429, %mul3A_437 : vector<16xf32>
        %get3A_439 = arith.index_cast %scan3A_391 : i32 to index
        %get3A_440 = arith.constant 80 : index
        %get3A_441 = tpu.vector_load %arg17[%get3A_439, %get3A_440] {strides = array<i32>} : memref<40x128xf32, #tpu.memory_space<vmem>>, vector<16xf32>,
        %get3A_442 = arith.index_cast %scan3A_391 : i32 to index
        %get3A_443 = arith.constant 80 : index
        %get3A_444 = tpu.vector_load %arg18[%get3A_442, %get3A_443] {strides = array<i32>} : memref<40x128xf32, #tpu.memory_space<vmem>>, vector<16xf32>,
        %mul3A_445 = arith.mulf %get3A_441, %get3A_444 : vector<16xf32>
        %mul3A_446 = arith.mulf %mul3A_445, %get3A_89 : vector<16xf32>
        %add3A_447 = arith.addf %add3A_438, %mul3A_446 : vector<16xf32>
        %get3A_448 = arith.index_cast %scan3A_391 : i32 to index
        %get3A_449 = arith.constant 96 : index
        %get3A_450 = tpu.vector_load %arg17[%get3A_448, %get3A_449] {strides = array<i32>} : memref<40x128xf32, #tpu.memory_space<vmem>>, vector<16xf32>,
        %get3A_451 = arith.index_cast %scan3A_391 : i32 to index
        %get3A_452 = arith.constant 96 : index
        %get3A_453 = tpu.vector_load %arg18[%get3A_451, %get3A_452] {strides = array<i32>} : memref<40x128xf32, #tpu.memory_space<vmem>>, vector<16xf32>,
        %mul3A_454 = arith.mulf %get3A_450, %get3A_453 : vector<16xf32>
        %mul3A_455 = arith.mulf %mul3A_454, %get3A_91 : vector<16xf32>
        %add3A_456 = arith.addf %add3A_447, %mul3A_455 : vector<16xf32>
        %get3A_457 = arith.index_cast %scan3A_391 : i32 to index
        %get3A_458 = arith.constant 112 : index
        %get3A_459 = tpu.vector_load %arg17[%get3A_457, %get3A_458] {strides = array<i32>} : memref<40x128xf32, #tpu.memory_space<vmem>>, vector<16xf32>,
        %get3A_460 = arith.index_cast %scan3A_391 : i32 to index
        %get3A_461 = arith.constant 112 : index
        %get3A_462 = tpu.vector_load %arg18[%get3A_460, %get3A_461] {strides = array<i32>} : memref<40x128xf32, #tpu.memory_space<vmem>>, vector<16xf32>,
        %mul3A_463 = arith.mulf %get3A_459, %get3A_462 : vector<16xf32>
        %mul3A_464 = arith.mulf %mul3A_463, %get3A_93 : vector<16xf32>
        %add3A_465 = arith.addf %add3A_456, %mul3A_464 : vector<16xf32>
        %reduce_sum3A = arith.constant true
        %reduce_sum3A_466 = vector.broadcast %reduce_sum3A : i1 to vector<16xi1>
        %reduce_sum3A_467 = tpu.scan <sum>, %add3A_465 masked %reduce_sum3A_466 : vector<16xf32>, vector<16xi1> -> vector<16xf32>
        %reduce_sum3A_468 = vector.extract %reduce_sum3A_467[15] : f32 from vector<16xf32>
        %broadcast_in_dim3A_469 = vector.broadcast %reduce_sum3A_468 : f32 to vector<16xf32>
        %gt3A_470 = arith.constant 0.000000e+00 : f32
        %gt3A_471 = vector.broadcast %gt3A_470 : f32 to vector<16xf32>
        %gt3A_472 = arith.cmpf ogt, %broadcast_in_dim3A_469, %gt3A_471 : vector<16xf32>
        %mul3A_473 = arith.constant 2.000000e-01 : f32
        %mul3A_474 = vector.broadcast %mul3A_473 : f32 to vector<16xf32>
        %mul3A_475 = arith.mulf %mul3A_474, %broadcast_in_dim3A_469 : vector<16xf32>
        %select_n3A_476 = arith.select %gt3A_472, %broadcast_in_dim3A_469, %mul3A_475 : vector<16xi1>, vector<16xf32>
        %exp3A = math.exp %select_n3A_476 : vector<16xf32>
        %swap3A_477 = arith.index_cast %scan3A_391 : i32 to index
        %swap3A_478 = arith.constant 0 : index
        %swap3A_479 = tpu.vector_load %arg20[%swap3A_477, %swap3A_478] {strides = array<i32>} : memref<40x128xf32, #tpu.memory_space<vmem>>, vector<16xf32>,
        tpu.vector_store %arg20[%swap3A_477, %swap3A_478], %exp3A {strides = array<i32>} : memref<40x128xf32, #tpu.memory_space<vmem>>, vector<16xf32>,
        %mul3A_480 = arith.mulf %get3A_396, %exp3A : vector<16xf32>
        %swap3A_481 = arith.index_cast %scan3A_391 : i32 to index
        %swap3A_482 = arith.constant 0 : index
        %swap3A_483 = tpu.vector_load %arg19[%swap3A_481, %swap3A_482] {strides = array<i32>} : memref<40x128xf32, #tpu.memory_space<vmem>>, vector<16xf32>,
        tpu.vector_store %arg19[%swap3A_481, %swap3A_482], %mul3A_480 {strides = array<i32>} : memref<40x128xf32, #tpu.memory_space<vmem>>, vector<16xf32>,
        %swap3A_484 = arith.index_cast %scan3A_391 : i32 to index
        %swap3A_485 = arith.constant 16 : index
        %swap3A_486 = tpu.vector_load %arg20[%swap3A_484, %swap3A_485] {strides = array<i32>} : memref<40x128xf32, #tpu.memory_space<vmem>>, vector<16xf32>,
        tpu.vector_store %arg20[%swap3A_484, %swap3A_485], %exp3A {strides = array<i32>} : memref<40x128xf32, #tpu.memory_space<vmem>>, vector<16xf32>,
        %mul3A_487 = arith.mulf %get3A_405, %exp3A : vector<16xf32>
        %swap3A_488 = arith.index_cast %scan3A_391 : i32 to index
        %swap3A_489 = arith.constant 16 : index
        %swap3A_490 = tpu.vector_load %arg19[%swap3A_488, %swap3A_489] {strides = array<i32>} : memref<40x128xf32, #tpu.memory_space<vmem>>, vector<16xf32>,
        tpu.vector_store %arg19[%swap3A_488, %swap3A_489], %mul3A_487 {strides = array<i32>} : memref<40x128xf32, #tpu.memory_space<vmem>>, vector<16xf32>,
        %swap3A_491 = arith.index_cast %scan3A_391 : i32 to index
        %swap3A_492 = arith.constant 32 : index
        %swap3A_493 = tpu.vector_load %arg20[%swap3A_491, %swap3A_492] {strides = array<i32>} : memref<40x128xf32, #tpu.memory_space<vmem>>, vector<16xf32>,
        tpu.vector_store %arg20[%swap3A_491, %swap3A_492], %exp3A {strides = array<i32>} : memref<40x128xf32, #tpu.memory_space<vmem>>, vector<16xf32>,
        %mul3A_494 = arith.mulf %get3A_414, %exp3A : vector<16xf32>
        %swap3A_495 = arith.index_cast %scan3A_391 : i32 to index
        %swap3A_496 = arith.constant 32 : index
        %swap3A_497 = tpu.vector_load %arg19[%swap3A_495, %swap3A_496] {strides = array<i32>} : memref<40x128xf32, #tpu.memory_space<vmem>>, vector<16xf32>,
        tpu.vector_store %arg19[%swap3A_495, %swap3A_496], %mul3A_494 {strides = array<i32>} : memref<40x128xf32, #tpu.memory_space<vmem>>, vector<16xf32>,
        %swap3A_498 = arith.index_cast %scan3A_391 : i32 to index
        %swap3A_499 = arith.constant 48 : index
        %swap3A_500 = tpu.vector_load %arg20[%swap3A_498, %swap3A_499] {strides = array<i32>} : memref<40x128xf32, #tpu.memory_space<vmem>>, vector<16xf32>,
        tpu.vector_store %arg20[%swap3A_498, %swap3A_499], %exp3A {strides = array<i32>} : memref<40x128xf32, #tpu.memory_space<vmem>>, vector<16xf32>,
        %mul3A_501 = arith.mulf %get3A_423, %exp3A : vector<16xf32>
        %swap3A_502 = arith.index_cast %scan3A_391 : i32 to index
        %swap3A_503 = arith.constant 48 : index
        %swap3A_504 = tpu.vector_load %arg19[%swap3A_502, %swap3A_503] {strides = array<i32>} : memref<40x128xf32, #tpu.memory_space<vmem>>, vector<16xf32>,
        tpu.vector_store %arg19[%swap3A_502, %swap3A_503], %mul3A_501 {strides = array<i32>} : memref<40x128xf32, #tpu.memory_space<vmem>>, vector<16xf32>,
        %swap3A_505 = arith.index_cast %scan3A_391 : i32 to index
        %swap3A_506 = arith.constant 64 : index
        %swap3A_507 = tpu.vector_load %arg20[%swap3A_505, %swap3A_506] {strides = array<i32>} : memref<40x128xf32, #tpu.memory_space<vmem>>, vector<16xf32>,
        tpu.vector_store %arg20[%swap3A_505, %swap3A_506], %exp3A {strides = array<i32>} : memref<40x128xf32, #tpu.memory_space<vmem>>, vector<16xf32>,
        %mul3A_508 = arith.mulf %get3A_432, %exp3A : vector<16xf32>
        %swap3A_509 = arith.index_cast %scan3A_391 : i32 to index
        %swap3A_510 = arith.constant 64 : index
        %swap3A_511 = tpu.vector_load %arg19[%swap3A_509, %swap3A_510] {strides = array<i32>} : memref<40x128xf32, #tpu.memory_space<vmem>>, vector<16xf32>,
        tpu.vector_store %arg19[%swap3A_509, %swap3A_510], %mul3A_508 {strides = array<i32>} : memref<40x128xf32, #tpu.memory_space<vmem>>, vector<16xf32>,
        %swap3A_512 = arith.index_cast %scan3A_391 : i32 to index
        %swap3A_513 = arith.constant 80 : index
        %swap3A_514 = tpu.vector_load %arg20[%swap3A_512, %swap3A_513] {strides = array<i32>} : memref<40x128xf32, #tpu.memory_space<vmem>>, vector<16xf32>,
        tpu.vector_store %arg20[%swap3A_512, %swap3A_513], %exp3A {strides = array<i32>} : memref<40x128xf32, #tpu.memory_space<vmem>>, vector<16xf32>,
        %mul3A_515 = arith.mulf %get3A_441, %exp3A : vector<16xf32>
        %swap3A_516 = arith.index_cast %scan3A_391 : i32 to index
        %swap3A_517 = arith.constant 80 : index
        %swap3A_518 = tpu.vector_load %arg19[%swap3A_516, %swap3A_517] {strides = array<i32>} : memref<40x128xf32, #tpu.memory_space<vmem>>, vector<16xf32>,
        tpu.vector_store %arg19[%swap3A_516, %swap3A_517], %mul3A_515 {strides = array<i32>} : memref<40x128xf32, #tpu.memory_space<vmem>>, vector<16xf32>,
        %swap3A_519 = arith.index_cast %scan3A_391 : i32 to index
        %swap3A_520 = arith.constant 96 : index
        %swap3A_521 = tpu.vector_load %arg20[%swap3A_519, %swap3A_520] {strides = array<i32>} : memref<40x128xf32, #tpu.memory_space<vmem>>, vector<16xf32>,
        tpu.vector_store %arg20[%swap3A_519, %swap3A_520], %exp3A {strides = array<i32>} : memref<40x128xf32, #tpu.memory_space<vmem>>, vector<16xf32>,
        %mul3A_522 = arith.mulf %get3A_450, %exp3A : vector<16xf32>
        %swap3A_523 = arith.index_cast %scan3A_391 : i32 to index
        %swap3A_524 = arith.constant 96 : index
        %swap3A_525 = tpu.vector_load %arg19[%swap3A_523, %swap3A_524] {strides = array<i32>} : memref<40x128xf32, #tpu.memory_space<vmem>>, vector<16xf32>,
        tpu.vector_store %arg19[%swap3A_523, %swap3A_524], %mul3A_522 {strides = array<i32>} : memref<40x128xf32, #tpu.memory_space<vmem>>, vector<16xf32>,
        %swap3A_526 = arith.index_cast %scan3A_391 : i32 to index
        %swap3A_527 = arith.constant 112 : index
        %swap3A_528 = tpu.vector_load %arg20[%swap3A_526, %swap3A_527] {strides = array<i32>} : memref<40x128xf32, #tpu.memory_space<vmem>>, vector<16xf32>,
        tpu.vector_store %arg20[%swap3A_526, %swap3A_527], %exp3A {strides = array<i32>} : memref<40x128xf32, #tpu.memory_space<vmem>>, vector<16xf32>,
        %mul3A_529 = arith.mulf %get3A_459, %exp3A : vector<16xf32>
        %swap3A_530 = arith.index_cast %scan3A_391 : i32 to index
        %swap3A_531 = arith.constant 112 : index
        %swap3A_532 = tpu.vector_load %arg19[%swap3A_530, %swap3A_531] {strides = array<i32>} : memref<40x128xf32, #tpu.memory_space<vmem>>, vector<16xf32>,
        tpu.vector_store %arg19[%swap3A_530, %swap3A_531], %mul3A_529 {strides = array<i32>} : memref<40x128xf32, #tpu.memory_space<vmem>>, vector<16xf32>,
      }
      %scan3A_384 = arith.constant 40 : i32
      %dma_start3A_385 = arith.constant 0 : i32
      %dma_start3A_386 = arith.constant 0 : i32
      %dma_start3A_387 = tpu.memref_slice %arg22[%dma_start3A_385, %dma_start3A_386] : memref<5248x128xf32, #tpu.memory_space<vmem_shared>> -> memref<5248x128xf32, #tpu.memory_space<vmem_shared>>
      tpu.enqueue_indirect_dma source(%arg19 : memref<40x128xf32, #tpu.memory_space<vmem>>) target(%dma_start3A_387 : memref<5248x128xf32, #tpu.memory_space<vmem_shared>>) offsets(%arg16 : memref<40xi32, #tpu.memory_space<vmem>>) semaphore(%arg29 : memref<!tpu.dma_semaphore, #tpu.memory_space<semaphore_mem>>) {add = true}
      %dma_start3A_388 = arith.constant 0 : i32
      %dma_start3A_389 = arith.constant 0 : i32
      %dma_start3A_390 = tpu.memref_slice %arg23[%dma_start3A_388, %dma_start3A_389] : memref<5248x128xf32, #tpu.memory_space<vmem_shared>> -> memref<5248x128xf32, #tpu.memory_space<vmem_shared>>
      tpu.enqueue_indirect_dma source(%arg20 : memref<40x128xf32, #tpu.memory_space<vmem>>) target(%dma_start3A_390 : memref<5248x128xf32, #tpu.memory_space<vmem_shared>>) offsets(%arg16 : memref<40xi32, #tpu.memory_space<vmem>>) semaphore(%arg29 : memref<!tpu.dma_semaphore, #tpu.memory_space<semaphore_mem>>) {add = true}
    }
    %scan3A_106 = arith.constant 250 : i32
    %dma_wait3A = arith.constant 0 : i32
    %dma_wait3A_107 = arith.constant 0 : i32
    %dma_wait3A_108 = tpu.memref_slice %arg22[%dma_wait3A, %dma_wait3A_107] : memref<5248x128xf32, #tpu.memory_space<vmem_shared>> -> memref<5248x128xf32, #tpu.memory_space<vmem_shared>>
    tpu.wait_indirect_dma semaphore(%arg26 : memref<!tpu.dma_semaphore, #tpu.memory_space<semaphore_mem>>) src(%arg12 : memref<40x128xf32, #tpu.memory_space<vmem>>) dst(%dma_wait3A_108 : memref<5248x128xf32, #tpu.memory_space<vmem_shared>>)
    %dma_wait3A_109 = arith.constant 0 : i32
    %dma_wait3A_110 = arith.constant 0 : i32
    %dma_wait3A_111 = tpu.memref_slice %arg23[%dma_wait3A_109, %dma_wait3A_110] : memref<5248x128xf32, #tpu.memory_space<vmem_shared>> -> memref<5248x128xf32, #tpu.memory_space<vmem_shared>>
    tpu.wait_indirect_dma semaphore(%arg26 : memref<!tpu.dma_semaphore, #tpu.memory_space<semaphore_mem>>) src(%arg13 : memref<40x128xf32, #tpu.memory_space<vmem>>) dst(%dma_wait3A_111 : memref<5248x128xf32, #tpu.memory_space<vmem_shared>>)
    %dma_wait3A_112 = arith.constant 0 : i32
    %dma_wait3A_113 = arith.constant 0 : i32
    %dma_wait3A_114 = tpu.memref_slice %arg22[%dma_wait3A_112, %dma_wait3A_113] : memref<5248x128xf32, #tpu.memory_space<vmem_shared>> -> memref<5248x128xf32, #tpu.memory_space<vmem_shared>>
    tpu.wait_indirect_dma semaphore(%arg29 : memref<!tpu.dma_semaphore, #tpu.memory_space<semaphore_mem>>) src(%arg19 : memref<40x128xf32, #tpu.memory_space<vmem>>) dst(%dma_wait3A_114 : memref<5248x128xf32, #tpu.memory_space<vmem_shared>>)
    %dma_wait3A_115 = arith.constant 0 : i32
    %dma_wait3A_116 = arith.constant 0 : i32
    %dma_wait3A_117 = tpu.memref_slice %arg23[%dma_wait3A_115, %dma_wait3A_116] : memref<5248x128xf32, #tpu.memory_space<vmem_shared>> -> memref<5248x128xf32, #tpu.memory_space<vmem_shared>>
    tpu.wait_indirect_dma semaphore(%arg29 : memref<!tpu.dma_semaphore, #tpu.memory_space<semaphore_mem>>) src(%arg20 : memref<40x128xf32, #tpu.memory_space<vmem>>) dst(%dma_wait3A_117 : memref<5248x128xf32, #tpu.memory_space<vmem_shared>>)
    %barrier3A_118 = arith.constant 0 : index
    tpu.barrier barrier_id(%barrier3A_118)
    %mul3A_119 = arith.constant 320 : i32
    %mul3A_120 = arith.muli %arg1, %mul3A_119 : i32
    %add3A_121 = arith.constant 0 : i32
    %add3A_122 = arith.addi %mul3A_120, %add3A_121 : i32
    "tpu.region"() ({
      %run_scoped3A = tpu.sem_alloc : memref<!tpu.dma_semaphore, #tpu.memory_space<semaphore_mem>>
      %dma_start3A_241 = arith.constant 0 : i32
      %dma_start3A_242 = arith.constant 0 : i32
      %dma_start3A_243 = tpu.memref_slice %arg10[%dma_start3A_241, %dma_start3A_242] : memref<40x128xf32, #tpu.memory_space<vmem>> -> memref<40x128xf32, #tpu.memory_space<vmem>>
      %dma_start3A_244 = arith.constant 0 : i32
      %dma_start3A_245 = tpu.memref_slice %arg22[%add3A_122, %dma_start3A_244] : memref<5248x128xf32, #tpu.memory_space<vmem_shared>> -> memref<40x128xf32, #tpu.memory_space<vmem_shared>>
      %dma_start3A_246 = arith.constant 0 : i32
      %dma_start3A_247 = arith.constant 0 : i32
      %dma_start3A_248 = tpu.memref_slice %arg10[%dma_start3A_246, %dma_start3A_247] : memref<40x128xf32, #tpu.memory_space<vmem>> -> memref<40x128xf32, #tpu.memory_space<vmem>>
      %dma_start3A_249 = arith.constant 0 : i32
      %dma_start3A_250 = tpu.memref_slice %arg22[%add3A_122, %dma_start3A_249] : memref<5248x128xf32, #tpu.memory_space<vmem_shared>> -> memref<40x128xf32, #tpu.memory_space<vmem_shared>>
      tpu.enqueue_dma source(%dma_start3A_250 : memref<40x128xf32, #tpu.memory_space<vmem_shared>>) target(%dma_start3A_248 : memref<40x128xf32, #tpu.memory_space<vmem>>) target_semaphore(%run_scoped3A : memref<!tpu.dma_semaphore, #tpu.memory_space<semaphore_mem>>)
      %dma_wait3A_251 = arith.constant 0 : i32
      %dma_wait3A_252 = arith.constant 0 : i32
      %dma_wait3A_253 = tpu.memref_slice %arg10[%dma_wait3A_251, %dma_wait3A_252] : memref<40x128xf32, #tpu.memory_space<vmem>> -> memref<40x128xf32, #tpu.memory_space<vmem>>
      %dma_wait3A_254 = arith.constant 0 : i32
      %dma_wait3A_255 = tpu.memref_slice %arg22[%add3A_122, %dma_wait3A_254] : memref<5248x128xf32, #tpu.memory_space<vmem_shared>> -> memref<40x128xf32, #tpu.memory_space<vmem_shared>>
      %dma_wait3A_256 = arith.constant 0 : i32
      %dma_wait3A_257 = arith.constant 0 : i32
      %dma_wait3A_258 = tpu.memref_slice %arg10[%dma_wait3A_256, %dma_wait3A_257] : memref<40x128xf32, #tpu.memory_space<vmem>> -> memref<40x128xf32, #tpu.memory_space<vmem>>
      %dma_wait3A_259 = arith.constant 0 : i32
      %dma_wait3A_260 = tpu.memref_slice %arg22[%add3A_122, %dma_wait3A_259] : memref<5248x128xf32, #tpu.memory_space<vmem_shared>> -> memref<40x128xf32, #tpu.memory_space<vmem_shared>>
      tpu.wait_dma2 semaphore(%run_scoped3A : memref<!tpu.dma_semaphore, #tpu.memory_space<semaphore_mem>>) src(%dma_wait3A_260 : memref<40x128xf32, #tpu.memory_space<vmem_shared>>) dst(%dma_wait3A_258 : memref<40x128xf32, #tpu.memory_space<vmem>>)
      tpu.yield
    }) : () -> ()
    %add3A_123 = arith.constant 0 : i32
    %add3A_124 = arith.addi %mul3A_120, %add3A_123 : i32
    "tpu.region"() ({
      %run_scoped3A = tpu.sem_alloc : memref<!tpu.dma_semaphore, #tpu.memory_space<semaphore_mem>>
      %dma_start3A_241 = arith.constant 0 : i32
      %dma_start3A_242 = arith.constant 0 : i32
      %dma_start3A_243 = tpu.memref_slice %arg13[%dma_start3A_241, %dma_start3A_242] : memref<40x128xf32, #tpu.memory_space<vmem>> -> memref<40x128xf32, #tpu.memory_space<vmem>>
      %dma_start3A_244 = arith.constant 0 : i32
      %dma_start3A_245 = tpu.memref_slice %arg23[%add3A_124, %dma_start3A_244] : memref<5248x128xf32, #tpu.memory_space<vmem_shared>> -> memref<40x128xf32, #tpu.memory_space<vmem_shared>>
      %dma_start3A_246 = arith.constant 0 : i32
      %dma_start3A_247 = arith.constant 0 : i32
      %dma_start3A_248 = tpu.memref_slice %arg13[%dma_start3A_246, %dma_start3A_247] : memref<40x128xf32, #tpu.memory_space<vmem>> -> memref<40x128xf32, #tpu.memory_space<vmem>>
      %dma_start3A_249 = arith.constant 0 : i32
      %dma_start3A_250 = tpu.memref_slice %arg23[%add3A_124, %dma_start3A_249] : memref<5248x128xf32, #tpu.memory_space<vmem_shared>> -> memref<40x128xf32, #tpu.memory_space<vmem_shared>>
      tpu.enqueue_dma source(%dma_start3A_250 : memref<40x128xf32, #tpu.memory_space<vmem_shared>>) target(%dma_start3A_248 : memref<40x128xf32, #tpu.memory_space<vmem>>) target_semaphore(%run_scoped3A : memref<!tpu.dma_semaphore, #tpu.memory_space<semaphore_mem>>)
      %dma_wait3A_251 = arith.constant 0 : i32
      %dma_wait3A_252 = arith.constant 0 : i32
      %dma_wait3A_253 = tpu.memref_slice %arg13[%dma_wait3A_251, %dma_wait3A_252] : memref<40x128xf32, #tpu.memory_space<vmem>> -> memref<40x128xf32, #tpu.memory_space<vmem>>
      %dma_wait3A_254 = arith.constant 0 : i32
      %dma_wait3A_255 = tpu.memref_slice %arg23[%add3A_124, %dma_wait3A_254] : memref<5248x128xf32, #tpu.memory_space<vmem_shared>> -> memref<40x128xf32, #tpu.memory_space<vmem_shared>>
      %dma_wait3A_256 = arith.constant 0 : i32
      %dma_wait3A_257 = arith.constant 0 : i32
      %dma_wait3A_258 = tpu.memref_slice %arg13[%dma_wait3A_256, %dma_wait3A_257] : memref<40x128xf32, #tpu.memory_space<vmem>> -> memref<40x128xf32, #tpu.memory_space<vmem>>
      %dma_wait3A_259 = arith.constant 0 : i32
      %dma_wait3A_260 = tpu.memref_slice %arg23[%add3A_124, %dma_wait3A_259] : memref<5248x128xf32, #tpu.memory_space<vmem_shared>> -> memref<40x128xf32, #tpu.memory_space<vmem_shared>>
      tpu.wait_dma2 semaphore(%run_scoped3A : memref<!tpu.dma_semaphore, #tpu.memory_space<semaphore_mem>>) src(%dma_wait3A_260 : memref<40x128xf32, #tpu.memory_space<vmem_shared>>) dst(%dma_wait3A_258 : memref<40x128xf32, #tpu.memory_space<vmem>>)
      tpu.yield
    }) : () -> ()
    %scan3A_125 = arith.constant 0 : i32
    %scan3A_126 = arith.constant 0 : i32
    %scan3A_127 = arith.constant 40 : i32
    %scan3A_128 = arith.addi %scan3A_126, %scan3A_127 : i32
    %scan3A_129 = arith.constant 1 : i32
    scf.for %scan3A_241 = %scan3A_126 to %scan3A_128 step %scan3A_129  : i32 {
      %get3A_242 = arith.index_cast %scan3A_241 : i32 to index
      %get3A_243 = arith.constant 0 : index
      %get3A_244 = tpu.vector_load %arg13[%get3A_242, %get3A_243] {strides = array<i32>} : memref<40x128xf32, #tpu.memory_space<vmem>>, vector<16xf32>,
      %broadcast_in_dim3A = arith.constant 1.000000e+00 : f32
      %broadcast_in_dim3A_245 = vector.broadcast %broadcast_in_dim3A : f32 to vector<16xf32>
      %gt3A = arith.constant 0.000000e+00 : f32
      %gt3A_246 = vector.broadcast %gt3A : f32 to vector<16xf32>
      %gt3A_247 = arith.cmpf ogt, %get3A_244, %gt3A_246 : vector<16xf32>
      %jit3A = arith.constant 1.000000e+00 : f32
      %broadcast_in_dim3A_248 = vector.broadcast %jit3A : f32 to vector<16xf32>
      %select_n3A = arith.select %gt3A_247, %get3A_244, %broadcast_in_dim3A_248 : vector<16xi1>, vector<16xf32>
      %div3A = arith.divf %broadcast_in_dim3A_245, %select_n3A : vector<16xf32>
      %get3A_249 = arith.index_cast %scan3A_241 : i32 to index
      %get3A_250 = arith.constant 0 : index
      %get3A_251 = tpu.vector_load %arg10[%get3A_249, %get3A_250] {strides = array<i32>} : memref<40x128xf32, #tpu.memory_space<vmem>>, vector<16xf32>,
      %mul3A_252 = arith.mulf %get3A_251, %div3A : vector<16xf32>
      %swap3A = arith.index_cast %scan3A_241 : i32 to index
      %swap3A_253 = arith.constant 0 : index
      %swap3A_254 = tpu.vector_load %arg10[%swap3A, %swap3A_253] {strides = array<i32>} : memref<40x128xf32, #tpu.memory_space<vmem>>, vector<16xf32>,
      tpu.vector_store %arg10[%swap3A, %swap3A_253], %mul3A_252 {strides = array<i32>} : memref<40x128xf32, #tpu.memory_space<vmem>>, vector<16xf32>,
      %get3A_255 = arith.index_cast %scan3A_241 : i32 to index
      %get3A_256 = arith.constant 16 : index
      %get3A_257 = tpu.vector_load %arg10[%get3A_255, %get3A_256] {strides = array<i32>} : memref<40x128xf32, #tpu.memory_space<vmem>>, vector<16xf32>,
      %mul3A_258 = arith.mulf %get3A_257, %div3A : vector<16xf32>
      %swap3A_259 = arith.index_cast %scan3A_241 : i32 to index
      %swap3A_260 = arith.constant 16 : index
      %swap3A_261 = tpu.vector_load %arg10[%swap3A_259, %swap3A_260] {strides = array<i32>} : memref<40x128xf32, #tpu.memory_space<vmem>>, vector<16xf32>,
      tpu.vector_store %arg10[%swap3A_259, %swap3A_260], %mul3A_258 {strides = array<i32>} : memref<40x128xf32, #tpu.memory_space<vmem>>, vector<16xf32>,
      %get3A_262 = arith.index_cast %scan3A_241 : i32 to index
      %get3A_263 = arith.constant 32 : index
      %get3A_264 = tpu.vector_load %arg10[%get3A_262, %get3A_263] {strides = array<i32>} : memref<40x128xf32, #tpu.memory_space<vmem>>, vector<16xf32>,
      %mul3A_265 = arith.mulf %get3A_264, %div3A : vector<16xf32>
      %swap3A_266 = arith.index_cast %scan3A_241 : i32 to index
      %swap3A_267 = arith.constant 32 : index
      %swap3A_268 = tpu.vector_load %arg10[%swap3A_266, %swap3A_267] {strides = array<i32>} : memref<40x128xf32, #tpu.memory_space<vmem>>, vector<16xf32>,
      tpu.vector_store %arg10[%swap3A_266, %swap3A_267], %mul3A_265 {strides = array<i32>} : memref<40x128xf32, #tpu.memory_space<vmem>>, vector<16xf32>,
      %get3A_269 = arith.index_cast %scan3A_241 : i32 to index
      %get3A_270 = arith.constant 48 : index
      %get3A_271 = tpu.vector_load %arg10[%get3A_269, %get3A_270] {strides = array<i32>} : memref<40x128xf32, #tpu.memory_space<vmem>>, vector<16xf32>,
      %mul3A_272 = arith.mulf %get3A_271, %div3A : vector<16xf32>
      %swap3A_273 = arith.index_cast %scan3A_241 : i32 to index
      %swap3A_274 = arith.constant 48 : index
      %swap3A_275 = tpu.vector_load %arg10[%swap3A_273, %swap3A_274] {strides = array<i32>} : memref<40x128xf32, #tpu.memory_space<vmem>>, vector<16xf32>,
      tpu.vector_store %arg10[%swap3A_273, %swap3A_274], %mul3A_272 {strides = array<i32>} : memref<40x128xf32, #tpu.memory_space<vmem>>, vector<16xf32>,
      %get3A_276 = arith.index_cast %scan3A_241 : i32 to index
      %get3A_277 = arith.constant 64 : index
      %get3A_278 = tpu.vector_load %arg10[%get3A_276, %get3A_277] {strides = array<i32>} : memref<40x128xf32, #tpu.memory_space<vmem>>, vector<16xf32>,
      %mul3A_279 = arith.mulf %get3A_278, %div3A : vector<16xf32>
      %swap3A_280 = arith.index_cast %scan3A_241 : i32 to index
      %swap3A_281 = arith.constant 64 : index
      %swap3A_282 = tpu.vector_load %arg10[%swap3A_280, %swap3A_281] {strides = array<i32>} : memref<40x128xf32, #tpu.memory_space<vmem>>, vector<16xf32>,
      tpu.vector_store %arg10[%swap3A_280, %swap3A_281], %mul3A_279 {strides = array<i32>} : memref<40x128xf32, #tpu.memory_space<vmem>>, vector<16xf32>,
      %get3A_283 = arith.index_cast %scan3A_241 : i32 to index
      %get3A_284 = arith.constant 80 : index
      %get3A_285 = tpu.vector_load %arg10[%get3A_283, %get3A_284] {strides = array<i32>} : memref<40x128xf32, #tpu.memory_space<vmem>>, vector<16xf32>,
      %mul3A_286 = arith.mulf %get3A_285, %div3A : vector<16xf32>
      %swap3A_287 = arith.index_cast %scan3A_241 : i32 to index
      %swap3A_288 = arith.constant 80 : index
      %swap3A_289 = tpu.vector_load %arg10[%swap3A_287, %swap3A_288] {strides = array<i32>} : memref<40x128xf32, #tpu.memory_space<vmem>>, vector<16xf32>,
      tpu.vector_store %arg10[%swap3A_287, %swap3A_288], %mul3A_286 {strides = array<i32>} : memref<40x128xf32, #tpu.memory_space<vmem>>, vector<16xf32>,
      %get3A_290 = arith.index_cast %scan3A_241 : i32 to index
      %get3A_291 = arith.constant 96 : index
      %get3A_292 = tpu.vector_load %arg10[%get3A_290, %get3A_291] {strides = array<i32>} : memref<40x128xf32, #tpu.memory_space<vmem>>, vector<16xf32>,
      %mul3A_293 = arith.mulf %get3A_292, %div3A : vector<16xf32>
      %swap3A_294 = arith.index_cast %scan3A_241 : i32 to index
      %swap3A_295 = arith.constant 96 : index
      %swap3A_296 = tpu.vector_load %arg10[%swap3A_294, %swap3A_295] {strides = array<i32>} : memref<40x128xf32, #tpu.memory_space<vmem>>, vector<16xf32>,
      tpu.vector_store %arg10[%swap3A_294, %swap3A_295], %mul3A_293 {strides = array<i32>} : memref<40x128xf32, #tpu.memory_space<vmem>>, vector<16xf32>,
      %get3A_297 = arith.index_cast %scan3A_241 : i32 to index
      %get3A_298 = arith.constant 112 : index
      %get3A_299 = tpu.vector_load %arg10[%get3A_297, %get3A_298] {strides = array<i32>} : memref<40x128xf32, #tpu.memory_space<vmem>>, vector<16xf32>,
      %mul3A_300 = arith.mulf %get3A_299, %div3A : vector<16xf32>
      %swap3A_301 = arith.index_cast %scan3A_241 : i32 to index
      %swap3A_302 = arith.constant 112 : index
      %swap3A_303 = tpu.vector_load %arg10[%swap3A_301, %swap3A_302] {strides = array<i32>} : memref<40x128xf32, #tpu.memory_space<vmem>>, vector<16xf32>,
      tpu.vector_store %arg10[%swap3A_301, %swap3A_302], %mul3A_300 {strides = array<i32>} : memref<40x128xf32, #tpu.memory_space<vmem>>, vector<16xf32>,
    }
    %scan3A_130 = arith.constant 40 : i32
    %mul3A_131 = arith.constant 5120 : i32
    %mul3A_132 = arith.muli %arg0, %mul3A_131 : i32
    %add3A_133 = arith.addi %mul3A_132, %mul3A_120 : i32
    %add3A_134 = arith.constant 0 : i32
    %add3A_135 = arith.addi %add3A_133, %add3A_134 : i32
    "tpu.region"() ({
      %run_scoped3A = tpu.sem_alloc : memref<!tpu.dma_semaphore, #tpu.memory_space<semaphore_mem>>
      %dma_start3A_241 = arith.constant 0 : i32
      %dma_start3A_242 = arith.constant 0 : i32
      %dma_start3A_243 = tpu.memref_slice %arg10[%dma_start3A_241, %dma_start3A_242] : memref<40x128xf32, #tpu.memory_space<vmem>> -> memref<40x128xf32, #tpu.memory_space<vmem>>
      %dma_start3A_244 = arith.constant 0 : i32
      %dma_start3A_245 = tpu.memref_slice %arg6[%add3A_135, %dma_start3A_244] : memref<10240x128xf32, #tpu.memory_space<hbm>> -> memref<40x128xf32, #tpu.memory_space<hbm>>
      %dma_start3A_246 = arith.constant 0 : i32
      %dma_start3A_247 = tpu.memref_slice %arg6[%add3A_135, %dma_start3A_246] : memref<10240x128xf32, #tpu.memory_space<hbm>> -> memref<40x128xf32, #tpu.memory_space<hbm>>
      %dma_start3A_248 = arith.constant 0 : i32
      %dma_start3A_249 = arith.constant 0 : i32
      %dma_start3A_250 = tpu.memref_slice %arg10[%dma_start3A_248, %dma_start3A_249] : memref<40x128xf32, #tpu.memory_space<vmem>> -> memref<40x128xf32, #tpu.memory_space<vmem>>
      tpu.enqueue_dma source(%dma_start3A_250 : memref<40x128xf32, #tpu.memory_space<vmem>>) target(%dma_start3A_247 : memref<40x128xf32, #tpu.memory_space<hbm>>) target_semaphore(%run_scoped3A : memref<!tpu.dma_semaphore, #tpu.memory_space<semaphore_mem>>)
      %dma_wait3A_251 = arith.constant 0 : i32
      %dma_wait3A_252 = arith.constant 0 : i32
      %dma_wait3A_253 = tpu.memref_slice %arg10[%dma_wait3A_251, %dma_wait3A_252] : memref<40x128xf32, #tpu.memory_space<vmem>> -> memref<40x128xf32, #tpu.memory_space<vmem>>
      %dma_wait3A_254 = arith.constant 0 : i32
      %dma_wait3A_255 = tpu.memref_slice %arg6[%add3A_135, %dma_wait3A_254] : memref<10240x128xf32, #tpu.memory_space<hbm>> -> memref<40x128xf32, #tpu.memory_space<hbm>>
      %dma_wait3A_256 = arith.constant 0 : i32
      %dma_wait3A_257 = tpu.memref_slice %arg6[%add3A_135, %dma_wait3A_256] : memref<10240x128xf32, #tpu.memory_space<hbm>> -> memref<40x128xf32, #tpu.memory_space<hbm>>
      %dma_wait3A_258 = arith.constant 0 : i32
      %dma_wait3A_259 = arith.constant 0 : i32
      %dma_wait3A_260 = tpu.memref_slice %arg10[%dma_wait3A_258, %dma_wait3A_259] : memref<40x128xf32, #tpu.memory_space<vmem>> -> memref<40x128xf32, #tpu.memory_space<vmem>>
      tpu.wait_dma2 semaphore(%run_scoped3A : memref<!tpu.dma_semaphore, #tpu.memory_space<semaphore_mem>>) src(%dma_wait3A_260 : memref<40x128xf32, #tpu.memory_space<vmem>>) dst(%dma_wait3A_257 : memref<40x128xf32, #tpu.memory_space<hbm>>)
      tpu.yield
    }) : () -> ()
    %add3A_136 = arith.constant 40 : i32
    %add3A_137 = arith.addi %mul3A_120, %add3A_136 : i32
    "tpu.region"() ({
      %run_scoped3A = tpu.sem_alloc : memref<!tpu.dma_semaphore, #tpu.memory_space<semaphore_mem>>
      %dma_start3A_241 = arith.constant 0 : i32
      %dma_start3A_242 = arith.constant 0 : i32
      %dma_start3A_243 = tpu.memref_slice %arg10[%dma_start3A_241, %dma_start3A_242] : memref<40x128xf32, #tpu.memory_space<vmem>> -> memref<40x128xf32, #tpu.memory_space<vmem>>
      %dma_start3A_244 = arith.constant 0 : i32
      %dma_start3A_245 = tpu.memref_slice %arg22[%add3A_137, %dma_start3A_244] : memref<5248x128xf32, #tpu.memory_space<vmem_shared>> -> memref<40x128xf32, #tpu.memory_space<vmem_shared>>
      %dma_start3A_246 = arith.constant 0 : i32
      %dma_start3A_247 = arith.constant 0 : i32
      %dma_start3A_248 = tpu.memref_slice %arg10[%dma_start3A_246, %dma_start3A_247] : memref<40x128xf32, #tpu.memory_space<vmem>> -> memref<40x128xf32, #tpu.memory_space<vmem>>
      %dma_start3A_249 = arith.constant 0 : i32
      %dma_start3A_250 = tpu.memref_slice %arg22[%add3A_137, %dma_start3A_249] : memref<5248x128xf32, #tpu.memory_space<vmem_shared>> -> memref<40x128xf32, #tpu.memory_space<vmem_shared>>
      tpu.enqueue_dma source(%dma_start3A_250 : memref<40x128xf32, #tpu.memory_space<vmem_shared>>) target(%dma_start3A_248 : memref<40x128xf32, #tpu.memory_space<vmem>>) target_semaphore(%run_scoped3A : memref<!tpu.dma_semaphore, #tpu.memory_space<semaphore_mem>>)
      %dma_wait3A_251 = arith.constant 0 : i32
      %dma_wait3A_252 = arith.constant 0 : i32
      %dma_wait3A_253 = tpu.memref_slice %arg10[%dma_wait3A_251, %dma_wait3A_252] : memref<40x128xf32, #tpu.memory_space<vmem>> -> memref<40x128xf32, #tpu.memory_space<vmem>>
      %dma_wait3A_254 = arith.constant 0 : i32
      %dma_wait3A_255 = tpu.memref_slice %arg22[%add3A_137, %dma_wait3A_254] : memref<5248x128xf32, #tpu.memory_space<vmem_shared>> -> memref<40x128xf32, #tpu.memory_space<vmem_shared>>
      %dma_wait3A_256 = arith.constant 0 : i32
      %dma_wait3A_257 = arith.constant 0 : i32
      %dma_wait3A_258 = tpu.memref_slice %arg10[%dma_wait3A_256, %dma_wait3A_257] : memref<40x128xf32, #tpu.memory_space<vmem>> -> memref<40x128xf32, #tpu.memory_space<vmem>>
      %dma_wait3A_259 = arith.constant 0 : i32
      %dma_wait3A_260 = tpu.memref_slice %arg22[%add3A_137, %dma_wait3A_259] : memref<5248x128xf32, #tpu.memory_space<vmem_shared>> -> memref<40x128xf32, #tpu.memory_space<vmem_shared>>
      tpu.wait_dma2 semaphore(%run_scoped3A : memref<!tpu.dma_semaphore, #tpu.memory_space<semaphore_mem>>) src(%dma_wait3A_260 : memref<40x128xf32, #tpu.memory_space<vmem_shared>>) dst(%dma_wait3A_258 : memref<40x128xf32, #tpu.memory_space<vmem>>)
      tpu.yield
    }) : () -> ()
    %add3A_138 = arith.constant 40 : i32
    %add3A_139 = arith.addi %mul3A_120, %add3A_138 : i32
    "tpu.region"() ({
      %run_scoped3A = tpu.sem_alloc : memref<!tpu.dma_semaphore, #tpu.memory_space<semaphore_mem>>
      %dma_start3A_241 = arith.constant 0 : i32
      %dma_start3A_242 = arith.constant 0 : i32
      %dma_start3A_243 = tpu.memref_slice %arg13[%dma_start3A_241, %dma_start3A_242] : memref<40x128xf32, #tpu.memory_space<vmem>> -> memref<40x128xf32, #tpu.memory_space<vmem>>
      %dma_start3A_244 = arith.constant 0 : i32
      %dma_start3A_245 = tpu.memref_slice %arg23[%add3A_139, %dma_start3A_244] : memref<5248x128xf32, #tpu.memory_space<vmem_shared>> -> memref<40x128xf32, #tpu.memory_space<vmem_shared>>
      %dma_start3A_246 = arith.constant 0 : i32
      %dma_start3A_247 = arith.constant 0 : i32
      %dma_start3A_248 = tpu.memref_slice %arg13[%dma_start3A_246, %dma_start3A_247] : memref<40x128xf32, #tpu.memory_space<vmem>> -> memref<40x128xf32, #tpu.memory_space<vmem>>
      %dma_start3A_249 = arith.constant 0 : i32
      %dma_start3A_250 = tpu.memref_slice %arg23[%add3A_139, %dma_start3A_249] : memref<5248x128xf32, #tpu.memory_space<vmem_shared>> -> memref<40x128xf32, #tpu.memory_space<vmem_shared>>
      tpu.enqueue_dma source(%dma_start3A_250 : memref<40x128xf32, #tpu.memory_space<vmem_shared>>) target(%dma_start3A_248 : memref<40x128xf32, #tpu.memory_space<vmem>>) target_semaphore(%run_scoped3A : memref<!tpu.dma_semaphore, #tpu.memory_space<semaphore_mem>>)
      %dma_wait3A_251 = arith.constant 0 : i32
      %dma_wait3A_252 = arith.constant 0 : i32
      %dma_wait3A_253 = tpu.memref_slice %arg13[%dma_wait3A_251, %dma_wait3A_252] : memref<40x128xf32, #tpu.memory_space<vmem>> -> memref<40x128xf32, #tpu.memory_space<vmem>>
      %dma_wait3A_254 = arith.constant 0 : i32
      %dma_wait3A_255 = tpu.memref_slice %arg23[%add3A_139, %dma_wait3A_254] : memref<5248x128xf32, #tpu.memory_space<vmem_shared>> -> memref<40x128xf32, #tpu.memory_space<vmem_shared>>
      %dma_wait3A_256 = arith.constant 0 : i32
      %dma_wait3A_257 = arith.constant 0 : i32
      %dma_wait3A_258 = tpu.memref_slice %arg13[%dma_wait3A_256, %dma_wait3A_257] : memref<40x128xf32, #tpu.memory_space<vmem>> -> memref<40x128xf32, #tpu.memory_space<vmem>>
      %dma_wait3A_259 = arith.constant 0 : i32
      %dma_wait3A_260 = tpu.memref_slice %arg23[%add3A_139, %dma_wait3A_259] : memref<5248x128xf32, #tpu.memory_space<vmem_shared>> -> memref<40x128xf32, #tpu.memory_space<vmem_shared>>
      tpu.wait_dma2 semaphore(%run_scoped3A : memref<!tpu.dma_semaphore, #tpu.memory_space<semaphore_mem>>) src(%dma_wait3A_260 : memref<40x128xf32, #tpu.memory_space<vmem_shared>>) dst(%dma_wait3A_258 : memref<40x128xf32, #tpu.memory_space<vmem>>)
      tpu.yield
    }) : () -> ()
    %scan3A_140 = arith.constant 0 : i32
    %scan3A_141 = arith.constant 0 : i32
    %scan3A_142 = arith.constant 40 : i32
    %scan3A_143 = arith.addi %scan3A_141, %scan3A_142 : i32
    %scan3A_144 = arith.constant 1 : i32
    scf.for %scan3A_241 = %scan3A_141 to %scan3A_143 step %scan3A_144  : i32 {
      %get3A_242 = arith.index_cast %scan3A_241 : i32 to index
      %get3A_243 = arith.constant 0 : index
      %get3A_244 = tpu.vector_load %arg13[%get3A_242, %get3A_243] {strides = array<i32>} : memref<40x128xf32, #tpu.memory_space<vmem>>, vector<16xf32>,
      %broadcast_in_dim3A = arith.constant 1.000000e+00 : f32
      %broadcast_in_dim3A_245 = vector.broadcast %broadcast_in_dim3A : f32 to vector<16xf32>
      %gt3A = arith.constant 0.000000e+00 : f32
      %gt3A_246 = vector.broadcast %gt3A : f32 to vector<16xf32>
      %gt3A_247 = arith.cmpf ogt, %get3A_244, %gt3A_246 : vector<16xf32>
      %jit3A = arith.constant 1.000000e+00 : f32
      %broadcast_in_dim3A_248 = vector.broadcast %jit3A : f32 to vector<16xf32>
      %select_n3A = arith.select %gt3A_247, %get3A_244, %broadcast_in_dim3A_248 : vector<16xi1>, vector<16xf32>
      %div3A = arith.divf %broadcast_in_dim3A_245, %select_n3A : vector<16xf32>
      %get3A_249 = arith.index_cast %scan3A_241 : i32 to index
      %get3A_250 = arith.constant 0 : index
      %get3A_251 = tpu.vector_load %arg10[%get3A_249, %get3A_250] {strides = array<i32>} : memref<40x128xf32, #tpu.memory_space<vmem>>, vector<16xf32>,
      %mul3A_252 = arith.mulf %get3A_251, %div3A : vector<16xf32>
      %swap3A = arith.index_cast %scan3A_241 : i32 to index
      %swap3A_253 = arith.constant 0 : index
      %swap3A_254 = tpu.vector_load %arg10[%swap3A, %swap3A_253] {strides = array<i32>} : memref<40x128xf32, #tpu.memory_space<vmem>>, vector<16xf32>,
      tpu.vector_store %arg10[%swap3A, %swap3A_253], %mul3A_252 {strides = array<i32>} : memref<40x128xf32, #tpu.memory_space<vmem>>, vector<16xf32>,
      %get3A_255 = arith.index_cast %scan3A_241 : i32 to index
      %get3A_256 = arith.constant 16 : index
      %get3A_257 = tpu.vector_load %arg10[%get3A_255, %get3A_256] {strides = array<i32>} : memref<40x128xf32, #tpu.memory_space<vmem>>, vector<16xf32>,
      %mul3A_258 = arith.mulf %get3A_257, %div3A : vector<16xf32>
      %swap3A_259 = arith.index_cast %scan3A_241 : i32 to index
      %swap3A_260 = arith.constant 16 : index
      %swap3A_261 = tpu.vector_load %arg10[%swap3A_259, %swap3A_260] {strides = array<i32>} : memref<40x128xf32, #tpu.memory_space<vmem>>, vector<16xf32>,
      tpu.vector_store %arg10[%swap3A_259, %swap3A_260], %mul3A_258 {strides = array<i32>} : memref<40x128xf32, #tpu.memory_space<vmem>>, vector<16xf32>,
      %get3A_262 = arith.index_cast %scan3A_241 : i32 to index
      %get3A_263 = arith.constant 32 : index
      %get3A_264 = tpu.vector_load %arg10[%get3A_262, %get3A_263] {strides = array<i32>} : memref<40x128xf32, #tpu.memory_space<vmem>>, vector<16xf32>,
      %mul3A_265 = arith.mulf %get3A_264, %div3A : vector<16xf32>
      %swap3A_266 = arith.index_cast %scan3A_241 : i32 to index
      %swap3A_267 = arith.constant 32 : index
      %swap3A_268 = tpu.vector_load %arg10[%swap3A_266, %swap3A_267] {strides = array<i32>} : memref<40x128xf32, #tpu.memory_space<vmem>>, vector<16xf32>,
      tpu.vector_store %arg10[%swap3A_266, %swap3A_267], %mul3A_265 {strides = array<i32>} : memref<40x128xf32, #tpu.memory_space<vmem>>, vector<16xf32>,
      %get3A_269 = arith.index_cast %scan3A_241 : i32 to index
      %get3A_270 = arith.constant 48 : index
      %get3A_271 = tpu.vector_load %arg10[%get3A_269, %get3A_270] {strides = array<i32>} : memref<40x128xf32, #tpu.memory_space<vmem>>, vector<16xf32>,
      %mul3A_272 = arith.mulf %get3A_271, %div3A : vector<16xf32>
      %swap3A_273 = arith.index_cast %scan3A_241 : i32 to index
      %swap3A_274 = arith.constant 48 : index
      %swap3A_275 = tpu.vector_load %arg10[%swap3A_273, %swap3A_274] {strides = array<i32>} : memref<40x128xf32, #tpu.memory_space<vmem>>, vector<16xf32>,
      tpu.vector_store %arg10[%swap3A_273, %swap3A_274], %mul3A_272 {strides = array<i32>} : memref<40x128xf32, #tpu.memory_space<vmem>>, vector<16xf32>,
      %get3A_276 = arith.index_cast %scan3A_241 : i32 to index
      %get3A_277 = arith.constant 64 : index
      %get3A_278 = tpu.vector_load %arg10[%get3A_276, %get3A_277] {strides = array<i32>} : memref<40x128xf32, #tpu.memory_space<vmem>>, vector<16xf32>,
      %mul3A_279 = arith.mulf %get3A_278, %div3A : vector<16xf32>
      %swap3A_280 = arith.index_cast %scan3A_241 : i32 to index
      %swap3A_281 = arith.constant 64 : index
      %swap3A_282 = tpu.vector_load %arg10[%swap3A_280, %swap3A_281] {strides = array<i32>} : memref<40x128xf32, #tpu.memory_space<vmem>>, vector<16xf32>,
      tpu.vector_store %arg10[%swap3A_280, %swap3A_281], %mul3A_279 {strides = array<i32>} : memref<40x128xf32, #tpu.memory_space<vmem>>, vector<16xf32>,
      %get3A_283 = arith.index_cast %scan3A_241 : i32 to index
      %get3A_284 = arith.constant 80 : index
      %get3A_285 = tpu.vector_load %arg10[%get3A_283, %get3A_284] {strides = array<i32>} : memref<40x128xf32, #tpu.memory_space<vmem>>, vector<16xf32>,
      %mul3A_286 = arith.mulf %get3A_285, %div3A : vector<16xf32>
      %swap3A_287 = arith.index_cast %scan3A_241 : i32 to index
      %swap3A_288 = arith.constant 80 : index
      %swap3A_289 = tpu.vector_load %arg10[%swap3A_287, %swap3A_288] {strides = array<i32>} : memref<40x128xf32, #tpu.memory_space<vmem>>, vector<16xf32>,
      tpu.vector_store %arg10[%swap3A_287, %swap3A_288], %mul3A_286 {strides = array<i32>} : memref<40x128xf32, #tpu.memory_space<vmem>>, vector<16xf32>,
      %get3A_290 = arith.index_cast %scan3A_241 : i32 to index
      %get3A_291 = arith.constant 96 : index
      %get3A_292 = tpu.vector_load %arg10[%get3A_290, %get3A_291] {strides = array<i32>} : memref<40x128xf32, #tpu.memory_space<vmem>>, vector<16xf32>,
      %mul3A_293 = arith.mulf %get3A_292, %div3A : vector<16xf32>
      %swap3A_294 = arith.index_cast %scan3A_241 : i32 to index
      %swap3A_295 = arith.constant 96 : index
      %swap3A_296 = tpu.vector_load %arg10[%swap3A_294, %swap3A_295] {strides = array<i32>} : memref<40x128xf32, #tpu.memory_space<vmem>>, vector<16xf32>,
      tpu.vector_store %arg10[%swap3A_294, %swap3A_295], %mul3A_293 {strides = array<i32>} : memref<40x128xf32, #tpu.memory_space<vmem>>, vector<16xf32>,
      %get3A_297 = arith.index_cast %scan3A_241 : i32 to index
      %get3A_298 = arith.constant 112 : index
      %get3A_299 = tpu.vector_load %arg10[%get3A_297, %get3A_298] {strides = array<i32>} : memref<40x128xf32, #tpu.memory_space<vmem>>, vector<16xf32>,
      %mul3A_300 = arith.mulf %get3A_299, %div3A : vector<16xf32>
      %swap3A_301 = arith.index_cast %scan3A_241 : i32 to index
      %swap3A_302 = arith.constant 112 : index
      %swap3A_303 = tpu.vector_load %arg10[%swap3A_301, %swap3A_302] {strides = array<i32>} : memref<40x128xf32, #tpu.memory_space<vmem>>, vector<16xf32>,
      tpu.vector_store %arg10[%swap3A_301, %swap3A_302], %mul3A_300 {strides = array<i32>} : memref<40x128xf32, #tpu.memory_space<vmem>>, vector<16xf32>,
    }
    %scan3A_145 = arith.constant 40 : i32
    %mul3A_146 = arith.constant 5120 : i32
    %mul3A_147 = arith.muli %arg0, %mul3A_146 : i32
    %add3A_148 = arith.addi %mul3A_147, %mul3A_120 : i32
    %add3A_149 = arith.constant 40 : i32
    %add3A_150 = arith.addi %add3A_148, %add3A_149 : i32
    "tpu.region"() ({
      %run_scoped3A = tpu.sem_alloc : memref<!tpu.dma_semaphore, #tpu.memory_space<semaphore_mem>>
      %dma_start3A_241 = arith.constant 0 : i32
      %dma_start3A_242 = arith.constant 0 : i32
      %dma_start3A_243 = tpu.memref_slice %arg10[%dma_start3A_241, %dma_start3A_242] : memref<40x128xf32, #tpu.memory_space<vmem>> -> memref<40x128xf32, #tpu.memory_space<vmem>>
      %dma_start3A_244 = arith.constant 0 : i32
      %dma_start3A_245 = tpu.memref_slice %arg6[%add3A_150, %dma_start3A_244] : memref<10240x128xf32, #tpu.memory_space<hbm>> -> memref<40x128xf32, #tpu.memory_space<hbm>>
      %dma_start3A_246 = arith.constant 0 : i32
      %dma_start3A_247 = tpu.memref_slice %arg6[%add3A_150, %dma_start3A_246] : memref<10240x128xf32, #tpu.memory_space<hbm>> -> memref<40x128xf32, #tpu.memory_space<hbm>>
      %dma_start3A_248 = arith.constant 0 : i32
      %dma_start3A_249 = arith.constant 0 : i32
      %dma_start3A_250 = tpu.memref_slice %arg10[%dma_start3A_248, %dma_start3A_249] : memref<40x128xf32, #tpu.memory_space<vmem>> -> memref<40x128xf32, #tpu.memory_space<vmem>>
      tpu.enqueue_dma source(%dma_start3A_250 : memref<40x128xf32, #tpu.memory_space<vmem>>) target(%dma_start3A_247 : memref<40x128xf32, #tpu.memory_space<hbm>>) target_semaphore(%run_scoped3A : memref<!tpu.dma_semaphore, #tpu.memory_space<semaphore_mem>>)
      %dma_wait3A_251 = arith.constant 0 : i32
      %dma_wait3A_252 = arith.constant 0 : i32
      %dma_wait3A_253 = tpu.memref_slice %arg10[%dma_wait3A_251, %dma_wait3A_252] : memref<40x128xf32, #tpu.memory_space<vmem>> -> memref<40x128xf32, #tpu.memory_space<vmem>>
      %dma_wait3A_254 = arith.constant 0 : i32
      %dma_wait3A_255 = tpu.memref_slice %arg6[%add3A_150, %dma_wait3A_254] : memref<10240x128xf32, #tpu.memory_space<hbm>> -> memref<40x128xf32, #tpu.memory_space<hbm>>
      %dma_wait3A_256 = arith.constant 0 : i32
      %dma_wait3A_257 = tpu.memref_slice %arg6[%add3A_150, %dma_wait3A_256] : memref<10240x128xf32, #tpu.memory_space<hbm>> -> memref<40x128xf32, #tpu.memory_space<hbm>>
      %dma_wait3A_258 = arith.constant 0 : i32
      %dma_wait3A_259 = arith.constant 0 : i32
      %dma_wait3A_260 = tpu.memref_slice %arg10[%dma_wait3A_258, %dma_wait3A_259] : memref<40x128xf32, #tpu.memory_space<vmem>> -> memref<40x128xf32, #tpu.memory_space<vmem>>
      tpu.wait_dma2 semaphore(%run_scoped3A : memref<!tpu.dma_semaphore, #tpu.memory_space<semaphore_mem>>) src(%dma_wait3A_260 : memref<40x128xf32, #tpu.memory_space<vmem>>) dst(%dma_wait3A_257 : memref<40x128xf32, #tpu.memory_space<hbm>>)
      tpu.yield
    }) : () -> ()
    %add3A_151 = arith.constant 80 : i32
    %add3A_152 = arith.addi %mul3A_120, %add3A_151 : i32
    "tpu.region"() ({
      %run_scoped3A = tpu.sem_alloc : memref<!tpu.dma_semaphore, #tpu.memory_space<semaphore_mem>>
      %dma_start3A_241 = arith.constant 0 : i32
      %dma_start3A_242 = arith.constant 0 : i32
      %dma_start3A_243 = tpu.memref_slice %arg10[%dma_start3A_241, %dma_start3A_242] : memref<40x128xf32, #tpu.memory_space<vmem>> -> memref<40x128xf32, #tpu.memory_space<vmem>>
      %dma_start3A_244 = arith.constant 0 : i32
      %dma_start3A_245 = tpu.memref_slice %arg22[%add3A_152, %dma_start3A_244] : memref<5248x128xf32, #tpu.memory_space<vmem_shared>> -> memref<40x128xf32, #tpu.memory_space<vmem_shared>>
      %dma_start3A_246 = arith.constant 0 : i32
      %dma_start3A_247 = arith.constant 0 : i32
      %dma_start3A_248 = tpu.memref_slice %arg10[%dma_start3A_246, %dma_start3A_247] : memref<40x128xf32, #tpu.memory_space<vmem>> -> memref<40x128xf32, #tpu.memory_space<vmem>>
      %dma_start3A_249 = arith.constant 0 : i32
      %dma_start3A_250 = tpu.memref_slice %arg22[%add3A_152, %dma_start3A_249] : memref<5248x128xf32, #tpu.memory_space<vmem_shared>> -> memref<40x128xf32, #tpu.memory_space<vmem_shared>>
      tpu.enqueue_dma source(%dma_start3A_250 : memref<40x128xf32, #tpu.memory_space<vmem_shared>>) target(%dma_start3A_248 : memref<40x128xf32, #tpu.memory_space<vmem>>) target_semaphore(%run_scoped3A : memref<!tpu.dma_semaphore, #tpu.memory_space<semaphore_mem>>)
      %dma_wait3A_251 = arith.constant 0 : i32
      %dma_wait3A_252 = arith.constant 0 : i32
      %dma_wait3A_253 = tpu.memref_slice %arg10[%dma_wait3A_251, %dma_wait3A_252] : memref<40x128xf32, #tpu.memory_space<vmem>> -> memref<40x128xf32, #tpu.memory_space<vmem>>
      %dma_wait3A_254 = arith.constant 0 : i32
      %dma_wait3A_255 = tpu.memref_slice %arg22[%add3A_152, %dma_wait3A_254] : memref<5248x128xf32, #tpu.memory_space<vmem_shared>> -> memref<40x128xf32, #tpu.memory_space<vmem_shared>>
      %dma_wait3A_256 = arith.constant 0 : i32
      %dma_wait3A_257 = arith.constant 0 : i32
      %dma_wait3A_258 = tpu.memref_slice %arg10[%dma_wait3A_256, %dma_wait3A_257] : memref<40x128xf32, #tpu.memory_space<vmem>> -> memref<40x128xf32, #tpu.memory_space<vmem>>
      %dma_wait3A_259 = arith.constant 0 : i32
      %dma_wait3A_260 = tpu.memref_slice %arg22[%add3A_152, %dma_wait3A_259] : memref<5248x128xf32, #tpu.memory_space<vmem_shared>> -> memref<40x128xf32, #tpu.memory_space<vmem_shared>>
      tpu.wait_dma2 semaphore(%run_scoped3A : memref<!tpu.dma_semaphore, #tpu.memory_space<semaphore_mem>>) src(%dma_wait3A_260 : memref<40x128xf32, #tpu.memory_space<vmem_shared>>) dst(%dma_wait3A_258 : memref<40x128xf32, #tpu.memory_space<vmem>>)
      tpu.yield
    }) : () -> ()
    %add3A_153 = arith.constant 80 : i32
    %add3A_154 = arith.addi %mul3A_120, %add3A_153 : i32
    "tpu.region"() ({
      %run_scoped3A = tpu.sem_alloc : memref<!tpu.dma_semaphore, #tpu.memory_space<semaphore_mem>>
      %dma_start3A_241 = arith.constant 0 : i32
      %dma_start3A_242 = arith.constant 0 : i32
      %dma_start3A_243 = tpu.memref_slice %arg13[%dma_start3A_241, %dma_start3A_242] : memref<40x128xf32, #tpu.memory_space<vmem>> -> memref<40x128xf32, #tpu.memory_space<vmem>>
      %dma_start3A_244 = arith.constant 0 : i32
      %dma_start3A_245 = tpu.memref_slice %arg23[%add3A_154, %dma_start3A_244] : memref<5248x128xf32, #tpu.memory_space<vmem_shared>> -> memref<40x128xf32, #tpu.memory_space<vmem_shared>>
      %dma_start3A_246 = arith.constant 0 : i32
      %dma_start3A_247 = arith.constant 0 : i32
      %dma_start3A_248 = tpu.memref_slice %arg13[%dma_start3A_246, %dma_start3A_247] : memref<40x128xf32, #tpu.memory_space<vmem>> -> memref<40x128xf32, #tpu.memory_space<vmem>>
      %dma_start3A_249 = arith.constant 0 : i32
      %dma_start3A_250 = tpu.memref_slice %arg23[%add3A_154, %dma_start3A_249] : memref<5248x128xf32, #tpu.memory_space<vmem_shared>> -> memref<40x128xf32, #tpu.memory_space<vmem_shared>>
      tpu.enqueue_dma source(%dma_start3A_250 : memref<40x128xf32, #tpu.memory_space<vmem_shared>>) target(%dma_start3A_248 : memref<40x128xf32, #tpu.memory_space<vmem>>) target_semaphore(%run_scoped3A : memref<!tpu.dma_semaphore, #tpu.memory_space<semaphore_mem>>)
      %dma_wait3A_251 = arith.constant 0 : i32
      %dma_wait3A_252 = arith.constant 0 : i32
      %dma_wait3A_253 = tpu.memref_slice %arg13[%dma_wait3A_251, %dma_wait3A_252] : memref<40x128xf32, #tpu.memory_space<vmem>> -> memref<40x128xf32, #tpu.memory_space<vmem>>
      %dma_wait3A_254 = arith.constant 0 : i32
      %dma_wait3A_255 = tpu.memref_slice %arg23[%add3A_154, %dma_wait3A_254] : memref<5248x128xf32, #tpu.memory_space<vmem_shared>> -> memref<40x128xf32, #tpu.memory_space<vmem_shared>>
      %dma_wait3A_256 = arith.constant 0 : i32
      %dma_wait3A_257 = arith.constant 0 : i32
      %dma_wait3A_258 = tpu.memref_slice %arg13[%dma_wait3A_256, %dma_wait3A_257] : memref<40x128xf32, #tpu.memory_space<vmem>> -> memref<40x128xf32, #tpu.memory_space<vmem>>
      %dma_wait3A_259 = arith.constant 0 : i32
      %dma_wait3A_260 = tpu.memref_slice %arg23[%add3A_154, %dma_wait3A_259] : memref<5248x128xf32, #tpu.memory_space<vmem_shared>> -> memref<40x128xf32, #tpu.memory_space<vmem_shared>>
      tpu.wait_dma2 semaphore(%run_scoped3A : memref<!tpu.dma_semaphore, #tpu.memory_space<semaphore_mem>>) src(%dma_wait3A_260 : memref<40x128xf32, #tpu.memory_space<vmem_shared>>) dst(%dma_wait3A_258 : memref<40x128xf32, #tpu.memory_space<vmem>>)
      tpu.yield
    }) : () -> ()
    %scan3A_155 = arith.constant 0 : i32
    %scan3A_156 = arith.constant 0 : i32
    %scan3A_157 = arith.constant 40 : i32
    %scan3A_158 = arith.addi %scan3A_156, %scan3A_157 : i32
    %scan3A_159 = arith.constant 1 : i32
    scf.for %scan3A_241 = %scan3A_156 to %scan3A_158 step %scan3A_159  : i32 {
      %get3A_242 = arith.index_cast %scan3A_241 : i32 to index
      %get3A_243 = arith.constant 0 : index
      %get3A_244 = tpu.vector_load %arg13[%get3A_242, %get3A_243] {strides = array<i32>} : memref<40x128xf32, #tpu.memory_space<vmem>>, vector<16xf32>,
      %broadcast_in_dim3A = arith.constant 1.000000e+00 : f32
      %broadcast_in_dim3A_245 = vector.broadcast %broadcast_in_dim3A : f32 to vector<16xf32>
      %gt3A = arith.constant 0.000000e+00 : f32
      %gt3A_246 = vector.broadcast %gt3A : f32 to vector<16xf32>
      %gt3A_247 = arith.cmpf ogt, %get3A_244, %gt3A_246 : vector<16xf32>
      %jit3A = arith.constant 1.000000e+00 : f32
      %broadcast_in_dim3A_248 = vector.broadcast %jit3A : f32 to vector<16xf32>
      %select_n3A = arith.select %gt3A_247, %get3A_244, %broadcast_in_dim3A_248 : vector<16xi1>, vector<16xf32>
      %div3A = arith.divf %broadcast_in_dim3A_245, %select_n3A : vector<16xf32>
      %get3A_249 = arith.index_cast %scan3A_241 : i32 to index
      %get3A_250 = arith.constant 0 : index
      %get3A_251 = tpu.vector_load %arg10[%get3A_249, %get3A_250] {strides = array<i32>} : memref<40x128xf32, #tpu.memory_space<vmem>>, vector<16xf32>,
      %mul3A_252 = arith.mulf %get3A_251, %div3A : vector<16xf32>
      %swap3A = arith.index_cast %scan3A_241 : i32 to index
      %swap3A_253 = arith.constant 0 : index
      %swap3A_254 = tpu.vector_load %arg10[%swap3A, %swap3A_253] {strides = array<i32>} : memref<40x128xf32, #tpu.memory_space<vmem>>, vector<16xf32>,
      tpu.vector_store %arg10[%swap3A, %swap3A_253], %mul3A_252 {strides = array<i32>} : memref<40x128xf32, #tpu.memory_space<vmem>>, vector<16xf32>,
      %get3A_255 = arith.index_cast %scan3A_241 : i32 to index
      %get3A_256 = arith.constant 16 : index
      %get3A_257 = tpu.vector_load %arg10[%get3A_255, %get3A_256] {strides = array<i32>} : memref<40x128xf32, #tpu.memory_space<vmem>>, vector<16xf32>,
      %mul3A_258 = arith.mulf %get3A_257, %div3A : vector<16xf32>
      %swap3A_259 = arith.index_cast %scan3A_241 : i32 to index
      %swap3A_260 = arith.constant 16 : index
      %swap3A_261 = tpu.vector_load %arg10[%swap3A_259, %swap3A_260] {strides = array<i32>} : memref<40x128xf32, #tpu.memory_space<vmem>>, vector<16xf32>,
      tpu.vector_store %arg10[%swap3A_259, %swap3A_260], %mul3A_258 {strides = array<i32>} : memref<40x128xf32, #tpu.memory_space<vmem>>, vector<16xf32>,
      %get3A_262 = arith.index_cast %scan3A_241 : i32 to index
      %get3A_263 = arith.constant 32 : index
      %get3A_264 = tpu.vector_load %arg10[%get3A_262, %get3A_263] {strides = array<i32>} : memref<40x128xf32, #tpu.memory_space<vmem>>, vector<16xf32>,
      %mul3A_265 = arith.mulf %get3A_264, %div3A : vector<16xf32>
      %swap3A_266 = arith.index_cast %scan3A_241 : i32 to index
      %swap3A_267 = arith.constant 32 : index
      %swap3A_268 = tpu.vector_load %arg10[%swap3A_266, %swap3A_267] {strides = array<i32>} : memref<40x128xf32, #tpu.memory_space<vmem>>, vector<16xf32>,
      tpu.vector_store %arg10[%swap3A_266, %swap3A_267], %mul3A_265 {strides = array<i32>} : memref<40x128xf32, #tpu.memory_space<vmem>>, vector<16xf32>,
      %get3A_269 = arith.index_cast %scan3A_241 : i32 to index
      %get3A_270 = arith.constant 48 : index
      %get3A_271 = tpu.vector_load %arg10[%get3A_269, %get3A_270] {strides = array<i32>} : memref<40x128xf32, #tpu.memory_space<vmem>>, vector<16xf32>,
      %mul3A_272 = arith.mulf %get3A_271, %div3A : vector<16xf32>
      %swap3A_273 = arith.index_cast %scan3A_241 : i32 to index
      %swap3A_274 = arith.constant 48 : index
      %swap3A_275 = tpu.vector_load %arg10[%swap3A_273, %swap3A_274] {strides = array<i32>} : memref<40x128xf32, #tpu.memory_space<vmem>>, vector<16xf32>,
      tpu.vector_store %arg10[%swap3A_273, %swap3A_274], %mul3A_272 {strides = array<i32>} : memref<40x128xf32, #tpu.memory_space<vmem>>, vector<16xf32>,
      %get3A_276 = arith.index_cast %scan3A_241 : i32 to index
      %get3A_277 = arith.constant 64 : index
      %get3A_278 = tpu.vector_load %arg10[%get3A_276, %get3A_277] {strides = array<i32>} : memref<40x128xf32, #tpu.memory_space<vmem>>, vector<16xf32>,
      %mul3A_279 = arith.mulf %get3A_278, %div3A : vector<16xf32>
      %swap3A_280 = arith.index_cast %scan3A_241 : i32 to index
      %swap3A_281 = arith.constant 64 : index
      %swap3A_282 = tpu.vector_load %arg10[%swap3A_280, %swap3A_281] {strides = array<i32>} : memref<40x128xf32, #tpu.memory_space<vmem>>, vector<16xf32>,
      tpu.vector_store %arg10[%swap3A_280, %swap3A_281], %mul3A_279 {strides = array<i32>} : memref<40x128xf32, #tpu.memory_space<vmem>>, vector<16xf32>,
      %get3A_283 = arith.index_cast %scan3A_241 : i32 to index
      %get3A_284 = arith.constant 80 : index
      %get3A_285 = tpu.vector_load %arg10[%get3A_283, %get3A_284] {strides = array<i32>} : memref<40x128xf32, #tpu.memory_space<vmem>>, vector<16xf32>,
      %mul3A_286 = arith.mulf %get3A_285, %div3A : vector<16xf32>
      %swap3A_287 = arith.index_cast %scan3A_241 : i32 to index
      %swap3A_288 = arith.constant 80 : index
      %swap3A_289 = tpu.vector_load %arg10[%swap3A_287, %swap3A_288] {strides = array<i32>} : memref<40x128xf32, #tpu.memory_space<vmem>>, vector<16xf32>,
      tpu.vector_store %arg10[%swap3A_287, %swap3A_288], %mul3A_286 {strides = array<i32>} : memref<40x128xf32, #tpu.memory_space<vmem>>, vector<16xf32>,
      %get3A_290 = arith.index_cast %scan3A_241 : i32 to index
      %get3A_291 = arith.constant 96 : index
      %get3A_292 = tpu.vector_load %arg10[%get3A_290, %get3A_291] {strides = array<i32>} : memref<40x128xf32, #tpu.memory_space<vmem>>, vector<16xf32>,
      %mul3A_293 = arith.mulf %get3A_292, %div3A : vector<16xf32>
      %swap3A_294 = arith.index_cast %scan3A_241 : i32 to index
      %swap3A_295 = arith.constant 96 : index
      %swap3A_296 = tpu.vector_load %arg10[%swap3A_294, %swap3A_295] {strides = array<i32>} : memref<40x128xf32, #tpu.memory_space<vmem>>, vector<16xf32>,
      tpu.vector_store %arg10[%swap3A_294, %swap3A_295], %mul3A_293 {strides = array<i32>} : memref<40x128xf32, #tpu.memory_space<vmem>>, vector<16xf32>,
      %get3A_297 = arith.index_cast %scan3A_241 : i32 to index
      %get3A_298 = arith.constant 112 : index
      %get3A_299 = tpu.vector_load %arg10[%get3A_297, %get3A_298] {strides = array<i32>} : memref<40x128xf32, #tpu.memory_space<vmem>>, vector<16xf32>,
      %mul3A_300 = arith.mulf %get3A_299, %div3A : vector<16xf32>
      %swap3A_301 = arith.index_cast %scan3A_241 : i32 to index
      %swap3A_302 = arith.constant 112 : index
      %swap3A_303 = tpu.vector_load %arg10[%swap3A_301, %swap3A_302] {strides = array<i32>} : memref<40x128xf32, #tpu.memory_space<vmem>>, vector<16xf32>,
      tpu.vector_store %arg10[%swap3A_301, %swap3A_302], %mul3A_300 {strides = array<i32>} : memref<40x128xf32, #tpu.memory_space<vmem>>, vector<16xf32>,
    }
    %scan3A_160 = arith.constant 40 : i32
    %mul3A_161 = arith.constant 5120 : i32
    %mul3A_162 = arith.muli %arg0, %mul3A_161 : i32
    %add3A_163 = arith.addi %mul3A_162, %mul3A_120 : i32
    %add3A_164 = arith.constant 80 : i32
    %add3A_165 = arith.addi %add3A_163, %add3A_164 : i32
    "tpu.region"() ({
      %run_scoped3A = tpu.sem_alloc : memref<!tpu.dma_semaphore, #tpu.memory_space<semaphore_mem>>
      %dma_start3A_241 = arith.constant 0 : i32
      %dma_start3A_242 = arith.constant 0 : i32
      %dma_start3A_243 = tpu.memref_slice %arg10[%dma_start3A_241, %dma_start3A_242] : memref<40x128xf32, #tpu.memory_space<vmem>> -> memref<40x128xf32, #tpu.memory_space<vmem>>
      %dma_start3A_244 = arith.constant 0 : i32
      %dma_start3A_245 = tpu.memref_slice %arg6[%add3A_165, %dma_start3A_244] : memref<10240x128xf32, #tpu.memory_space<hbm>> -> memref<40x128xf32, #tpu.memory_space<hbm>>
      %dma_start3A_246 = arith.constant 0 : i32
      %dma_start3A_247 = tpu.memref_slice %arg6[%add3A_165, %dma_start3A_246] : memref<10240x128xf32, #tpu.memory_space<hbm>> -> memref<40x128xf32, #tpu.memory_space<hbm>>
      %dma_start3A_248 = arith.constant 0 : i32
      %dma_start3A_249 = arith.constant 0 : i32
      %dma_start3A_250 = tpu.memref_slice %arg10[%dma_start3A_248, %dma_start3A_249] : memref<40x128xf32, #tpu.memory_space<vmem>> -> memref<40x128xf32, #tpu.memory_space<vmem>>
      tpu.enqueue_dma source(%dma_start3A_250 : memref<40x128xf32, #tpu.memory_space<vmem>>) target(%dma_start3A_247 : memref<40x128xf32, #tpu.memory_space<hbm>>) target_semaphore(%run_scoped3A : memref<!tpu.dma_semaphore, #tpu.memory_space<semaphore_mem>>)
      %dma_wait3A_251 = arith.constant 0 : i32
      %dma_wait3A_252 = arith.constant 0 : i32
      %dma_wait3A_253 = tpu.memref_slice %arg10[%dma_wait3A_251, %dma_wait3A_252] : memref<40x128xf32, #tpu.memory_space<vmem>> -> memref<40x128xf32, #tpu.memory_space<vmem>>
      %dma_wait3A_254 = arith.constant 0 : i32
      %dma_wait3A_255 = tpu.memref_slice %arg6[%add3A_165, %dma_wait3A_254] : memref<10240x128xf32, #tpu.memory_space<hbm>> -> memref<40x128xf32, #tpu.memory_space<hbm>>
      %dma_wait3A_256 = arith.constant 0 : i32
      %dma_wait3A_257 = tpu.memref_slice %arg6[%add3A_165, %dma_wait3A_256] : memref<10240x128xf32, #tpu.memory_space<hbm>> -> memref<40x128xf32, #tpu.memory_space<hbm>>
      %dma_wait3A_258 = arith.constant 0 : i32
      %dma_wait3A_259 = arith.constant 0 : i32
      %dma_wait3A_260 = tpu.memref_slice %arg10[%dma_wait3A_258, %dma_wait3A_259] : memref<40x128xf32, #tpu.memory_space<vmem>> -> memref<40x128xf32, #tpu.memory_space<vmem>>
      tpu.wait_dma2 semaphore(%run_scoped3A : memref<!tpu.dma_semaphore, #tpu.memory_space<semaphore_mem>>) src(%dma_wait3A_260 : memref<40x128xf32, #tpu.memory_space<vmem>>) dst(%dma_wait3A_257 : memref<40x128xf32, #tpu.memory_space<hbm>>)
      tpu.yield
    }) : () -> ()
    %add3A_166 = arith.constant 120 : i32
    %add3A_167 = arith.addi %mul3A_120, %add3A_166 : i32
    "tpu.region"() ({
      %run_scoped3A = tpu.sem_alloc : memref<!tpu.dma_semaphore, #tpu.memory_space<semaphore_mem>>
      %dma_start3A_241 = arith.constant 0 : i32
      %dma_start3A_242 = arith.constant 0 : i32
      %dma_start3A_243 = tpu.memref_slice %arg10[%dma_start3A_241, %dma_start3A_242] : memref<40x128xf32, #tpu.memory_space<vmem>> -> memref<40x128xf32, #tpu.memory_space<vmem>>
      %dma_start3A_244 = arith.constant 0 : i32
      %dma_start3A_245 = tpu.memref_slice %arg22[%add3A_167, %dma_start3A_244] : memref<5248x128xf32, #tpu.memory_space<vmem_shared>> -> memref<40x128xf32, #tpu.memory_space<vmem_shared>>
      %dma_start3A_246 = arith.constant 0 : i32
      %dma_start3A_247 = arith.constant 0 : i32
      %dma_start3A_248 = tpu.memref_slice %arg10[%dma_start3A_246, %dma_start3A_247] : memref<40x128xf32, #tpu.memory_space<vmem>> -> memref<40x128xf32, #tpu.memory_space<vmem>>
      %dma_start3A_249 = arith.constant 0 : i32
      %dma_start3A_250 = tpu.memref_slice %arg22[%add3A_167, %dma_start3A_249] : memref<5248x128xf32, #tpu.memory_space<vmem_shared>> -> memref<40x128xf32, #tpu.memory_space<vmem_shared>>
      tpu.enqueue_dma source(%dma_start3A_250 : memref<40x128xf32, #tpu.memory_space<vmem_shared>>) target(%dma_start3A_248 : memref<40x128xf32, #tpu.memory_space<vmem>>) target_semaphore(%run_scoped3A : memref<!tpu.dma_semaphore, #tpu.memory_space<semaphore_mem>>)
      %dma_wait3A_251 = arith.constant 0 : i32
      %dma_wait3A_252 = arith.constant 0 : i32
      %dma_wait3A_253 = tpu.memref_slice %arg10[%dma_wait3A_251, %dma_wait3A_252] : memref<40x128xf32, #tpu.memory_space<vmem>> -> memref<40x128xf32, #tpu.memory_space<vmem>>
      %dma_wait3A_254 = arith.constant 0 : i32
      %dma_wait3A_255 = tpu.memref_slice %arg22[%add3A_167, %dma_wait3A_254] : memref<5248x128xf32, #tpu.memory_space<vmem_shared>> -> memref<40x128xf32, #tpu.memory_space<vmem_shared>>
      %dma_wait3A_256 = arith.constant 0 : i32
      %dma_wait3A_257 = arith.constant 0 : i32
      %dma_wait3A_258 = tpu.memref_slice %arg10[%dma_wait3A_256, %dma_wait3A_257] : memref<40x128xf32, #tpu.memory_space<vmem>> -> memref<40x128xf32, #tpu.memory_space<vmem>>
      %dma_wait3A_259 = arith.constant 0 : i32
      %dma_wait3A_260 = tpu.memref_slice %arg22[%add3A_167, %dma_wait3A_259] : memref<5248x128xf32, #tpu.memory_space<vmem_shared>> -> memref<40x128xf32, #tpu.memory_space<vmem_shared>>
      tpu.wait_dma2 semaphore(%run_scoped3A : memref<!tpu.dma_semaphore, #tpu.memory_space<semaphore_mem>>) src(%dma_wait3A_260 : memref<40x128xf32, #tpu.memory_space<vmem_shared>>) dst(%dma_wait3A_258 : memref<40x128xf32, #tpu.memory_space<vmem>>)
      tpu.yield
    }) : () -> ()
    %add3A_168 = arith.constant 120 : i32
    %add3A_169 = arith.addi %mul3A_120, %add3A_168 : i32
    "tpu.region"() ({
      %run_scoped3A = tpu.sem_alloc : memref<!tpu.dma_semaphore, #tpu.memory_space<semaphore_mem>>
      %dma_start3A_241 = arith.constant 0 : i32
      %dma_start3A_242 = arith.constant 0 : i32
      %dma_start3A_243 = tpu.memref_slice %arg13[%dma_start3A_241, %dma_start3A_242] : memref<40x128xf32, #tpu.memory_space<vmem>> -> memref<40x128xf32, #tpu.memory_space<vmem>>
      %dma_start3A_244 = arith.constant 0 : i32
      %dma_start3A_245 = tpu.memref_slice %arg23[%add3A_169, %dma_start3A_244] : memref<5248x128xf32, #tpu.memory_space<vmem_shared>> -> memref<40x128xf32, #tpu.memory_space<vmem_shared>>
      %dma_start3A_246 = arith.constant 0 : i32
      %dma_start3A_247 = arith.constant 0 : i32
      %dma_start3A_248 = tpu.memref_slice %arg13[%dma_start3A_246, %dma_start3A_247] : memref<40x128xf32, #tpu.memory_space<vmem>> -> memref<40x128xf32, #tpu.memory_space<vmem>>
      %dma_start3A_249 = arith.constant 0 : i32
      %dma_start3A_250 = tpu.memref_slice %arg23[%add3A_169, %dma_start3A_249] : memref<5248x128xf32, #tpu.memory_space<vmem_shared>> -> memref<40x128xf32, #tpu.memory_space<vmem_shared>>
      tpu.enqueue_dma source(%dma_start3A_250 : memref<40x128xf32, #tpu.memory_space<vmem_shared>>) target(%dma_start3A_248 : memref<40x128xf32, #tpu.memory_space<vmem>>) target_semaphore(%run_scoped3A : memref<!tpu.dma_semaphore, #tpu.memory_space<semaphore_mem>>)
      %dma_wait3A_251 = arith.constant 0 : i32
      %dma_wait3A_252 = arith.constant 0 : i32
      %dma_wait3A_253 = tpu.memref_slice %arg13[%dma_wait3A_251, %dma_wait3A_252] : memref<40x128xf32, #tpu.memory_space<vmem>> -> memref<40x128xf32, #tpu.memory_space<vmem>>
      %dma_wait3A_254 = arith.constant 0 : i32
      %dma_wait3A_255 = tpu.memref_slice %arg23[%add3A_169, %dma_wait3A_254] : memref<5248x128xf32, #tpu.memory_space<vmem_shared>> -> memref<40x128xf32, #tpu.memory_space<vmem_shared>>
      %dma_wait3A_256 = arith.constant 0 : i32
      %dma_wait3A_257 = arith.constant 0 : i32
      %dma_wait3A_258 = tpu.memref_slice %arg13[%dma_wait3A_256, %dma_wait3A_257] : memref<40x128xf32, #tpu.memory_space<vmem>> -> memref<40x128xf32, #tpu.memory_space<vmem>>
      %dma_wait3A_259 = arith.constant 0 : i32
      %dma_wait3A_260 = tpu.memref_slice %arg23[%add3A_169, %dma_wait3A_259] : memref<5248x128xf32, #tpu.memory_space<vmem_shared>> -> memref<40x128xf32, #tpu.memory_space<vmem_shared>>
      tpu.wait_dma2 semaphore(%run_scoped3A : memref<!tpu.dma_semaphore, #tpu.memory_space<semaphore_mem>>) src(%dma_wait3A_260 : memref<40x128xf32, #tpu.memory_space<vmem_shared>>) dst(%dma_wait3A_258 : memref<40x128xf32, #tpu.memory_space<vmem>>)
      tpu.yield
    }) : () -> ()
    %scan3A_170 = arith.constant 0 : i32
    %scan3A_171 = arith.constant 0 : i32
    %scan3A_172 = arith.constant 40 : i32
    %scan3A_173 = arith.addi %scan3A_171, %scan3A_172 : i32
    %scan3A_174 = arith.constant 1 : i32
    scf.for %scan3A_241 = %scan3A_171 to %scan3A_173 step %scan3A_174  : i32 {
      %get3A_242 = arith.index_cast %scan3A_241 : i32 to index
      %get3A_243 = arith.constant 0 : index
      %get3A_244 = tpu.vector_load %arg13[%get3A_242, %get3A_243] {strides = array<i32>} : memref<40x128xf32, #tpu.memory_space<vmem>>, vector<16xf32>,
      %broadcast_in_dim3A = arith.constant 1.000000e+00 : f32
      %broadcast_in_dim3A_245 = vector.broadcast %broadcast_in_dim3A : f32 to vector<16xf32>
      %gt3A = arith.constant 0.000000e+00 : f32
      %gt3A_246 = vector.broadcast %gt3A : f32 to vector<16xf32>
      %gt3A_247 = arith.cmpf ogt, %get3A_244, %gt3A_246 : vector<16xf32>
      %jit3A = arith.constant 1.000000e+00 : f32
      %broadcast_in_dim3A_248 = vector.broadcast %jit3A : f32 to vector<16xf32>
      %select_n3A = arith.select %gt3A_247, %get3A_244, %broadcast_in_dim3A_248 : vector<16xi1>, vector<16xf32>
      %div3A = arith.divf %broadcast_in_dim3A_245, %select_n3A : vector<16xf32>
      %get3A_249 = arith.index_cast %scan3A_241 : i32 to index
      %get3A_250 = arith.constant 0 : index
      %get3A_251 = tpu.vector_load %arg10[%get3A_249, %get3A_250] {strides = array<i32>} : memref<40x128xf32, #tpu.memory_space<vmem>>, vector<16xf32>,
      %mul3A_252 = arith.mulf %get3A_251, %div3A : vector<16xf32>
      %swap3A = arith.index_cast %scan3A_241 : i32 to index
      %swap3A_253 = arith.constant 0 : index
      %swap3A_254 = tpu.vector_load %arg10[%swap3A, %swap3A_253] {strides = array<i32>} : memref<40x128xf32, #tpu.memory_space<vmem>>, vector<16xf32>,
      tpu.vector_store %arg10[%swap3A, %swap3A_253], %mul3A_252 {strides = array<i32>} : memref<40x128xf32, #tpu.memory_space<vmem>>, vector<16xf32>,
      %get3A_255 = arith.index_cast %scan3A_241 : i32 to index
      %get3A_256 = arith.constant 16 : index
      %get3A_257 = tpu.vector_load %arg10[%get3A_255, %get3A_256] {strides = array<i32>} : memref<40x128xf32, #tpu.memory_space<vmem>>, vector<16xf32>,
      %mul3A_258 = arith.mulf %get3A_257, %div3A : vector<16xf32>
      %swap3A_259 = arith.index_cast %scan3A_241 : i32 to index
      %swap3A_260 = arith.constant 16 : index
      %swap3A_261 = tpu.vector_load %arg10[%swap3A_259, %swap3A_260] {strides = array<i32>} : memref<40x128xf32, #tpu.memory_space<vmem>>, vector<16xf32>,
      tpu.vector_store %arg10[%swap3A_259, %swap3A_260], %mul3A_258 {strides = array<i32>} : memref<40x128xf32, #tpu.memory_space<vmem>>, vector<16xf32>,
      %get3A_262 = arith.index_cast %scan3A_241 : i32 to index
      %get3A_263 = arith.constant 32 : index
      %get3A_264 = tpu.vector_load %arg10[%get3A_262, %get3A_263] {strides = array<i32>} : memref<40x128xf32, #tpu.memory_space<vmem>>, vector<16xf32>,
      %mul3A_265 = arith.mulf %get3A_264, %div3A : vector<16xf32>
      %swap3A_266 = arith.index_cast %scan3A_241 : i32 to index
      %swap3A_267 = arith.constant 32 : index
      %swap3A_268 = tpu.vector_load %arg10[%swap3A_266, %swap3A_267] {strides = array<i32>} : memref<40x128xf32, #tpu.memory_space<vmem>>, vector<16xf32>,
      tpu.vector_store %arg10[%swap3A_266, %swap3A_267], %mul3A_265 {strides = array<i32>} : memref<40x128xf32, #tpu.memory_space<vmem>>, vector<16xf32>,
      %get3A_269 = arith.index_cast %scan3A_241 : i32 to index
      %get3A_270 = arith.constant 48 : index
      %get3A_271 = tpu.vector_load %arg10[%get3A_269, %get3A_270] {strides = array<i32>} : memref<40x128xf32, #tpu.memory_space<vmem>>, vector<16xf32>,
      %mul3A_272 = arith.mulf %get3A_271, %div3A : vector<16xf32>
      %swap3A_273 = arith.index_cast %scan3A_241 : i32 to index
      %swap3A_274 = arith.constant 48 : index
      %swap3A_275 = tpu.vector_load %arg10[%swap3A_273, %swap3A_274] {strides = array<i32>} : memref<40x128xf32, #tpu.memory_space<vmem>>, vector<16xf32>,
      tpu.vector_store %arg10[%swap3A_273, %swap3A_274], %mul3A_272 {strides = array<i32>} : memref<40x128xf32, #tpu.memory_space<vmem>>, vector<16xf32>,
      %get3A_276 = arith.index_cast %scan3A_241 : i32 to index
      %get3A_277 = arith.constant 64 : index
      %get3A_278 = tpu.vector_load %arg10[%get3A_276, %get3A_277] {strides = array<i32>} : memref<40x128xf32, #tpu.memory_space<vmem>>, vector<16xf32>,
      %mul3A_279 = arith.mulf %get3A_278, %div3A : vector<16xf32>
      %swap3A_280 = arith.index_cast %scan3A_241 : i32 to index
      %swap3A_281 = arith.constant 64 : index
      %swap3A_282 = tpu.vector_load %arg10[%swap3A_280, %swap3A_281] {strides = array<i32>} : memref<40x128xf32, #tpu.memory_space<vmem>>, vector<16xf32>,
      tpu.vector_store %arg10[%swap3A_280, %swap3A_281], %mul3A_279 {strides = array<i32>} : memref<40x128xf32, #tpu.memory_space<vmem>>, vector<16xf32>,
      %get3A_283 = arith.index_cast %scan3A_241 : i32 to index
      %get3A_284 = arith.constant 80 : index
      %get3A_285 = tpu.vector_load %arg10[%get3A_283, %get3A_284] {strides = array<i32>} : memref<40x128xf32, #tpu.memory_space<vmem>>, vector<16xf32>,
      %mul3A_286 = arith.mulf %get3A_285, %div3A : vector<16xf32>
      %swap3A_287 = arith.index_cast %scan3A_241 : i32 to index
      %swap3A_288 = arith.constant 80 : index
      %swap3A_289 = tpu.vector_load %arg10[%swap3A_287, %swap3A_288] {strides = array<i32>} : memref<40x128xf32, #tpu.memory_space<vmem>>, vector<16xf32>,
      tpu.vector_store %arg10[%swap3A_287, %swap3A_288], %mul3A_286 {strides = array<i32>} : memref<40x128xf32, #tpu.memory_space<vmem>>, vector<16xf32>,
      %get3A_290 = arith.index_cast %scan3A_241 : i32 to index
      %get3A_291 = arith.constant 96 : index
      %get3A_292 = tpu.vector_load %arg10[%get3A_290, %get3A_291] {strides = array<i32>} : memref<40x128xf32, #tpu.memory_space<vmem>>, vector<16xf32>,
      %mul3A_293 = arith.mulf %get3A_292, %div3A : vector<16xf32>
      %swap3A_294 = arith.index_cast %scan3A_241 : i32 to index
      %swap3A_295 = arith.constant 96 : index
      %swap3A_296 = tpu.vector_load %arg10[%swap3A_294, %swap3A_295] {strides = array<i32>} : memref<40x128xf32, #tpu.memory_space<vmem>>, vector<16xf32>,
      tpu.vector_store %arg10[%swap3A_294, %swap3A_295], %mul3A_293 {strides = array<i32>} : memref<40x128xf32, #tpu.memory_space<vmem>>, vector<16xf32>,
      %get3A_297 = arith.index_cast %scan3A_241 : i32 to index
      %get3A_298 = arith.constant 112 : index
      %get3A_299 = tpu.vector_load %arg10[%get3A_297, %get3A_298] {strides = array<i32>} : memref<40x128xf32, #tpu.memory_space<vmem>>, vector<16xf32>,
      %mul3A_300 = arith.mulf %get3A_299, %div3A : vector<16xf32>
      %swap3A_301 = arith.index_cast %scan3A_241 : i32 to index
      %swap3A_302 = arith.constant 112 : index
      %swap3A_303 = tpu.vector_load %arg10[%swap3A_301, %swap3A_302] {strides = array<i32>} : memref<40x128xf32, #tpu.memory_space<vmem>>, vector<16xf32>,
      tpu.vector_store %arg10[%swap3A_301, %swap3A_302], %mul3A_300 {strides = array<i32>} : memref<40x128xf32, #tpu.memory_space<vmem>>, vector<16xf32>,
    }
    %scan3A_175 = arith.constant 40 : i32
    %mul3A_176 = arith.constant 5120 : i32
    %mul3A_177 = arith.muli %arg0, %mul3A_176 : i32
    %add3A_178 = arith.addi %mul3A_177, %mul3A_120 : i32
    %add3A_179 = arith.constant 120 : i32
    %add3A_180 = arith.addi %add3A_178, %add3A_179 : i32
    "tpu.region"() ({
      %run_scoped3A = tpu.sem_alloc : memref<!tpu.dma_semaphore, #tpu.memory_space<semaphore_mem>>
      %dma_start3A_241 = arith.constant 0 : i32
      %dma_start3A_242 = arith.constant 0 : i32
      %dma_start3A_243 = tpu.memref_slice %arg10[%dma_start3A_241, %dma_start3A_242] : memref<40x128xf32, #tpu.memory_space<vmem>> -> memref<40x128xf32, #tpu.memory_space<vmem>>
      %dma_start3A_244 = arith.constant 0 : i32
      %dma_start3A_245 = tpu.memref_slice %arg6[%add3A_180, %dma_start3A_244] : memref<10240x128xf32, #tpu.memory_space<hbm>> -> memref<40x128xf32, #tpu.memory_space<hbm>>
      %dma_start3A_246 = arith.constant 0 : i32
      %dma_start3A_247 = tpu.memref_slice %arg6[%add3A_180, %dma_start3A_246] : memref<10240x128xf32, #tpu.memory_space<hbm>> -> memref<40x128xf32, #tpu.memory_space<hbm>>
      %dma_start3A_248 = arith.constant 0 : i32
      %dma_start3A_249 = arith.constant 0 : i32
      %dma_start3A_250 = tpu.memref_slice %arg10[%dma_start3A_248, %dma_start3A_249] : memref<40x128xf32, #tpu.memory_space<vmem>> -> memref<40x128xf32, #tpu.memory_space<vmem>>
      tpu.enqueue_dma source(%dma_start3A_250 : memref<40x128xf32, #tpu.memory_space<vmem>>) target(%dma_start3A_247 : memref<40x128xf32, #tpu.memory_space<hbm>>) target_semaphore(%run_scoped3A : memref<!tpu.dma_semaphore, #tpu.memory_space<semaphore_mem>>)
      %dma_wait3A_251 = arith.constant 0 : i32
      %dma_wait3A_252 = arith.constant 0 : i32
      %dma_wait3A_253 = tpu.memref_slice %arg10[%dma_wait3A_251, %dma_wait3A_252] : memref<40x128xf32, #tpu.memory_space<vmem>> -> memref<40x128xf32, #tpu.memory_space<vmem>>
      %dma_wait3A_254 = arith.constant 0 : i32
      %dma_wait3A_255 = tpu.memref_slice %arg6[%add3A_180, %dma_wait3A_254] : memref<10240x128xf32, #tpu.memory_space<hbm>> -> memref<40x128xf32, #tpu.memory_space<hbm>>
      %dma_wait3A_256 = arith.constant 0 : i32
      %dma_wait3A_257 = tpu.memref_slice %arg6[%add3A_180, %dma_wait3A_256] : memref<10240x128xf32, #tpu.memory_space<hbm>> -> memref<40x128xf32, #tpu.memory_space<hbm>>
      %dma_wait3A_258 = arith.constant 0 : i32
      %dma_wait3A_259 = arith.constant 0 : i32
      %dma_wait3A_260 = tpu.memref_slice %arg10[%dma_wait3A_258, %dma_wait3A_259] : memref<40x128xf32, #tpu.memory_space<vmem>> -> memref<40x128xf32, #tpu.memory_space<vmem>>
      tpu.wait_dma2 semaphore(%run_scoped3A : memref<!tpu.dma_semaphore, #tpu.memory_space<semaphore_mem>>) src(%dma_wait3A_260 : memref<40x128xf32, #tpu.memory_space<vmem>>) dst(%dma_wait3A_257 : memref<40x128xf32, #tpu.memory_space<hbm>>)
      tpu.yield
    }) : () -> ()
    %add3A_181 = arith.constant 160 : i32
    %add3A_182 = arith.addi %mul3A_120, %add3A_181 : i32
    "tpu.region"() ({
      %run_scoped3A = tpu.sem_alloc : memref<!tpu.dma_semaphore, #tpu.memory_space<semaphore_mem>>
      %dma_start3A_241 = arith.constant 0 : i32
      %dma_start3A_242 = arith.constant 0 : i32
      %dma_start3A_243 = tpu.memref_slice %arg10[%dma_start3A_241, %dma_start3A_242] : memref<40x128xf32, #tpu.memory_space<vmem>> -> memref<40x128xf32, #tpu.memory_space<vmem>>
      %dma_start3A_244 = arith.constant 0 : i32
      %dma_start3A_245 = tpu.memref_slice %arg22[%add3A_182, %dma_start3A_244] : memref<5248x128xf32, #tpu.memory_space<vmem_shared>> -> memref<40x128xf32, #tpu.memory_space<vmem_shared>>
      %dma_start3A_246 = arith.constant 0 : i32
      %dma_start3A_247 = arith.constant 0 : i32
      %dma_start3A_248 = tpu.memref_slice %arg10[%dma_start3A_246, %dma_start3A_247] : memref<40x128xf32, #tpu.memory_space<vmem>> -> memref<40x128xf32, #tpu.memory_space<vmem>>
      %dma_start3A_249 = arith.constant 0 : i32
      %dma_start3A_250 = tpu.memref_slice %arg22[%add3A_182, %dma_start3A_249] : memref<5248x128xf32, #tpu.memory_space<vmem_shared>> -> memref<40x128xf32, #tpu.memory_space<vmem_shared>>
      tpu.enqueue_dma source(%dma_start3A_250 : memref<40x128xf32, #tpu.memory_space<vmem_shared>>) target(%dma_start3A_248 : memref<40x128xf32, #tpu.memory_space<vmem>>) target_semaphore(%run_scoped3A : memref<!tpu.dma_semaphore, #tpu.memory_space<semaphore_mem>>)
      %dma_wait3A_251 = arith.constant 0 : i32
      %dma_wait3A_252 = arith.constant 0 : i32
      %dma_wait3A_253 = tpu.memref_slice %arg10[%dma_wait3A_251, %dma_wait3A_252] : memref<40x128xf32, #tpu.memory_space<vmem>> -> memref<40x128xf32, #tpu.memory_space<vmem>>
      %dma_wait3A_254 = arith.constant 0 : i32
      %dma_wait3A_255 = tpu.memref_slice %arg22[%add3A_182, %dma_wait3A_254] : memref<5248x128xf32, #tpu.memory_space<vmem_shared>> -> memref<40x128xf32, #tpu.memory_space<vmem_shared>>
      %dma_wait3A_256 = arith.constant 0 : i32
      %dma_wait3A_257 = arith.constant 0 : i32
      %dma_wait3A_258 = tpu.memref_slice %arg10[%dma_wait3A_256, %dma_wait3A_257] : memref<40x128xf32, #tpu.memory_space<vmem>> -> memref<40x128xf32, #tpu.memory_space<vmem>>
      %dma_wait3A_259 = arith.constant 0 : i32
      %dma_wait3A_260 = tpu.memref_slice %arg22[%add3A_182, %dma_wait3A_259] : memref<5248x128xf32, #tpu.memory_space<vmem_shared>> -> memref<40x128xf32, #tpu.memory_space<vmem_shared>>
      tpu.wait_dma2 semaphore(%run_scoped3A : memref<!tpu.dma_semaphore, #tpu.memory_space<semaphore_mem>>) src(%dma_wait3A_260 : memref<40x128xf32, #tpu.memory_space<vmem_shared>>) dst(%dma_wait3A_258 : memref<40x128xf32, #tpu.memory_space<vmem>>)
      tpu.yield
    }) : () -> ()
    %add3A_183 = arith.constant 160 : i32
    %add3A_184 = arith.addi %mul3A_120, %add3A_183 : i32
    "tpu.region"() ({
      %run_scoped3A = tpu.sem_alloc : memref<!tpu.dma_semaphore, #tpu.memory_space<semaphore_mem>>
      %dma_start3A_241 = arith.constant 0 : i32
      %dma_start3A_242 = arith.constant 0 : i32
      %dma_start3A_243 = tpu.memref_slice %arg13[%dma_start3A_241, %dma_start3A_242] : memref<40x128xf32, #tpu.memory_space<vmem>> -> memref<40x128xf32, #tpu.memory_space<vmem>>
      %dma_start3A_244 = arith.constant 0 : i32
      %dma_start3A_245 = tpu.memref_slice %arg23[%add3A_184, %dma_start3A_244] : memref<5248x128xf32, #tpu.memory_space<vmem_shared>> -> memref<40x128xf32, #tpu.memory_space<vmem_shared>>
      %dma_start3A_246 = arith.constant 0 : i32
      %dma_start3A_247 = arith.constant 0 : i32
      %dma_start3A_248 = tpu.memref_slice %arg13[%dma_start3A_246, %dma_start3A_247] : memref<40x128xf32, #tpu.memory_space<vmem>> -> memref<40x128xf32, #tpu.memory_space<vmem>>
      %dma_start3A_249 = arith.constant 0 : i32
      %dma_start3A_250 = tpu.memref_slice %arg23[%add3A_184, %dma_start3A_249] : memref<5248x128xf32, #tpu.memory_space<vmem_shared>> -> memref<40x128xf32, #tpu.memory_space<vmem_shared>>
      tpu.enqueue_dma source(%dma_start3A_250 : memref<40x128xf32, #tpu.memory_space<vmem_shared>>) target(%dma_start3A_248 : memref<40x128xf32, #tpu.memory_space<vmem>>) target_semaphore(%run_scoped3A : memref<!tpu.dma_semaphore, #tpu.memory_space<semaphore_mem>>)
      %dma_wait3A_251 = arith.constant 0 : i32
      %dma_wait3A_252 = arith.constant 0 : i32
      %dma_wait3A_253 = tpu.memref_slice %arg13[%dma_wait3A_251, %dma_wait3A_252] : memref<40x128xf32, #tpu.memory_space<vmem>> -> memref<40x128xf32, #tpu.memory_space<vmem>>
      %dma_wait3A_254 = arith.constant 0 : i32
      %dma_wait3A_255 = tpu.memref_slice %arg23[%add3A_184, %dma_wait3A_254] : memref<5248x128xf32, #tpu.memory_space<vmem_shared>> -> memref<40x128xf32, #tpu.memory_space<vmem_shared>>
      %dma_wait3A_256 = arith.constant 0 : i32
      %dma_wait3A_257 = arith.constant 0 : i32
      %dma_wait3A_258 = tpu.memref_slice %arg13[%dma_wait3A_256, %dma_wait3A_257] : memref<40x128xf32, #tpu.memory_space<vmem>> -> memref<40x128xf32, #tpu.memory_space<vmem>>
      %dma_wait3A_259 = arith.constant 0 : i32
      %dma_wait3A_260 = tpu.memref_slice %arg23[%add3A_184, %dma_wait3A_259] : memref<5248x128xf32, #tpu.memory_space<vmem_shared>> -> memref<40x128xf32, #tpu.memory_space<vmem_shared>>
      tpu.wait_dma2 semaphore(%run_scoped3A : memref<!tpu.dma_semaphore, #tpu.memory_space<semaphore_mem>>) src(%dma_wait3A_260 : memref<40x128xf32, #tpu.memory_space<vmem_shared>>) dst(%dma_wait3A_258 : memref<40x128xf32, #tpu.memory_space<vmem>>)
      tpu.yield
    }) : () -> ()
    %scan3A_185 = arith.constant 0 : i32
    %scan3A_186 = arith.constant 0 : i32
    %scan3A_187 = arith.constant 40 : i32
    %scan3A_188 = arith.addi %scan3A_186, %scan3A_187 : i32
    %scan3A_189 = arith.constant 1 : i32
    scf.for %scan3A_241 = %scan3A_186 to %scan3A_188 step %scan3A_189  : i32 {
      %get3A_242 = arith.index_cast %scan3A_241 : i32 to index
      %get3A_243 = arith.constant 0 : index
      %get3A_244 = tpu.vector_load %arg13[%get3A_242, %get3A_243] {strides = array<i32>} : memref<40x128xf32, #tpu.memory_space<vmem>>, vector<16xf32>,
      %broadcast_in_dim3A = arith.constant 1.000000e+00 : f32
      %broadcast_in_dim3A_245 = vector.broadcast %broadcast_in_dim3A : f32 to vector<16xf32>
      %gt3A = arith.constant 0.000000e+00 : f32
      %gt3A_246 = vector.broadcast %gt3A : f32 to vector<16xf32>
      %gt3A_247 = arith.cmpf ogt, %get3A_244, %gt3A_246 : vector<16xf32>
      %jit3A = arith.constant 1.000000e+00 : f32
      %broadcast_in_dim3A_248 = vector.broadcast %jit3A : f32 to vector<16xf32>
      %select_n3A = arith.select %gt3A_247, %get3A_244, %broadcast_in_dim3A_248 : vector<16xi1>, vector<16xf32>
      %div3A = arith.divf %broadcast_in_dim3A_245, %select_n3A : vector<16xf32>
      %get3A_249 = arith.index_cast %scan3A_241 : i32 to index
      %get3A_250 = arith.constant 0 : index
      %get3A_251 = tpu.vector_load %arg10[%get3A_249, %get3A_250] {strides = array<i32>} : memref<40x128xf32, #tpu.memory_space<vmem>>, vector<16xf32>,
      %mul3A_252 = arith.mulf %get3A_251, %div3A : vector<16xf32>
      %swap3A = arith.index_cast %scan3A_241 : i32 to index
      %swap3A_253 = arith.constant 0 : index
      %swap3A_254 = tpu.vector_load %arg10[%swap3A, %swap3A_253] {strides = array<i32>} : memref<40x128xf32, #tpu.memory_space<vmem>>, vector<16xf32>,
      tpu.vector_store %arg10[%swap3A, %swap3A_253], %mul3A_252 {strides = array<i32>} : memref<40x128xf32, #tpu.memory_space<vmem>>, vector<16xf32>,
      %get3A_255 = arith.index_cast %scan3A_241 : i32 to index
      %get3A_256 = arith.constant 16 : index
      %get3A_257 = tpu.vector_load %arg10[%get3A_255, %get3A_256] {strides = array<i32>} : memref<40x128xf32, #tpu.memory_space<vmem>>, vector<16xf32>,
      %mul3A_258 = arith.mulf %get3A_257, %div3A : vector<16xf32>
      %swap3A_259 = arith.index_cast %scan3A_241 : i32 to index
      %swap3A_260 = arith.constant 16 : index
      %swap3A_261 = tpu.vector_load %arg10[%swap3A_259, %swap3A_260] {strides = array<i32>} : memref<40x128xf32, #tpu.memory_space<vmem>>, vector<16xf32>,
      tpu.vector_store %arg10[%swap3A_259, %swap3A_260], %mul3A_258 {strides = array<i32>} : memref<40x128xf32, #tpu.memory_space<vmem>>, vector<16xf32>,
      %get3A_262 = arith.index_cast %scan3A_241 : i32 to index
      %get3A_263 = arith.constant 32 : index
      %get3A_264 = tpu.vector_load %arg10[%get3A_262, %get3A_263] {strides = array<i32>} : memref<40x128xf32, #tpu.memory_space<vmem>>, vector<16xf32>,
      %mul3A_265 = arith.mulf %get3A_264, %div3A : vector<16xf32>
      %swap3A_266 = arith.index_cast %scan3A_241 : i32 to index
      %swap3A_267 = arith.constant 32 : index
      %swap3A_268 = tpu.vector_load %arg10[%swap3A_266, %swap3A_267] {strides = array<i32>} : memref<40x128xf32, #tpu.memory_space<vmem>>, vector<16xf32>,
      tpu.vector_store %arg10[%swap3A_266, %swap3A_267], %mul3A_265 {strides = array<i32>} : memref<40x128xf32, #tpu.memory_space<vmem>>, vector<16xf32>,
      %get3A_269 = arith.index_cast %scan3A_241 : i32 to index
      %get3A_270 = arith.constant 48 : index
      %get3A_271 = tpu.vector_load %arg10[%get3A_269, %get3A_270] {strides = array<i32>} : memref<40x128xf32, #tpu.memory_space<vmem>>, vector<16xf32>,
      %mul3A_272 = arith.mulf %get3A_271, %div3A : vector<16xf32>
      %swap3A_273 = arith.index_cast %scan3A_241 : i32 to index
      %swap3A_274 = arith.constant 48 : index
      %swap3A_275 = tpu.vector_load %arg10[%swap3A_273, %swap3A_274] {strides = array<i32>} : memref<40x128xf32, #tpu.memory_space<vmem>>, vector<16xf32>,
      tpu.vector_store %arg10[%swap3A_273, %swap3A_274], %mul3A_272 {strides = array<i32>} : memref<40x128xf32, #tpu.memory_space<vmem>>, vector<16xf32>,
      %get3A_276 = arith.index_cast %scan3A_241 : i32 to index
      %get3A_277 = arith.constant 64 : index
      %get3A_278 = tpu.vector_load %arg10[%get3A_276, %get3A_277] {strides = array<i32>} : memref<40x128xf32, #tpu.memory_space<vmem>>, vector<16xf32>,
      %mul3A_279 = arith.mulf %get3A_278, %div3A : vector<16xf32>
      %swap3A_280 = arith.index_cast %scan3A_241 : i32 to index
      %swap3A_281 = arith.constant 64 : index
      %swap3A_282 = tpu.vector_load %arg10[%swap3A_280, %swap3A_281] {strides = array<i32>} : memref<40x128xf32, #tpu.memory_space<vmem>>, vector<16xf32>,
      tpu.vector_store %arg10[%swap3A_280, %swap3A_281], %mul3A_279 {strides = array<i32>} : memref<40x128xf32, #tpu.memory_space<vmem>>, vector<16xf32>,
      %get3A_283 = arith.index_cast %scan3A_241 : i32 to index
      %get3A_284 = arith.constant 80 : index
      %get3A_285 = tpu.vector_load %arg10[%get3A_283, %get3A_284] {strides = array<i32>} : memref<40x128xf32, #tpu.memory_space<vmem>>, vector<16xf32>,
      %mul3A_286 = arith.mulf %get3A_285, %div3A : vector<16xf32>
      %swap3A_287 = arith.index_cast %scan3A_241 : i32 to index
      %swap3A_288 = arith.constant 80 : index
      %swap3A_289 = tpu.vector_load %arg10[%swap3A_287, %swap3A_288] {strides = array<i32>} : memref<40x128xf32, #tpu.memory_space<vmem>>, vector<16xf32>,
      tpu.vector_store %arg10[%swap3A_287, %swap3A_288], %mul3A_286 {strides = array<i32>} : memref<40x128xf32, #tpu.memory_space<vmem>>, vector<16xf32>,
      %get3A_290 = arith.index_cast %scan3A_241 : i32 to index
      %get3A_291 = arith.constant 96 : index
      %get3A_292 = tpu.vector_load %arg10[%get3A_290, %get3A_291] {strides = array<i32>} : memref<40x128xf32, #tpu.memory_space<vmem>>, vector<16xf32>,
      %mul3A_293 = arith.mulf %get3A_292, %div3A : vector<16xf32>
      %swap3A_294 = arith.index_cast %scan3A_241 : i32 to index
      %swap3A_295 = arith.constant 96 : index
      %swap3A_296 = tpu.vector_load %arg10[%swap3A_294, %swap3A_295] {strides = array<i32>} : memref<40x128xf32, #tpu.memory_space<vmem>>, vector<16xf32>,
      tpu.vector_store %arg10[%swap3A_294, %swap3A_295], %mul3A_293 {strides = array<i32>} : memref<40x128xf32, #tpu.memory_space<vmem>>, vector<16xf32>,
      %get3A_297 = arith.index_cast %scan3A_241 : i32 to index
      %get3A_298 = arith.constant 112 : index
      %get3A_299 = tpu.vector_load %arg10[%get3A_297, %get3A_298] {strides = array<i32>} : memref<40x128xf32, #tpu.memory_space<vmem>>, vector<16xf32>,
      %mul3A_300 = arith.mulf %get3A_299, %div3A : vector<16xf32>
      %swap3A_301 = arith.index_cast %scan3A_241 : i32 to index
      %swap3A_302 = arith.constant 112 : index
      %swap3A_303 = tpu.vector_load %arg10[%swap3A_301, %swap3A_302] {strides = array<i32>} : memref<40x128xf32, #tpu.memory_space<vmem>>, vector<16xf32>,
      tpu.vector_store %arg10[%swap3A_301, %swap3A_302], %mul3A_300 {strides = array<i32>} : memref<40x128xf32, #tpu.memory_space<vmem>>, vector<16xf32>,
    }
    %scan3A_190 = arith.constant 40 : i32
    %mul3A_191 = arith.constant 5120 : i32
    %mul3A_192 = arith.muli %arg0, %mul3A_191 : i32
    %add3A_193 = arith.addi %mul3A_192, %mul3A_120 : i32
    %add3A_194 = arith.constant 160 : i32
    %add3A_195 = arith.addi %add3A_193, %add3A_194 : i32
    "tpu.region"() ({
      %run_scoped3A = tpu.sem_alloc : memref<!tpu.dma_semaphore, #tpu.memory_space<semaphore_mem>>
      %dma_start3A_241 = arith.constant 0 : i32
      %dma_start3A_242 = arith.constant 0 : i32
      %dma_start3A_243 = tpu.memref_slice %arg10[%dma_start3A_241, %dma_start3A_242] : memref<40x128xf32, #tpu.memory_space<vmem>> -> memref<40x128xf32, #tpu.memory_space<vmem>>
      %dma_start3A_244 = arith.constant 0 : i32
      %dma_start3A_245 = tpu.memref_slice %arg6[%add3A_195, %dma_start3A_244] : memref<10240x128xf32, #tpu.memory_space<hbm>> -> memref<40x128xf32, #tpu.memory_space<hbm>>
      %dma_start3A_246 = arith.constant 0 : i32
      %dma_start3A_247 = tpu.memref_slice %arg6[%add3A_195, %dma_start3A_246] : memref<10240x128xf32, #tpu.memory_space<hbm>> -> memref<40x128xf32, #tpu.memory_space<hbm>>
      %dma_start3A_248 = arith.constant 0 : i32
      %dma_start3A_249 = arith.constant 0 : i32
      %dma_start3A_250 = tpu.memref_slice %arg10[%dma_start3A_248, %dma_start3A_249] : memref<40x128xf32, #tpu.memory_space<vmem>> -> memref<40x128xf32, #tpu.memory_space<vmem>>
      tpu.enqueue_dma source(%dma_start3A_250 : memref<40x128xf32, #tpu.memory_space<vmem>>) target(%dma_start3A_247 : memref<40x128xf32, #tpu.memory_space<hbm>>) target_semaphore(%run_scoped3A : memref<!tpu.dma_semaphore, #tpu.memory_space<semaphore_mem>>)
      %dma_wait3A_251 = arith.constant 0 : i32
      %dma_wait3A_252 = arith.constant 0 : i32
      %dma_wait3A_253 = tpu.memref_slice %arg10[%dma_wait3A_251, %dma_wait3A_252] : memref<40x128xf32, #tpu.memory_space<vmem>> -> memref<40x128xf32, #tpu.memory_space<vmem>>
      %dma_wait3A_254 = arith.constant 0 : i32
      %dma_wait3A_255 = tpu.memref_slice %arg6[%add3A_195, %dma_wait3A_254] : memref<10240x128xf32, #tpu.memory_space<hbm>> -> memref<40x128xf32, #tpu.memory_space<hbm>>
      %dma_wait3A_256 = arith.constant 0 : i32
      %dma_wait3A_257 = tpu.memref_slice %arg6[%add3A_195, %dma_wait3A_256] : memref<10240x128xf32, #tpu.memory_space<hbm>> -> memref<40x128xf32, #tpu.memory_space<hbm>>
      %dma_wait3A_258 = arith.constant 0 : i32
      %dma_wait3A_259 = arith.constant 0 : i32
      %dma_wait3A_260 = tpu.memref_slice %arg10[%dma_wait3A_258, %dma_wait3A_259] : memref<40x128xf32, #tpu.memory_space<vmem>> -> memref<40x128xf32, #tpu.memory_space<vmem>>
      tpu.wait_dma2 semaphore(%run_scoped3A : memref<!tpu.dma_semaphore, #tpu.memory_space<semaphore_mem>>) src(%dma_wait3A_260 : memref<40x128xf32, #tpu.memory_space<vmem>>) dst(%dma_wait3A_257 : memref<40x128xf32, #tpu.memory_space<hbm>>)
      tpu.yield
    }) : () -> ()
    %add3A_196 = arith.constant 200 : i32
    %add3A_197 = arith.addi %mul3A_120, %add3A_196 : i32
    "tpu.region"() ({
      %run_scoped3A = tpu.sem_alloc : memref<!tpu.dma_semaphore, #tpu.memory_space<semaphore_mem>>
      %dma_start3A_241 = arith.constant 0 : i32
      %dma_start3A_242 = arith.constant 0 : i32
      %dma_start3A_243 = tpu.memref_slice %arg10[%dma_start3A_241, %dma_start3A_242] : memref<40x128xf32, #tpu.memory_space<vmem>> -> memref<40x128xf32, #tpu.memory_space<vmem>>
      %dma_start3A_244 = arith.constant 0 : i32
      %dma_start3A_245 = tpu.memref_slice %arg22[%add3A_197, %dma_start3A_244] : memref<5248x128xf32, #tpu.memory_space<vmem_shared>> -> memref<40x128xf32, #tpu.memory_space<vmem_shared>>
      %dma_start3A_246 = arith.constant 0 : i32
      %dma_start3A_247 = arith.constant 0 : i32
      %dma_start3A_248 = tpu.memref_slice %arg10[%dma_start3A_246, %dma_start3A_247] : memref<40x128xf32, #tpu.memory_space<vmem>> -> memref<40x128xf32, #tpu.memory_space<vmem>>
      %dma_start3A_249 = arith.constant 0 : i32
      %dma_start3A_250 = tpu.memref_slice %arg22[%add3A_197, %dma_start3A_249] : memref<5248x128xf32, #tpu.memory_space<vmem_shared>> -> memref<40x128xf32, #tpu.memory_space<vmem_shared>>
      tpu.enqueue_dma source(%dma_start3A_250 : memref<40x128xf32, #tpu.memory_space<vmem_shared>>) target(%dma_start3A_248 : memref<40x128xf32, #tpu.memory_space<vmem>>) target_semaphore(%run_scoped3A : memref<!tpu.dma_semaphore, #tpu.memory_space<semaphore_mem>>)
      %dma_wait3A_251 = arith.constant 0 : i32
      %dma_wait3A_252 = arith.constant 0 : i32
      %dma_wait3A_253 = tpu.memref_slice %arg10[%dma_wait3A_251, %dma_wait3A_252] : memref<40x128xf32, #tpu.memory_space<vmem>> -> memref<40x128xf32, #tpu.memory_space<vmem>>
      %dma_wait3A_254 = arith.constant 0 : i32
      %dma_wait3A_255 = tpu.memref_slice %arg22[%add3A_197, %dma_wait3A_254] : memref<5248x128xf32, #tpu.memory_space<vmem_shared>> -> memref<40x128xf32, #tpu.memory_space<vmem_shared>>
      %dma_wait3A_256 = arith.constant 0 : i32
      %dma_wait3A_257 = arith.constant 0 : i32
      %dma_wait3A_258 = tpu.memref_slice %arg10[%dma_wait3A_256, %dma_wait3A_257] : memref<40x128xf32, #tpu.memory_space<vmem>> -> memref<40x128xf32, #tpu.memory_space<vmem>>
      %dma_wait3A_259 = arith.constant 0 : i32
      %dma_wait3A_260 = tpu.memref_slice %arg22[%add3A_197, %dma_wait3A_259] : memref<5248x128xf32, #tpu.memory_space<vmem_shared>> -> memref<40x128xf32, #tpu.memory_space<vmem_shared>>
      tpu.wait_dma2 semaphore(%run_scoped3A : memref<!tpu.dma_semaphore, #tpu.memory_space<semaphore_mem>>) src(%dma_wait3A_260 : memref<40x128xf32, #tpu.memory_space<vmem_shared>>) dst(%dma_wait3A_258 : memref<40x128xf32, #tpu.memory_space<vmem>>)
      tpu.yield
    }) : () -> ()
    %add3A_198 = arith.constant 200 : i32
    %add3A_199 = arith.addi %mul3A_120, %add3A_198 : i32
    "tpu.region"() ({
      %run_scoped3A = tpu.sem_alloc : memref<!tpu.dma_semaphore, #tpu.memory_space<semaphore_mem>>
      %dma_start3A_241 = arith.constant 0 : i32
      %dma_start3A_242 = arith.constant 0 : i32
      %dma_start3A_243 = tpu.memref_slice %arg13[%dma_start3A_241, %dma_start3A_242] : memref<40x128xf32, #tpu.memory_space<vmem>> -> memref<40x128xf32, #tpu.memory_space<vmem>>
      %dma_start3A_244 = arith.constant 0 : i32
      %dma_start3A_245 = tpu.memref_slice %arg23[%add3A_199, %dma_start3A_244] : memref<5248x128xf32, #tpu.memory_space<vmem_shared>> -> memref<40x128xf32, #tpu.memory_space<vmem_shared>>
      %dma_start3A_246 = arith.constant 0 : i32
      %dma_start3A_247 = arith.constant 0 : i32
      %dma_start3A_248 = tpu.memref_slice %arg13[%dma_start3A_246, %dma_start3A_247] : memref<40x128xf32, #tpu.memory_space<vmem>> -> memref<40x128xf32, #tpu.memory_space<vmem>>
      %dma_start3A_249 = arith.constant 0 : i32
      %dma_start3A_250 = tpu.memref_slice %arg23[%add3A_199, %dma_start3A_249] : memref<5248x128xf32, #tpu.memory_space<vmem_shared>> -> memref<40x128xf32, #tpu.memory_space<vmem_shared>>
      tpu.enqueue_dma source(%dma_start3A_250 : memref<40x128xf32, #tpu.memory_space<vmem_shared>>) target(%dma_start3A_248 : memref<40x128xf32, #tpu.memory_space<vmem>>) target_semaphore(%run_scoped3A : memref<!tpu.dma_semaphore, #tpu.memory_space<semaphore_mem>>)
      %dma_wait3A_251 = arith.constant 0 : i32
      %dma_wait3A_252 = arith.constant 0 : i32
      %dma_wait3A_253 = tpu.memref_slice %arg13[%dma_wait3A_251, %dma_wait3A_252] : memref<40x128xf32, #tpu.memory_space<vmem>> -> memref<40x128xf32, #tpu.memory_space<vmem>>
      %dma_wait3A_254 = arith.constant 0 : i32
      %dma_wait3A_255 = tpu.memref_slice %arg23[%add3A_199, %dma_wait3A_254] : memref<5248x128xf32, #tpu.memory_space<vmem_shared>> -> memref<40x128xf32, #tpu.memory_space<vmem_shared>>
      %dma_wait3A_256 = arith.constant 0 : i32
      %dma_wait3A_257 = arith.constant 0 : i32
      %dma_wait3A_258 = tpu.memref_slice %arg13[%dma_wait3A_256, %dma_wait3A_257] : memref<40x128xf32, #tpu.memory_space<vmem>> -> memref<40x128xf32, #tpu.memory_space<vmem>>
      %dma_wait3A_259 = arith.constant 0 : i32
      %dma_wait3A_260 = tpu.memref_slice %arg23[%add3A_199, %dma_wait3A_259] : memref<5248x128xf32, #tpu.memory_space<vmem_shared>> -> memref<40x128xf32, #tpu.memory_space<vmem_shared>>
      tpu.wait_dma2 semaphore(%run_scoped3A : memref<!tpu.dma_semaphore, #tpu.memory_space<semaphore_mem>>) src(%dma_wait3A_260 : memref<40x128xf32, #tpu.memory_space<vmem_shared>>) dst(%dma_wait3A_258 : memref<40x128xf32, #tpu.memory_space<vmem>>)
      tpu.yield
    }) : () -> ()
    %scan3A_200 = arith.constant 0 : i32
    %scan3A_201 = arith.constant 0 : i32
    %scan3A_202 = arith.constant 40 : i32
    %scan3A_203 = arith.addi %scan3A_201, %scan3A_202 : i32
    %scan3A_204 = arith.constant 1 : i32
    scf.for %scan3A_241 = %scan3A_201 to %scan3A_203 step %scan3A_204  : i32 {
      %get3A_242 = arith.index_cast %scan3A_241 : i32 to index
      %get3A_243 = arith.constant 0 : index
      %get3A_244 = tpu.vector_load %arg13[%get3A_242, %get3A_243] {strides = array<i32>} : memref<40x128xf32, #tpu.memory_space<vmem>>, vector<16xf32>,
      %broadcast_in_dim3A = arith.constant 1.000000e+00 : f32
      %broadcast_in_dim3A_245 = vector.broadcast %broadcast_in_dim3A : f32 to vector<16xf32>
      %gt3A = arith.constant 0.000000e+00 : f32
      %gt3A_246 = vector.broadcast %gt3A : f32 to vector<16xf32>
      %gt3A_247 = arith.cmpf ogt, %get3A_244, %gt3A_246 : vector<16xf32>
      %jit3A = arith.constant 1.000000e+00 : f32
      %broadcast_in_dim3A_248 = vector.broadcast %jit3A : f32 to vector<16xf32>
      %select_n3A = arith.select %gt3A_247, %get3A_244, %broadcast_in_dim3A_248 : vector<16xi1>, vector<16xf32>
      %div3A = arith.divf %broadcast_in_dim3A_245, %select_n3A : vector<16xf32>
      %get3A_249 = arith.index_cast %scan3A_241 : i32 to index
      %get3A_250 = arith.constant 0 : index
      %get3A_251 = tpu.vector_load %arg10[%get3A_249, %get3A_250] {strides = array<i32>} : memref<40x128xf32, #tpu.memory_space<vmem>>, vector<16xf32>,
      %mul3A_252 = arith.mulf %get3A_251, %div3A : vector<16xf32>
      %swap3A = arith.index_cast %scan3A_241 : i32 to index
      %swap3A_253 = arith.constant 0 : index
      %swap3A_254 = tpu.vector_load %arg10[%swap3A, %swap3A_253] {strides = array<i32>} : memref<40x128xf32, #tpu.memory_space<vmem>>, vector<16xf32>,
      tpu.vector_store %arg10[%swap3A, %swap3A_253], %mul3A_252 {strides = array<i32>} : memref<40x128xf32, #tpu.memory_space<vmem>>, vector<16xf32>,
      %get3A_255 = arith.index_cast %scan3A_241 : i32 to index
      %get3A_256 = arith.constant 16 : index
      %get3A_257 = tpu.vector_load %arg10[%get3A_255, %get3A_256] {strides = array<i32>} : memref<40x128xf32, #tpu.memory_space<vmem>>, vector<16xf32>,
      %mul3A_258 = arith.mulf %get3A_257, %div3A : vector<16xf32>
      %swap3A_259 = arith.index_cast %scan3A_241 : i32 to index
      %swap3A_260 = arith.constant 16 : index
      %swap3A_261 = tpu.vector_load %arg10[%swap3A_259, %swap3A_260] {strides = array<i32>} : memref<40x128xf32, #tpu.memory_space<vmem>>, vector<16xf32>,
      tpu.vector_store %arg10[%swap3A_259, %swap3A_260], %mul3A_258 {strides = array<i32>} : memref<40x128xf32, #tpu.memory_space<vmem>>, vector<16xf32>,
      %get3A_262 = arith.index_cast %scan3A_241 : i32 to index
      %get3A_263 = arith.constant 32 : index
      %get3A_264 = tpu.vector_load %arg10[%get3A_262, %get3A_263] {strides = array<i32>} : memref<40x128xf32, #tpu.memory_space<vmem>>, vector<16xf32>,
      %mul3A_265 = arith.mulf %get3A_264, %div3A : vector<16xf32>
      %swap3A_266 = arith.index_cast %scan3A_241 : i32 to index
      %swap3A_267 = arith.constant 32 : index
      %swap3A_268 = tpu.vector_load %arg10[%swap3A_266, %swap3A_267] {strides = array<i32>} : memref<40x128xf32, #tpu.memory_space<vmem>>, vector<16xf32>,
      tpu.vector_store %arg10[%swap3A_266, %swap3A_267], %mul3A_265 {strides = array<i32>} : memref<40x128xf32, #tpu.memory_space<vmem>>, vector<16xf32>,
      %get3A_269 = arith.index_cast %scan3A_241 : i32 to index
      %get3A_270 = arith.constant 48 : index
      %get3A_271 = tpu.vector_load %arg10[%get3A_269, %get3A_270] {strides = array<i32>} : memref<40x128xf32, #tpu.memory_space<vmem>>, vector<16xf32>,
      %mul3A_272 = arith.mulf %get3A_271, %div3A : vector<16xf32>
      %swap3A_273 = arith.index_cast %scan3A_241 : i32 to index
      %swap3A_274 = arith.constant 48 : index
      %swap3A_275 = tpu.vector_load %arg10[%swap3A_273, %swap3A_274] {strides = array<i32>} : memref<40x128xf32, #tpu.memory_space<vmem>>, vector<16xf32>,
      tpu.vector_store %arg10[%swap3A_273, %swap3A_274], %mul3A_272 {strides = array<i32>} : memref<40x128xf32, #tpu.memory_space<vmem>>, vector<16xf32>,
      %get3A_276 = arith.index_cast %scan3A_241 : i32 to index
      %get3A_277 = arith.constant 64 : index
      %get3A_278 = tpu.vector_load %arg10[%get3A_276, %get3A_277] {strides = array<i32>} : memref<40x128xf32, #tpu.memory_space<vmem>>, vector<16xf32>,
      %mul3A_279 = arith.mulf %get3A_278, %div3A : vector<16xf32>
      %swap3A_280 = arith.index_cast %scan3A_241 : i32 to index
      %swap3A_281 = arith.constant 64 : index
      %swap3A_282 = tpu.vector_load %arg10[%swap3A_280, %swap3A_281] {strides = array<i32>} : memref<40x128xf32, #tpu.memory_space<vmem>>, vector<16xf32>,
      tpu.vector_store %arg10[%swap3A_280, %swap3A_281], %mul3A_279 {strides = array<i32>} : memref<40x128xf32, #tpu.memory_space<vmem>>, vector<16xf32>,
      %get3A_283 = arith.index_cast %scan3A_241 : i32 to index
      %get3A_284 = arith.constant 80 : index
      %get3A_285 = tpu.vector_load %arg10[%get3A_283, %get3A_284] {strides = array<i32>} : memref<40x128xf32, #tpu.memory_space<vmem>>, vector<16xf32>,
      %mul3A_286 = arith.mulf %get3A_285, %div3A : vector<16xf32>
      %swap3A_287 = arith.index_cast %scan3A_241 : i32 to index
      %swap3A_288 = arith.constant 80 : index
      %swap3A_289 = tpu.vector_load %arg10[%swap3A_287, %swap3A_288] {strides = array<i32>} : memref<40x128xf32, #tpu.memory_space<vmem>>, vector<16xf32>,
      tpu.vector_store %arg10[%swap3A_287, %swap3A_288], %mul3A_286 {strides = array<i32>} : memref<40x128xf32, #tpu.memory_space<vmem>>, vector<16xf32>,
      %get3A_290 = arith.index_cast %scan3A_241 : i32 to index
      %get3A_291 = arith.constant 96 : index
      %get3A_292 = tpu.vector_load %arg10[%get3A_290, %get3A_291] {strides = array<i32>} : memref<40x128xf32, #tpu.memory_space<vmem>>, vector<16xf32>,
      %mul3A_293 = arith.mulf %get3A_292, %div3A : vector<16xf32>
      %swap3A_294 = arith.index_cast %scan3A_241 : i32 to index
      %swap3A_295 = arith.constant 96 : index
      %swap3A_296 = tpu.vector_load %arg10[%swap3A_294, %swap3A_295] {strides = array<i32>} : memref<40x128xf32, #tpu.memory_space<vmem>>, vector<16xf32>,
      tpu.vector_store %arg10[%swap3A_294, %swap3A_295], %mul3A_293 {strides = array<i32>} : memref<40x128xf32, #tpu.memory_space<vmem>>, vector<16xf32>,
      %get3A_297 = arith.index_cast %scan3A_241 : i32 to index
      %get3A_298 = arith.constant 112 : index
      %get3A_299 = tpu.vector_load %arg10[%get3A_297, %get3A_298] {strides = array<i32>} : memref<40x128xf32, #tpu.memory_space<vmem>>, vector<16xf32>,
      %mul3A_300 = arith.mulf %get3A_299, %div3A : vector<16xf32>
      %swap3A_301 = arith.index_cast %scan3A_241 : i32 to index
      %swap3A_302 = arith.constant 112 : index
      %swap3A_303 = tpu.vector_load %arg10[%swap3A_301, %swap3A_302] {strides = array<i32>} : memref<40x128xf32, #tpu.memory_space<vmem>>, vector<16xf32>,
      tpu.vector_store %arg10[%swap3A_301, %swap3A_302], %mul3A_300 {strides = array<i32>} : memref<40x128xf32, #tpu.memory_space<vmem>>, vector<16xf32>,
    }
    %scan3A_205 = arith.constant 40 : i32
    %mul3A_206 = arith.constant 5120 : i32
    %mul3A_207 = arith.muli %arg0, %mul3A_206 : i32
    %add3A_208 = arith.addi %mul3A_207, %mul3A_120 : i32
    %add3A_209 = arith.constant 200 : i32
    %add3A_210 = arith.addi %add3A_208, %add3A_209 : i32
    "tpu.region"() ({
      %run_scoped3A = tpu.sem_alloc : memref<!tpu.dma_semaphore, #tpu.memory_space<semaphore_mem>>
      %dma_start3A_241 = arith.constant 0 : i32
      %dma_start3A_242 = arith.constant 0 : i32
      %dma_start3A_243 = tpu.memref_slice %arg10[%dma_start3A_241, %dma_start3A_242] : memref<40x128xf32, #tpu.memory_space<vmem>> -> memref<40x128xf32, #tpu.memory_space<vmem>>
      %dma_start3A_244 = arith.constant 0 : i32
      %dma_start3A_245 = tpu.memref_slice %arg6[%add3A_210, %dma_start3A_244] : memref<10240x128xf32, #tpu.memory_space<hbm>> -> memref<40x128xf32, #tpu.memory_space<hbm>>
      %dma_start3A_246 = arith.constant 0 : i32
      %dma_start3A_247 = tpu.memref_slice %arg6[%add3A_210, %dma_start3A_246] : memref<10240x128xf32, #tpu.memory_space<hbm>> -> memref<40x128xf32, #tpu.memory_space<hbm>>
      %dma_start3A_248 = arith.constant 0 : i32
      %dma_start3A_249 = arith.constant 0 : i32
      %dma_start3A_250 = tpu.memref_slice %arg10[%dma_start3A_248, %dma_start3A_249] : memref<40x128xf32, #tpu.memory_space<vmem>> -> memref<40x128xf32, #tpu.memory_space<vmem>>
      tpu.enqueue_dma source(%dma_start3A_250 : memref<40x128xf32, #tpu.memory_space<vmem>>) target(%dma_start3A_247 : memref<40x128xf32, #tpu.memory_space<hbm>>) target_semaphore(%run_scoped3A : memref<!tpu.dma_semaphore, #tpu.memory_space<semaphore_mem>>)
      %dma_wait3A_251 = arith.constant 0 : i32
      %dma_wait3A_252 = arith.constant 0 : i32
      %dma_wait3A_253 = tpu.memref_slice %arg10[%dma_wait3A_251, %dma_wait3A_252] : memref<40x128xf32, #tpu.memory_space<vmem>> -> memref<40x128xf32, #tpu.memory_space<vmem>>
      %dma_wait3A_254 = arith.constant 0 : i32
      %dma_wait3A_255 = tpu.memref_slice %arg6[%add3A_210, %dma_wait3A_254] : memref<10240x128xf32, #tpu.memory_space<hbm>> -> memref<40x128xf32, #tpu.memory_space<hbm>>
      %dma_wait3A_256 = arith.constant 0 : i32
      %dma_wait3A_257 = tpu.memref_slice %arg6[%add3A_210, %dma_wait3A_256] : memref<10240x128xf32, #tpu.memory_space<hbm>> -> memref<40x128xf32, #tpu.memory_space<hbm>>
      %dma_wait3A_258 = arith.constant 0 : i32
      %dma_wait3A_259 = arith.constant 0 : i32
      %dma_wait3A_260 = tpu.memref_slice %arg10[%dma_wait3A_258, %dma_wait3A_259] : memref<40x128xf32, #tpu.memory_space<vmem>> -> memref<40x128xf32, #tpu.memory_space<vmem>>
      tpu.wait_dma2 semaphore(%run_scoped3A : memref<!tpu.dma_semaphore, #tpu.memory_space<semaphore_mem>>) src(%dma_wait3A_260 : memref<40x128xf32, #tpu.memory_space<vmem>>) dst(%dma_wait3A_257 : memref<40x128xf32, #tpu.memory_space<hbm>>)
      tpu.yield
    }) : () -> ()
    %add3A_211 = arith.constant 240 : i32
    %add3A_212 = arith.addi %mul3A_120, %add3A_211 : i32
    "tpu.region"() ({
      %run_scoped3A = tpu.sem_alloc : memref<!tpu.dma_semaphore, #tpu.memory_space<semaphore_mem>>
      %dma_start3A_241 = arith.constant 0 : i32
      %dma_start3A_242 = arith.constant 0 : i32
      %dma_start3A_243 = tpu.memref_slice %arg10[%dma_start3A_241, %dma_start3A_242] : memref<40x128xf32, #tpu.memory_space<vmem>> -> memref<40x128xf32, #tpu.memory_space<vmem>>
      %dma_start3A_244 = arith.constant 0 : i32
      %dma_start3A_245 = tpu.memref_slice %arg22[%add3A_212, %dma_start3A_244] : memref<5248x128xf32, #tpu.memory_space<vmem_shared>> -> memref<40x128xf32, #tpu.memory_space<vmem_shared>>
      %dma_start3A_246 = arith.constant 0 : i32
      %dma_start3A_247 = arith.constant 0 : i32
      %dma_start3A_248 = tpu.memref_slice %arg10[%dma_start3A_246, %dma_start3A_247] : memref<40x128xf32, #tpu.memory_space<vmem>> -> memref<40x128xf32, #tpu.memory_space<vmem>>
      %dma_start3A_249 = arith.constant 0 : i32
      %dma_start3A_250 = tpu.memref_slice %arg22[%add3A_212, %dma_start3A_249] : memref<5248x128xf32, #tpu.memory_space<vmem_shared>> -> memref<40x128xf32, #tpu.memory_space<vmem_shared>>
      tpu.enqueue_dma source(%dma_start3A_250 : memref<40x128xf32, #tpu.memory_space<vmem_shared>>) target(%dma_start3A_248 : memref<40x128xf32, #tpu.memory_space<vmem>>) target_semaphore(%run_scoped3A : memref<!tpu.dma_semaphore, #tpu.memory_space<semaphore_mem>>)
      %dma_wait3A_251 = arith.constant 0 : i32
      %dma_wait3A_252 = arith.constant 0 : i32
      %dma_wait3A_253 = tpu.memref_slice %arg10[%dma_wait3A_251, %dma_wait3A_252] : memref<40x128xf32, #tpu.memory_space<vmem>> -> memref<40x128xf32, #tpu.memory_space<vmem>>
      %dma_wait3A_254 = arith.constant 0 : i32
      %dma_wait3A_255 = tpu.memref_slice %arg22[%add3A_212, %dma_wait3A_254] : memref<5248x128xf32, #tpu.memory_space<vmem_shared>> -> memref<40x128xf32, #tpu.memory_space<vmem_shared>>
      %dma_wait3A_256 = arith.constant 0 : i32
      %dma_wait3A_257 = arith.constant 0 : i32
      %dma_wait3A_258 = tpu.memref_slice %arg10[%dma_wait3A_256, %dma_wait3A_257] : memref<40x128xf32, #tpu.memory_space<vmem>> -> memref<40x128xf32, #tpu.memory_space<vmem>>
      %dma_wait3A_259 = arith.constant 0 : i32
      %dma_wait3A_260 = tpu.memref_slice %arg22[%add3A_212, %dma_wait3A_259] : memref<5248x128xf32, #tpu.memory_space<vmem_shared>> -> memref<40x128xf32, #tpu.memory_space<vmem_shared>>
      tpu.wait_dma2 semaphore(%run_scoped3A : memref<!tpu.dma_semaphore, #tpu.memory_space<semaphore_mem>>) src(%dma_wait3A_260 : memref<40x128xf32, #tpu.memory_space<vmem_shared>>) dst(%dma_wait3A_258 : memref<40x128xf32, #tpu.memory_space<vmem>>)
      tpu.yield
    }) : () -> ()
    %add3A_213 = arith.constant 240 : i32
    %add3A_214 = arith.addi %mul3A_120, %add3A_213 : i32
    "tpu.region"() ({
      %run_scoped3A = tpu.sem_alloc : memref<!tpu.dma_semaphore, #tpu.memory_space<semaphore_mem>>
      %dma_start3A_241 = arith.constant 0 : i32
      %dma_start3A_242 = arith.constant 0 : i32
      %dma_start3A_243 = tpu.memref_slice %arg13[%dma_start3A_241, %dma_start3A_242] : memref<40x128xf32, #tpu.memory_space<vmem>> -> memref<40x128xf32, #tpu.memory_space<vmem>>
      %dma_start3A_244 = arith.constant 0 : i32
      %dma_start3A_245 = tpu.memref_slice %arg23[%add3A_214, %dma_start3A_244] : memref<5248x128xf32, #tpu.memory_space<vmem_shared>> -> memref<40x128xf32, #tpu.memory_space<vmem_shared>>
      %dma_start3A_246 = arith.constant 0 : i32
      %dma_start3A_247 = arith.constant 0 : i32
      %dma_start3A_248 = tpu.memref_slice %arg13[%dma_start3A_246, %dma_start3A_247] : memref<40x128xf32, #tpu.memory_space<vmem>> -> memref<40x128xf32, #tpu.memory_space<vmem>>
      %dma_start3A_249 = arith.constant 0 : i32
      %dma_start3A_250 = tpu.memref_slice %arg23[%add3A_214, %dma_start3A_249] : memref<5248x128xf32, #tpu.memory_space<vmem_shared>> -> memref<40x128xf32, #tpu.memory_space<vmem_shared>>
      tpu.enqueue_dma source(%dma_start3A_250 : memref<40x128xf32, #tpu.memory_space<vmem_shared>>) target(%dma_start3A_248 : memref<40x128xf32, #tpu.memory_space<vmem>>) target_semaphore(%run_scoped3A : memref<!tpu.dma_semaphore, #tpu.memory_space<semaphore_mem>>)
      %dma_wait3A_251 = arith.constant 0 : i32
      %dma_wait3A_252 = arith.constant 0 : i32
      %dma_wait3A_253 = tpu.memref_slice %arg13[%dma_wait3A_251, %dma_wait3A_252] : memref<40x128xf32, #tpu.memory_space<vmem>> -> memref<40x128xf32, #tpu.memory_space<vmem>>
      %dma_wait3A_254 = arith.constant 0 : i32
      %dma_wait3A_255 = tpu.memref_slice %arg23[%add3A_214, %dma_wait3A_254] : memref<5248x128xf32, #tpu.memory_space<vmem_shared>> -> memref<40x128xf32, #tpu.memory_space<vmem_shared>>
      %dma_wait3A_256 = arith.constant 0 : i32
      %dma_wait3A_257 = arith.constant 0 : i32
      %dma_wait3A_258 = tpu.memref_slice %arg13[%dma_wait3A_256, %dma_wait3A_257] : memref<40x128xf32, #tpu.memory_space<vmem>> -> memref<40x128xf32, #tpu.memory_space<vmem>>
      %dma_wait3A_259 = arith.constant 0 : i32
      %dma_wait3A_260 = tpu.memref_slice %arg23[%add3A_214, %dma_wait3A_259] : memref<5248x128xf32, #tpu.memory_space<vmem_shared>> -> memref<40x128xf32, #tpu.memory_space<vmem_shared>>
      tpu.wait_dma2 semaphore(%run_scoped3A : memref<!tpu.dma_semaphore, #tpu.memory_space<semaphore_mem>>) src(%dma_wait3A_260 : memref<40x128xf32, #tpu.memory_space<vmem_shared>>) dst(%dma_wait3A_258 : memref<40x128xf32, #tpu.memory_space<vmem>>)
      tpu.yield
    }) : () -> ()
    %scan3A_215 = arith.constant 0 : i32
    %scan3A_216 = arith.constant 0 : i32
    %scan3A_217 = arith.constant 40 : i32
    %scan3A_218 = arith.addi %scan3A_216, %scan3A_217 : i32
    %scan3A_219 = arith.constant 1 : i32
    scf.for %scan3A_241 = %scan3A_216 to %scan3A_218 step %scan3A_219  : i32 {
      %get3A_242 = arith.index_cast %scan3A_241 : i32 to index
      %get3A_243 = arith.constant 0 : index
      %get3A_244 = tpu.vector_load %arg13[%get3A_242, %get3A_243] {strides = array<i32>} : memref<40x128xf32, #tpu.memory_space<vmem>>, vector<16xf32>,
      %broadcast_in_dim3A = arith.constant 1.000000e+00 : f32
      %broadcast_in_dim3A_245 = vector.broadcast %broadcast_in_dim3A : f32 to vector<16xf32>
      %gt3A = arith.constant 0.000000e+00 : f32
      %gt3A_246 = vector.broadcast %gt3A : f32 to vector<16xf32>
      %gt3A_247 = arith.cmpf ogt, %get3A_244, %gt3A_246 : vector<16xf32>
      %jit3A = arith.constant 1.000000e+00 : f32
      %broadcast_in_dim3A_248 = vector.broadcast %jit3A : f32 to vector<16xf32>
      %select_n3A = arith.select %gt3A_247, %get3A_244, %broadcast_in_dim3A_248 : vector<16xi1>, vector<16xf32>
      %div3A = arith.divf %broadcast_in_dim3A_245, %select_n3A : vector<16xf32>
      %get3A_249 = arith.index_cast %scan3A_241 : i32 to index
      %get3A_250 = arith.constant 0 : index
      %get3A_251 = tpu.vector_load %arg10[%get3A_249, %get3A_250] {strides = array<i32>} : memref<40x128xf32, #tpu.memory_space<vmem>>, vector<16xf32>,
      %mul3A_252 = arith.mulf %get3A_251, %div3A : vector<16xf32>
      %swap3A = arith.index_cast %scan3A_241 : i32 to index
      %swap3A_253 = arith.constant 0 : index
      %swap3A_254 = tpu.vector_load %arg10[%swap3A, %swap3A_253] {strides = array<i32>} : memref<40x128xf32, #tpu.memory_space<vmem>>, vector<16xf32>,
      tpu.vector_store %arg10[%swap3A, %swap3A_253], %mul3A_252 {strides = array<i32>} : memref<40x128xf32, #tpu.memory_space<vmem>>, vector<16xf32>,
      %get3A_255 = arith.index_cast %scan3A_241 : i32 to index
      %get3A_256 = arith.constant 16 : index
      %get3A_257 = tpu.vector_load %arg10[%get3A_255, %get3A_256] {strides = array<i32>} : memref<40x128xf32, #tpu.memory_space<vmem>>, vector<16xf32>,
      %mul3A_258 = arith.mulf %get3A_257, %div3A : vector<16xf32>
      %swap3A_259 = arith.index_cast %scan3A_241 : i32 to index
      %swap3A_260 = arith.constant 16 : index
      %swap3A_261 = tpu.vector_load %arg10[%swap3A_259, %swap3A_260] {strides = array<i32>} : memref<40x128xf32, #tpu.memory_space<vmem>>, vector<16xf32>,
      tpu.vector_store %arg10[%swap3A_259, %swap3A_260], %mul3A_258 {strides = array<i32>} : memref<40x128xf32, #tpu.memory_space<vmem>>, vector<16xf32>,
      %get3A_262 = arith.index_cast %scan3A_241 : i32 to index
      %get3A_263 = arith.constant 32 : index
      %get3A_264 = tpu.vector_load %arg10[%get3A_262, %get3A_263] {strides = array<i32>} : memref<40x128xf32, #tpu.memory_space<vmem>>, vector<16xf32>,
      %mul3A_265 = arith.mulf %get3A_264, %div3A : vector<16xf32>
      %swap3A_266 = arith.index_cast %scan3A_241 : i32 to index
      %swap3A_267 = arith.constant 32 : index
      %swap3A_268 = tpu.vector_load %arg10[%swap3A_266, %swap3A_267] {strides = array<i32>} : memref<40x128xf32, #tpu.memory_space<vmem>>, vector<16xf32>,
      tpu.vector_store %arg10[%swap3A_266, %swap3A_267], %mul3A_265 {strides = array<i32>} : memref<40x128xf32, #tpu.memory_space<vmem>>, vector<16xf32>,
      %get3A_269 = arith.index_cast %scan3A_241 : i32 to index
      %get3A_270 = arith.constant 48 : index
      %get3A_271 = tpu.vector_load %arg10[%get3A_269, %get3A_270] {strides = array<i32>} : memref<40x128xf32, #tpu.memory_space<vmem>>, vector<16xf32>,
      %mul3A_272 = arith.mulf %get3A_271, %div3A : vector<16xf32>
      %swap3A_273 = arith.index_cast %scan3A_241 : i32 to index
      %swap3A_274 = arith.constant 48 : index
      %swap3A_275 = tpu.vector_load %arg10[%swap3A_273, %swap3A_274] {strides = array<i32>} : memref<40x128xf32, #tpu.memory_space<vmem>>, vector<16xf32>,
      tpu.vector_store %arg10[%swap3A_273, %swap3A_274], %mul3A_272 {strides = array<i32>} : memref<40x128xf32, #tpu.memory_space<vmem>>, vector<16xf32>,
      %get3A_276 = arith.index_cast %scan3A_241 : i32 to index
      %get3A_277 = arith.constant 64 : index
      %get3A_278 = tpu.vector_load %arg10[%get3A_276, %get3A_277] {strides = array<i32>} : memref<40x128xf32, #tpu.memory_space<vmem>>, vector<16xf32>,
      %mul3A_279 = arith.mulf %get3A_278, %div3A : vector<16xf32>
      %swap3A_280 = arith.index_cast %scan3A_241 : i32 to index
      %swap3A_281 = arith.constant 64 : index
      %swap3A_282 = tpu.vector_load %arg10[%swap3A_280, %swap3A_281] {strides = array<i32>} : memref<40x128xf32, #tpu.memory_space<vmem>>, vector<16xf32>,
      tpu.vector_store %arg10[%swap3A_280, %swap3A_281], %mul3A_279 {strides = array<i32>} : memref<40x128xf32, #tpu.memory_space<vmem>>, vector<16xf32>,
      %get3A_283 = arith.index_cast %scan3A_241 : i32 to index
      %get3A_284 = arith.constant 80 : index
      %get3A_285 = tpu.vector_load %arg10[%get3A_283, %get3A_284] {strides = array<i32>} : memref<40x128xf32, #tpu.memory_space<vmem>>, vector<16xf32>,
      %mul3A_286 = arith.mulf %get3A_285, %div3A : vector<16xf32>
      %swap3A_287 = arith.index_cast %scan3A_241 : i32 to index
      %swap3A_288 = arith.constant 80 : index
      %swap3A_289 = tpu.vector_load %arg10[%swap3A_287, %swap3A_288] {strides = array<i32>} : memref<40x128xf32, #tpu.memory_space<vmem>>, vector<16xf32>,
      tpu.vector_store %arg10[%swap3A_287, %swap3A_288], %mul3A_286 {strides = array<i32>} : memref<40x128xf32, #tpu.memory_space<vmem>>, vector<16xf32>,
      %get3A_290 = arith.index_cast %scan3A_241 : i32 to index
      %get3A_291 = arith.constant 96 : index
      %get3A_292 = tpu.vector_load %arg10[%get3A_290, %get3A_291] {strides = array<i32>} : memref<40x128xf32, #tpu.memory_space<vmem>>, vector<16xf32>,
      %mul3A_293 = arith.mulf %get3A_292, %div3A : vector<16xf32>
      %swap3A_294 = arith.index_cast %scan3A_241 : i32 to index
      %swap3A_295 = arith.constant 96 : index
      %swap3A_296 = tpu.vector_load %arg10[%swap3A_294, %swap3A_295] {strides = array<i32>} : memref<40x128xf32, #tpu.memory_space<vmem>>, vector<16xf32>,
      tpu.vector_store %arg10[%swap3A_294, %swap3A_295], %mul3A_293 {strides = array<i32>} : memref<40x128xf32, #tpu.memory_space<vmem>>, vector<16xf32>,
      %get3A_297 = arith.index_cast %scan3A_241 : i32 to index
      %get3A_298 = arith.constant 112 : index
      %get3A_299 = tpu.vector_load %arg10[%get3A_297, %get3A_298] {strides = array<i32>} : memref<40x128xf32, #tpu.memory_space<vmem>>, vector<16xf32>,
      %mul3A_300 = arith.mulf %get3A_299, %div3A : vector<16xf32>
      %swap3A_301 = arith.index_cast %scan3A_241 : i32 to index
      %swap3A_302 = arith.constant 112 : index
      %swap3A_303 = tpu.vector_load %arg10[%swap3A_301, %swap3A_302] {strides = array<i32>} : memref<40x128xf32, #tpu.memory_space<vmem>>, vector<16xf32>,
      tpu.vector_store %arg10[%swap3A_301, %swap3A_302], %mul3A_300 {strides = array<i32>} : memref<40x128xf32, #tpu.memory_space<vmem>>, vector<16xf32>,
    }
    %scan3A_220 = arith.constant 40 : i32
    %mul3A_221 = arith.constant 5120 : i32
    %mul3A_222 = arith.muli %arg0, %mul3A_221 : i32
    %add3A_223 = arith.addi %mul3A_222, %mul3A_120 : i32
    %add3A_224 = arith.constant 240 : i32
    %add3A_225 = arith.addi %add3A_223, %add3A_224 : i32
    "tpu.region"() ({
      %run_scoped3A = tpu.sem_alloc : memref<!tpu.dma_semaphore, #tpu.memory_space<semaphore_mem>>
      %dma_start3A_241 = arith.constant 0 : i32
      %dma_start3A_242 = arith.constant 0 : i32
      %dma_start3A_243 = tpu.memref_slice %arg10[%dma_start3A_241, %dma_start3A_242] : memref<40x128xf32, #tpu.memory_space<vmem>> -> memref<40x128xf32, #tpu.memory_space<vmem>>
      %dma_start3A_244 = arith.constant 0 : i32
      %dma_start3A_245 = tpu.memref_slice %arg6[%add3A_225, %dma_start3A_244] : memref<10240x128xf32, #tpu.memory_space<hbm>> -> memref<40x128xf32, #tpu.memory_space<hbm>>
      %dma_start3A_246 = arith.constant 0 : i32
      %dma_start3A_247 = tpu.memref_slice %arg6[%add3A_225, %dma_start3A_246] : memref<10240x128xf32, #tpu.memory_space<hbm>> -> memref<40x128xf32, #tpu.memory_space<hbm>>
      %dma_start3A_248 = arith.constant 0 : i32
      %dma_start3A_249 = arith.constant 0 : i32
      %dma_start3A_250 = tpu.memref_slice %arg10[%dma_start3A_248, %dma_start3A_249] : memref<40x128xf32, #tpu.memory_space<vmem>> -> memref<40x128xf32, #tpu.memory_space<vmem>>
      tpu.enqueue_dma source(%dma_start3A_250 : memref<40x128xf32, #tpu.memory_space<vmem>>) target(%dma_start3A_247 : memref<40x128xf32, #tpu.memory_space<hbm>>) target_semaphore(%run_scoped3A : memref<!tpu.dma_semaphore, #tpu.memory_space<semaphore_mem>>)
      %dma_wait3A_251 = arith.constant 0 : i32
      %dma_wait3A_252 = arith.constant 0 : i32
      %dma_wait3A_253 = tpu.memref_slice %arg10[%dma_wait3A_251, %dma_wait3A_252] : memref<40x128xf32, #tpu.memory_space<vmem>> -> memref<40x128xf32, #tpu.memory_space<vmem>>
      %dma_wait3A_254 = arith.constant 0 : i32
      %dma_wait3A_255 = tpu.memref_slice %arg6[%add3A_225, %dma_wait3A_254] : memref<10240x128xf32, #tpu.memory_space<hbm>> -> memref<40x128xf32, #tpu.memory_space<hbm>>
      %dma_wait3A_256 = arith.constant 0 : i32
      %dma_wait3A_257 = tpu.memref_slice %arg6[%add3A_225, %dma_wait3A_256] : memref<10240x128xf32, #tpu.memory_space<hbm>> -> memref<40x128xf32, #tpu.memory_space<hbm>>
      %dma_wait3A_258 = arith.constant 0 : i32
      %dma_wait3A_259 = arith.constant 0 : i32
      %dma_wait3A_260 = tpu.memref_slice %arg10[%dma_wait3A_258, %dma_wait3A_259] : memref<40x128xf32, #tpu.memory_space<vmem>> -> memref<40x128xf32, #tpu.memory_space<vmem>>
      tpu.wait_dma2 semaphore(%run_scoped3A : memref<!tpu.dma_semaphore, #tpu.memory_space<semaphore_mem>>) src(%dma_wait3A_260 : memref<40x128xf32, #tpu.memory_space<vmem>>) dst(%dma_wait3A_257 : memref<40x128xf32, #tpu.memory_space<hbm>>)
      tpu.yield
    }) : () -> ()
    %add3A_226 = arith.constant 280 : i32
    %add3A_227 = arith.addi %mul3A_120, %add3A_226 : i32
    "tpu.region"() ({
      %run_scoped3A = tpu.sem_alloc : memref<!tpu.dma_semaphore, #tpu.memory_space<semaphore_mem>>
      %dma_start3A_241 = arith.constant 0 : i32
      %dma_start3A_242 = arith.constant 0 : i32
      %dma_start3A_243 = tpu.memref_slice %arg10[%dma_start3A_241, %dma_start3A_242] : memref<40x128xf32, #tpu.memory_space<vmem>> -> memref<40x128xf32, #tpu.memory_space<vmem>>
      %dma_start3A_244 = arith.constant 0 : i32
      %dma_start3A_245 = tpu.memref_slice %arg22[%add3A_227, %dma_start3A_244] : memref<5248x128xf32, #tpu.memory_space<vmem_shared>> -> memref<40x128xf32, #tpu.memory_space<vmem_shared>>
      %dma_start3A_246 = arith.constant 0 : i32
      %dma_start3A_247 = arith.constant 0 : i32
      %dma_start3A_248 = tpu.memref_slice %arg10[%dma_start3A_246, %dma_start3A_247] : memref<40x128xf32, #tpu.memory_space<vmem>> -> memref<40x128xf32, #tpu.memory_space<vmem>>
      %dma_start3A_249 = arith.constant 0 : i32
      %dma_start3A_250 = tpu.memref_slice %arg22[%add3A_227, %dma_start3A_249] : memref<5248x128xf32, #tpu.memory_space<vmem_shared>> -> memref<40x128xf32, #tpu.memory_space<vmem_shared>>
      tpu.enqueue_dma source(%dma_start3A_250 : memref<40x128xf32, #tpu.memory_space<vmem_shared>>) target(%dma_start3A_248 : memref<40x128xf32, #tpu.memory_space<vmem>>) target_semaphore(%run_scoped3A : memref<!tpu.dma_semaphore, #tpu.memory_space<semaphore_mem>>)
      %dma_wait3A_251 = arith.constant 0 : i32
      %dma_wait3A_252 = arith.constant 0 : i32
      %dma_wait3A_253 = tpu.memref_slice %arg10[%dma_wait3A_251, %dma_wait3A_252] : memref<40x128xf32, #tpu.memory_space<vmem>> -> memref<40x128xf32, #tpu.memory_space<vmem>>
      %dma_wait3A_254 = arith.constant 0 : i32
      %dma_wait3A_255 = tpu.memref_slice %arg22[%add3A_227, %dma_wait3A_254] : memref<5248x128xf32, #tpu.memory_space<vmem_shared>> -> memref<40x128xf32, #tpu.memory_space<vmem_shared>>
      %dma_wait3A_256 = arith.constant 0 : i32
      %dma_wait3A_257 = arith.constant 0 : i32
      %dma_wait3A_258 = tpu.memref_slice %arg10[%dma_wait3A_256, %dma_wait3A_257] : memref<40x128xf32, #tpu.memory_space<vmem>> -> memref<40x128xf32, #tpu.memory_space<vmem>>
      %dma_wait3A_259 = arith.constant 0 : i32
      %dma_wait3A_260 = tpu.memref_slice %arg22[%add3A_227, %dma_wait3A_259] : memref<5248x128xf32, #tpu.memory_space<vmem_shared>> -> memref<40x128xf32, #tpu.memory_space<vmem_shared>>
      tpu.wait_dma2 semaphore(%run_scoped3A : memref<!tpu.dma_semaphore, #tpu.memory_space<semaphore_mem>>) src(%dma_wait3A_260 : memref<40x128xf32, #tpu.memory_space<vmem_shared>>) dst(%dma_wait3A_258 : memref<40x128xf32, #tpu.memory_space<vmem>>)
      tpu.yield
    }) : () -> ()
    %add3A_228 = arith.constant 280 : i32
    %add3A_229 = arith.addi %mul3A_120, %add3A_228 : i32
    "tpu.region"() ({
      %run_scoped3A = tpu.sem_alloc : memref<!tpu.dma_semaphore, #tpu.memory_space<semaphore_mem>>
      %dma_start3A_241 = arith.constant 0 : i32
      %dma_start3A_242 = arith.constant 0 : i32
      %dma_start3A_243 = tpu.memref_slice %arg13[%dma_start3A_241, %dma_start3A_242] : memref<40x128xf32, #tpu.memory_space<vmem>> -> memref<40x128xf32, #tpu.memory_space<vmem>>
      %dma_start3A_244 = arith.constant 0 : i32
      %dma_start3A_245 = tpu.memref_slice %arg23[%add3A_229, %dma_start3A_244] : memref<5248x128xf32, #tpu.memory_space<vmem_shared>> -> memref<40x128xf32, #tpu.memory_space<vmem_shared>>
      %dma_start3A_246 = arith.constant 0 : i32
      %dma_start3A_247 = arith.constant 0 : i32
      %dma_start3A_248 = tpu.memref_slice %arg13[%dma_start3A_246, %dma_start3A_247] : memref<40x128xf32, #tpu.memory_space<vmem>> -> memref<40x128xf32, #tpu.memory_space<vmem>>
      %dma_start3A_249 = arith.constant 0 : i32
      %dma_start3A_250 = tpu.memref_slice %arg23[%add3A_229, %dma_start3A_249] : memref<5248x128xf32, #tpu.memory_space<vmem_shared>> -> memref<40x128xf32, #tpu.memory_space<vmem_shared>>
      tpu.enqueue_dma source(%dma_start3A_250 : memref<40x128xf32, #tpu.memory_space<vmem_shared>>) target(%dma_start3A_248 : memref<40x128xf32, #tpu.memory_space<vmem>>) target_semaphore(%run_scoped3A : memref<!tpu.dma_semaphore, #tpu.memory_space<semaphore_mem>>)
      %dma_wait3A_251 = arith.constant 0 : i32
      %dma_wait3A_252 = arith.constant 0 : i32
      %dma_wait3A_253 = tpu.memref_slice %arg13[%dma_wait3A_251, %dma_wait3A_252] : memref<40x128xf32, #tpu.memory_space<vmem>> -> memref<40x128xf32, #tpu.memory_space<vmem>>
      %dma_wait3A_254 = arith.constant 0 : i32
      %dma_wait3A_255 = tpu.memref_slice %arg23[%add3A_229, %dma_wait3A_254] : memref<5248x128xf32, #tpu.memory_space<vmem_shared>> -> memref<40x128xf32, #tpu.memory_space<vmem_shared>>
      %dma_wait3A_256 = arith.constant 0 : i32
      %dma_wait3A_257 = arith.constant 0 : i32
      %dma_wait3A_258 = tpu.memref_slice %arg13[%dma_wait3A_256, %dma_wait3A_257] : memref<40x128xf32, #tpu.memory_space<vmem>> -> memref<40x128xf32, #tpu.memory_space<vmem>>
      %dma_wait3A_259 = arith.constant 0 : i32
      %dma_wait3A_260 = tpu.memref_slice %arg23[%add3A_229, %dma_wait3A_259] : memref<5248x128xf32, #tpu.memory_space<vmem_shared>> -> memref<40x128xf32, #tpu.memory_space<vmem_shared>>
      tpu.wait_dma2 semaphore(%run_scoped3A : memref<!tpu.dma_semaphore, #tpu.memory_space<semaphore_mem>>) src(%dma_wait3A_260 : memref<40x128xf32, #tpu.memory_space<vmem_shared>>) dst(%dma_wait3A_258 : memref<40x128xf32, #tpu.memory_space<vmem>>)
      tpu.yield
    }) : () -> ()
    %scan3A_230 = arith.constant 0 : i32
    %scan3A_231 = arith.constant 0 : i32
    %scan3A_232 = arith.constant 40 : i32
    %scan3A_233 = arith.addi %scan3A_231, %scan3A_232 : i32
    %scan3A_234 = arith.constant 1 : i32
    scf.for %scan3A_241 = %scan3A_231 to %scan3A_233 step %scan3A_234  : i32 {
      %get3A_242 = arith.index_cast %scan3A_241 : i32 to index
      %get3A_243 = arith.constant 0 : index
      %get3A_244 = tpu.vector_load %arg13[%get3A_242, %get3A_243] {strides = array<i32>} : memref<40x128xf32, #tpu.memory_space<vmem>>, vector<16xf32>,
      %broadcast_in_dim3A = arith.constant 1.000000e+00 : f32
      %broadcast_in_dim3A_245 = vector.broadcast %broadcast_in_dim3A : f32 to vector<16xf32>
      %gt3A = arith.constant 0.000000e+00 : f32
      %gt3A_246 = vector.broadcast %gt3A : f32 to vector<16xf32>
      %gt3A_247 = arith.cmpf ogt, %get3A_244, %gt3A_246 : vector<16xf32>
      %jit3A = arith.constant 1.000000e+00 : f32
      %broadcast_in_dim3A_248 = vector.broadcast %jit3A : f32 to vector<16xf32>
      %select_n3A = arith.select %gt3A_247, %get3A_244, %broadcast_in_dim3A_248 : vector<16xi1>, vector<16xf32>
      %div3A = arith.divf %broadcast_in_dim3A_245, %select_n3A : vector<16xf32>
      %get3A_249 = arith.index_cast %scan3A_241 : i32 to index
      %get3A_250 = arith.constant 0 : index
      %get3A_251 = tpu.vector_load %arg10[%get3A_249, %get3A_250] {strides = array<i32>} : memref<40x128xf32, #tpu.memory_space<vmem>>, vector<16xf32>,
      %mul3A_252 = arith.mulf %get3A_251, %div3A : vector<16xf32>
      %swap3A = arith.index_cast %scan3A_241 : i32 to index
      %swap3A_253 = arith.constant 0 : index
      %swap3A_254 = tpu.vector_load %arg10[%swap3A, %swap3A_253] {strides = array<i32>} : memref<40x128xf32, #tpu.memory_space<vmem>>, vector<16xf32>,
      tpu.vector_store %arg10[%swap3A, %swap3A_253], %mul3A_252 {strides = array<i32>} : memref<40x128xf32, #tpu.memory_space<vmem>>, vector<16xf32>,
      %get3A_255 = arith.index_cast %scan3A_241 : i32 to index
      %get3A_256 = arith.constant 16 : index
      %get3A_257 = tpu.vector_load %arg10[%get3A_255, %get3A_256] {strides = array<i32>} : memref<40x128xf32, #tpu.memory_space<vmem>>, vector<16xf32>,
      %mul3A_258 = arith.mulf %get3A_257, %div3A : vector<16xf32>
      %swap3A_259 = arith.index_cast %scan3A_241 : i32 to index
      %swap3A_260 = arith.constant 16 : index
      %swap3A_261 = tpu.vector_load %arg10[%swap3A_259, %swap3A_260] {strides = array<i32>} : memref<40x128xf32, #tpu.memory_space<vmem>>, vector<16xf32>,
      tpu.vector_store %arg10[%swap3A_259, %swap3A_260], %mul3A_258 {strides = array<i32>} : memref<40x128xf32, #tpu.memory_space<vmem>>, vector<16xf32>,
      %get3A_262 = arith.index_cast %scan3A_241 : i32 to index
      %get3A_263 = arith.constant 32 : index
      %get3A_264 = tpu.vector_load %arg10[%get3A_262, %get3A_263] {strides = array<i32>} : memref<40x128xf32, #tpu.memory_space<vmem>>, vector<16xf32>,
      %mul3A_265 = arith.mulf %get3A_264, %div3A : vector<16xf32>
      %swap3A_266 = arith.index_cast %scan3A_241 : i32 to index
      %swap3A_267 = arith.constant 32 : index
      %swap3A_268 = tpu.vector_load %arg10[%swap3A_266, %swap3A_267] {strides = array<i32>} : memref<40x128xf32, #tpu.memory_space<vmem>>, vector<16xf32>,
      tpu.vector_store %arg10[%swap3A_266, %swap3A_267], %mul3A_265 {strides = array<i32>} : memref<40x128xf32, #tpu.memory_space<vmem>>, vector<16xf32>,
      %get3A_269 = arith.index_cast %scan3A_241 : i32 to index
      %get3A_270 = arith.constant 48 : index
      %get3A_271 = tpu.vector_load %arg10[%get3A_269, %get3A_270] {strides = array<i32>} : memref<40x128xf32, #tpu.memory_space<vmem>>, vector<16xf32>,
      %mul3A_272 = arith.mulf %get3A_271, %div3A : vector<16xf32>
      %swap3A_273 = arith.index_cast %scan3A_241 : i32 to index
      %swap3A_274 = arith.constant 48 : index
      %swap3A_275 = tpu.vector_load %arg10[%swap3A_273, %swap3A_274] {strides = array<i32>} : memref<40x128xf32, #tpu.memory_space<vmem>>, vector<16xf32>,
      tpu.vector_store %arg10[%swap3A_273, %swap3A_274], %mul3A_272 {strides = array<i32>} : memref<40x128xf32, #tpu.memory_space<vmem>>, vector<16xf32>,
      %get3A_276 = arith.index_cast %scan3A_241 : i32 to index
      %get3A_277 = arith.constant 64 : index
      %get3A_278 = tpu.vector_load %arg10[%get3A_276, %get3A_277] {strides = array<i32>} : memref<40x128xf32, #tpu.memory_space<vmem>>, vector<16xf32>,
      %mul3A_279 = arith.mulf %get3A_278, %div3A : vector<16xf32>
      %swap3A_280 = arith.index_cast %scan3A_241 : i32 to index
      %swap3A_281 = arith.constant 64 : index
      %swap3A_282 = tpu.vector_load %arg10[%swap3A_280, %swap3A_281] {strides = array<i32>} : memref<40x128xf32, #tpu.memory_space<vmem>>, vector<16xf32>,
      tpu.vector_store %arg10[%swap3A_280, %swap3A_281], %mul3A_279 {strides = array<i32>} : memref<40x128xf32, #tpu.memory_space<vmem>>, vector<16xf32>,
      %get3A_283 = arith.index_cast %scan3A_241 : i32 to index
      %get3A_284 = arith.constant 80 : index
      %get3A_285 = tpu.vector_load %arg10[%get3A_283, %get3A_284] {strides = array<i32>} : memref<40x128xf32, #tpu.memory_space<vmem>>, vector<16xf32>,
      %mul3A_286 = arith.mulf %get3A_285, %div3A : vector<16xf32>
      %swap3A_287 = arith.index_cast %scan3A_241 : i32 to index
      %swap3A_288 = arith.constant 80 : index
      %swap3A_289 = tpu.vector_load %arg10[%swap3A_287, %swap3A_288] {strides = array<i32>} : memref<40x128xf32, #tpu.memory_space<vmem>>, vector<16xf32>,
      tpu.vector_store %arg10[%swap3A_287, %swap3A_288], %mul3A_286 {strides = array<i32>} : memref<40x128xf32, #tpu.memory_space<vmem>>, vector<16xf32>,
      %get3A_290 = arith.index_cast %scan3A_241 : i32 to index
      %get3A_291 = arith.constant 96 : index
      %get3A_292 = tpu.vector_load %arg10[%get3A_290, %get3A_291] {strides = array<i32>} : memref<40x128xf32, #tpu.memory_space<vmem>>, vector<16xf32>,
      %mul3A_293 = arith.mulf %get3A_292, %div3A : vector<16xf32>
      %swap3A_294 = arith.index_cast %scan3A_241 : i32 to index
      %swap3A_295 = arith.constant 96 : index
      %swap3A_296 = tpu.vector_load %arg10[%swap3A_294, %swap3A_295] {strides = array<i32>} : memref<40x128xf32, #tpu.memory_space<vmem>>, vector<16xf32>,
      tpu.vector_store %arg10[%swap3A_294, %swap3A_295], %mul3A_293 {strides = array<i32>} : memref<40x128xf32, #tpu.memory_space<vmem>>, vector<16xf32>,
      %get3A_297 = arith.index_cast %scan3A_241 : i32 to index
      %get3A_298 = arith.constant 112 : index
      %get3A_299 = tpu.vector_load %arg10[%get3A_297, %get3A_298] {strides = array<i32>} : memref<40x128xf32, #tpu.memory_space<vmem>>, vector<16xf32>,
      %mul3A_300 = arith.mulf %get3A_299, %div3A : vector<16xf32>
      %swap3A_301 = arith.index_cast %scan3A_241 : i32 to index
      %swap3A_302 = arith.constant 112 : index
      %swap3A_303 = tpu.vector_load %arg10[%swap3A_301, %swap3A_302] {strides = array<i32>} : memref<40x128xf32, #tpu.memory_space<vmem>>, vector<16xf32>,
      tpu.vector_store %arg10[%swap3A_301, %swap3A_302], %mul3A_300 {strides = array<i32>} : memref<40x128xf32, #tpu.memory_space<vmem>>, vector<16xf32>,
    }
    %scan3A_235 = arith.constant 40 : i32
    %mul3A_236 = arith.constant 5120 : i32
    %mul3A_237 = arith.muli %arg0, %mul3A_236 : i32
    %add3A_238 = arith.addi %mul3A_237, %mul3A_120 : i32
    %add3A_239 = arith.constant 280 : i32
    %add3A_240 = arith.addi %add3A_238, %add3A_239 : i32
    "tpu.region"() ({
      %run_scoped3A = tpu.sem_alloc : memref<!tpu.dma_semaphore, #tpu.memory_space<semaphore_mem>>
      %dma_start3A_241 = arith.constant 0 : i32
      %dma_start3A_242 = arith.constant 0 : i32
      %dma_start3A_243 = tpu.memref_slice %arg10[%dma_start3A_241, %dma_start3A_242] : memref<40x128xf32, #tpu.memory_space<vmem>> -> memref<40x128xf32, #tpu.memory_space<vmem>>
      %dma_start3A_244 = arith.constant 0 : i32
      %dma_start3A_245 = tpu.memref_slice %arg6[%add3A_240, %dma_start3A_244] : memref<10240x128xf32, #tpu.memory_space<hbm>> -> memref<40x128xf32, #tpu.memory_space<hbm>>
      %dma_start3A_246 = arith.constant 0 : i32
      %dma_start3A_247 = tpu.memref_slice %arg6[%add3A_240, %dma_start3A_246] : memref<10240x128xf32, #tpu.memory_space<hbm>> -> memref<40x128xf32, #tpu.memory_space<hbm>>
      %dma_start3A_248 = arith.constant 0 : i32
      %dma_start3A_249 = arith.constant 0 : i32
      %dma_start3A_250 = tpu.memref_slice %arg10[%dma_start3A_248, %dma_start3A_249] : memref<40x128xf32, #tpu.memory_space<vmem>> -> memref<40x128xf32, #tpu.memory_space<vmem>>
      tpu.enqueue_dma source(%dma_start3A_250 : memref<40x128xf32, #tpu.memory_space<vmem>>) target(%dma_start3A_247 : memref<40x128xf32, #tpu.memory_space<hbm>>) target_semaphore(%run_scoped3A : memref<!tpu.dma_semaphore, #tpu.memory_space<semaphore_mem>>)
      %dma_wait3A_251 = arith.constant 0 : i32
      %dma_wait3A_252 = arith.constant 0 : i32
      %dma_wait3A_253 = tpu.memref_slice %arg10[%dma_wait3A_251, %dma_wait3A_252] : memref<40x128xf32, #tpu.memory_space<vmem>> -> memref<40x128xf32, #tpu.memory_space<vmem>>
      %dma_wait3A_254 = arith.constant 0 : i32
      %dma_wait3A_255 = tpu.memref_slice %arg6[%add3A_240, %dma_wait3A_254] : memref<10240x128xf32, #tpu.memory_space<hbm>> -> memref<40x128xf32, #tpu.memory_space<hbm>>
      %dma_wait3A_256 = arith.constant 0 : i32
      %dma_wait3A_257 = tpu.memref_slice %arg6[%add3A_240, %dma_wait3A_256] : memref<10240x128xf32, #tpu.memory_space<hbm>> -> memref<40x128xf32, #tpu.memory_space<hbm>>
      %dma_wait3A_258 = arith.constant 0 : i32
      %dma_wait3A_259 = arith.constant 0 : i32
      %dma_wait3A_260 = tpu.memref_slice %arg10[%dma_wait3A_258, %dma_wait3A_259] : memref<40x128xf32, #tpu.memory_space<vmem>> -> memref<40x128xf32, #tpu.memory_space<vmem>>
      tpu.wait_dma2 semaphore(%run_scoped3A : memref<!tpu.dma_semaphore, #tpu.memory_space<semaphore_mem>>) src(%dma_wait3A_260 : memref<40x128xf32, #tpu.memory_space<vmem>>) dst(%dma_wait3A_257 : memref<40x128xf32, #tpu.memory_space<hbm>>)
      tpu.yield
    }) : () -> ()
    return
  }
}

#map = affine_map<(d0, d1) -> (0, 0)>
#map1 = affine_map<(d0, d1) -> (0)>
module attributes {stable_mosaic.version = 14 : i64} {
  func.func @_agg_body(%arg0: i32, %arg1: i32, %arg2: memref<10240x128xf32, #tpu.memory_space<hbm>>, %arg3: memref<51200xi32, #tpu.memory_space<hbm>>, %arg4: memref<51200x128xf32, #tpu.memory_space<hbm>>, %arg5: memref<200xi32, #tpu.memory_space<vmem>>, %arg6: memref<200x128xf32, #tpu.memory_space<vmem>>, %arg7: memref<!tpu.dma_semaphore, #tpu.memory_space<semaphore_mem>>) attributes {dimension_semantics = [#tpu.dimension_semantics<core_parallel>, #tpu.dimension_semantics<subcore_parallel>], iteration_bounds = array<i64: 2, 16>, scalar_prefetch = 0 : i64, scratch_operands = 3 : i64, tpu.core_type = #tpu.core_type<sc_vector_subcore>, window_params = [{transform_indices = #map}, {transform_indices = #map1}, {transform_indices = #map}]} {
    %mul3A = arith.constant 2 : i32
    %mul3A_0 = arith.muli %arg1, %mul3A : i32
    %add3A = arith.addi %mul3A_0, %arg0 : i32
    %mul3A_1 = arith.constant 1600 : i32
    %mul3A_2 = arith.muli %add3A, %mul3A_1 : i32
    %scan3A = arith.constant 0 : i32
    %scan3A_3 = arith.constant 0 : i32
    %scan3A_4 = arith.constant 8 : i32
    %scan3A_5 = arith.addi %scan3A_3, %scan3A_4 : i32
    %scan3A_6 = arith.constant 1 : i32
    scf.for %scan3A_8 = %scan3A_3 to %scan3A_5 step %scan3A_6  : i32 {
      %mul3A_9 = arith.constant 200 : i32
      %mul3A_10 = arith.muli %scan3A_8, %mul3A_9 : i32
      %add3A_11 = arith.addi %mul3A_2, %mul3A_10 : i32
      "tpu.region"() ({
        %run_scoped3A = tpu.sem_alloc : memref<!tpu.dma_semaphore, #tpu.memory_space<semaphore_mem>>
        %dma_start3A_16 = tpu.memref_slice %arg3[%add3A_11] : memref<51200xi32, #tpu.memory_space<hbm>> -> memref<200xi32, #tpu.memory_space<hbm>>
        %dma_start3A_17 = tpu.memref_slice %arg3[%add3A_11] : memref<51200xi32, #tpu.memory_space<hbm>> -> memref<200xi32, #tpu.memory_space<hbm>>
        tpu.enqueue_dma source(%dma_start3A_17 : memref<200xi32, #tpu.memory_space<hbm>>) target(%arg5 : memref<200xi32, #tpu.memory_space<vmem>>) target_semaphore(%run_scoped3A : memref<!tpu.dma_semaphore, #tpu.memory_space<semaphore_mem>>)
        %dma_wait3A_18 = tpu.memref_slice %arg3[%add3A_11] : memref<51200xi32, #tpu.memory_space<hbm>> -> memref<200xi32, #tpu.memory_space<hbm>>
        %dma_wait3A_19 = tpu.memref_slice %arg3[%add3A_11] : memref<51200xi32, #tpu.memory_space<hbm>> -> memref<200xi32, #tpu.memory_space<hbm>>
        tpu.wait_dma2 semaphore(%run_scoped3A : memref<!tpu.dma_semaphore, #tpu.memory_space<semaphore_mem>>) src(%dma_wait3A_19 : memref<200xi32, #tpu.memory_space<hbm>>) dst(%arg5 : memref<200xi32, #tpu.memory_space<vmem>>)
        tpu.yield
      }) : () -> ()
      %dma_start3A = arith.constant 0 : i32
      %dma_start3A_12 = arith.constant 0 : i32
      %dma_start3A_13 = tpu.memref_slice %arg2[%dma_start3A, %dma_start3A_12] : memref<10240x128xf32, #tpu.memory_space<hbm>> -> memref<10240x128xf32, #tpu.memory_space<hbm>>
      tpu.enqueue_indirect_dma source(%dma_start3A_13 : memref<10240x128xf32, #tpu.memory_space<hbm>>) target(%arg6 : memref<200x128xf32, #tpu.memory_space<vmem>>) offsets(%arg5 : memref<200xi32, #tpu.memory_space<vmem>>) semaphore(%arg7 : memref<!tpu.dma_semaphore, #tpu.memory_space<semaphore_mem>>)
      %dma_wait3A = arith.constant 0 : i32
      %dma_wait3A_14 = arith.constant 0 : i32
      %dma_wait3A_15 = tpu.memref_slice %arg2[%dma_wait3A, %dma_wait3A_14] : memref<10240x128xf32, #tpu.memory_space<hbm>> -> memref<10240x128xf32, #tpu.memory_space<hbm>>
      tpu.wait_indirect_dma semaphore(%arg7 : memref<!tpu.dma_semaphore, #tpu.memory_space<semaphore_mem>>) src(%dma_wait3A_15 : memref<10240x128xf32, #tpu.memory_space<hbm>>) dst(%arg6 : memref<200x128xf32, #tpu.memory_space<vmem>>)
      "tpu.region"() ({
        %run_scoped3A = tpu.sem_alloc : memref<!tpu.dma_semaphore, #tpu.memory_space<semaphore_mem>>
        %dma_start3A_16 = arith.constant 0 : i32
        %dma_start3A_17 = tpu.memref_slice %arg4[%add3A_11, %dma_start3A_16] : memref<51200x128xf32, #tpu.memory_space<hbm>> -> memref<200x128xf32, #tpu.memory_space<hbm>>
        %dma_start3A_18 = arith.constant 0 : i32
        %dma_start3A_19 = tpu.memref_slice %arg4[%add3A_11, %dma_start3A_18] : memref<51200x128xf32, #tpu.memory_space<hbm>> -> memref<200x128xf32, #tpu.memory_space<hbm>>
        tpu.enqueue_dma source(%arg6 : memref<200x128xf32, #tpu.memory_space<vmem>>) target(%dma_start3A_19 : memref<200x128xf32, #tpu.memory_space<hbm>>) target_semaphore(%run_scoped3A : memref<!tpu.dma_semaphore, #tpu.memory_space<semaphore_mem>>)
        %dma_wait3A_20 = arith.constant 0 : i32
        %dma_wait3A_21 = tpu.memref_slice %arg4[%add3A_11, %dma_wait3A_20] : memref<51200x128xf32, #tpu.memory_space<hbm>> -> memref<200x128xf32, #tpu.memory_space<hbm>>
        %dma_wait3A_22 = arith.constant 0 : i32
        %dma_wait3A_23 = tpu.memref_slice %arg4[%add3A_11, %dma_wait3A_22] : memref<51200x128xf32, #tpu.memory_space<hbm>> -> memref<200x128xf32, #tpu.memory_space<hbm>>
        tpu.wait_dma2 semaphore(%run_scoped3A : memref<!tpu.dma_semaphore, #tpu.memory_space<semaphore_mem>>) src(%arg6 : memref<200x128xf32, #tpu.memory_space<vmem>>) dst(%dma_wait3A_23 : memref<200x128xf32, #tpu.memory_space<hbm>>)
        tpu.yield
      }) : () -> ()
    }
    %scan3A_7 = arith.constant 8 : i32
    return
  }
}

#map = affine_map<(d0, d1) -> (0, 0)>
#map1 = affine_map<(d0, d1) -> (0)>
module attributes {stable_mosaic.version = 14 : i64} {
  func.func @_hn_body(%arg0: i32, %arg1: i32, %arg2: memref<100000x128xf32, #tpu.memory_space<hbm>>, %arg3: memref<10240xi32, #tpu.memory_space<hbm>>, %arg4: memref<10240x128xf32, #tpu.memory_space<hbm>>, %arg5: memref<320xi32, #tpu.memory_space<vmem>>, %arg6: memref<320x128xf32, #tpu.memory_space<vmem>>, %arg7: memref<!tpu.dma_semaphore, #tpu.memory_space<semaphore_mem>>) attributes {dimension_semantics = [#tpu.dimension_semantics<core_parallel>, #tpu.dimension_semantics<subcore_parallel>], iteration_bounds = array<i64: 2, 16>, scalar_prefetch = 0 : i64, scratch_operands = 3 : i64, tpu.core_type = #tpu.core_type<sc_vector_subcore>, window_params = [{transform_indices = #map}, {transform_indices = #map1}, {transform_indices = #map}]} {
    %mul3A = arith.constant 2 : i32
    %mul3A_0 = arith.muli %arg1, %mul3A : i32
    %add3A = arith.addi %mul3A_0, %arg0 : i32
    %mul3A_1 = arith.constant 320 : i32
    %mul3A_2 = arith.muli %add3A, %mul3A_1 : i32
    "tpu.region"() ({
      %run_scoped3A = tpu.sem_alloc : memref<!tpu.dma_semaphore, #tpu.memory_space<semaphore_mem>>
      %dma_start3A_7 = tpu.memref_slice %arg3[%mul3A_2] : memref<10240xi32, #tpu.memory_space<hbm>> -> memref<320xi32, #tpu.memory_space<hbm>>
      %dma_start3A_8 = tpu.memref_slice %arg3[%mul3A_2] : memref<10240xi32, #tpu.memory_space<hbm>> -> memref<320xi32, #tpu.memory_space<hbm>>
      tpu.enqueue_dma source(%dma_start3A_8 : memref<320xi32, #tpu.memory_space<hbm>>) target(%arg5 : memref<320xi32, #tpu.memory_space<vmem>>) target_semaphore(%run_scoped3A : memref<!tpu.dma_semaphore, #tpu.memory_space<semaphore_mem>>)
      %dma_wait3A_9 = tpu.memref_slice %arg3[%mul3A_2] : memref<10240xi32, #tpu.memory_space<hbm>> -> memref<320xi32, #tpu.memory_space<hbm>>
      %dma_wait3A_10 = tpu.memref_slice %arg3[%mul3A_2] : memref<10240xi32, #tpu.memory_space<hbm>> -> memref<320xi32, #tpu.memory_space<hbm>>
      tpu.wait_dma2 semaphore(%run_scoped3A : memref<!tpu.dma_semaphore, #tpu.memory_space<semaphore_mem>>) src(%dma_wait3A_10 : memref<320xi32, #tpu.memory_space<hbm>>) dst(%arg5 : memref<320xi32, #tpu.memory_space<vmem>>)
      tpu.yield
    }) : () -> ()
    %dma_start3A = arith.constant 0 : i32
    %dma_start3A_3 = arith.constant 0 : i32
    %dma_start3A_4 = tpu.memref_slice %arg2[%dma_start3A, %dma_start3A_3] : memref<100000x128xf32, #tpu.memory_space<hbm>> -> memref<100000x128xf32, #tpu.memory_space<hbm>>
    tpu.enqueue_indirect_dma source(%dma_start3A_4 : memref<100000x128xf32, #tpu.memory_space<hbm>>) target(%arg6 : memref<320x128xf32, #tpu.memory_space<vmem>>) offsets(%arg5 : memref<320xi32, #tpu.memory_space<vmem>>) semaphore(%arg7 : memref<!tpu.dma_semaphore, #tpu.memory_space<semaphore_mem>>)
    %dma_wait3A = arith.constant 0 : i32
    %dma_wait3A_5 = arith.constant 0 : i32
    %dma_wait3A_6 = tpu.memref_slice %arg2[%dma_wait3A, %dma_wait3A_5] : memref<100000x128xf32, #tpu.memory_space<hbm>> -> memref<100000x128xf32, #tpu.memory_space<hbm>>
    tpu.wait_indirect_dma semaphore(%arg7 : memref<!tpu.dma_semaphore, #tpu.memory_space<semaphore_mem>>) src(%dma_wait3A_6 : memref<100000x128xf32, #tpu.memory_space<hbm>>) dst(%arg6 : memref<320x128xf32, #tpu.memory_space<vmem>>)
    "tpu.region"() ({
      %run_scoped3A = tpu.sem_alloc : memref<!tpu.dma_semaphore, #tpu.memory_space<semaphore_mem>>
      %dma_start3A_7 = arith.constant 0 : i32
      %dma_start3A_8 = tpu.memref_slice %arg4[%mul3A_2, %dma_start3A_7] : memref<10240x128xf32, #tpu.memory_space<hbm>> -> memref<320x128xf32, #tpu.memory_space<hbm>>
      %dma_start3A_9 = arith.constant 0 : i32
      %dma_start3A_10 = tpu.memref_slice %arg4[%mul3A_2, %dma_start3A_9] : memref<10240x128xf32, #tpu.memory_space<hbm>> -> memref<320x128xf32, #tpu.memory_space<hbm>>
      tpu.enqueue_dma source(%arg6 : memref<320x128xf32, #tpu.memory_space<vmem>>) target(%dma_start3A_10 : memref<320x128xf32, #tpu.memory_space<hbm>>) target_semaphore(%run_scoped3A : memref<!tpu.dma_semaphore, #tpu.memory_space<semaphore_mem>>)
      %dma_wait3A_11 = arith.constant 0 : i32
      %dma_wait3A_12 = tpu.memref_slice %arg4[%mul3A_2, %dma_wait3A_11] : memref<10240x128xf32, #tpu.memory_space<hbm>> -> memref<320x128xf32, #tpu.memory_space<hbm>>
      %dma_wait3A_13 = arith.constant 0 : i32
      %dma_wait3A_14 = tpu.memref_slice %arg4[%mul3A_2, %dma_wait3A_13] : memref<10240x128xf32, #tpu.memory_space<hbm>> -> memref<320x128xf32, #tpu.memory_space<hbm>>
      tpu.wait_dma2 semaphore(%run_scoped3A : memref<!tpu.dma_semaphore, #tpu.memory_space<semaphore_mem>>) src(%arg6 : memref<320x128xf32, #tpu.memory_space<vmem>>) dst(%dma_wait3A_14 : memref<320x128xf32, #tpu.memory_space<hbm>>)
      tpu.yield
    }) : () -> ()
    return
  }
}

module attributes {stable_mosaic.version = 14 : i64} {
  func.func @_sel_body(%arg0: i32, %arg1: i32, %arg2: memref<512x128xf32, #tpu.memory_space<vmem>>, %arg3: memref<1x1x512xi32, #tpu.memory_space<vmem>>, %arg4: memref<1x1x512xi32, #tpu.memory_space<vmem>>, %arg5: memref<200x128xf32, #tpu.memory_space<vmem>>, %arg6: memref<1x128xf32, #tpu.memory_space<vmem>>, %arg7: memref<128x256xf32, #tpu.memory_space<vmem>>, %arg8: memref<128x256xf32, #tpu.memory_space<vmem>>, %arg9: memref<1024x128xf32, #tpu.memory_space<vmem>>, %arg10: memref<1024x128xf32, #tpu.memory_space<vmem>>, %arg11: memref<1024x128xf32, #tpu.memory_space<vmem>>, %arg12: memref<1024x8xf32, #tpu.memory_space<vmem>>) attributes {dimension_semantics = [#tpu.dimension_semantics<arbitrary>, #tpu.dimension_semantics<arbitrary>], iteration_bounds = array<i64: 2, 100>, scalar_prefetch = 0 : i64, scratch_operands = 3 : i64, tpu.core_type = #tpu.core_type<tc>, window_params = [{transform_indices = @transform_0, window_bounds = array<i64: 512, 128>}, {transform_indices = @transform_1, window_bounds = array<i64: 1, 1, 512>}, {transform_indices = @transform_2, window_bounds = array<i64: 1, 1, 512>}, {pipeline_mode = #tpu.pipeline_mode<synchronous>, transform_indices = @transform_3, window_bounds = array<i64: 200, 128>}, {pipeline_mode = #tpu.pipeline_mode<synchronous>, transform_indices = @transform_4, window_bounds = array<i64: 1, 128>}, {pipeline_mode = #tpu.pipeline_mode<synchronous>, transform_indices = @transform_5, window_bounds = array<i64: 128, 256>}, {pipeline_mode = #tpu.pipeline_mode<synchronous>, transform_indices = @transform_6, window_bounds = array<i64: 128, 256>}, {pipeline_mode = #tpu.pipeline_mode<synchronous>, transform_indices = @transform_7, window_bounds = array<i64: 1024, 128>}]} {
    %get3A = arith.constant 0 : index
    %get3A_0 = arith.constant 0 : index
    %get3A_1 = arith.constant 0 : index
    %get3A_2 = vector.load %arg4[%get3A, %get3A_0, %get3A_1] : memref<1x1x512xi32, #tpu.memory_space<vmem>>, vector<1x1x512xi32>
    %get3A_3 = vector.shape_cast %get3A_2 : vector<1x1x512xi32> to vector<512xi32>
    %get3A_4 = arith.constant 0 : index
    %get3A_5 = arith.constant 0 : index
    %get3A_6 = vector.load %arg2[%get3A_4, %get3A_5] : memref<512x128xf32, #tpu.memory_space<vmem>>, vector<512x128xf32>
    %broadcast_in_dim3A = vector.shape_cast %get3A_3 : vector<512xi32> to vector<512x1xi32>
    %iota3A = tpu.iota {dimensions = array<i32: 1>} : vector<512x1024xi32>
    %eq3A = vector.broadcast %broadcast_in_dim3A : vector<512x1xi32> to vector<512x1024xi32>
    %eq3A_7 = arith.cmpi eq, %eq3A, %iota3A : vector<512x1024xi32>
    %convert_element_type3A = arith.extui %eq3A_7 : vector<512x1024xi1> to vector<512x1024xi32>
    %convert_element_type3A_8 = arith.sitofp %convert_element_type3A : vector<512x1024xi32> to vector<512x1024xf32>
    %eq3A_9 = arith.constant 0 : i32
    %eq3A_10 = arith.cmpi eq, %arg0, %eq3A_9 : i32
    %eq3A_11 = arith.constant 0 : i32
    %eq3A_12 = arith.cmpi eq, %arg1, %eq3A_11 : i32
    %and3A = arith.andi %eq3A_10, %eq3A_12 : i1
    %convert_element_type3A_13 = arith.extui %and3A : i1 to i32
    %cond3A = arith.constant 0 : i32
    %cond3A_14 = arith.cmpi ne, %convert_element_type3A_13, %cond3A : i32
    scf.if %cond3A_14 {
      %broadcast_in_dim3A_33 = arith.constant 0.000000e+00 : f32
      %broadcast_in_dim3A_34 = vector.broadcast %broadcast_in_dim3A_33 : f32 to vector<1024x128xf32>
      %swap3A = arith.constant 0 : index
      %swap3A_35 = arith.constant 0 : index
      %swap3A_36 = vector.load %arg11[%swap3A, %swap3A_35] : memref<1024x128xf32, #tpu.memory_space<vmem>>, vector<1024x128xf32>
      tpu.vector_store %arg11[%swap3A, %swap3A_35], %broadcast_in_dim3A_34 {strides = array<i32>} : memref<1024x128xf32, #tpu.memory_space<vmem>>, vector<1024x128xf32>,
      %broadcast_in_dim3A_37 = arith.constant 0.000000e+00 : f32
      %broadcast_in_dim3A_38 = vector.broadcast %broadcast_in_dim3A_37 : f32 to vector<1024x8xf32>
      %swap3A_39 = arith.constant 0 : index
      %swap3A_40 = arith.constant 0 : index
      %swap3A_41 = vector.load %arg12[%swap3A_39, %swap3A_40] : memref<1024x8xf32, #tpu.memory_space<vmem>>, vector<1024x8xf32>
      tpu.vector_store %arg12[%swap3A_39, %swap3A_40], %broadcast_in_dim3A_38 {strides = array<i32>} : memref<1024x8xf32, #tpu.memory_space<vmem>>, vector<1024x8xf32>,
    } else {
    }
    %eq3A_15 = arith.constant 0 : i32
    %eq3A_16 = arith.cmpi eq, %arg0, %eq3A_15 : i32
    %convert_element_type3A_17 = arith.extui %eq3A_16 : i1 to i32
    %cond3A_18 = arith.constant 0 : i32
    %cond3A_19 = arith.cmpi ne, %convert_element_type3A_17, %cond3A_18 : i32
    scf.if %cond3A_19 {
      %get3A_33 = arith.constant 0 : index
      %get3A_34 = arith.constant 0 : index
      %get3A_35 = vector.load %arg11[%get3A_33, %get3A_34] : memref<1024x128xf32, #tpu.memory_space<vmem>>, vector<1024x128xf32>
      %dot_general3A = arith.constant dense<0.000000e+00> : vector<1024x128xf32>
      %dot_general3A_36 = tpu.matmul %convert_element_type3A_8, %get3A_6, %dot_general3A {dimension_numbers = #tpu.dot_dimension_numbers<[0], [0], [1], [1], [0, 1, 1, 1], [], []>, transpose_lhs_hint = false} : vector<512x1024xf32>, vector<512x128xf32>, vector<1024x128xf32> -> vector<1024x128xf32>
      %add3A = arith.addf %get3A_35, %dot_general3A_36 : vector<1024x128xf32>
      %swap3A = arith.constant 0 : index
      %swap3A_37 = arith.constant 0 : index
      %swap3A_38 = vector.load %arg11[%swap3A, %swap3A_37] : memref<1024x128xf32, #tpu.memory_space<vmem>>, vector<1024x128xf32>
      tpu.vector_store %arg11[%swap3A, %swap3A_37], %add3A {strides = array<i32>} : memref<1024x128xf32, #tpu.memory_space<vmem>>, vector<1024x128xf32>,
      %get3A_39 = arith.constant 0 : index
      %get3A_40 = arith.constant 0 : index
      %get3A_41 = vector.load %arg12[%get3A_39, %get3A_40] : memref<1024x8xf32, #tpu.memory_space<vmem>>, vector<1024x8xf32>
      %broadcast_in_dim3A_42 = arith.constant 1.000000e+00 : f32
      %broadcast_in_dim3A_43 = vector.broadcast %broadcast_in_dim3A_42 : f32 to vector<512x8xf32>
      %dot_general3A_44 = arith.constant dense<0.000000e+00> : vector<1024x8xf32>
      %dot_general3A_45 = tpu.matmul %convert_element_type3A_8, %broadcast_in_dim3A_43, %dot_general3A_44 {dimension_numbers = #tpu.dot_dimension_numbers<[0], [0], [1], [1], [0, 1, 1, 1], [], []>, transpose_lhs_hint = false} : vector<512x1024xf32>, vector<512x8xf32>, vector<1024x8xf32> -> vector<1024x8xf32>
      %add3A_46 = arith.addf %get3A_41, %dot_general3A_45 : vector<1024x8xf32>
      %swap3A_47 = arith.constant 0 : index
      %swap3A_48 = arith.constant 0 : index
      %swap3A_49 = vector.load %arg12[%swap3A_47, %swap3A_48] : memref<1024x8xf32, #tpu.memory_space<vmem>>, vector<1024x8xf32>
      tpu.vector_store %arg12[%swap3A_47, %swap3A_48], %add3A_46 {strides = array<i32>} : memref<1024x8xf32, #tpu.memory_space<vmem>>, vector<1024x8xf32>,
    } else {
    }
    %eq3A_20 = arith.constant 1 : i32
    %eq3A_21 = arith.cmpi eq, %arg0, %eq3A_20 : i32
    %eq3A_22 = arith.constant 0 : i32
    %eq3A_23 = arith.cmpi eq, %arg1, %eq3A_22 : i32
    %and3A_24 = arith.andi %eq3A_21, %eq3A_23 : i1
    %convert_element_type3A_25 = arith.extui %and3A_24 : i1 to i32
    %cond3A_26 = arith.constant 0 : i32
    %cond3A_27 = arith.cmpi ne, %convert_element_type3A_25, %cond3A_26 : i32
    scf.if %cond3A_27 {
      %get3A_33 = arith.constant 0 : index
      %get3A_34 = arith.constant 0 : index
      %get3A_35 = vector.load %arg11[%get3A_33, %get3A_34] : memref<1024x128xf32, #tpu.memory_space<vmem>>, vector<1024x128xf32>
      %get3A_36 = arith.constant 0 : index
      %get3A_37 = arith.constant 0 : index
      %get3A_38 = vector.load %arg12[%get3A_36, %get3A_37] : memref<1024x8xf32, #tpu.memory_space<vmem>>, vector<1024x8xf32>
      %slice3A = vector.extract_strided_slice %get3A_38 {offsets = [0, 0], sizes = [1024, 1], strides = [1, 1]} : vector<1024x8xf32> to vector<1024x1xf32>
      %max3A = arith.constant 1.000000e+00 : f32
      %max3A_39 = vector.broadcast %max3A : f32 to vector<1024x1xf32>
      %max3A_40 = arith.maximumf %slice3A, %max3A_39 : vector<1024x1xf32>
      %div3A = vector.broadcast %max3A_40 : vector<1024x1xf32> to vector<1024x128xf32>
      %div3A_41 = arith.divf %get3A_35, %div3A : vector<1024x128xf32>
      %get3A_42 = arith.constant 0 : index
      %get3A_43 = arith.constant 0 : index
      %get3A_44 = vector.load %arg6[%get3A_42, %get3A_43] : memref<1x128xf32, #tpu.memory_space<vmem>>, vector<1x128xf32>
      %get3A_45 = arith.constant 0 : index
      %get3A_46 = arith.constant 0 : index
      %get3A_47 = vector.load %arg8[%get3A_45, %get3A_46] : memref<128x256xf32, #tpu.memory_space<vmem>>, vector<128x128xf32>
      %dot_general3A = arith.constant dense<0.000000e+00> : vector<1x128xf32>
      %dot_general3A_48 = tpu.matmul %get3A_44, %get3A_47, %dot_general3A {dimension_numbers = #tpu.dot_dimension_numbers<[1], [1], [0], [0], [0, 0, 1, 0], [], []>, transpose_lhs_hint = false} : vector<1x128xf32>, vector<128x128xf32>, vector<1x128xf32> -> vector<1x128xf32>
      %get3A_49 = arith.constant 0 : index
      %get3A_50 = arith.constant 128 : index
      %get3A_51 = vector.load %arg8[%get3A_49, %get3A_50] : memref<128x256xf32, #tpu.memory_space<vmem>>, vector<128x128xf32>
      %dot_general3A_52 = arith.constant dense<0.000000e+00> : vector<1024x128xf32>
      %dot_general3A_53 = tpu.matmul %div3A_41, %get3A_51, %dot_general3A_52 {dimension_numbers = #tpu.dot_dimension_numbers<[1], [1], [0], [0], [0, 0, 1, 0], [], []>, transpose_lhs_hint = false} : vector<1024x128xf32>, vector<128x128xf32>, vector<1024x128xf32> -> vector<1024x128xf32>
      %add3A = vector.broadcast %dot_general3A_48 : vector<1x128xf32> to vector<1024x128xf32>
      %add3A_54 = arith.addf %add3A, %dot_general3A_53 : vector<1024x128xf32>
      %swap3A = arith.constant 0 : index
      %swap3A_55 = arith.constant 0 : index
      %swap3A_56 = vector.load %arg10[%swap3A, %swap3A_55] : memref<1024x128xf32, #tpu.memory_space<vmem>>, vector<1024x128xf32>
      tpu.vector_store %arg10[%swap3A, %swap3A_55], %add3A_54 {strides = array<i32>} : memref<1024x128xf32, #tpu.memory_space<vmem>>, vector<1024x128xf32>,
      %broadcast_in_dim3A_57 = arith.constant 0.000000e+00 : f32
      %broadcast_in_dim3A_58 = vector.broadcast %broadcast_in_dim3A_57 : f32 to vector<1024x128xf32>
      %swap3A_59 = arith.constant 0 : index
      %swap3A_60 = arith.constant 0 : index
      %swap3A_61 = vector.load %arg9[%swap3A_59, %swap3A_60] : memref<1024x128xf32, #tpu.memory_space<vmem>>, vector<1024x128xf32>
      tpu.vector_store %arg9[%swap3A_59, %swap3A_60], %broadcast_in_dim3A_58 {strides = array<i32>} : memref<1024x128xf32, #tpu.memory_space<vmem>>, vector<1024x128xf32>,
    } else {
    }
    %eq3A_28 = arith.constant 1 : i32
    %eq3A_29 = arith.cmpi eq, %arg0, %eq3A_28 : i32
    %convert_element_type3A_30 = arith.extui %eq3A_29 : i1 to i32
    %cond3A_31 = arith.constant 0 : i32
    %cond3A_32 = arith.cmpi ne, %convert_element_type3A_30, %cond3A_31 : i32
    scf.if %cond3A_32 {
      %get3A_33 = arith.constant 0 : index
      %get3A_34 = arith.constant 0 : index
      %get3A_35 = arith.constant 0 : index
      %get3A_36 = vector.load %arg3[%get3A_33, %get3A_34, %get3A_35] : memref<1x1x512xi32, #tpu.memory_space<vmem>>, vector<1x1x512xi32>
      %get3A_37 = vector.shape_cast %get3A_36 : vector<1x1x512xi32> to vector<512xi32>
      %broadcast_in_dim3A_38 = vector.shape_cast %get3A_37 : vector<512xi32> to vector<512x1xi32>
      %iota3A_39 = tpu.iota {dimensions = array<i32: 1>} : vector<512x200xi32>
      %eq3A_40 = vector.broadcast %broadcast_in_dim3A_38 : vector<512x1xi32> to vector<512x200xi32>
      %eq3A_41 = arith.cmpi eq, %eq3A_40, %iota3A_39 : vector<512x200xi32>
      %convert_element_type3A_42 = arith.extui %eq3A_41 : vector<512x200xi1> to vector<512x200xi32>
      %convert_element_type3A_43 = arith.sitofp %convert_element_type3A_42 : vector<512x200xi32> to vector<512x200xf32>
      %get3A_44 = arith.constant 0 : index
      %get3A_45 = arith.constant 0 : index
      %get3A_46 = vector.load %arg5[%get3A_44, %get3A_45] : memref<200x128xf32, #tpu.memory_space<vmem>>, vector<200x128xf32>
      %get3A_47 = arith.constant 0 : index
      %get3A_48 = arith.constant 128 : index
      %get3A_49 = vector.load %arg7[%get3A_47, %get3A_48] : memref<128x256xf32, #tpu.memory_space<vmem>>, vector<128x128xf32>
      %dot_general3A = arith.constant dense<0.000000e+00> : vector<200x128xf32>
      %dot_general3A_50 = tpu.matmul %get3A_46, %get3A_49, %dot_general3A {dimension_numbers = #tpu.dot_dimension_numbers<[1], [1], [0], [0], [0, 0, 1, 0], [], []>, transpose_lhs_hint = false} : vector<200x128xf32>, vector<128x128xf32>, vector<200x128xf32> -> vector<200x128xf32>
      %get3A_51 = arith.constant 0 : index
      %get3A_52 = arith.constant 0 : index
      %get3A_53 = vector.load %arg7[%get3A_51, %get3A_52] : memref<128x256xf32, #tpu.memory_space<vmem>>, vector<128x128xf32>
      %dot_general3A_54 = arith.constant dense<0.000000e+00> : vector<512x128xf32>
      %dot_general3A_55 = tpu.matmul %get3A_6, %get3A_53, %dot_general3A_54 {dimension_numbers = #tpu.dot_dimension_numbers<[1], [1], [0], [0], [0, 0, 1, 0], [], []>, transpose_lhs_hint = false} : vector<512x128xf32>, vector<128x128xf32>, vector<512x128xf32> -> vector<512x128xf32>
      %dot_general3A_56 = arith.constant dense<0.000000e+00> : vector<512x128xf32>
      %dot_general3A_57 = tpu.matmul %convert_element_type3A_43, %dot_general3A_50, %dot_general3A_56 {dimension_numbers = #tpu.dot_dimension_numbers<[1], [0], [0], [1], [0, 0, 1, 1], [], []>, transpose_lhs_hint = false} : vector<512x200xf32>, vector<200x128xf32>, vector<512x128xf32> -> vector<512x128xf32>
      %add3A = arith.addf %dot_general3A_55, %dot_general3A_57 : vector<512x128xf32>
      %tanh3A = math.tanh %add3A : vector<512x128xf32>
      %get3A_58 = arith.constant 0 : index
      %get3A_59 = arith.constant 0 : index
      %get3A_60 = vector.load %arg10[%get3A_58, %get3A_59] : memref<1024x128xf32, #tpu.memory_space<vmem>>, vector<1024x128xf32>
      %dot_general3A_61 = arith.constant dense<0.000000e+00> : vector<512x128xf32>
      %dot_general3A_62 = tpu.matmul %convert_element_type3A_8, %get3A_60, %dot_general3A_61 {dimension_numbers = #tpu.dot_dimension_numbers<[1], [0], [0], [1], [0, 0, 1, 1], [], []>, transpose_lhs_hint = false} : vector<512x1024xf32>, vector<1024x128xf32>, vector<512x128xf32> -> vector<512x128xf32>
      %mul3A = arith.mulf %tanh3A, %dot_general3A_62 : vector<512x128xf32>
      %reduce_sum3A = arith.constant dense<0.000000e+00> : vector<512xf32>
      %reduce_sum3A_63 = vector.multi_reduction <add>, %mul3A, %reduce_sum3A [1] : vector<512x128xf32> to vector<512xf32>
      %broadcast_in_dim3A_64 = vector.shape_cast %reduce_sum3A_63 : vector<512xf32> to vector<512x1xf32>
      %get3A_65 = arith.constant 0 : index
      %get3A_66 = arith.constant 0 : index
      %get3A_67 = vector.load %arg9[%get3A_65, %get3A_66] : memref<1024x128xf32, #tpu.memory_space<vmem>>, vector<1024x128xf32>
      %mul3A_68 = vector.broadcast %broadcast_in_dim3A_64 : vector<512x1xf32> to vector<512x128xf32>
      %mul3A_69 = arith.mulf %get3A_6, %mul3A_68 : vector<512x128xf32>
      %dot_general3A_70 = arith.constant dense<0.000000e+00> : vector<1024x128xf32>
      %dot_general3A_71 = tpu.matmul %convert_element_type3A_8, %mul3A_69, %dot_general3A_70 {dimension_numbers = #tpu.dot_dimension_numbers<[0], [0], [1], [1], [0, 1, 1, 1], [], []>, transpose_lhs_hint = false} : vector<512x1024xf32>, vector<512x128xf32>, vector<1024x128xf32> -> vector<1024x128xf32>
      %add3A_72 = arith.addf %get3A_67, %dot_general3A_71 : vector<1024x128xf32>
      %swap3A = arith.constant 0 : index
      %swap3A_73 = arith.constant 0 : index
      %swap3A_74 = vector.load %arg9[%swap3A, %swap3A_73] : memref<1024x128xf32, #tpu.memory_space<vmem>>, vector<1024x128xf32>
      tpu.vector_store %arg9[%swap3A, %swap3A_73], %add3A_72 {strides = array<i32>} : memref<1024x128xf32, #tpu.memory_space<vmem>>, vector<1024x128xf32>,
    } else {
    }
    return
  }
  func.func @transform_0(%arg0: i32, %arg1: i32) -> (i32, i32) {
    %c0_i32 = arith.constant 0 : i32
    %c0_i32_0 = arith.constant 0 : i32
    return %arg1, %c0_i32 : i32, i32
  }
  func.func @transform_1(%arg0: i32, %arg1: i32) -> (i32, i32, i32) {
    %c0_i32 = arith.constant 0 : i32
    %c0_i32_0 = arith.constant 0 : i32
    %c0_i32_1 = arith.constant 0 : i32
    return %arg1, %c0_i32, %c0_i32_0 : i32, i32, i32
  }
  func.func @transform_2(%arg0: i32, %arg1: i32) -> (i32, i32, i32) {
    %c0_i32 = arith.constant 0 : i32
    %c0_i32_0 = arith.constant 0 : i32
    %c0_i32_1 = arith.constant 0 : i32
    return %arg1, %c0_i32, %c0_i32_0 : i32, i32, i32
  }
  func.func @transform_3(%arg0: i32, %arg1: i32) -> (i32, i32) {
    %c0_i32 = arith.constant 0 : i32
    %c0_i32_0 = arith.constant 0 : i32
    %c0_i32_1 = arith.constant 0 : i32
    return %c0_i32, %c0_i32_0 : i32, i32
  }
  func.func @transform_4(%arg0: i32, %arg1: i32) -> (i32, i32) {
    %c0_i32 = arith.constant 0 : i32
    %c0_i32_0 = arith.constant 0 : i32
    %c0_i32_1 = arith.constant 0 : i32
    return %c0_i32, %c0_i32_0 : i32, i32
  }
  func.func @transform_5(%arg0: i32, %arg1: i32) -> (i32, i32) {
    %c0_i32 = arith.constant 0 : i32
    %c0_i32_0 = arith.constant 0 : i32
    %c0_i32_1 = arith.constant 0 : i32
    return %c0_i32, %c0_i32_0 : i32, i32
  }
  func.func @transform_6(%arg0: i32, %arg1: i32) -> (i32, i32) {
    %c0_i32 = arith.constant 0 : i32
    %c0_i32_0 = arith.constant 0 : i32
    %c0_i32_1 = arith.constant 0 : i32
    return %c0_i32, %c0_i32_0 : i32, i32
  }
  func.func @transform_7(%arg0: i32, %arg1: i32) -> (i32, i32) {
    %c0_i32 = arith.constant 0 : i32
    %c0_i32_0 = arith.constant 0 : i32
    %c0_i32_1 = arith.constant 0 : i32
    return %c0_i32, %c0_i32_0 : i32, i32
  }
}

module attributes {stable_mosaic.version = 14 : i64} {
  func.func @_scores_body(%arg0: i32, %arg1: memref<1024x128xf32, #tpu.memory_space<vmem>>, %arg2: memref<2048x128xf32, #tpu.memory_space<vmem>>, %arg3: memref<1024x2048xf32, #tpu.memory_space<vmem>>) attributes {dimension_semantics = [#tpu.dimension_semantics<arbitrary>], iteration_bounds = array<i64: 49>, scalar_prefetch = 0 : i64, scratch_operands = 0 : i64, tpu.core_type = #tpu.core_type<tc>, window_params = [{pipeline_mode = #tpu.pipeline_mode<synchronous>, transform_indices = @transform_0, window_bounds = array<i64: 1024, 128>}, {transform_indices = @transform_1, window_bounds = array<i64: 2048, 128>}, {transform_indices = @transform_2, window_bounds = array<i64: 1024, 2048>}]} {
    %get3A = arith.constant 0 : index
    %get3A_0 = arith.constant 0 : index
    %get3A_1 = vector.load %arg1[%get3A, %get3A_0] : memref<1024x128xf32, #tpu.memory_space<vmem>>, vector<1024x128xf32>
    %get3A_2 = arith.constant 0 : index
    %get3A_3 = arith.constant 0 : index
    %get3A_4 = vector.load %arg2[%get3A_2, %get3A_3] : memref<2048x128xf32, #tpu.memory_space<vmem>>, vector<2048x128xf32>
    %dot_general3A = arith.constant dense<0.000000e+00> : vector<1024x2048xf32>
    %dot_general3A_5 = tpu.matmul %get3A_1, %get3A_4, %dot_general3A {dimension_numbers = #tpu.dot_dimension_numbers<[1], [1], [0], [0], [0, 0, 1, 0], [], []>, transpose_lhs_hint = false} : vector<1024x128xf32>, vector<2048x128xf32>, vector<1024x2048xf32> -> vector<1024x2048xf32>
    %swap3A = arith.constant 0 : index
    %swap3A_6 = arith.constant 0 : index
    %swap3A_7 = vector.load %arg3[%swap3A, %swap3A_6] : memref<1024x2048xf32, #tpu.memory_space<vmem>>, vector<1024x2048xf32>
    tpu.vector_store %arg3[%swap3A, %swap3A_6], %dot_general3A_5 {strides = array<i32>} : memref<1024x2048xf32, #tpu.memory_space<vmem>>, vector<1024x2048xf32>,
    return
  }
  func.func @transform_0(%arg0: i32) -> (i32, i32) {
    %c0_i32 = arith.constant 0 : i32
    %c0_i32_0 = arith.constant 0 : i32
    %c0_i32_1 = arith.constant 0 : i32
    return %c0_i32, %c0_i32_0 : i32, i32
  }
  func.func @transform_1(%arg0: i32) -> (i32, i32) {
    %c0_i32 = arith.constant 0 : i32
    %c0_i32_0 = arith.constant 0 : i32
    return %arg0, %c0_i32 : i32, i32
  }
  func.func @transform_2(%arg0: i32) -> (i32, i32) {
    %c0_i32 = arith.constant 0 : i32
    %c0_i32_0 = arith.constant 0 : i32
    return %c0_i32, %arg0 : i32, i32
  }
}

</mosaic_0001>

<sc_bundles>
// kernel: kernel.10.cloned.1.call-start
scs
__scs_entry_jumppad:
0x0: {  	(pc) =	sbr.rel $0x88, $3  }
0x1: {  	(tag) =	ssettag $0x0;
	lr =	simm.s32 $0x1  }
0x2: {  	[smem:$0x3F96] =	sst lr;
	_ =	strace $0xD0000000  }
0x3: {  	_ = 	snop  }
0x4: {  	_ = 	snop  }
0x5: {  	_ = 	snop  }
0x6: {  	_ = 	snop  }
0x7: {  	_ = 	snop  }
__scs_overlays_trampoline_lowered:
0x8: {  	[smem:$0x3FA5] =	sst s0  }
0x9: {  	[smem:$0x3FA6] =	sst s1  }
0xa: {  	[smem:$0x3FA7] =	sst s2  }
0xb: {  	[smem:$0x3FA8] =	sst s3  }
0xc: {  	[smem:$0x3FA9] =	sst s4  }
0xd: {  	[smem:$0x3FAA] =	sst s5  }
0xe: {  	[smem:$0x3FAB] =	sst s6  }
0xf: {  	[smem:$0x3FAC] =	sst s7  }
0x10: {  	[smem:$0x3FAD] =	sst s8  }
0x11: {  	[smem:$0x3FAE] =	sst s9;
	s0 =	simm.s32 @!p0 $0x0  }
0x12: {  	s1 =	sld [smem:$0x3F94];
	s0 =	simm.s32 @p0 $0x1  }
0x13: {  	[smem:$0x3FAF] =	sst s0;
	s0 =	simm.s32 @!p1 $0x0  }
0x14: {  	s2 =	sld [smem:$0x3F93];
	s0 =	simm.s32 @p1 $0x1  }
0x15: {  	[smem:$0x3FB0] =	sst s0;
	s0 =	simm.s32 @!p2 $0x0  }
0x16: {  	s3 =	sld [smem:$0x3FDB];
	s0 =	simm.s32 @p2 $0x1  }
0x17: {  	s4 =	simm.s32 $0x1BF5;
	[smem:$0x3FB2] =	sst s0  }
0x18: {  	s0 =	sld [smem:$0x3F95];
	_ =	swait.ge [sflag:s4], $0x0  }
0x19: {  	s7 =	sld [smem:$0x3F96]  }
0x1a: {  	s8 =	sadd.s32 $0xFFFFE003, lr  }
0x1b: {  	s9 =	sadd.s32 $0xFFFFFEF7, lr;
	s5 =	simm.s32 $0xFFFFFFFF;
	p2 =	slt.u32 s8, $0xFFFFF086  }
0x1c: {  	p1 =	slt.u32 s9, $0xF7A;
	s5 =	simm.s32 @!p2 $0x0  }
0x1d: {  	s5 =	simm.s32 @p1 $0x1;
	p0 =	seq.s32 s7, s2  }
0x1e: {  	s7 =	smul.u32 @!p0 $0xF7A, s2;
	p2 =	seq.s32 @!p0 s5, $0x0  }
0x1f: {  	s9 =	smul.u32 $0xF7A, s1;
	s8 =	simm.s32 @!p0 $0x1BF5;
	p2 =	por !p2, p0  }
0x20: {  	[sflag:s8] =	ssyncset.s32 @!p0 $0xFFFFF086;
	s6 =	sadd.s32 @!p0 s3, s7;
	s7 =	simm.s32 @!p0 $0x108  }
0x21: {  	s3 =	sadd.s32 s3, s9;
	s6 =	sadd.s32 @!p0 $0x88, s6;
	s7 =	simm.s32 @p2 $0x1082  }
0x22: {  	[simem:s7], [sflag:s8] =	dma.local @!p0 [hbm:s6], $0xF7A  }
0x23: {  	s9 =	sor.u32 $0xD0000000, s2;
	s6 =	simm.s32 $0x108;
	_ =	swait.ge @!p0 [sflag:s8], $0x0  }
0x24: {  	s3 =	sadd.s32 $0x88, s3;
	s6 =	simm.s32 @!p1 $0x1082;
	[sflag:s4] =	ssyncset.s32 $0xFFFFF086  }
0x25: {  	[simem:s6], [sflag:s4] =	dma.local [hbm:s3], $0xF7A  }
0x26: {  	[smem:$0x3F96] =	sst s1;
	(tag) =	ssettag s2;
	_ =	strace s9  }
0x27: {  	s1 =	sld [smem:$0x3FA6]  }
0x28: {  	s2 =	sld [smem:$0x3FA7]  }
0x29: {  	s4 =	sld [smem:$0x3FA9]  }
0x2a: {  	p0 =	seq.s32 s5, $0x0;
	s5 =	sld [smem:$0x3FAA]  }
0x2b: {  	s6 =	sld [smem:$0x3FAB]  }
0x2c: {  	s7 =	sld [smem:$0x3FAC]  }
0x2d: {  	s3 =	simm.s32 $0x108;
	s8 =	sld [smem:$0x3FAD]  }
0x2e: {  	s3 =	simm.s32 @!p0 $0x1082;
	s9 =	sld [smem:$0x3FAE]  }
0x2f: {  	lr =	sadd.s32 s0, s3;
	s0 =	sld [smem:$0x3FA5]  }
0x30: {  	s3 =	sld [smem:$0x3FA8]  }
0x31: {  	[smem:$0x3FB1] =	sst s10  }
0x32: {  	s10 =	sld [smem:$0x3FAF];
	_ =	sdelay $0x3  }
0x33: {  	p0 =	seq.s32 s10, $0x1;
	s10 =	sld [smem:$0x3FB1];
	_ =	sdelay $0x3  }
0x34: {  	[smem:$0x3FB1] =	sst s10  }
0x35: {  	s10 =	sld [smem:$0x3FB0];
	_ =	sdelay $0x3  }
0x36: {  	p1 =	seq.s32 s10, $0x1;
	s10 =	sld [smem:$0x3FB1];
	_ =	sdelay $0x3  }
0x37: {  	[smem:$0x3FB1] =	sst s10  }
0x38: {  	s10 =	sld [smem:$0x3FB2]  }
0x39: {  	_ = 	snop;
	(pc) =	sbr.ind lr, $3  }
0x3a: {  	_ = 	snop  }
0x3b: {  	_ = 	snop  }
0x3c: {  	p2 =	seq.s32 s10, $0x1;
	s10 =	sld [smem:$0x3FB1]  }
0x3d: {  	_ =	shalt  }
0x3e: {  	_ =	shalt  }
0x3f: {  	_ =	shalt  }
0x40: {  	_ =	shalt  }
0x41: {  	_ =	shalt  }
0x42: {  	_ =	shalt  }
0x43: {  	_ =	shalt  }
0x44: {  	_ =	shalt  }
0x45: {  	_ =	shalt  }
0x46: {  	_ =	shalt  }
0x47: {  	_ =	shalt  }
0x48: {  	_ =	shalt  }
0x49: {  	_ =	shalt  }
0x4a: {  	_ =	shalt  }
0x4b: {  	_ =	shalt  }
0x4c: {  	_ =	shalt  }
0x4d: {  	_ =	shalt  }
0x4e: {  	_ =	shalt  }
0x4f: {  	_ =	shalt  }
0x50: {  	_ =	shalt  }
0x51: {  	_ =	shalt  }
0x52: {  	_ =	shalt  }
0x53: {  	_ =	shalt  }
0x54: {  	_ =	shalt  }
0x55: {  	_ =	shalt  }
0x56: {  	_ =	shalt  }
0x57: {  	_ =	shalt  }
0x58: {  	_ =	shalt  }
0x59: {  	_ =	shalt  }
0x5a: {  	_ =	shalt  }
0x5b: {  	_ =	shalt  }
0x5c: {  	_ =	shalt  }
0x5d: {  	_ =	shalt  }
0x5e: {  	_ =	shalt  }
0x5f: {  	_ =	shalt  }
0x60: {  	_ =	shalt  }
0x61: {  	_ =	shalt  }
0x62: {  	_ =	shalt  }
0x63: {  	_ =	shalt  }
0x64: {  	_ =	shalt  }
0x65: {  	_ =	shalt  }
0x66: {  	_ =	shalt  }
0x67: {  	_ =	shalt  }
0x68: {  	_ =	shalt  }
0x69: {  	_ =	shalt  }
0x6a: {  	_ =	shalt  }
0x6b: {  	_ =	shalt  }
0x6c: {  	_ =	shalt  }
0x6d: {  	_ =	shalt  }
0x6e: {  	_ =	shalt  }
0x6f: {  	_ =	shalt  }
0x70: {  	_ =	shalt  }
0x71: {  	_ =	shalt  }
0x72: {  	_ =	shalt  }
0x73: {  	_ =	shalt  }
0x74: {  	_ =	shalt  }
0x75: {  	_ =	shalt  }
0x76: {  	_ =	shalt  }
0x77: {  	_ =	shalt  }
0x78: {  	_ =	shalt  }
0x79: {  	_ =	shalt  }
0x7a: {  	_ =	shalt  }
0x7b: {  	_ =	shalt  }
0x7c: {  	_ =	shalt  }
0x7d: {  	_ =	shalt  }
0x7e: {  	_ =	shalt  }
0x7f: {  	_ =	shalt  }
0x80: {  	_ =	shalt  }
0x81: {  	_ =	shalt  }
0x82: {  	_ =	shalt  }
0x83: {  	_ =	shalt  }
0x84: {  	_ =	shalt  }
0x85: {  	_ =	shalt  }
0x86: {  	_ =	shalt  }
0x87: {  	_ =	shalt  }
.Lfunc_end0:
.L_simem_size_0:
called_computation.1_lowered:
.L_overlay_start_0:
0x88: {  	s2 =	sld [smem:$0x3FD9]  }
0x89: {  	s3 =	sld [smem:$0x3FFE];
	_ =	sdelay $0x1  }
0x8a: {  	s1 =	srdreg.scid  }
0x8b: {  	s0 =	sand.u32 $0x1, s1  }
0x8c: {  	s17 =	sshll.u32 s0, $0xA;
	s2 =	sadd.s32 s3, s2  }
0x8d: {  	s2 =	sadd.s32 s2, s17  }
0x8e: {  	[smem:$0x3FBD] =	sst s2  }
0x8f: {  	_ = 	snop  }
0x90: {  	s2 =	sld [smem:$0x3FC1]  }
0x91: {  	s18 =	sld [smem:$0x3FD0];
	(tm) =	ssettm $0x1  }
0x92: {  	s4 =	sld [smem:$0x3FFB];
	_ =	sdelay $0x3  }
0x93: {  	_ =	strace s4  }
0x94: {  	s4 =	sld [smem:$0x3FFC];
	_ =	sdelay $0x3  }
0x95: {  	_ =	strace s4  }
0x96: {  	s4 =	sld [smem:$0x3FFD];
	_ =	sdelay $0x3  }
0x97: {  	_ =	strace s4  }
0x98: {  	_ =	strace $0x8FFFFFFF  }
0x99: {  	s19 =	sld [smem:$0x3FDB];
	_ =	sdelay $0x1  }
0x9a: {  	s5 =	simm.s32 $_scs_section_size  }
0x9b: {  	s6 =	simm.s32 $_size__tile_overlayer_lowered;
	s7 =	simm.s32 $_tile_overlayer_lowered  }
0x9c: {  	s22 =	simm.s32 $0x1BFF;
	s21 =	sshll.u32 s7, $0x1;
	s4 =	sadd.s32 s5, s19  }
0x9d: {  	s8 =	simm.s32 $0x0;
	s20 =	sshll.u32 s6, $0x1;
	s6 =	sadd.s32 s21, s4  }
0x9e: {  	[timem:s8], [sflag:s22] =	dma.local [hbm:s6], s20  }
0x9f: {  	_ =	swait.ge [sflag:s22], s20  }
0xa0: {  	s5 =	ssub.s32 $0x0, s20;
	[sflag:s22] =	ssyncset.done $0x0  }
0xa1: {  	[sflag:s22] =	ssyncadd.s32 s5;
	_ =	sdelay $0x1  }
0xa2: {  	s23 =	simm.s32 $0x1B8B  }
0xa3: {  	_ =	swait.ge [sflag:s23], $0x1  }
0xa4: {  	[sflag:s23] =	ssyncset.done $0x0  }
0xa5: {  	s25 =	simm.s32 $0x1B8E;
	s24 =	sld [smem:$0x3FFE];
	[sflag:s23] =	ssyncadd.s32 $0xFFFFFFFF  }
0xa6: {  	s26 =	simm.s32 $execute0_lowered;
	[smem:$0x3FD2] =	sst s25  }
0xa7: {  	s6 =	sshll.u32 s26, $0x1;
	_ =	strace $0x80000049;
	[dreg:$0x1] =	wrdreg $0xFFFFFFFF  }
0xa8: {  	s28 =	simm.s32 $_size_execute0_lowered;
	s4 =	sadd.s32 s4, s6;
	[dreg:$0x0] =	wrdreg $0x0  }
0xa9: {  	s6 =	sshll.u32 s28, $0x1;
	[dreg:$0x2] =	wrdreg s4  }
0xaa: {  	[dreg:$0x3] =	wrdreg s6  }
0xab: {  	[dreg:$0x4] =	wrdreg $0xC0  }
0xac: {  	_ =	task [dreg:s8], $0x5FFFF  }
0xad: {  	[dreg:$0x1] =	wrdreg $0xFFFFFFFF  }
0xae: {  	[dreg:$0x0] =	wrdreg $0x60  }
0xaf: {  	[dreg:$0x2] =	wrdreg s18  }
0xb0: {  	[dreg:$0x3] =	wrdreg s24  }
0xb1: {  	[dreg:$0x4] =	wrdreg s2  }
0xb2: {  	[dreg:$0x5] =	wrdreg $0xA3800  }
0xb3: {  	[dreg:$0x6] =	wrdreg $0x147800  }
0xb4: {  	[dreg:$0x7] =	wrdreg $0x9  }
0xb5: {  	_ =	task.clear_ibuf [dreg:s8], $0x8FFFF;
	_ =	strace $0x90000049  }
0xb6: {  	s29 =	simm.s32 $0x9;
	_ =	strace $0x8000004B  }
0xb7: {  	_ =	swait.ge [sflag:s29], $0x1  }
0xb8: {  	[sflag:s29] =	ssyncadd.s32 $0xFFFFFFFF  }
0xb9: {  	_ =	strace $0x9000004B  }
0xba: {  	_ =	sfence  }
0xbb: {  	s30 =	sld [smem:$0x0];
	_ =	sdelay $0x2  }
0xbc: {  	s31 =	sshll.u32 s1, $0xD;
	s1 =	sshrl.u32 s1, $0x2  }
0xbd: {  	s3 =	sand.u32 $0x4000, s31;
	s1 =	sadd.s32 s1, s30  }
0xbe: {  	s0 =	sor.u32 s3, s0;
	s1 =	sshll.u32 s1, $0x11  }
0xbf: {  	s0 =	sor.u32 s1, s0  }
0xc0: {  	s0 =	sadd.s32 $0x8F2B, s0  }
0xc1: {  	[sflag:s0] =	ssyncadd.remote.s32 $0x1  }
0xc2: {  	_ =	sfence.sel $0xFFFF  }
0xc3: {  	[dreg:$0x0] =	wrdreg $0xFFFFFFFF;
	(pc) =	sbr.abs _section_cstart, $3  }
0xc4: {  	[dreg:$0x1] =	wrdreg $0xFFFFFFFF  }
0xc5: {  	_ =	task.clear_ibuf [dreg:s8], $0x2FFFF;
	_ =	strace $0x9FFFFFFF  }
0xc6: {  	(tm) =	ssettm $0x7FFFFFFF  }
0xc7: {  	_ =	shalt  }
tec
execute0_lowered:
.L_overlay_start_1:
0x0: {  	(tag) =	ssettag $0x1  }
0x1: {  	s1 =	rddreg [dreg:$0x0]  }
0x2: {  	s2 =	rddreg [dreg:$0x1];
	s12 =	stileid.u32  }
0x3: {  	s3 =	rddreg [dreg:$0x3];
	s8 =	smul.u32 $0x140, s12  }
0x4: {  	s4 =	rddreg [dreg:$0x4];
	s10 =	smul.u32 $0xA400, s12  }
0x5: {  	s0 =	srdreg.scid;
	s6 =	simm.s32 $0x0;
	s14 =	smul.u32 $0x4E20, s12  }
0x6: {  	s5 =	sand.u32 $0x1, s0;
	[smem:$0x7FF] =	sst s6;
	s12 =	smul.u32 $0xA000, s12  }
0x7: {  	s7 =	sadd.s32 $0xB600, s2;
	s0 =	smul.u32 $0x1400, s5;
	s5 =	ssub.s32 $0x2, s5  }
0x8: {  	_ =	strace $0x8000004A;
	s11 =	sshrl.u32 s5, $0x1;
	s16 =	sadd.s32 $0x1400, s10  }
0x9: {  	s18 =	sadd.s32 $0x2800, s10;
	s20 =	sadd.s32 $0x3C00, s10;
	s15 =	sadd.s32 s10, s3  }
0xa: {  	s22 =	sadd.s32 $0x5000, s10;
	s17 =	sadd.s32 s16, s3;
	[dreg:$0x14] =	wrdreg s15  }
0xb: {  	s24 =	sadd.s32 $0x6400, s10;
	s19 =	sadd.s32 s18, s3;
	[dreg:$0x6] =	wrdreg s17  }
0xc: {  	s26 =	sadd.s32 $0x7800, s10;
	s21 =	sadd.s32 s20, s3;
	[dreg:$0x8] =	wrdreg s19  }
0xd: {  	s29 =	sadd.s32 $0x8C00, s10;
	s23 =	sadd.s32 s22, s3;
	[dreg:$0xa] =	wrdreg s21  }
0xe: {  	s9 =	sadd.s32 s8, s0;
	s25 =	sadd.s32 s24, s3;
	[dreg:$0xc] =	wrdreg s23  }
0xf: {  	s8 =	sadd.s32 $0x1800, s2;
	s28 =	sadd.s32 s26, s3;
	[dreg:$0xe] =	wrdreg s25  }
0x10: {  	s5 =	ssub.s32 s5, s11;
	s13 =	sadd.s32 s29, s3;
	[dreg:$0x10] =	wrdreg s28  }
0x11: {  	s11 =	sadd.s32 $0x6400, s12;
	s15 =	sadd.s32 s12, s4;
	[dreg:$0x12] =	wrdreg s13  }
0x12: {  	s9 =	sshll.u32 s9, $0x4;
	s13 =	sadd.s32 s11, s3;
	[smem:$0x7F0] =	sst s15  }
0x13: {  	s2 =	sadd.s32 s9, s2;
	s9 =	sadd.s32 s16, s4;
	[smem:$0x7ED] =	sst s13  }
0x14: {  	s16 =	sadd.s32 s10, s4;
	[dreg:$0x7] =	wrdreg s9  }
0x15: {  	s10 =	sadd.s32 $0xA000, s10;
	s9 =	sadd.s32 s18, s4;
	[dreg:$0x15] =	wrdreg s16  }
0x16: {  	s30 =	sadd.s32 $0x28, s14;
	s17 =	sadd.s32 s10, s3;
	[dreg:$0x9] =	wrdreg s9  }
0x17: {  	s31 =	sadd.s32 $0x50, s14;
	s10 =	sadd.s32 s10, s4;
	[dreg:$0x16] =	wrdreg s17  }
0x18: {  	s18 =	sshrl.u32 s14, $0x3;
	s14 =	sadd.s32 s12, s3;
	[dreg:$0x17] =	wrdreg s10  }
0x19: {  	s9 =	sadd.s32 s20, s4;
	[smem:$0x7EF] =	sst s14  }
0x1a: {  	s19 =	sadd.s32 s7, s18;
	[dreg:$0xb] =	wrdreg s9  }
0x1b: {  	s16 =	sadd.s32 $0x7800, s12;
	s20 =	sadd.s32 s8, s18;
	[dreg:$0x18] =	wrdreg s19  }
0x1c: {  	s18 =	sadd.s32 s16, s3;
	[dreg:$0x19] =	wrdreg s20  }
0x1d: {  	s21 =	sor.u32 $0x1400, s12;
	s9 =	sadd.s32 s22, s4;
	[smem:$0x7F1] =	sst s18  }
0x1e: {  	s17 =	sadd.s32 $0x8C00, s12;
	s22 =	sadd.s32 s21, s3;
	[dreg:$0xd] =	wrdreg s9  }
0x1f: {  	s19 =	sadd.s32 s17, s3;
	[dreg:$0x1a] =	wrdreg s22  }
0x20: {  	s20 =	sadd.s32 s17, s4;
	[smem:$0x7F3] =	sst s19  }
0x21: {  	s23 =	sadd.s32 $0x2800, s12;
	s9 =	sadd.s32 s24, s4;
	[smem:$0x7F4] =	sst s20  }
0x22: {  	s24 =	sadd.s32 s23, s3;
	[dreg:$0xf] =	wrdreg s9  }
0x23: {  	s22 =	sadd.s32 $0x15680, s2;
	[dreg:$0x1c] =	wrdreg s24  }
0x24: {  	s25 =	sadd.s32 $0x3C00, s12;
	s9 =	sadd.s32 s26, s4;
	[smem:$0x7F6] =	sst s22  }
0x25: {  	s26 =	sadd.s32 s25, s3;
	[dreg:$0x11] =	wrdreg s9  }
0x26: {  	s28 =	sadd.s32 $0x5000, s12;
	s24 =	sadd.s32 $0x15B80, s2;
	[dreg:$0x1e] =	wrdreg s26  }
0x27: {  	s15 =	simm.s32 $0x6700;
	s9 =	sadd.s32 s29, s4;
	[smem:$0x7F8] =	sst s24  }
0x28: {  	s13 =	simm.s32 $0x5200;
	s29 =	sadd.s32 s28, s3;
	[dreg:$0x13] =	wrdreg s9  }
0x29: {  	s10 =	simm.s32 $0x28;
	s26 =	sadd.s32 $0x16080, s2;
	[smem:$0x7EB] =	sst s29  }
0x2a: {  	s12 =	simm.s32 $0x5180;
	s9 =	sadd.s32 s21, s4;
	[smem:$0x7FA] =	sst s26  }
0x2b: {  	s17 =	simm.s32 $0x2;
	s21 =	sadd.s32 $0x15400, s2;
	[dreg:$0x1b] =	wrdreg s9  }
0x2c: {  	s18 =	simm.s32 $0x100;
	s29 =	smax.u32 s5, $0x1;
	[smem:$0x7F5] =	sst s21  }
0x2d: {  	s19 =	simm.s32 $0x3D80;
	s9 =	sadd.s32 s23, s4;
	[smem:$0x7FD] =	sst s29  }
0x2e: {  	s20 =	simm.s32 $0x4;
	s23 =	sadd.s32 $0x15900, s2;
	[dreg:$0x1d] =	wrdreg s9  }
0x2f: {  	s22 =	simm.s32 $0x5280;
	s9 =	sadd.s32 s25, s4;
	[smem:$0x7F7] =	sst s23  }
0x30: {  	s24 =	simm.s32 $0x8F00;
	s25 =	sadd.s32 $0x15E00, s2;
	[dreg:$0x1f] =	wrdreg s9  }
0x31: {  	s26 =	simm.s32 $0x180;
	s9 =	sadd.s32 s28, s4;
	[smem:$0x7F9] =	sst s25  }
0x32: {  	s5 =	simm.s32 $0x0;
	s28 =	sadd.s32 $0x16300, s2;
	[smem:$0x7EC] =	sst s9  }
0x33: {  	s21 =	simm.s32 $0x5;
	s2 =	sadd.s32 $0x16580, s2;
	[smem:$0x7FB] =	sst s28  }
0x34: {  	s23 =	simm.s32 $0x7B00;
	s9 =	sadd.s32 s11, s4;
	[smem:$0x7FC] =	sst s2  }
0x35: {  	s2 =	simm.s32 $0x2980;
	[smem:$0x7EE] =	sst s9;
	s9 =	sadd.s32 s16, s4  }
0x36: {  	v1 =	vimm.f32 $0.0e+00;
	v0 =	vmov s0;
	s16 =	simm.s32 $0x1;
	[smem:$0x7F2] =	sst s9;
	s9 =	simm.s32 $0x7  }
.LBB2_1:
0x37: {  	[smem:$0x7EA] =	sst s5;
	s0 =	simm.s32 $0x0;
	s5 =	simm.s32 $0x200  }
.LBB2_2:
0x38: {  	p0 =	sne.s32 s5, $0x4E00;
	[tilespmem:s0+$0x29F0] =	vst v1  }
0x39: {  	[tilespmem:s0+$0x2980] =	vst v1  }
0x3a: {  	[tilespmem:s0+$0x2990] =	vst v1  }
.Ltmp0:
0x3b: {  	[tilespmem:s0+$0x29A0] =	vst v1;
	(pc) =	sbr.rel @p0 .LBB2_2-.Ltmp0, $4  }
0x3c: {  	[tilespmem:s0+$0x29B0] =	vst v1  }
0x3d: {  	[tilespmem:s0+$0x29C0] =	vst v1  }
0x3e: {  	[tilespmem:s0+$0x29D0] =	vst v1  }
0x3f: {  	[tilespmem:s0+$0x29E0] =	vst v1;
	s0 =	sshra.s32 s5, $0x2;
	s5 =	sadd.s32 $0x200, s5  }
0x40: {  	[tilespmem:s0+$0x29F0] =	vst v1  }
0x41: {  	[tilespmem:s0+$0x2980] =	vst v1  }
0x42: {  	[tilespmem:s0+$0x2990] =	vst v1  }
0x43: {  	[tilespmem:s0+$0x29A0] =	vst v1  }
0x44: {  	[tilespmem:s0+$0x29B0] =	vst v1  }
0x45: {  	[tilespmem:s0+$0x29C0] =	vst v1  }
0x46: {  	[tilespmem:s0+$0x29D0] =	vst v1  }
0x47: {  	[tilespmem:s0+$0x29E0] =	vst v1;
	s11 =	rddreg [dreg:$0x14]  }
0x48: {  	[spmem:s11] =	stream.linear.scatter [tilespmem:s2], [sflag:$0x7], $0x1400, $0x38;
	[tilespmem:$0x1EB80] =	vst v63  }
0x49: {  	_ =	swait.ge [sflag:s9], $0x1400  }
0x4a: {  	[sflag:s9] =	ssyncset.done $0x0  }
0x4b: {  	s14 =	rddreg [dreg:$0x15];
	[sflag:s9] =	ssyncadd.s32 $0xFFFFEC00  }
0x4c: {  	[spmem:s14] =	stream.linear.scatter [tilespmem:s2], [sflag:$0x7], $0x1400, $0x38;
	[tilespmem:$0x1EB80] =	vst v63  }
0x4d: {  	_ =	swait.ge [sflag:s9], $0x1400  }
0x4e: {  	[sflag:s9] =	ssyncset.done $0x0  }
0x4f: {  	s25 =	rddreg [dreg:$0x6];
	[sflag:s9] =	ssyncadd.s32 $0xFFFFEC00  }
0x50: {  	[spmem:s25] =	stream.linear.scatter [tilespmem:s2], [sflag:$0x7], $0x1400, $0x38;
	[tilespmem:$0x1EB80] =	vst v63  }
0x51: {  	_ =	swait.ge [sflag:s9], $0x1400  }
0x52: {  	[sflag:s9] =	ssyncset.done $0x0  }
0x53: {  	s28 =	rddreg [dreg:$0x7];
	[sflag:s9] =	ssyncadd.s32 $0xFFFFEC00  }
0x54: {  	[spmem:s28] =	stream.linear.scatter [tilespmem:s2], [sflag:$0x7], $0x1400, $0x38;
	[tilespmem:$0x1EB80] =	vst v63  }
0x55: {  	_ =	swait.ge [sflag:s9], $0x1400  }
0x56: {  	[sflag:s9] =	ssyncset.done $0x0  }
0x57: {  	s5 =	rddreg [dreg:$0x8];
	[sflag:s9] =	ssyncadd.s32 $0xFFFFEC00  }
0x58: {  	[spmem:s5] =	stream.linear.scatter [tilespmem:s2], [sflag:$0x7], $0x1400, $0x38;
	[tilespmem:$0x1EB80] =	vst v63  }
0x59: {  	_ =	swait.ge [sflag:s9], $0x1400  }
0x5a: {  	[sflag:s9] =	ssyncset.done $0x0  }
0x5b: {  	s11 =	rddreg [dreg:$0x9];
	[sflag:s9] =	ssyncadd.s32 $0xFFFFEC00  }
0x5c: {  	[spmem:s11] =	stream.linear.scatter [tilespmem:s2], [sflag:$0x7], $0x1400, $0x38;
	[tilespmem:$0x1EB80] =	vst v63  }
0x5d: {  	_ =	swait.ge [sflag:s9], $0x1400  }
0x5e: {  	[sflag:s9] =	ssyncset.done $0x0  }
0x5f: {  	s14 =	rddreg [dreg:$0xa];
	[sflag:s9] =	ssyncadd.s32 $0xFFFFEC00  }
0x60: {  	[spmem:s14] =	stream.linear.scatter [tilespmem:s2], [sflag:$0x7], $0x1400, $0x38;
	[tilespmem:$0x1EB80] =	vst v63  }
0x61: {  	_ =	swait.ge [sflag:s9], $0x1400  }
0x62: {  	[sflag:s9] =	ssyncset.done $0x0  }
0x63: {  	s25 =	rddreg [dreg:$0xb];
	[sflag:s9] =	ssyncadd.s32 $0xFFFFEC00  }
0x64: {  	[spmem:s25] =	stream.linear.scatter [tilespmem:s2], [sflag:$0x7], $0x1400, $0x38;
	[tilespmem:$0x1EB80] =	vst v63  }
0x65: {  	_ =	swait.ge [sflag:s9], $0x1400  }
0x66: {  	[sflag:s9] =	ssyncset.done $0x0  }
0x67: {  	s28 =	rddreg [dreg:$0xc];
	[sflag:s9] =	ssyncadd.s32 $0xFFFFEC00  }
0x68: {  	[spmem:s28] =	stream.linear.scatter [tilespmem:s2], [sflag:$0x7], $0x1400, $0x38;
	[tilespmem:$0x1EB80] =	vst v63  }
0x69: {  	_ =	swait.ge [sflag:s9], $0x1400  }
0x6a: {  	[sflag:s9] =	ssyncset.done $0x0  }
0x6b: {  	s5 =	rddreg [dreg:$0xd];
	[sflag:s9] =	ssyncadd.s32 $0xFFFFEC00  }
0x6c: {  	[spmem:s5] =	stream.linear.scatter [tilespmem:s2], [sflag:$0x7], $0x1400, $0x38;
	[tilespmem:$0x1EB80] =	vst v63  }
0x6d: {  	_ =	swait.ge [sflag:s9], $0x1400  }
0x6e: {  	[sflag:s9] =	ssyncset.done $0x0  }
0x6f: {  	s11 =	rddreg [dreg:$0xe];
	[sflag:s9] =	ssyncadd.s32 $0xFFFFEC00  }
0x70: {  	[spmem:s11] =	stream.linear.scatter [tilespmem:s2], [sflag:$0x7], $0x1400, $0x38;
	[tilespmem:$0x1EB80] =	vst v63  }
0x71: {  	_ =	swait.ge [sflag:s9], $0x1400  }
0x72: {  	[sflag:s9] =	ssyncset.done $0x0  }
0x73: {  	s14 =	rddreg [dreg:$0xf];
	[sflag:s9] =	ssyncadd.s32 $0xFFFFEC00  }
0x74: {  	[spmem:s14] =	stream.linear.scatter [tilespmem:s2], [sflag:$0x7], $0x1400, $0x38;
	[tilespmem:$0x1EB80] =	vst v63  }
0x75: {  	_ =	swait.ge [sflag:s9], $0x1400  }
0x76: {  	[sflag:s9] =	ssyncset.done $0x0  }
0x77: {  	s25 =	rddreg [dreg:$0x10];
	[sflag:s9] =	ssyncadd.s32 $0xFFFFEC00  }
0x78: {  	[spmem:s25] =	stream.linear.scatter [tilespmem:s2], [sflag:$0x7], $0x1400, $0x38;
	[tilespmem:$0x1EB80] =	vst v63  }
0x79: {  	_ =	swait.ge [sflag:s9], $0x1400  }
0x7a: {  	[sflag:s9] =	ssyncset.done $0x0  }
0x7b: {  	s28 =	rddreg [dreg:$0x11];
	[sflag:s9] =	ssyncadd.s32 $0xFFFFEC00  }
0x7c: {  	[spmem:s28] =	stream.linear.scatter [tilespmem:s2], [sflag:$0x7], $0x1400, $0x38;
	[tilespmem:$0x1EB80] =	vst v63  }
0x7d: {  	_ =	swait.ge [sflag:s9], $0x1400  }
0x7e: {  	[sflag:s9] =	ssyncset.done $0x0  }
0x7f: {  	s5 =	rddreg [dreg:$0x12];
	[sflag:s9] =	ssyncadd.s32 $0xFFFFEC00  }
0x80: {  	[spmem:s5] =	stream.linear.scatter [tilespmem:s2], [sflag:$0x7], $0x1400, $0x38;
	[tilespmem:$0x1EB80] =	vst v63  }
0x81: {  	_ =	swait.ge [sflag:s9], $0x1400  }
0x82: {  	[sflag:s9] =	ssyncset.done $0x0  }
0x83: {  	s11 =	rddreg [dreg:$0x13];
	[sflag:s9] =	ssyncadd.s32 $0xFFFFEC00  }
0x84: {  	[spmem:s11] =	stream.linear.scatter [tilespmem:s2], [sflag:$0x7], $0x1400, $0x38;
	[tilespmem:$0x1EB80] =	vst v63  }
0x85: {  	_ =	swait.ge [sflag:s9], $0x1400  }
0x86: {  	[sflag:s9] =	ssyncset.done $0x0  }
0x87: {  	s14 =	rddreg [dreg:$0x16];
	[sflag:s9] =	ssyncadd.s32 $0xFFFFEC00  }
0x88: {  	[spmem:s14] =	stream.linear.scatter [tilespmem:s2], [sflag:$0x7], $0x400, $0x38;
	[tilespmem:$0x1EB80] =	vst v63  }
0x89: {  	_ =	swait.ge [sflag:s9], $0x400  }
0x8a: {  	[sflag:s9] =	ssyncset.done $0x0  }
0x8b: {  	s25 =	rddreg [dreg:$0x17];
	[sflag:s9] =	ssyncadd.s32 $0xFFFFFC00  }
0x8c: {  	[spmem:s25] =	stream.linear.scatter [tilespmem:s2], [sflag:$0x7], $0x400, $0x38;
	[tilespmem:$0x1EB80] =	vst v63  }
0x8d: {  	_ =	swait.ge [sflag:s9], $0x400  }
0x8e: {  	[sflag:s9] =	ssyncset.done $0x0  }
0x8f: {  	[sflag:s9] =	ssyncadd.s32 $0xFFFFFC00  }
0x90: {  	s29 =	simm.s32 $0x0;
	s5 =	simm.s32 $0xA300;
	s28 =	rddreg [dreg:$0x2]  }
0x91: {  	[tilespmem:s5], [sflag:$0x7] =	stream.linear.gather [hbm4b:s28+s29], $0x80, $0x38;
	[tilespmem:$0x1EB80] =	vst v63  }
0x92: {  	_ =	swait.ge [sflag:s9], $0x80  }
0x93: {  	[sflag:s9] =	ssyncset.done $0x0  }
0x94: {  	[sflag:s9] =	ssyncadd.s32 $0xFFFFFF80  }
0x95: {  	[bflag:$0x0] =	sbarrier.arrive $0xFFFF  }
0x96: {  	v2 =	vld [tilespmem:$0xA300]  }
0x97: {  	v3 =	vld [tilespmem:$0xA310]  }
0x98: {  	v4 =	vld [tilespmem:$0xA320]  }
0x99: {  	v5 =	vld [tilespmem:$0xA330]  }
0x9a: {  	v6 =	vld [tilespmem:$0xA340]  }
0x9b: {  	v7 =	vld [tilespmem:$0xA350]  }
0x9c: {  	v8 =	vld [tilespmem:$0xA360];
	s11 =	rddreg [dreg:$0x18]  }
0x9d: {  	v9 =	vld [tilespmem:$0xA370];
	[tilespmem:s29], [sflag:$0x7] =	stream.linear.gather [hbm4b:s11+s29], $0x28, $0x38  }
0x9e: {  	_ =	swait.ge [sflag:s9], $0x28  }
0x9f: {  	[sflag:s9] =	ssyncset.done $0x0  }
0xa0: {  	s25 =	simm.s32 $0x80;
	s14 =	rddreg [dreg:$0x19];
	[sflag:s9] =	ssyncadd.s32 $0xFFFFFFD8  }
0xa1: {  	[tilespmem:s25], [sflag:$0x7] =	stream.linear.gather [hbm4b:s14+s29], $0x28, $0x38;
	[tilespmem:$0x1EB80] =	vst v63  }
0xa2: {  	_ =	swait.ge [sflag:s9], $0x28  }
0xa3: {  	[sflag:s9] =	ssyncset.done $0x0  }
0xa4: {  	[sflag:s9] =	ssyncadd.s32 $0xFFFFFFD8  }
0xa5: {  	[tilespmem:s26], [sflag:$0x1] =	stream.indirect.gather [hbm4b:s1+s10], $0x80, s29, s10, $0xb8;
	[tilespmem:$0x1EB80] =	vst v63  }
0xa6: {  	s28 =	simm.s32 $0x1580  }
0xa7: {  	[tilespmem:s28], [sflag:$0x2] =	stream.indirect.gather [hbm4b:s1+s10], $0x80, s25, s10, $0xb8;
	[tilespmem:$0x1EB80] =	vst v63  }
.LBB2_4:
0xa8: {  	s0 =	smul.u32 $0x50, s29;
	_ =	sdelay $0x1  }
0xa9: {  	s5 =	sadd.s32 s0, s30  }
0xaa: {  	s5 =	sshrl.u32 s5, $0x3  }
0xab: {  	s11 =	sadd.s32 s7, s5  }
0xac: {  	[tilespmem:s12], [sflag:$0x7] =	stream.linear.gather [hbm4b:s11+s6], $0x28, $0x38;
	[tilespmem:$0x1EB80] =	vst v63  }
0xad: {  	_ =	swait.ge [sflag:s9], $0x28  }
0xae: {  	[sflag:s9] =	ssyncset.done $0x0  }
0xaf: {  	s5 =	sadd.s32 s8, s5;
	[sflag:s9] =	ssyncadd.s32 $0xFFFFFFD8  }
0xb0: {  	[tilespmem:s13], [sflag:$0x7] =	stream.linear.gather [hbm4b:s5+s6], $0x28, $0x38;
	[tilespmem:$0x1EB80] =	vst v63  }
0xb1: {  	_ =	swait.ge [sflag:s9], $0x28  }
0xb2: {  	[sflag:s9] =	ssyncset.done $0x0  }
0xb3: {  	s26 =	simm.s32 $0x5300;
	[sflag:s9] =	ssyncadd.s32 $0xFFFFFFD8  }
0xb4: {  	[tilespmem:s26], [sflag:$0x4] =	stream.indirect.gather [hbm4b:s1+s10], $0x80, s12, s10, $0xb8;
	[tilespmem:$0x1EB80] =	vst v63  }
0xb5: {  	_ = 	snop  }
0xb6: {  	[tilespmem:s15], [sflag:$0x5] =	stream.indirect.gather [hbm4b:s1+s10], $0x80, s13, s10, $0xb8;
	[tilespmem:$0x1EB80] =	vst v63  }
0xb7: {  	_ =	swait.ge [sflag:s16], $0x1400  }
0xb8: {  	[sflag:s16] =	ssyncset.done $0x0  }
0xb9: {  	[sflag:s16] =	ssyncadd.s32 $0xFFFFEC00  }
0xba: {  	_ =	swait.ge [sflag:s17], $0x1400  }
0xbb: {  	p0 =	seq.s32 s29, $0x0;
	[sflag:s17] =	ssyncset.done $0x0  }
0xbc: {  	s5 =	simm.s32 @!p0 $0x3;
	[sflag:s17] =	ssyncadd.s32 $0xFFFFEC00  }
0xbd: {  	_ =	swait.ge @!p0 [sflag:s5], $0x1400  }
0xbe: {  	[sflag:s5] =	ssyncset.done @!p0 $0x0  }
0xbf: {  	[sflag:s5] =	ssyncadd.s32 @!p0 $0xFFFFEC00  }
0xc0: {  	_ =	swait.ge @!p0 [sflag:s5], $0x1400  }
0xc1: {  	[sflag:s5] =	ssyncset.done @!p0 $0x0  }
0xc2: {  	[sflag:s5] =	ssyncadd.s32 @!p0 $0xFFFFEC00  }
0xc3: {  	v10 =	vld [tilespmem:$0x80]  }
0xc4: {  	v11 =	vld [tilespmem:$0x90]  }
0xc5: {  	v12 =	vld [tilespmem:$0x98];
	_ =	sdelay $0x2  }
0xc6: {  	v10 =	vsub.s32 v10, v0  }
0xc7: {  	v11 =	vsub.s32 v11, v0;
	v10 =	vmin.u32 v10, $0x1400  }
0xc8: {  	[tilespmem:$0x100] =	vst v10;
	v10 =	vmin.u32 v11, $0x1400;
	v11 =	vsub.s32 v12, v0  }
0xc9: {  	[tilespmem:$0x110] =	vst v10;
	v10 =	vmin.u32 v11, $0x1400  }
0xca: {  	s28 =	simm.s32 $0x0;
	[tilespmem:$0x118] =	vst v10  }
0xcb: {  	v20 =	vld [tilespmem:s28+$0x180]  }
0xcc: {  	v10 =	vld [tilespmem:s28+$0x1580]  }
0xcd: {  	v24 =	vld [tilespmem:s28+$0x190]  }
0xce: {  	v11 =	vld [tilespmem:s28+$0x1590]  }
0xcf: {  	v32 =	vld [tilespmem:s28+$0x1A0]  }
0xd0: {  	v12 =	vld [tilespmem:s28+$0x15A0]  }
0xd1: {  	v35 =	vld [tilespmem:s28+$0x1B0];
	v10 =	vmul.f32 v10, v20  }
0xd2: {  	v13 =	vld [tilespmem:s28+$0x15B0]  }
0xd3: {  	v36 =	vld [tilespmem:s28+$0x1C0];
	v11 =	vmul.f32 v11, v24;
	v10 =	vmul.f32 v10, v2  }
0xd4: {  	v14 =	vld [tilespmem:s28+$0x15C0]  }
0xd5: {  	v37 =	vld [tilespmem:s28+$0x1D0];
	v12 =	vmul.f32 v12, v32;
	v11 =	vmul.f32 v11, v3;
	v10 =	vadd.f32 $0.0e+00, v10  }
0xd6: {  	v15 =	vld [tilespmem:s28+$0x15D0]  }
0xd7: {  	v33 =	vld [tilespmem:s28+$0x1E0];
	v10 =	vadd.f32 v11, v10;
	v11 =	vmul.f32 v12, v4;
	v12 =	vmul.f32 v13, v35  }
0xd8: {  	v13 =	vld [tilespmem:s28+$0x15E0]  }
0xd9: {  	v21 =	vld [tilespmem:s28+$0x1F0];
	v10 =	vadd.f32 v11, v10;
	v11 =	vmul.f32 v12, v5;
	v12 =	vmul.f32 v14, v36  }
0xda: {  	v14 =	vld [tilespmem:s28+$0x15F0]  }
0xdb: {  	v10 =	vadd.f32 v11, v10;
	v11 =	vmul.f32 v12, v6;
	v12 =	vmul.f32 v15, v37;
	_ =	sdelay $0x1  }
0xdc: {  	v10 =	vadd.f32 v11, v10;
	v11 =	vmul.f32 v12, v7;
	v12 =	vmul.f32 v13, v33;
	_ =	sdelay $0x1  }
0xdd: {  	v10 =	vadd.f32 v11, v10;
	v11 =	vmul.f32 v12, v8;
	v12 =	vmul.f32 v14, v21;
	_ =	sdelay $0x1  }
0xde: {  	v10 =	vadd.f32 v11, v10;
	v11 =	vmul.f32 v12, v9  }
0xdf: {  	s25 =	simm.s32 $0x80  }
0xe0: {  	v30 =	vld [tilespmem:s25+$0x180];
	v10 =	vadd.f32 v11, v10  }
0xe1: {  	v28 =	vld [tilespmem:s25+$0x190]  }
0xe2: {  	v16 =	vld [tilespmem:s25+$0x1590];
	(xrf2) =	vadd.scan.msk.f32 $0xffff, v10  }
0xe3: {  	v29 =	vld [tilespmem:s25+$0x1A0]  }
0xe4: {  	v26 =	vld [tilespmem:s25+$0x1B0]  }
0xe5: {  	v17 =	vld [tilespmem:s25+$0x15B0]  }
0xe6: {  	v22 =	vld [tilespmem:s25+$0x1C0]  }
0xe7: {  	v19 =	vld [tilespmem:s25+$0x15C0]  }
0xe8: {  	v15 =	vld [tilespmem:s25+$0x1580]  }
0xe9: {  	v27 =	vld [tilespmem:s25+$0x1D0]  }
0xea: {  	v34 =	vld [tilespmem:s25+$0x15D0]  }
0xeb: {  	v23 =	vld [tilespmem:s25+$0x1E0]  }
0xec: {  	v14 =	vld [tilespmem:s25+$0x15A0];
	v11, _, _ =	vpop (xrf2)  }
0xed: {  	v38 =	vld [tilespmem:s25+$0x15E0];
	v12 =	vmul.f32 v15, v30;
	v25 =	vbroadcast v11, $0xF  }
0xee: {  	v31 =	vld [tilespmem:s25+$0x1F0];
	v16 =	vmul.f32 v16, v28  }
0xef: {  	s26 =	simm.s32 $0x100;
	v39 =	vld [tilespmem:s25+$0x15F0];
	v44 =	vmul.f32 v12, v2;
	v15 =	vmul.f32 $2.000000030e-01, v25  }
0xf0: {  	v40 =	vld [tilespmem:s26+$0x1580];
	v16 =	vmul.f32 v16, v3;
	vm0 =	vgt.f32 v25, $0.0e+00  }
0xf1: {  	v18 =	vld [tilespmem:s26+$0x190];
	v62 =	vmul.f32 v14, v29;
	v15 =	vsel vm0, v25, v15;
	v25 =	vadd.f32 $0.0e+00, v44  }
0xf2: {  	v41 =	vld [tilespmem:s26+$0x1590]  }
0xf3: {  	v42 =	vld [tilespmem:s26+$0x15A0];
	v17 =	vmul.f32 v17, v26;
	v16 =	vadd.f32 v16, v25;
	v25 =	vmul.f32 v62, v4  }
0xf4: {  	v43 =	vld [tilespmem:s26+$0x15B0]  }
0xf5: {  	v45 =	vld [tilespmem:s26+$0x15C0];
	v19 =	vmul.f32 v19, v22;
	v17 =	vmul.f32 v17, v5;
	v16 =	vadd.f32 v25, v16  }
0xf6: {  	v46 =	vld [tilespmem:s26+$0x15D0]  }
0xf7: {  	v63 =	vld [tilespmem:s26+$0x15E0];
	v34 =	vmul.f32 v34, v27;
	v19 =	vmul.f32 v19, v6;
	v17 =	vadd.f32 v17, v16  }
0xf8: {  	v13 =	vld [tilespmem:s26+$0x180];
	v15 =	vmul.f32 $1.442695020e+00, v15  }
0xf9: {  	s5 =	simm.s32 $0x180;
	v47 =	vld [tilespmem:s26+$0x15F0];
	v38 =	vmul.f32 v38, v23;
	v34 =	vmul.f32 v34, v7;
	v17 =	vadd.f32 v19, v17  }
0xfa: {  	v48 =	vld [tilespmem:s5+$0x1580];
	(erf) = vpow2.f32 v15  }
0xfb: {  	v49 =	vld [tilespmem:s5+$0x1590];
	v39 =	vmul.f32 v39, v31;
	v38 =	vmul.f32 v38, v8;
	v50 =	vadd.f32 v34, v17  }
0xfc: {  	v10 =	vld [tilespmem:s26+$0x1A0]  }
0xfd: {  	v39 =	vmul.f32 v39, v9;
	v40 =	vmul.f32 v40, v13;
	v12 =	vld [tilespmem:s26+$0x1C0];
	v38 =	vadd.f32 v38, v50  }
0xfe: {  	v11 =	vld [tilespmem:s26+$0x1B0]  }
0xff: {  	v53 =	vmul.f32 v41, v18;
	v14 =	vld [tilespmem:s26+$0x1D0];
	v52 =	vmul.f32 v40, v2;
	v38 =	vadd.f32 v39, v38  }
0x100: {  	v15 =	vld [tilespmem:s26+$0x1E0]  }
0x101: {  	v40 =	vmul.f32 v53, v3;
	v54 =	vmul.f32 v42, v10;
	v25 =	vld [tilespmem:s26+$0x1F0];
	v39 =	vadd.f32 $0.0e+00, v52;
	(xrf2) =	vadd.scan.msk.f32 $0xffff, v38  }
0x102: {  	v16 =	vld [tilespmem:s5+$0x180]  }
0x103: {  	v55 =	vmul.f32 v43, v11;
	v19 =	vld [tilespmem:s5+$0x190];
	v34 =	vpop (erf);
	v38 =	vmul.f32 v54, v4;
	v39 =	vadd.f32 v40, v39  }
0x104: {  	v56 =	vmul.f32 v45, v12;
	v17 =	vld [tilespmem:s5+$0x1A0];
	[tilespmem:s28+$0x3D80] =	vst v34;
	v51 =	vmul.f32 v34, v21  }
0x105: {  	v57 =	vmul.f32 v55, v5;
	v20 =	vmul.f32 v34, v20;
	v50 =	vld [tilespmem:s5+$0x15A0];
	[tilespmem:s28+$0x3D90] =	vst v34;
	v38 =	vadd.f32 v38, v39  }
0x106: {  	v59 =	vmul.f32 v46, v14;
	v21 =	vld [tilespmem:s5+$0x1B0];
	[tilespmem:s28+$0x29F0] =	vst v51  }
0x107: {  	v58 =	vmul.f32 v56, v6;
	v24 =	vmul.f32 v34, v24;
	v41 =	vld [tilespmem:s5+$0x15B0];
	[tilespmem:s28+$0x2980] =	vst v20;
	v38 =	vadd.f32 v57, v38  }
0x108: {  	v60 =	vmul.f32 v63, v15;
	v20 =	vld [tilespmem:s5+$0x1C0];
	[tilespmem:s28+$0x3DA0] =	vst v34  }
0x109: {  	v32 =	vmul.f32 v34, v32;
	v43 =	vld [tilespmem:s5+$0x15C0];
	[tilespmem:s28+$0x2990] =	vst v24;
	v39 =	vmul.f32 v59, v7;
	v38 =	vadd.f32 v58, v38  }
0x10a: {  	v47 =	vmul.f32 v47, v25;
	v24 =	vld [tilespmem:s5+$0x1D0];
	[tilespmem:s28+$0x3DB0] =	vst v34  }
0x10b: {  	v42 =	vmul.f32 v60, v8;
	v35 =	vmul.f32 v34, v35;
	v44 =	vld [tilespmem:s5+$0x15D0];
	[tilespmem:s28+$0x29A0] =	vst v32;
	v38 =	vadd.f32 v39, v38;
	v61, _, _ =	vpop (xrf2)  }
0x10c: {  	v32 =	vld [tilespmem:s5+$0x1E0];
	[tilespmem:s28+$0x3DC0] =	vst v34;
	v63 =	vbroadcast v61, $0xF  }
0x10d: {  	v36 =	vmul.f32 v34, v36;
	v57 =	vmul.f32 v47, v9;
	v52 =	vld [tilespmem:s5+$0x15E0];
	[tilespmem:s28+$0x29B0] =	vst v35;
	v38 =	vadd.f32 v42, v38  }
0x10e: {  	v62 =	vmul.f32 v48, v16;
	v35 =	vld [tilespmem:s5+$0x1F0];
	[tilespmem:s28+$0x3DD0] =	vst v34;
	v53 =	vmul.f32 $2.000000030e-01, v63  }
0x10f: {  	v56 =	vmul.f32 v34, v37;
	v37 =	vld [tilespmem:s5+$0x15F0];
	[tilespmem:s28+$0x29C0] =	vst v36;
	v36 =	vadd.f32 v57, v38;
	vm15 =	vgt.f32 v63, $0.0e+00  }
0x110: {  	v48 =	vmul.f32 v62, v2;
	v51 =	vmul.f32 v49, v19;
	v39 =	vsel vm15, v63, v53  }
0x111: {  	(xrf2) =	vadd.scan.msk.f32 $0xffff, v36;
	v60 =	vmul.f32 $1.442695020e+00, v39  }
0x112: {  	v40 =	vadd.f32 $0.0e+00, v48;
	v45 =	vmul.f32 v51, v3;
	v54 =	vmul.f32 v50, v17  }
0x113: {  	(erf) = vpow2.f32 v60  }
0x114: {  	v40 =	vadd.f32 v45, v40;
	v41 =	vmul.f32 v41, v21;
	v55 =	vmul.f32 v54, v4;
	_ =	sdelay $0x1  }
0x115: {  	v41 =	vmul.f32 v41, v5;
	v40 =	vadd.f32 v55, v40;
	v58 =	vmul.f32 v43, v20  }
0x116: {  	v59 =	vmul.f32 v34, v33  }
0x117: {  	s11 =	simm.s32 $0x200;
	[tilespmem:s28+$0x29D0] =	vst v56;
	v62 =	vmul.f32 v58, v6;
	v61 =	vadd.f32 v41, v40;
	v63 =	vmul.f32 v44, v24  }
0x118: {  	v33 =	vld [tilespmem:s11+$0x180];
	[tilespmem:s28+$0x29E0] =	vst v59  }
0x119: {  	s14 =	simm.s32 $0xA00;
	v41 =	vmul.f32 v52, v32;
	v38 =	vld [tilespmem:s11+$0x1580];
	[tilespmem:s28+$0x3DE0] =	vst v34;
	v39 =	vadd.f32 v62, v61;
	v40 =	vmul.f32 v63, v7  }
.LBB2_5:
0x11a: {  	p1 =	sne.s32 s14, $0x4E00;
	v36 =	vld [tilespmem:s11+$0x190];
	v42, _, _ =	vpop (xrf2);
	[tilespmem:s28+$0x3DF0] =	vst v34;
	v43 =	vmov v32;
	s28 =	smov.u32 s25;
	s25 =	smov.u32 s26  }
0x11b: {  	s26 =	smov.u32 s5;
	s5 =	smov.u32 s11;
	v32 =	vld [tilespmem:s11+$0x1590];
	v39 =	vadd.f32 v40, v39;
	v40 =	vmul.f32 v41, v8;
	v37 =	vmul.f32 v37, v35;
	v34 =	vpop (erf)  }
0x11c: {  	v42 =	vbroadcast v42, $0xF;
	v41 =	vld [tilespmem:s5+$0x1A0];
	[tilespmem:s28+$0x3D80] =	vst v34;
	v44 =	vmul.f32 v34, v31;
	v31 =	vmovc v25;
	v25 =	vmov v35  }
0x11d: {  	v35 =	vld [tilespmem:s5+$0x15A0];
	v39 =	vadd.f32 v40, v39;
	v37 =	vmul.f32 v37, v9;
	v40 =	vmul.f32 v34, v30;
	[tilespmem:s28+$0x3D90] =	vst v34  }
0x11e: {  	v46 =	vmul.f32 $2.000000030e-01, v42;
	v30 =	vmovc v13;
	v13 =	vmovc v16;
	v16 =	vmov v33;
	v38 =	vmul.f32 v38, v33;
	v45 =	vld [tilespmem:s5+$0x1B0];
	[tilespmem:s28+$0x29F0] =	vst v44  }
0x11f: {  	vm0 =	vgt.f32 v42, $0.0e+00;
	v33 =	vld [tilespmem:s5+$0x15B0];
	v37 =	vadd.f32 v37, v39;
	[tilespmem:s28+$0x2980] =	vst v40;
	v39 =	vmul.f32 v34, v28;
	v28 =	vmovc v18  }
0x120: {  	v44 =	vsel vm0, v42, v46;
	v38 =	vmul.f32 v38, v2;
	v32 =	vmul.f32 v32, v36;
	v40 =	vld [tilespmem:s5+$0x1C0];
	[tilespmem:s28+$0x3DA0] =	vst v34  }
0x121: {  	v18 =	vmovc v19;
	v42 =	vld [tilespmem:s5+$0x15C0];
	(xrf2) =	vadd.scan.msk.f32 $0xffff, v37;
	v37 =	vmul.f32 $1.442695020e+00, v44;
	[tilespmem:s28+$0x2990] =	vst v39;
	v44 =	vmul.f32 v34, v29  }
0x122: {  	v19 =	vmovc v36;
	v38 =	vadd.f32 $0.0e+00, v38;
	v32 =	vmul.f32 v32, v3;
	v35 =	vmul.f32 v35, v41;
	v39 =	vld [tilespmem:s5+$0x1D0];
	[tilespmem:s28+$0x3DB0] =	vst v34  }
0x123: {  	v29 =	vmovc v10;
	v10 =	vmovc v17;
	v17 =	vmov v41;
	v36 =	vld [tilespmem:s5+$0x15D0];
	(erf) = vpow2.f32 v37;
	[tilespmem:s28+$0x29A0] =	vst v44;
	v44 =	vmul.f32 v34, v26  }
0x124: {  	v37 =	vadd.f32 v32, v38;
	v35 =	vmul.f32 v35, v4;
	v33 =	vmul.f32 v33, v45;
	v32 =	vld [tilespmem:s5+$0x1E0];
	[tilespmem:s28+$0x3DC0] =	vst v34  }
0x125: {  	v27 =	vmul.f32 v34, v27;
	v26 =	vmovc v11;
	v11 =	vmov v21;
	v41 =	vld [tilespmem:s5+$0x15E0];
	[tilespmem:s28+$0x29B0] =	vst v44;
	v44 =	vmul.f32 v34, v22  }
.Ltmp1:
0x126: {  	v38 =	vadd.f32 v35, v37;
	v33 =	vmul.f32 v33, v5;
	v42 =	vmul.f32 v42, v40;
	v35 =	vld [tilespmem:s5+$0x1F0];
	[tilespmem:s28+$0x3DD0] =	vst v34;
	(pc) =	sbr.rel @p1 .LBB2_5-.Ltmp1, $4  }
0x127: {  	v21 =	vmovc v45;
	v22 =	vmovc v12;
	v12 =	vmov v20;
	v20 =	vmov v40;
	v37 =	vld [tilespmem:s5+$0x15F0];
	[tilespmem:s28+$0x29C0] =	vst v44;
	v44 =	vmul.f32 v34, v23  }
0x128: {  	s11 =	sshra.s32 s14, $0x2;
	v40 =	vadd.f32 v33, v38;
	v42 =	vmul.f32 v42, v6;
	v36 =	vmul.f32 v36, v39;
	[tilespmem:s28+$0x29D0] =	vst v27  }
0x129: {  	v23 =	vmovc v15;
	v15 =	vmovc v43;
	v27 =	vmov v14;
	v14 =	vmov v24;
	v24 =	vmov v39;
	v33 =	vld [tilespmem:s11+$0x180];
	[tilespmem:s28+$0x29E0] =	vst v44  }
0x12a: {  	s14 =	sadd.s32 $0x200, s14;
	v38 =	vld [tilespmem:s11+$0x1580];
	v39 =	vadd.f32 v42, v40;
	v40 =	vmul.f32 v36, v7;
	v41 =	vmul.f32 v41, v32;
	[tilespmem:s28+$0x3DE0] =	vst v34  }
0x12b: {  	v36 =	vld [tilespmem:s11+$0x190];
	[tilespmem:s28+$0x3DF0] =	vst v34  }
0x12c: {  	v42 =	vld [tilespmem:s11+$0x1590];
	v43 =	vpop (erf);
	v56 =	vmul.f32 v41, v8  }
0x12d: {  	v34 =	vld [tilespmem:s11+$0x1A0];
	v39 =	vadd.f32 v40, v39;
	v37 =	vmul.f32 v37, v35;
	[tilespmem:s25+$0x3D80] =	vst v43;
	v45 =	vmul.f32 v43, v31  }
0x12e: {  	v46, _, _ =	vpop (xrf2);
	v30 =	vmul.f32 v43, v30;
	v44 =	vld [tilespmem:s11+$0x15A0];
	[tilespmem:s25+$0x3D90] =	vst v43  }
0x12f: {  	v46 =	vbroadcast v46, $0xF;
	v39 =	vadd.f32 v56, v39;
	v37 =	vmul.f32 v37, v9;
	v31 =	vld [tilespmem:s11+$0x1B0];
	[tilespmem:s25+$0x29F0] =	vst v45  }
0x130: {  	v28 =	vmul.f32 v43, v28;
	v38 =	vmul.f32 v38, v33;
	v45 =	vld [tilespmem:s11+$0x15B0];
	[tilespmem:s25+$0x2980] =	vst v30  }
0x131: {  	v29 =	vmul.f32 v43, v29;
	v58 =	vmul.f32 $2.000000030e-01, v46;
	v37 =	vadd.f32 v37, v39;
	v30 =	vld [tilespmem:s11+$0x1C0];
	[tilespmem:s25+$0x3DA0] =	vst v43  }
0x132: {  	vm0 =	vgt.f32 v46, $0.0e+00;
	v59 =	vmul.f32 v42, v36;
	v38 =	vmul.f32 v38, v2;
	v57 =	vld [tilespmem:s11+$0x15C0];
	[tilespmem:s25+$0x2990] =	vst v28  }
0x133: {  	v40 =	vsel vm0, v46, v58;
	(xrf2) =	vadd.scan.msk.f32 $0xffff, v37;
	v28 =	vld [tilespmem:s11+$0x1D0];
	[tilespmem:s25+$0x3DB0] =	vst v43;
	v63 =	vmul.f32 v44, v34  }
0x134: {  	v61 =	vmul.f32 v59, v3;
	v38 =	vadd.f32 $0.0e+00, v38;
	v60 =	vld [tilespmem:s11+$0x15D0];
	[tilespmem:s25+$0x29A0] =	vst v29;
	v29 =	vmul.f32 $1.442695020e+00, v40  }
0x135: {  	v26 =	vmul.f32 v43, v26;
	v44 =	vmul.f32 v63, v4  }
0x136: {  	v62 =	vld [tilespmem:s11+$0x1E0];
	[tilespmem:s25+$0x3DC0] =	vst v43;
	v37 =	vadd.f32 v61, v38;
	v45 =	vmul.f32 v45, v31;
	(erf) = vpow2.f32 v29  }
0x137: {  	v22 =	vmul.f32 v43, v22;
	v29 =	vld [tilespmem:s11+$0x15E0];
	[tilespmem:s25+$0x29B0] =	vst v26  }
0x138: {  	v26 =	vld [tilespmem:s11+$0x1F0];
	v37 =	vadd.f32 v44, v37;
	v46 =	vmul.f32 v45, v5;
	v47 =	vmul.f32 v57, v30;
	[tilespmem:s25+$0x3DD0] =	vst v43  }
0x139: {  	v27 =	vmul.f32 v43, v27;
	v48 =	vld [tilespmem:s11+$0x15F0];
	[tilespmem:s25+$0x29C0] =	vst v22;
	v22 =	vmul.f32 v43, v23  }
0x13a: {  	v37 =	vadd.f32 v46, v37;
	v49 =	vmul.f32 v47, v6;
	v50 =	vmul.f32 v60, v28;
	_ =	sdelay $0x1  }
0x13b: {  	[tilespmem:s25+$0x29D0] =	vst v27;
	v23 =	vadd.f32 v49, v37;
	v27 =	vmul.f32 v50, v7;
	v29 =	vmul.f32 v29, v62  }
0x13c: {  	[tilespmem:s25+$0x3DE0] =	vst v43  }
0x13d: {  	[tilespmem:s25+$0x29E0] =	vst v22;
	v22, _, _ =	vpop (xrf2);
	v23 =	vadd.f32 v27, v23;
	v27 =	vmul.f32 v29, v8;
	v29 =	vmul.f32 v48, v26  }
0x13e: {  	[tilespmem:s25+$0x3DF0] =	vst v43;
	v22 =	vbroadcast v22, $0xF;
	v51 =	vpop (erf)  }
0x13f: {  	v23 =	vadd.f32 v27, v23;
	v27 =	vmul.f32 v29, v9;
	[tilespmem:s26+$0x3D80] =	vst v51  }
0x140: {  	v29 =	vmul.f32 $2.000000030e-01, v22;
	v13 =	vmul.f32 v51, v13;
	[tilespmem:s26+$0x3D90] =	vst v51  }
0x141: {  	vm12 =	vgt.f32 v22, $0.0e+00;
	[tilespmem:s26+$0x3DA0] =	vst v51;
	v23 =	vadd.f32 v27, v23  }
0x142: {  	[tilespmem:s26+$0x2980] =	vst v13;
	v13 =	vmul.f32 v51, v18;
	v18 =	vsel vm12, v22, v29  }
0x143: {  	v10 =	vmul.f32 v51, v10;
	[tilespmem:s26+$0x3DB0] =	vst v51;
	(xrf2) =	vadd.scan.msk.f32 $0xffff, v23;
	v18 =	vmul.f32 $1.442695020e+00, v18  }
0x144: {  	[tilespmem:s26+$0x3DC0] =	vst v51  }
0x145: {  	[tilespmem:s26+$0x29A0] =	vst v10;
	v10 =	vmul.f32 v51, v11;
	(erf) = vpow2.f32 v18  }
0x146: {  	[tilespmem:s26+$0x3DD0] =	vst v51  }
0x147: {  	[tilespmem:s26+$0x29B0] =	vst v10;
	v10 =	vmul.f32 v51, v12  }
0x148: {  	[tilespmem:s26+$0x3DE0] =	vst v51  }
0x149: {  	v25 =	vmul.f32 v51, v25;
	[tilespmem:s26+$0x29C0] =	vst v10;
	v10 =	vmul.f32 v51, v15  }
0x14a: {  	[tilespmem:s26+$0x3DF0] =	vst v51;
	v11 =	vmul.f32 v51, v14  }
0x14b: {  	[tilespmem:s26+$0x29F0] =	vst v25  }
0x14c: {  	[tilespmem:s26+$0x2990] =	vst v13  }
0x14d: {  	[tilespmem:s26+$0x29E0] =	vst v10;
	v10, _, _ =	vpop (xrf2)  }
0x14e: {  	[tilespmem:s26+$0x29D0] =	vst v11;
	v11 =	vpop (erf);
	v10 =	vbroadcast v10, $0xF  }
0x14f: {  	[tilespmem:s5+$0x3D80] =	vst v11  }
0x150: {  	[tilespmem:s5+$0x3D90] =	vst v11;
	v14 =	vmul.f32 $2.000000030e-01, v10  }
0x151: {  	[tilespmem:s5+$0x3DA0] =	vst v11;
	vm13 =	vgt.f32 v10, $0.0e+00  }
0x152: {  	[tilespmem:s5+$0x3DB0] =	vst v11;
	v10 =	vsel vm13, v10, v14  }
0x153: {  	[tilespmem:s5+$0x3DC0] =	vst v11;
	v10 =	vmul.f32 $1.442695020e+00, v10  }
0x154: {  	[tilespmem:s5+$0x3DD0] =	vst v11  }
0x155: {  	v12 =	vmul.f32 v11, v35;
	[tilespmem:s5+$0x3DE0] =	vst v11;
	(erf) = vpow2.f32 v10  }
0x156: {  	[tilespmem:s5+$0x3DF0] =	vst v11;
	v10 =	vmul.f32 v11, v21  }
0x157: {  	[tilespmem:s5+$0x29F0] =	vst v12;
	v12 =	vmul.f32 v11, v19  }
0x158: {  	[tilespmem:s5+$0x29B0] =	vst v10;
	v10 =	vmul.f32 v11, v20  }
0x159: {  	[tilespmem:s5+$0x2990] =	vst v12;
	v12 =	vmul.f32 v11, v17  }
0x15a: {  	v13 =	vmul.f32 v11, v16;
	[tilespmem:s5+$0x29C0] =	vst v10;
	v10 =	vmul.f32 v11, v32  }
0x15b: {  	[tilespmem:s5+$0x29A0] =	vst v12;
	v12 =	vmul.f32 v11, v24  }
0x15c: {  	[tilespmem:s5+$0x2980] =	vst v13  }
0x15d: {  	[tilespmem:s5+$0x29D0] =	vst v12  }
0x15e: {  	[tilespmem:s5+$0x29E0] =	vst v10;
	v10 =	vpop (erf)  }
0x15f: {  	[tilespmem:s11+$0x3D80] =	vst v10  }
0x160: {  	[tilespmem:s11+$0x3D90] =	vst v10  }
0x161: {  	[tilespmem:s11+$0x3DA0] =	vst v10  }
0x162: {  	v11 =	vmul.f32 v10, v26;
	[tilespmem:s11+$0x3DB0] =	vst v10  }
0x163: {  	[tilespmem:s11+$0x3DC0] =	vst v10  }
0x164: {  	[tilespmem:s11+$0x29F0] =	vst v11;
	v11 =	vmul.f32 v10, v36  }
0x165: {  	[tilespmem:s11+$0x3DD0] =	vst v10  }
0x166: {  	[tilespmem:s11+$0x2990] =	vst v11;
	v11 =	vmul.f32 v10, v34  }
0x167: {  	[tilespmem:s11+$0x3DE0] =	vst v10  }
0x168: {  	[tilespmem:s11+$0x29A0] =	vst v11;
	v11 =	vmul.f32 v10, v31  }
0x169: {  	v12 =	vmul.f32 v10, v33;
	[tilespmem:s11+$0x3DF0] =	vst v10  }
0x16a: {  	[tilespmem:s11+$0x29B0] =	vst v11;
	v11 =	vmul.f32 v10, v30  }
0x16b: {  	[tilespmem:s11+$0x2980] =	vst v12;
	v12 =	vmul.f32 v10, v28  }
0x16c: {  	[tilespmem:s11+$0x29C0] =	vst v11;
	v11 =	vmul.f32 v10, v62  }
0x16d: {  	p1 =	seq.s32 s29, $0xF9;
	[tilespmem:s11+$0x29D0] =	vst v12  }
0x16e: {  	s0 =	sadd.s32 @!p1 s0, s31;
	[tilespmem:s11+$0x29E0] =	vst v11  }
0x16f: {  	[spmem:s3] =	stream.indirect.scatter.add.f32 [tilespmem:s2], [sflag:$0x3], $0x80, s18, s10, $0xb8;
	[tilespmem:$0x1EB80] =	vst v63  }
0x170: {  	s0 =	sshrl.u32 @!p1 s0, $0x3  }
0x171: {  	[spmem:s4] =	stream.indirect.scatter.add.f32 [tilespmem:s19], [sflag:$0x3], $0x80, s18, s10, $0xb8;
	[tilespmem:$0x1EB80] =	vst v63  }
0x172: {  	s5 =	sadd.s32 @!p1 s7, s0;
	s11 =	simm.s32 @!p1 $0x0  }
0x173: {  	[tilespmem:s11], [sflag:$0x7] =	stream.linear.gather @!p1 [hbm4b:s5+s11], $0x28, $0x38;
	[tilespmem:$0x1EB80] =	vst v63  }
0x174: {  	s5 =	simm.s32 @!p1 $0x7  }
0x175: {  	_ =	swait.ge @!p1 [sflag:s5], $0x28  }
0x176: {  	[sflag:s5] =	ssyncset.done @!p1 $0x0  }
0x177: {  	s14 =	simm.s32 @!p1 $0x80;
	s0 =	sadd.s32 @!p1 s8, s0;
	[sflag:s5] =	ssyncadd.s32 @!p1 $0xFFFFFFD8  }
0x178: {  	[tilespmem:s14], [sflag:$0x7] =	stream.linear.gather @!p1 [hbm4b:s0+s11], $0x28, $0x38;
	[tilespmem:$0x1EB80] =	vst v63  }
0x179: {  	_ =	swait.ge @!p1 [sflag:s5], $0x28  }
0x17a: {  	[sflag:s5] =	ssyncset.done @!p1 $0x0  }
0x17b: {  	s0 =	simm.s32 @!p1 $0x28;
	[sflag:s5] =	ssyncadd.s32 @!p1 $0xFFFFFFD8;
	s5 =	simm.s32 @!p1 $0x180  }
0x17c: {  	[tilespmem:s5], [sflag:$0x1] =	stream.indirect.gather @!p1 [hbm4b:s1+s0], $0x80, s11, s0, $0xb8;
	[tilespmem:$0x1EB80] =	vst v63  }
0x17d: {  	s5 =	simm.s32 @!p1 $0x1580  }
0x17e: {  	[tilespmem:s5], [sflag:$0x2] =	stream.indirect.gather @!p1 [hbm4b:s1+s0], $0x80, s14, s0, $0xb8;
	[tilespmem:$0x1EB80] =	vst v63  }
0x17f: {  	_ =	swait.ge [sflag:s20], $0x1400  }
0x180: {  	[sflag:s20] =	ssyncset.done $0x0  }
0x181: {  	[sflag:s20] =	ssyncadd.s32 $0xFFFFEC00  }
0x182: {  	_ =	swait.ge [sflag:s21], $0x1400  }
0x183: {  	[sflag:s21] =	ssyncset.done $0x0  }
0x184: {  	s0 =	simm.s32 @!p0 $0x6;
	[sflag:s21] =	ssyncadd.s32 $0xFFFFEC00  }
0x185: {  	_ =	swait.ge @!p0 [sflag:s0], $0x1400  }
0x186: {  	[sflag:s0] =	ssyncset.done @!p0 $0x0  }
0x187: {  	[sflag:s0] =	ssyncadd.s32 @!p0 $0xFFFFEC00  }
0x188: {  	_ =	swait.ge @!p0 [sflag:s0], $0x1400  }
0x189: {  	[sflag:s0] =	ssyncset.done @!p0 $0x0  }
0x18a: {  	[sflag:s0] =	ssyncadd.s32 @!p0 $0xFFFFEC00  }
0x18b: {  	v10 =	vld [tilespmem:$0x5200]  }
0x18c: {  	v11 =	vld [tilespmem:$0x5210]  }
0x18d: {  	v12 =	vld [tilespmem:$0x5218];
	_ =	sdelay $0x2  }
0x18e: {  	v10 =	vsub.s32 v10, v0  }
0x18f: {  	v11 =	vsub.s32 v11, v0;
	v10 =	vmin.u32 v10, $0x1400  }
0x190: {  	[tilespmem:$0x5280] =	vst v10;
	v10 =	vmin.u32 v11, $0x1400;
	v11 =	vsub.s32 v12, v0  }
0x191: {  	[tilespmem:$0x5290] =	vst v10;
	v10 =	vmin.u32 v11, $0x1400  }
0x192: {  	s26 =	simm.s32 $0x0;
	[tilespmem:$0x5298] =	vst v10  }
0x193: {  	v20 =	vld [tilespmem:s26+$0x5300]  }
0x194: {  	v10 =	vld [tilespmem:s26+$0x6700]  }
0x195: {  	v24 =	vld [tilespmem:s26+$0x5310]  }
0x196: {  	v11 =	vld [tilespmem:s26+$0x6710]  }
0x197: {  	v32 =	vld [tilespmem:s26+$0x5320]  }
0x198: {  	v12 =	vld [tilespmem:s26+$0x6720]  }
0x199: {  	v35 =	vld [tilespmem:s26+$0x5330];
	v10 =	vmul.f32 v10, v20  }
0x19a: {  	v13 =	vld [tilespmem:s26+$0x6730]  }
0x19b: {  	v36 =	vld [tilespmem:s26+$0x5340];
	v11 =	vmul.f32 v11, v24;
	v10 =	vmul.f32 v10, v2  }
0x19c: {  	v14 =	vld [tilespmem:s26+$0x6740]  }
0x19d: {  	v37 =	vld [tilespmem:s26+$0x5350];
	v12 =	vmul.f32 v12, v32;
	v11 =	vmul.f32 v11, v3;
	v10 =	vadd.f32 $0.0e+00, v10  }
0x19e: {  	v15 =	vld [tilespmem:s26+$0x6750]  }
0x19f: {  	v33 =	vld [tilespmem:s26+$0x5360];
	v10 =	vadd.f32 v11, v10;
	v11 =	vmul.f32 v12, v4;
	v12 =	vmul.f32 v13, v35  }
0x1a0: {  	v13 =	vld [tilespmem:s26+$0x6760]  }
0x1a1: {  	v21 =	vld [tilespmem:s26+$0x5370];
	v10 =	vadd.f32 v11, v10;
	v11 =	vmul.f32 v12, v5;
	v12 =	vmul.f32 v14, v36  }
0x1a2: {  	v14 =	vld [tilespmem:s26+$0x6770]  }
0x1a3: {  	v10 =	vadd.f32 v11, v10;
	v11 =	vmul.f32 v12, v6;
	v12 =	vmul.f32 v15, v37;
	_ =	sdelay $0x1  }
0x1a4: {  	v10 =	vadd.f32 v11, v10;
	v11 =	vmul.f32 v12, v7;
	v12 =	vmul.f32 v13, v33;
	_ =	sdelay $0x1  }
0x1a5: {  	v10 =	vadd.f32 v11, v10;
	v11 =	vmul.f32 v12, v8;
	v12 =	vmul.f32 v14, v21;
	_ =	sdelay $0x1  }
0x1a6: {  	v10 =	vadd.f32 v11, v10;
	v11 =	vmul.f32 v12, v9  }
0x1a7: {  	s5 =	simm.s32 $0x80  }
0x1a8: {  	v30 =	vld [tilespmem:s5+$0x5300];
	v10 =	vadd.f32 v11, v10  }
0x1a9: {  	v28 =	vld [tilespmem:s5+$0x5310]  }
0x1aa: {  	v16 =	vld [tilespmem:s5+$0x6710];
	(xrf2) =	vadd.scan.msk.f32 $0xffff, v10  }
0x1ab: {  	v29 =	vld [tilespmem:s5+$0x5320]  }
0x1ac: {  	v26 =	vld [tilespmem:s5+$0x5330]  }
0x1ad: {  	v17 =	vld [tilespmem:s5+$0x6730]  }
0x1ae: {  	v22 =	vld [tilespmem:s5+$0x5340]  }
0x1af: {  	v19 =	vld [tilespmem:s5+$0x6740]  }
0x1b0: {  	v15 =	vld [tilespmem:s5+$0x6700]  }
0x1b1: {  	v27 =	vld [tilespmem:s5+$0x5350]  }
0x1b2: {  	v52 =	vld [tilespmem:s5+$0x6750]  }
0x1b3: {  	v23 =	vld [tilespmem:s5+$0x5360]  }
0x1b4: {  	v14 =	vld [tilespmem:s5+$0x6720];
	v11, _, _ =	vpop (xrf2)  }
0x1b5: {  	v53 =	vld [tilespmem:s5+$0x6760];
	v12 =	vmul.f32 v15, v30;
	v25 =	vbroadcast v11, $0xF  }
0x1b6: {  	v31 =	vld [tilespmem:s5+$0x5370];
	v16 =	vmul.f32 v16, v28  }
0x1b7: {  	s25 =	simm.s32 $0x100;
	v54 =	vld [tilespmem:s5+$0x6770];
	v59 =	vmul.f32 v12, v2;
	v15 =	vmul.f32 $2.000000030e-01, v25  }
0x1b8: {  	v55 =	vld [tilespmem:s25+$0x6700];
	v16 =	vmul.f32 v16, v3;
	vm14 =	vgt.f32 v25, $0.0e+00  }
0x1b9: {  	v18 =	vld [tilespmem:s25+$0x5310];
	v61 =	vmul.f32 v14, v29;
	v15 =	vsel vm14, v25, v15;
	v25 =	vadd.f32 $0.0e+00, v59  }
0x1ba: {  	v56 =	vld [tilespmem:s25+$0x6710]  }
0x1bb: {  	v57 =	vld [tilespmem:s25+$0x6720];
	v17 =	vmul.f32 v17, v26;
	v16 =	vadd.f32 v16, v25;
	v25 =	vmul.f32 v61, v4  }
0x1bc: {  	v58 =	vld [tilespmem:s25+$0x6730]  }
0x1bd: {  	v60 =	vld [tilespmem:s25+$0x6740];
	v19 =	vmul.f32 v19, v22;
	v17 =	vmul.f32 v17, v5;
	v16 =	vadd.f32 v25, v16  }
0x1be: {  	v62 =	vld [tilespmem:s25+$0x6750]  }
0x1bf: {  	v63 =	vld [tilespmem:s25+$0x6760];
	v34 =	vmul.f32 v52, v27;
	v19 =	vmul.f32 v19, v6;
	v17 =	vadd.f32 v17, v16  }
0x1c0: {  	v13 =	vld [tilespmem:s25+$0x5300];
	v15 =	vmul.f32 $1.442695020e+00, v15  }
0x1c1: {  	s0 =	simm.s32 $0x180;
	v47 =	vld [tilespmem:s25+$0x6770];
	v38 =	vmul.f32 v53, v23;
	v34 =	vmul.f32 v34, v7;
	v17 =	vadd.f32 v19, v17  }
0x1c2: {  	v48 =	vld [tilespmem:s0+$0x6700];
	(erf) = vpow2.f32 v15  }
0x1c3: {  	v49 =	vld [tilespmem:s0+$0x6710];
	v39 =	vmul.f32 v54, v31;
	v38 =	vmul.f32 v38, v8;
	v50 =	vadd.f32 v34, v17  }
0x1c4: {  	v10 =	vld [tilespmem:s25+$0x5320]  }
0x1c5: {  	v39 =	vmul.f32 v39, v9;
	v40 =	vmul.f32 v55, v13;
	v12 =	vld [tilespmem:s25+$0x5340];
	v38 =	vadd.f32 v38, v50  }
0x1c6: {  	v11 =	vld [tilespmem:s25+$0x5330]  }
0x1c7: {  	v53 =	vmul.f32 v56, v18;
	v14 =	vld [tilespmem:s25+$0x5350];
	v52 =	vmul.f32 v40, v2;
	v38 =	vadd.f32 v39, v38  }
0x1c8: {  	v15 =	vld [tilespmem:s25+$0x5360]  }
0x1c9: {  	v40 =	vmul.f32 v53, v3;
	v54 =	vmul.f32 v57, v10;
	v25 =	vld [tilespmem:s25+$0x5370];
	v39 =	vadd.f32 $0.0e+00, v52;
	(xrf2) =	vadd.scan.msk.f32 $0xffff, v38  }
0x1ca: {  	v16 =	vld [tilespmem:s0+$0x5300]  }
0x1cb: {  	v55 =	vmul.f32 v58, v11;
	v19 =	vld [tilespmem:s0+$0x5310];
	v34 =	vpop (erf);
	v38 =	vmul.f32 v54, v4;
	v39 =	vadd.f32 v40, v39  }
0x1cc: {  	v56 =	vmul.f32 v60, v12;
	v17 =	vld [tilespmem:s0+$0x5320];
	[tilespmem:s26+$0x8F00] =	vst v34;
	v51 =	vmul.f32 v34, v21  }
0x1cd: {  	v57 =	vmul.f32 v55, v5;
	v20 =	vmul.f32 v34, v20;
	v50 =	vld [tilespmem:s0+$0x6720];
	[tilespmem:s26+$0x8F10] =	vst v34;
	v38 =	vadd.f32 v38, v39  }
0x1ce: {  	v59 =	vmul.f32 v62, v14;
	v21 =	vld [tilespmem:s0+$0x5330];
	[tilespmem:s26+$0x7B70] =	vst v51  }
0x1cf: {  	v58 =	vmul.f32 v56, v6;
	v24 =	vmul.f32 v34, v24;
	v41 =	vld [tilespmem:s0+$0x6730];
	[tilespmem:s26+$0x7B00] =	vst v20;
	v38 =	vadd.f32 v57, v38  }
0x1d0: {  	v60 =	vmul.f32 v63, v15;
	v20 =	vld [tilespmem:s0+$0x5340];
	[tilespmem:s26+$0x8F20] =	vst v34  }
0x1d1: {  	v32 =	vmul.f32 v34, v32;
	v43 =	vld [tilespmem:s0+$0x6740];
	[tilespmem:s26+$0x7B10] =	vst v24;
	v39 =	vmul.f32 v59, v7;
	v38 =	vadd.f32 v58, v38  }
0x1d2: {  	v47 =	vmul.f32 v47, v25;
	v24 =	vld [tilespmem:s0+$0x5350];
	[tilespmem:s26+$0x8F30] =	vst v34  }
0x1d3: {  	v42 =	vmul.f32 v60, v8;
	v35 =	vmul.f32 v34, v35;
	v44 =	vld [tilespmem:s0+$0x6750];
	[tilespmem:s26+$0x7B20] =	vst v32;
	v38 =	vadd.f32 v39, v38;
	v61, _, _ =	vpop (xrf2)  }
0x1d4: {  	v32 =	vld [tilespmem:s0+$0x5360];
	[tilespmem:s26+$0x8F40] =	vst v34;
	v63 =	vbroadcast v61, $0xF  }
0x1d5: {  	v36 =	vmul.f32 v34, v36;
	v57 =	vmul.f32 v47, v9;
	v52 =	vld [tilespmem:s0+$0x6760];
	[tilespmem:s26+$0x7B30] =	vst v35;
	v38 =	vadd.f32 v42, v38  }
0x1d6: {  	v62 =	vmul.f32 v48, v16;
	v35 =	vld [tilespmem:s0+$0x5370];
	[tilespmem:s26+$0x8F50] =	vst v34;
	v53 =	vmul.f32 $2.000000030e-01, v63  }
0x1d7: {  	v56 =	vmul.f32 v34, v37;
	v37 =	vld [tilespmem:s0+$0x6770];
	[tilespmem:s26+$0x7B40] =	vst v36;
	v36 =	vadd.f32 v57, v38;
	vm15 =	vgt.f32 v63, $0.0e+00  }
0x1d8: {  	v48 =	vmul.f32 v62, v2;
	v51 =	vmul.f32 v49, v19;
	v39 =	vsel vm15, v63, v53  }
0x1d9: {  	(xrf2) =	vadd.scan.msk.f32 $0xffff, v36;
	v60 =	vmul.f32 $1.442695020e+00, v39  }
0x1da: {  	v40 =	vadd.f32 $0.0e+00, v48;
	v45 =	vmul.f32 v51, v3;
	v54 =	vmul.f32 v50, v17  }
0x1db: {  	(erf) = vpow2.f32 v60  }
0x1dc: {  	v40 =	vadd.f32 v45, v40;
	v41 =	vmul.f32 v41, v21;
	v55 =	vmul.f32 v54, v4;
	_ =	sdelay $0x1  }
0x1dd: {  	v41 =	vmul.f32 v41, v5;
	v40 =	vadd.f32 v55, v40;
	v58 =	vmul.f32 v43, v20  }
0x1de: {  	v59 =	vmul.f32 v34, v33  }
0x1df: {  	s11 =	simm.s32 $0x200;
	[tilespmem:s26+$0x7B50] =	vst v56;
	v62 =	vmul.f32 v58, v6;
	v61 =	vadd.f32 v41, v40;
	v63 =	vmul.f32 v44, v24  }
0x1e0: {  	v33 =	vld [tilespmem:s11+$0x5300];
	[tilespmem:s26+$0x7B60] =	vst v59  }
0x1e1: {  	s14 =	simm.s32 $0xA00;
	v41 =	vmul.f32 v52, v32;
	v38 =	vld [tilespmem:s11+$0x6700];
	[tilespmem:s26+$0x8F60] =	vst v34;
	v39 =	vadd.f32 v62, v61;
	v40 =	vmul.f32 v63, v7  }
.LBB2_7:
0x1e2: {  	p0 =	sne.s32 s14, $0x4E00;
	v36 =	vld [tilespmem:s11+$0x5310];
	v42, _, _ =	vpop (xrf2);
	[tilespmem:s26+$0x8F70] =	vst v34;
	v43 =	vmov v32;
	s26 =	smov.u32 s5;
	s5 =	smov.u32 s25  }
0x1e3: {  	s25 =	smov.u32 s0;
	s0 =	smov.u32 s11;
	v32 =	vld [tilespmem:s11+$0x6710];
	v39 =	vadd.f32 v40, v39;
	v40 =	vmul.f32 v41, v8;
	v37 =	vmul.f32 v37, v35;
	v34 =	vpop (erf)  }
0x1e4: {  	v42 =	vbroadcast v42, $0xF;
	v41 =	vld [tilespmem:s0+$0x5320];
	[tilespmem:s26+$0x8F00] =	vst v34;
	v44 =	vmul.f32 v34, v31;
	v31 =	vmovc v25;
	v25 =	vmov v35  }
0x1e5: {  	v35 =	vld [tilespmem:s0+$0x6720];
	v39 =	vadd.f32 v40, v39;
	v37 =	vmul.f32 v37, v9;
	v40 =	vmul.f32 v34, v30;
	[tilespmem:s26+$0x8F10] =	vst v34  }
0x1e6: {  	v46 =	vmul.f32 $2.000000030e-01, v42;
	v30 =	vmovc v13;
	v13 =	vmovc v16;
	v16 =	vmov v33;
	v38 =	vmul.f32 v38, v33;
	v45 =	vld [tilespmem:s0+$0x5330];
	[tilespmem:s26+$0x7B70] =	vst v44  }
0x1e7: {  	vm0 =	vgt.f32 v42, $0.0e+00;
	v33 =	vld [tilespmem:s0+$0x6730];
	v37 =	vadd.f32 v37, v39;
	[tilespmem:s26+$0x7B00] =	vst v40;
	v39 =	vmul.f32 v34, v28;
	v28 =	vmovc v18  }
0x1e8: {  	v44 =	vsel vm0, v42, v46;
	v38 =	vmul.f32 v38, v2;
	v32 =	vmul.f32 v32, v36;
	v40 =	vld [tilespmem:s0+$0x5340];
	[tilespmem:s26+$0x8F20] =	vst v34  }
0x1e9: {  	v18 =	vmovc v19;
	v42 =	vld [tilespmem:s0+$0x6740];
	(xrf2) =	vadd.scan.msk.f32 $0xffff, v37;
	v37 =	vmul.f32 $1.442695020e+00, v44;
	[tilespmem:s26+$0x7B10] =	vst v39;
	v44 =	vmul.f32 v34, v29  }
0x1ea: {  	v19 =	vmovc v36;
	v38 =	vadd.f32 $0.0e+00, v38;
	v32 =	vmul.f32 v32, v3;
	v35 =	vmul.f32 v35, v41;
	v39 =	vld [tilespmem:s0+$0x5350];
	[tilespmem:s26+$0x8F30] =	vst v34  }
0x1eb: {  	v29 =	vmovc v10;
	v10 =	vmovc v17;
	v17 =	vmov v41;
	v36 =	vld [tilespmem:s0+$0x6750];
	(erf) = vpow2.f32 v37;
	[tilespmem:s26+$0x7B20] =	vst v44;
	v44 =	vmul.f32 v34, v26  }
0x1ec: {  	v37 =	vadd.f32 v32, v38;
	v35 =	vmul.f32 v35, v4;
	v33 =	vmul.f32 v33, v45;
	v32 =	vld [tilespmem:s0+$0x5360];
	[tilespmem:s26+$0x8F40] =	vst v34  }
0x1ed: {  	v27 =	vmul.f32 v34, v27;
	v26 =	vmovc v11;
	v11 =	vmov v21;
	v41 =	vld [tilespmem:s0+$0x6760];
	[tilespmem:s26+$0x7B30] =	vst v44;
	v44 =	vmul.f32 v34, v22  }
.Ltmp2:
0x1ee: {  	v38 =	vadd.f32 v35, v37;
	v33 =	vmul.f32 v33, v5;
	v42 =	vmul.f32 v42, v40;
	v35 =	vld [tilespmem:s0+$0x5370];
	[tilespmem:s26+$0x8F50] =	vst v34;
	(pc) =	sbr.rel @p0 .LBB2_7-.Ltmp2, $4  }
0x1ef: {  	v21 =	vmovc v45;
	v22 =	vmovc v12;
	v12 =	vmov v20;
	v20 =	vmov v40;
	v37 =	vld [tilespmem:s0+$0x6770];
	[tilespmem:s26+$0x7B40] =	vst v44;
	v44 =	vmul.f32 v34, v23  }
0x1f0: {  	s11 =	sshra.s32 s14, $0x2;
	v40 =	vadd.f32 v33, v38;
	v42 =	vmul.f32 v42, v6;
	v36 =	vmul.f32 v36, v39;
	[tilespmem:s26+$0x7B50] =	vst v27  }
0x1f1: {  	v23 =	vmovc v15;
	v15 =	vmovc v43;
	v27 =	vmov v14;
	v14 =	vmov v24;
	v24 =	vmov v39;
	v33 =	vld [tilespmem:s11+$0x5300];
	[tilespmem:s26+$0x7B60] =	vst v44  }
0x1f2: {  	s14 =	sadd.s32 $0x200, s14;
	v38 =	vld [tilespmem:s11+$0x6700];
	v39 =	vadd.f32 v42, v40;
	v40 =	vmul.f32 v36, v7;
	v41 =	vmul.f32 v41, v32;
	[tilespmem:s26+$0x8F60] =	vst v34  }
0x1f3: {  	v36 =	vld [tilespmem:s11+$0x5310];
	[tilespmem:s26+$0x8F70] =	vst v34;
	v46, _, _ =	vpop (xrf2)  }
0x1f4: {  	v42 =	vld [tilespmem:s11+$0x6710];
	v43 =	vpop (erf);
	v39 =	vadd.f32 v40, v39;
	v49 =	vmul.f32 v41, v8;
	v37 =	vmul.f32 v37, v35  }
0x1f5: {  	v34 =	vld [tilespmem:s11+$0x5320];
	v46 =	vbroadcast v46, $0xF;
	[tilespmem:s5+$0x8F00] =	vst v43;
	v45 =	vmul.f32 v43, v31  }
0x1f6: {  	v30 =	vmul.f32 v43, v30;
	v44 =	vld [tilespmem:s11+$0x6720];
	[tilespmem:s5+$0x8F10] =	vst v43;
	v39 =	vadd.f32 v49, v39;
	v37 =	vmul.f32 v37, v9  }
0x1f7: {  	v51 =	vmul.f32 $2.000000030e-01, v46;
	v31 =	vld [tilespmem:s11+$0x5330];
	[tilespmem:s5+$0x7B70] =	vst v45;
	v38 =	vmul.f32 v38, v33  }
0x1f8: {  	v28 =	vmul.f32 v43, v28;
	vm0 =	vgt.f32 v46, $0.0e+00;
	v45 =	vld [tilespmem:s11+$0x6730];
	[tilespmem:s5+$0x7B00] =	vst v30;
	v37 =	vadd.f32 v37, v39  }
0x1f9: {  	v40 =	vsel vm0, v46, v51;
	v30 =	vld [tilespmem:s11+$0x5340];
	[tilespmem:s5+$0x8F20] =	vst v43;
	v52 =	vmul.f32 v42, v36;
	v38 =	vmul.f32 v38, v2  }
0x1fa: {  	v29 =	vmul.f32 v43, v29;
	v54 =	vmul.f32 $1.442695020e+00, v40;
	v50 =	vld [tilespmem:s11+$0x6740];
	[tilespmem:s5+$0x7B10] =	vst v28;
	(xrf2) =	vadd.scan.msk.f32 $0xffff, v37  }
0x1fb: {  	v28 =	vld [tilespmem:s11+$0x5350];
	[tilespmem:s5+$0x8F30] =	vst v43;
	v55 =	vmul.f32 v52, v3;
	v38 =	vadd.f32 $0.0e+00, v38;
	v56 =	vmul.f32 v44, v34  }
0x1fc: {  	v26 =	vmul.f32 v43, v26;
	(erf) = vpow2.f32 v54;
	v53 =	vld [tilespmem:s11+$0x6750];
	[tilespmem:s5+$0x7B20] =	vst v29  }
0x1fd: {  	v39 =	vld [tilespmem:s11+$0x5360];
	[tilespmem:s5+$0x8F40] =	vst v43;
	v37 =	vadd.f32 v55, v38;
	v58 =	vmul.f32 v56, v4;
	v59 =	vmul.f32 v45, v31  }
0x1fe: {  	v57 =	vld [tilespmem:s11+$0x6760];
	[tilespmem:s5+$0x7B30] =	vst v26  }
0x1ff: {  	v26 =	vld [tilespmem:s11+$0x5370];
	v37 =	vadd.f32 v58, v37;
	v60 =	vmul.f32 v59, v5;
	v61 =	vmul.f32 v50, v30;
	[tilespmem:s5+$0x8F50] =	vst v43  }
0x200: {  	v22 =	vmul.f32 v43, v22;
	v27 =	vmul.f32 v43, v27;
	v62 =	vld [tilespmem:s11+$0x6770]  }
0x201: {  	v37 =	vadd.f32 v60, v37;
	v63 =	vmul.f32 v61, v6;
	v44 =	vmul.f32 v53, v28  }
0x202: {  	v45 =	vmul.f32 v43, v23;
	[tilespmem:s5+$0x7B40] =	vst v22  }
0x203: {  	[tilespmem:s5+$0x7B50] =	vst v27;
	v46 =	vadd.f32 v63, v37;
	v47 =	vmul.f32 v44, v7;
	v29 =	vmul.f32 v57, v39  }
0x204: {  	[tilespmem:s5+$0x7B60] =	vst v45  }
0x205: {  	[tilespmem:s5+$0x8F60] =	vst v43;
	v48, _, _ =	vpop (xrf2);
	v23 =	vadd.f32 v47, v46;
	v49 =	vmul.f32 v29, v8;
	v50 =	vmul.f32 v62, v26  }
0x206: {  	[tilespmem:s5+$0x8F70] =	vst v43;
	v51 =	vpop (erf);
	v22 =	vbroadcast v48, $0xF  }
0x207: {  	[tilespmem:s25+$0x8F00] =	vst v51;
	v23 =	vadd.f32 v49, v23;
	v52 =	vmul.f32 v50, v9  }
0x208: {  	[tilespmem:s25+$0x8F10] =	vst v51;
	v53 =	vmul.f32 $2.000000030e-01, v22  }
0x209: {  	[tilespmem:s25+$0x8F20] =	vst v51;
	vm14 =	vgt.f32 v22, $0.0e+00;
	v23 =	vadd.f32 v52, v23  }
0x20a: {  	v54 =	vmul.f32 v51, v18;
	[tilespmem:s25+$0x8F30] =	vst v51;
	v55 =	vsel vm14, v22, v53  }
0x20b: {  	v10 =	vmul.f32 v51, v10;
	[tilespmem:s25+$0x8F40] =	vst v51;
	v18 =	vmul.f32 $1.442695020e+00, v55;
	(xrf2) =	vadd.scan.msk.f32 $0xffff, v23  }
0x20c: {  	[tilespmem:s25+$0x8F50] =	vst v51  }
0x20d: {  	[tilespmem:s25+$0x7B20] =	vst v10;
	v10 =	vmul.f32 v51, v11;
	(erf) = vpow2.f32 v18  }
0x20e: {  	[tilespmem:s25+$0x8F60] =	vst v51  }
0x20f: {  	[tilespmem:s25+$0x7B30] =	vst v10;
	v10 =	vmul.f32 v51, v12  }
0x210: {  	v25 =	vmul.f32 v51, v25;
	[tilespmem:s25+$0x8F70] =	vst v51  }
0x211: {  	v13 =	vmul.f32 v51, v13;
	[tilespmem:s25+$0x7B40] =	vst v10;
	v10 =	vmul.f32 v51, v15  }
0x212: {  	[tilespmem:s25+$0x7B70] =	vst v25;
	v11 =	vmul.f32 v51, v14  }
0x213: {  	[tilespmem:s25+$0x7B00] =	vst v13  }
0x214: {  	[tilespmem:s25+$0x7B10] =	vst v54  }
0x215: {  	[tilespmem:s25+$0x7B60] =	vst v10;
	v10, _, _ =	vpop (xrf2)  }
0x216: {  	[tilespmem:s25+$0x7B50] =	vst v11;
	v11 =	vpop (erf);
	v10 =	vbroadcast v10, $0xF  }
0x217: {  	[tilespmem:s0+$0x8F00] =	vst v11  }
0x218: {  	[tilespmem:s0+$0x8F10] =	vst v11;
	v58 =	vmul.f32 $2.000000030e-01, v10  }
0x219: {  	[tilespmem:s0+$0x8F20] =	vst v11;
	vm15 =	vgt.f32 v10, $0.0e+00  }
0x21a: {  	[tilespmem:s0+$0x8F30] =	vst v11;
	v10 =	vsel vm15, v10, v58  }
0x21b: {  	[tilespmem:s0+$0x8F40] =	vst v11;
	v10 =	vmul.f32 $1.442695020e+00, v10  }
0x21c: {  	[tilespmem:s0+$0x8F50] =	vst v11  }
0x21d: {  	v56 =	vmul.f32 v11, v35;
	[tilespmem:s0+$0x8F60] =	vst v11;
	(erf) = vpow2.f32 v10  }
0x21e: {  	[tilespmem:s0+$0x8F70] =	vst v11;
	v10 =	vmul.f32 v11, v21  }
0x21f: {  	v57 =	vmul.f32 v11, v16;
	[tilespmem:s0+$0x7B70] =	vst v56  }
0x220: {  	[tilespmem:s0+$0x7B30] =	vst v10;
	v10 =	vmul.f32 v11, v20  }
0x221: {  	v59 =	vmul.f32 v11, v19;
	[tilespmem:s0+$0x7B00] =	vst v57  }
0x222: {  	v60 =	vmul.f32 v11, v17;
	[tilespmem:s0+$0x7B40] =	vst v10;
	v10 =	vmul.f32 v11, v32  }
0x223: {  	v61 =	vmul.f32 v11, v24;
	[tilespmem:s0+$0x7B10] =	vst v59  }
0x224: {  	[tilespmem:s0+$0x7B20] =	vst v60  }
0x225: {  	[tilespmem:s0+$0x7B50] =	vst v61  }
0x226: {  	[tilespmem:s0+$0x7B60] =	vst v10;
	v10 =	vpop (erf)  }
0x227: {  	[tilespmem:s11+$0x8F00] =	vst v10  }
0x228: {  	[tilespmem:s11+$0x8F10] =	vst v10  }
0x229: {  	[tilespmem:s11+$0x8F20] =	vst v10  }
0x22a: {  	v11 =	vmul.f32 v10, v26;
	[tilespmem:s11+$0x8F30] =	vst v10  }
0x22b: {  	[tilespmem:s11+$0x8F40] =	vst v10  }
0x22c: {  	[tilespmem:s11+$0x7B70] =	vst v11;
	v11 =	vmul.f32 v10, v36  }
0x22d: {  	[tilespmem:s11+$0x8F50] =	vst v10  }
0x22e: {  	[tilespmem:s11+$0x7B10] =	vst v11;
	v11 =	vmul.f32 v10, v34  }
0x22f: {  	[tilespmem:s11+$0x8F60] =	vst v10  }
0x230: {  	[tilespmem:s11+$0x7B20] =	vst v11;
	v11 =	vmul.f32 v10, v31  }
0x231: {  	v62 =	vmul.f32 v10, v33;
	[tilespmem:s11+$0x8F70] =	vst v10  }
0x232: {  	[tilespmem:s11+$0x7B30] =	vst v11;
	v11 =	vmul.f32 v10, v30  }
0x233: {  	s29 =	sadd.s32 $0x1, s29;
	v63 =	vmul.f32 v10, v28;
	[tilespmem:s11+$0x7B00] =	vst v62  }
0x234: {  	p0 =	sne.s32 s29, $0xFA;
	[tilespmem:s11+$0x7B40] =	vst v11;
	v11 =	vmul.f32 v10, v39  }
.Ltmp3:
0x235: {  	[tilespmem:s11+$0x7B50] =	vst v63;
	(pc) =	sbr.rel @p0 .LBB2_4-.Ltmp3, $4  }
0x236: {  	[tilespmem:s11+$0x7B60] =	vst v11  }
0x237: {  	[spmem:s3] =	stream.indirect.scatter.add.f32 [tilespmem:s23], [sflag:$0x6], $0x80, s22, s10, $0xb8;
	[tilespmem:$0x1EB80] =	vst v63  }
0x238: {  	_ = 	snop  }
0x239: {  	[spmem:s4] =	stream.indirect.scatter.add.f32 [tilespmem:s24], [sflag:$0x6], $0x80, s22, s10, $0xb8;
	[tilespmem:$0x1EB80] =	vst v63  }
0x23a: {  	s0 =	simm.s32 $0x3  }
0x23b: {  	_ =	swait.ge [sflag:s0], $0x1400  }
0x23c: {  	[sflag:s0] =	ssyncset.done $0x0  }
0x23d: {  	[sflag:s0] =	ssyncadd.s32 $0xFFFFEC00  }
0x23e: {  	_ =	swait.ge [sflag:s0], $0x1400  }
0x23f: {  	[sflag:s0] =	ssyncset.done $0x0  }
0x240: {  	s26 =	simm.s32 $0x6;
	[sflag:s0] =	ssyncadd.s32 $0xFFFFEC00  }
0x241: {  	_ =	swait.ge [sflag:s26], $0x1400  }
0x242: {  	[sflag:s26] =	ssyncset.done $0x0  }
0x243: {  	[sflag:s26] =	ssyncadd.s32 $0xFFFFEC00  }
0x244: {  	_ =	swait.ge [sflag:s26], $0x1400  }
0x245: {  	[sflag:s26] =	ssyncset.done $0x0  }
0x246: {  	[sflag:s26] =	ssyncadd.s32 $0xFFFFEC00  }
0x247: {  	[bflag:$0x0] =	sbarrier.arrive $0xFFFF  }
0x248: {  	s28 =	sld [smem:$0x7EF];
	_ =	sdelay $0x1  }
0x249: {  	s26 =	simm.s32 $0x180  }
0x24a: {  	[tilespmem:s26], [sflag:$0x7] =	stream.linear.gather [spmem:s28], $0x1400, $0x38;
	[tilespmem:$0x1EB80] =	vst v63  }
0x24b: {  	_ =	swait.ge [sflag:s9], $0x1400  }
0x24c: {  	s29 =	sld [smem:$0x7F0]  }
0x24d: {  	[sflag:s9] =	ssyncset.done $0x0  }
0x24e: {  	[sflag:s9] =	ssyncadd.s32 $0xFFFFEC00  }
0x24f: {  	[tilespmem:s19], [sflag:$0x7] =	stream.linear.gather [spmem:s29], $0x1400, $0x38;
	[tilespmem:$0x1EB80] =	vst v63  }
0x250: {  	_ =	swait.ge [sflag:s9], $0x1400  }
0x251: {  	[sflag:s9] =	ssyncset.done $0x0  }
0x252: {  	s11 =	simm.s32 $0x0;
	[sflag:s9] =	ssyncadd.s32 $0xFFFFEC00  }
0x253: {  	v2 =	vld [tilespmem:s11+$0x3D80];
	_ =	sdelay $0x4  }
0x254: {  	vm0 =	vgt.f32 v2, $0.0e+00  }
0x255: {  	v2 =	vnsel vm0, $0x3F800000, v2  }
0x256: {  	(erf) = vrcp.f32 v2;
	_ =	sdelay $0x4  }
0x257: {  	s5 =	simm.s32 $0x80;
	v3 =	vld [tilespmem:s11+$0x180]  }
0x258: {  	v2 =	vld [tilespmem:s5+$0x3D80]  }
0x259: {  	v4 =	vld [tilespmem:s11+$0x190]  }
0x25a: {  	v5 =	vld [tilespmem:s11+$0x1B0]  }
0x25b: {  	v6 =	vld [tilespmem:s11+$0x1A0];
	v9 =	vpop (erf)  }
0x25c: {  	v7 =	vld [tilespmem:s11+$0x1C0];
	v3 =	vmul.f32 v9, v3  }
0x25d: {  	s0 =	simm.s32 $0x100;
	v8 =	vld [tilespmem:s11+$0x1D0];
	vm14 =	vgt.f32 v2, $0.0e+00  }
0x25e: {  	v11 =	vld [tilespmem:s0+$0x3D80];
	v2 =	vnsel vm14, $0x3F800000, v2;
	[tilespmem:s11+$0x180] =	vst v3;
	v3 =	vmul.f32 v9, v4  }
0x25f: {  	v10 =	vld [tilespmem:s11+$0x1E0];
	(erf) = vrcp.f32 v2  }
0x260: {  	v4 =	vld [tilespmem:s5+$0x180];
	[tilespmem:s11+$0x190] =	vst v3;
	v3 =	vmul.f32 v5, v9  }
0x261: {  	v12 =	vld [tilespmem:s11+$0x1F0];
	v2 =	vmul.f32 v6, v9  }
0x262: {  	v6 =	vmul.f32 v7, v9;
	v5 =	vld [tilespmem:s5+$0x190];
	[tilespmem:s11+$0x1B0] =	vst v3  }
0x263: {  	v3 =	vld [tilespmem:s5+$0x1B0];
	[tilespmem:s11+$0x1A0] =	vst v2;
	v2 =	vmul.f32 v8, v9  }
0x264: {  	vm15 =	vgt.f32 v11, $0.0e+00;
	v7 =	vld [tilespmem:s5+$0x1A0];
	[tilespmem:s11+$0x1C0] =	vst v6  }
0x265: {  	v6 =	vld [tilespmem:s5+$0x1C0];
	[tilespmem:s11+$0x1D0] =	vst v2;
	v2 =	vnsel vm15, $0x3F800000, v11  }
0x266: {  	v10 =	vmul.f32 v10, v9  }
0x267: {  	v9 =	vmul.f32 v12, v9  }
0x268: {  	s14 =	simm.s32 $0x600;
	v8 =	vld [tilespmem:s5+$0x1D0];
	(erf) = vrcp.f32 v2;
	[tilespmem:s11+$0x1E0] =	vst v10;
	v2 =	vpop (erf)  }
.LBB2_10:
0x269: {  	s25 =	sshra.s32 s14, $0x2;
	p0 =	sne.s32 s14, $0x4E00;
	s14 =	sadd.s32 $0x200, s14;
	v4 =	vmul.f32 v2, v4;
	v10 =	vld [tilespmem:s5+$0x1E0];
	[tilespmem:s11+$0x1F0] =	vst v9  }
0x26a: {  	v5 =	vmul.f32 v2, v5;
	s11 =	smov.u32 s5;
	s5 =	smov.u32 s0;
	v9 =	vld [tilespmem:s25+$0x3D80];
	s0 =	smov.u32 s25  }
0x26b: {  	v3 =	vmul.f32 v3, v2;
	[tilespmem:s11+$0x180] =	vst v4;
	v7 =	vmul.f32 v7, v2;
	v11 =	vld [tilespmem:s11+$0x1F0]  }
0x26c: {  	v4 =	vld [tilespmem:s5+$0x180];
	[tilespmem:s11+$0x190] =	vst v5;
	v6 =	vmul.f32 v6, v2  }
.Ltmp4:
0x26d: {  	v5 =	vld [tilespmem:s5+$0x190];
	[tilespmem:s11+$0x1B0] =	vst v3;
	v8 =	vmul.f32 v8, v2;
	(pc) =	sbr.rel @p0 .LBB2_10-.Ltmp4, $4  }
0x26e: {  	v3 =	vld [tilespmem:s5+$0x1B0];
	[tilespmem:s11+$0x1A0] =	vst v7;
	v10 =	vmul.f32 v10, v2  }
0x26f: {  	vm0 =	vgt.f32 v9, $0.0e+00;
	v7 =	vld [tilespmem:s5+$0x1A0];
	[tilespmem:s11+$0x1C0] =	vst v6  }
0x270: {  	v12 =	vnsel vm0, $0x3F800000, v9;
	v6 =	vld [tilespmem:s5+$0x1C0];
	[tilespmem:s11+$0x1D0] =	vst v8;
	v9 =	vmul.f32 v11, v2  }
0x271: {  	(erf) = vrcp.f32 v12;
	v8 =	vld [tilespmem:s5+$0x1D0];
	v2 =	vpop (erf);
	[tilespmem:s11+$0x1E0] =	vst v10  }
0x272: {  	v4 =	vmul.f32 v2, v4  }
0x273: {  	v10 =	vld [tilespmem:s5+$0x1E0];
	[tilespmem:s11+$0x1F0] =	vst v9  }
0x274: {  	[tilespmem:s5+$0x180] =	vst v4;
	v4 =	vmul.f32 v2, v5  }
0x275: {  	v3 =	vmul.f32 v3, v2;
	v5 =	vld [tilespmem:s5+$0x1F0]  }
0x276: {  	v7 =	vmul.f32 v7, v2;
	v9 =	vld [tilespmem:s0+$0x180];
	[tilespmem:s5+$0x190] =	vst v4  }
0x277: {  	v6 =	vmul.f32 v6, v2;
	v4 =	vld [tilespmem:s0+$0x190];
	[tilespmem:s5+$0x1B0] =	vst v3  }
0x278: {  	v8 =	vmul.f32 v8, v2;
	v3 =	vld [tilespmem:s0+$0x1B0];
	[tilespmem:s5+$0x1A0] =	vst v7  }
0x279: {  	v10 =	vmul.f32 v10, v2;
	v7 =	vld [tilespmem:s0+$0x1A0];
	[tilespmem:s5+$0x1C0] =	vst v6  }
0x27a: {  	v2 =	vmul.f32 v5, v2;
	v6 =	vld [tilespmem:s0+$0x1C0];
	[tilespmem:s5+$0x1D0] =	vst v8;
	v5 =	vpop (erf)  }
0x27b: {  	v8 =	vld [tilespmem:s0+$0x1D0];
	[tilespmem:s5+$0x1E0] =	vst v10;
	v9 =	vmul.f32 v5, v9  }
0x27c: {  	v10 =	vld [tilespmem:s0+$0x1E0];
	[tilespmem:s5+$0x1F0] =	vst v2;
	v2 =	vmul.f32 v5, v4  }
0x27d: {  	[tilespmem:s0+$0x180] =	vst v9;
	v3 =	vmul.f32 v3, v5;
	v4 =	vld [tilespmem:s0+$0x1F0]  }
0x27e: {  	v7 =	vmul.f32 v7, v5;
	[tilespmem:s0+$0x190] =	vst v2  }
0x27f: {  	v2 =	vmul.f32 v6, v5;
	[tilespmem:s0+$0x1B0] =	vst v3  }
0x280: {  	v3 =	vmul.f32 v8, v5;
	[tilespmem:s0+$0x1A0] =	vst v7  }
0x281: {  	v6 =	vmul.f32 v10, v5;
	[tilespmem:s0+$0x1C0] =	vst v2  }
0x282: {  	s25 =	sld [smem:$0x7F5];
	[tilespmem:s0+$0x1D0] =	vst v3;
	v2 =	vmul.f32 v4, v5  }
0x283: {  	[tilespmem:s0+$0x1E0] =	vst v6  }
0x284: {  	s14 =	simm.s32 $0x0;
	[tilespmem:s0+$0x1F0] =	vst v2  }
0x285: {  	[hbm4b:s25+s14] =	stream.linear.scatter [tilespmem:s26], [sflag:$0x7], $0x1400, $0x38;
	[tilespmem:$0x1EB80] =	vst v63  }
0x286: {  	_ =	swait.ge [sflag:s9], $0x1400  }
0x287: {  	[sflag:s9] =	ssyncset.done $0x0  }
0x288: {  	s28 =	rddreg [dreg:$0x1a];
	[sflag:s9] =	ssyncadd.s32 $0xFFFFEC00  }
0x289: {  	[tilespmem:s26], [sflag:$0x7] =	stream.linear.gather [spmem:s28], $0x1400, $0x38;
	[tilespmem:$0x1EB80] =	vst v63  }
0x28a: {  	_ =	swait.ge [sflag:s9], $0x1400  }
0x28b: {  	[sflag:s9] =	ssyncset.done $0x0  }
0x28c: {  	s29 =	rddreg [dreg:$0x1b];
	[sflag:s9] =	ssyncadd.s32 $0xFFFFEC00  }
0x28d: {  	[tilespmem:s19], [sflag:$0x7] =	stream.linear.gather [spmem:s29], $0x1400, $0x38;
	[tilespmem:$0x1EB80] =	vst v63  }
0x28e: {  	_ =	swait.ge [sflag:s9], $0x1400  }
0x28f: {  	[sflag:s9] =	ssyncset.done $0x0  }
0x290: {  	s11 =	simm.s32 $0x0;
	[sflag:s9] =	ssyncadd.s32 $0xFFFFEC00  }
0x291: {  	v2 =	vld [tilespmem:s11+$0x3D80];
	_ =	sdelay $0x4  }
0x292: {  	vm0 =	vgt.f32 v2, $0.0e+00  }
0x293: {  	v2 =	vnsel vm0, $0x3F800000, v2  }
0x294: {  	(erf) = vrcp.f32 v2;
	_ =	sdelay $0x4  }
0x295: {  	s5 =	simm.s32 $0x80;
	v3 =	vld [tilespmem:s11+$0x180]  }
0x296: {  	v2 =	vld [tilespmem:s5+$0x3D80]  }
0x297: {  	v4 =	vld [tilespmem:s11+$0x190]  }
0x298: {  	v5 =	vld [tilespmem:s11+$0x1B0]  }
0x299: {  	v6 =	vld [tilespmem:s11+$0x1A0];
	v9 =	vpop (erf)  }
0x29a: {  	v7 =	vld [tilespmem:s11+$0x1C0];
	v3 =	vmul.f32 v9, v3  }
0x29b: {  	s0 =	simm.s32 $0x100;
	v8 =	vld [tilespmem:s11+$0x1D0];
	vm14 =	vgt.f32 v2, $0.0e+00  }
0x29c: {  	v11 =	vld [tilespmem:s0+$0x3D80];
	v2 =	vnsel vm14, $0x3F800000, v2;
	[tilespmem:s11+$0x180] =	vst v3;
	v3 =	vmul.f32 v9, v4  }
0x29d: {  	v10 =	vld [tilespmem:s11+$0x1E0];
	(erf) = vrcp.f32 v2  }
0x29e: {  	v4 =	vld [tilespmem:s5+$0x180];
	[tilespmem:s11+$0x190] =	vst v3;
	v3 =	vmul.f32 v5, v9  }
0x29f: {  	v12 =	vld [tilespmem:s11+$0x1F0];
	v2 =	vmul.f32 v6, v9  }
0x2a0: {  	v6 =	vmul.f32 v7, v9;
	v5 =	vld [tilespmem:s5+$0x190];
	[tilespmem:s11+$0x1B0] =	vst v3  }
0x2a1: {  	v3 =	vld [tilespmem:s5+$0x1B0];
	[tilespmem:s11+$0x1A0] =	vst v2;
	v2 =	vmul.f32 v8, v9  }
0x2a2: {  	vm15 =	vgt.f32 v11, $0.0e+00;
	v7 =	vld [tilespmem:s5+$0x1A0];
	[tilespmem:s11+$0x1C0] =	vst v6  }
0x2a3: {  	v6 =	vld [tilespmem:s5+$0x1C0];
	[tilespmem:s11+$0x1D0] =	vst v2;
	v2 =	vnsel vm15, $0x3F800000, v11  }
0x2a4: {  	v10 =	vmul.f32 v10, v9  }
0x2a5: {  	v9 =	vmul.f32 v12, v9  }
0x2a6: {  	s14 =	simm.s32 $0x600;
	v8 =	vld [tilespmem:s5+$0x1D0];
	(erf) = vrcp.f32 v2;
	[tilespmem:s11+$0x1E0] =	vst v10;
	v2 =	vpop (erf)  }
.LBB2_12:
0x2a7: {  	s25 =	sshra.s32 s14, $0x2;
	p0 =	sne.s32 s14, $0x4E00;
	s14 =	sadd.s32 $0x200, s14;
	v4 =	vmul.f32 v2, v4;
	v10 =	vld [tilespmem:s5+$0x1E0];
	[tilespmem:s11+$0x1F0] =	vst v9  }
0x2a8: {  	v5 =	vmul.f32 v2, v5;
	s11 =	smov.u32 s5;
	s5 =	smov.u32 s0;
	v9 =	vld [tilespmem:s25+$0x3D80];
	s0 =	smov.u32 s25  }
0x2a9: {  	v3 =	vmul.f32 v3, v2;
	[tilespmem:s11+$0x180] =	vst v4;
	v7 =	vmul.f32 v7, v2;
	v11 =	vld [tilespmem:s11+$0x1F0]  }
0x2aa: {  	v4 =	vld [tilespmem:s5+$0x180];
	[tilespmem:s11+$0x190] =	vst v5;
	v6 =	vmul.f32 v6, v2  }
.Ltmp5:
0x2ab: {  	v5 =	vld [tilespmem:s5+$0x190];
	[tilespmem:s11+$0x1B0] =	vst v3;
	v8 =	vmul.f32 v8, v2;
	(pc) =	sbr.rel @p0 .LBB2_12-.Ltmp5, $4  }
0x2ac: {  	v3 =	vld [tilespmem:s5+$0x1B0];
	[tilespmem:s11+$0x1A0] =	vst v7;
	v10 =	vmul.f32 v10, v2  }
0x2ad: {  	vm0 =	vgt.f32 v9, $0.0e+00;
	v7 =	vld [tilespmem:s5+$0x1A0];
	[tilespmem:s11+$0x1C0] =	vst v6  }
0x2ae: {  	v12 =	vnsel vm0, $0x3F800000, v9;
	v6 =	vld [tilespmem:s5+$0x1C0];
	[tilespmem:s11+$0x1D0] =	vst v8;
	v9 =	vmul.f32 v11, v2  }
0x2af: {  	(erf) = vrcp.f32 v12;
	v8 =	vld [tilespmem:s5+$0x1D0];
	v2 =	vpop (erf);
	[tilespmem:s11+$0x1E0] =	vst v10  }
0x2b0: {  	v4 =	vmul.f32 v2, v4  }
0x2b1: {  	v10 =	vld [tilespmem:s5+$0x1E0];
	[tilespmem:s11+$0x1F0] =	vst v9  }
0x2b2: {  	[tilespmem:s5+$0x180] =	vst v4;
	v4 =	vmul.f32 v2, v5  }
0x2b3: {  	v3 =	vmul.f32 v3, v2;
	v5 =	vld [tilespmem:s5+$0x1F0]  }
0x2b4: {  	v7 =	vmul.f32 v7, v2;
	v9 =	vld [tilespmem:s0+$0x180];
	[tilespmem:s5+$0x190] =	vst v4  }
0x2b5: {  	v6 =	vmul.f32 v6, v2;
	v4 =	vld [tilespmem:s0+$0x190];
	[tilespmem:s5+$0x1B0] =	vst v3  }
0x2b6: {  	v8 =	vmul.f32 v8, v2;
	v3 =	vld [tilespmem:s0+$0x1B0];
	[tilespmem:s5+$0x1A0] =	vst v7  }
0x2b7: {  	v10 =	vmul.f32 v10, v2;
	v7 =	vld [tilespmem:s0+$0x1A0];
	[tilespmem:s5+$0x1C0] =	vst v6  }
0x2b8: {  	v2 =	vmul.f32 v5, v2;
	v6 =	vld [tilespmem:s0+$0x1C0];
	[tilespmem:s5+$0x1D0] =	vst v8;
	v5 =	vpop (erf)  }
0x2b9: {  	v8 =	vld [tilespmem:s0+$0x1D0];
	[tilespmem:s5+$0x1E0] =	vst v10;
	v9 =	vmul.f32 v5, v9  }
0x2ba: {  	v10 =	vld [tilespmem:s0+$0x1E0];
	[tilespmem:s5+$0x1F0] =	vst v2;
	v2 =	vmul.f32 v5, v4  }
0x2bb: {  	[tilespmem:s0+$0x180] =	vst v9;
	v3 =	vmul.f32 v3, v5;
	v4 =	vld [tilespmem:s0+$0x1F0]  }
0x2bc: {  	v7 =	vmul.f32 v7, v5;
	[tilespmem:s0+$0x190] =	vst v2  }
0x2bd: {  	v2 =	vmul.f32 v6, v5;
	[tilespmem:s0+$0x1B0] =	vst v3  }
0x2be: {  	v3 =	vmul.f32 v8, v5;
	[tilespmem:s0+$0x1A0] =	vst v7  }
0x2bf: {  	v6 =	vmul.f32 v10, v5;
	[tilespmem:s0+$0x1C0] =	vst v2  }
0x2c0: {  	s25 =	sld [smem:$0x7F6];
	[tilespmem:s0+$0x1D0] =	vst v3;
	v2 =	vmul.f32 v4, v5  }
0x2c1: {  	[tilespmem:s0+$0x1E0] =	vst v6  }
0x2c2: {  	s14 =	simm.s32 $0x0;
	[tilespmem:s0+$0x1F0] =	vst v2  }
0x2c3: {  	[hbm4b:s25+s14] =	stream.linear.scatter [tilespmem:s26], [sflag:$0x7], $0x1400, $0x38;
	[tilespmem:$0x1EB80] =	vst v63  }
0x2c4: {  	_ =	swait.ge [sflag:s9], $0x1400  }
0x2c5: {  	[sflag:s9] =	ssyncset.done $0x0  }
0x2c6: {  	s28 =	rddreg [dreg:$0x1c];
	[sflag:s9] =	ssyncadd.s32 $0xFFFFEC00  }
0x2c7: {  	[tilespmem:s26], [sflag:$0x7] =	stream.linear.gather [spmem:s28], $0x1400, $0x38;
	[tilespmem:$0x1EB80] =	vst v63  }
0x2c8: {  	_ =	swait.ge [sflag:s9], $0x1400  }
0x2c9: {  	[sflag:s9] =	ssyncset.done $0x0  }
0x2ca: {  	s29 =	rddreg [dreg:$0x1d];
	[sflag:s9] =	ssyncadd.s32 $0xFFFFEC00  }
0x2cb: {  	[tilespmem:s19], [sflag:$0x7] =	stream.linear.gather [spmem:s29], $0x1400, $0x38;
	[tilespmem:$0x1EB80] =	vst v63  }
0x2cc: {  	_ =	swait.ge [sflag:s9], $0x1400  }
0x2cd: {  	[sflag:s9] =	ssyncset.done $0x0  }
0x2ce: {  	s11 =	simm.s32 $0x0;
	[sflag:s9] =	ssyncadd.s32 $0xFFFFEC00  }
0x2cf: {  	v2 =	vld [tilespmem:s11+$0x3D80];
	_ =	sdelay $0x4  }
0x2d0: {  	vm0 =	vgt.f32 v2, $0.0e+00  }
0x2d1: {  	v2 =	vnsel vm0, $0x3F800000, v2  }
0x2d2: {  	(erf) = vrcp.f32 v2;
	_ =	sdelay $0x4  }
0x2d3: {  	s5 =	simm.s32 $0x80;
	v3 =	vld [tilespmem:s11+$0x180]  }
0x2d4: {  	v2 =	vld [tilespmem:s5+$0x3D80]  }
0x2d5: {  	v4 =	vld [tilespmem:s11+$0x190]  }
0x2d6: {  	v5 =	vld [tilespmem:s11+$0x1B0]  }
0x2d7: {  	v6 =	vld [tilespmem:s11+$0x1A0];
	v9 =	vpop (erf)  }
0x2d8: {  	v7 =	vld [tilespmem:s11+$0x1C0];
	v3 =	vmul.f32 v9, v3  }
0x2d9: {  	s0 =	simm.s32 $0x100;
	v8 =	vld [tilespmem:s11+$0x1D0];
	vm14 =	vgt.f32 v2, $0.0e+00  }
0x2da: {  	v11 =	vld [tilespmem:s0+$0x3D80];
	v2 =	vnsel vm14, $0x3F800000, v2;
	[tilespmem:s11+$0x180] =	vst v3;
	v3 =	vmul.f32 v9, v4  }
0x2db: {  	v10 =	vld [tilespmem:s11+$0x1E0];
	(erf) = vrcp.f32 v2  }
0x2dc: {  	v4 =	vld [tilespmem:s5+$0x180];
	[tilespmem:s11+$0x190] =	vst v3;
	v3 =	vmul.f32 v5, v9  }
0x2dd: {  	v12 =	vld [tilespmem:s11+$0x1F0];
	v2 =	vmul.f32 v6, v9  }
0x2de: {  	v6 =	vmul.f32 v7, v9;
	v5 =	vld [tilespmem:s5+$0x190];
	[tilespmem:s11+$0x1B0] =	vst v3  }
0x2df: {  	v3 =	vld [tilespmem:s5+$0x1B0];
	[tilespmem:s11+$0x1A0] =	vst v2;
	v2 =	vmul.f32 v8, v9  }
0x2e0: {  	vm15 =	vgt.f32 v11, $0.0e+00;
	v7 =	vld [tilespmem:s5+$0x1A0];
	[tilespmem:s11+$0x1C0] =	vst v6  }
0x2e1: {  	v6 =	vld [tilespmem:s5+$0x1C0];
	[tilespmem:s11+$0x1D0] =	vst v2;
	v2 =	vnsel vm15, $0x3F800000, v11  }
0x2e2: {  	v10 =	vmul.f32 v10, v9  }
0x2e3: {  	v9 =	vmul.f32 v12, v9  }
0x2e4: {  	s14 =	simm.s32 $0x600;
	v8 =	vld [tilespmem:s5+$0x1D0];
	(erf) = vrcp.f32 v2;
	[tilespmem:s11+$0x1E0] =	vst v10;
	v2 =	vpop (erf)  }
.LBB2_14:
0x2e5: {  	s25 =	sshra.s32 s14, $0x2;
	p0 =	sne.s32 s14, $0x4E00;
	s14 =	sadd.s32 $0x200, s14;
	v4 =	vmul.f32 v2, v4;
	v10 =	vld [tilespmem:s5+$0x1E0];
	[tilespmem:s11+$0x1F0] =	vst v9  }
0x2e6: {  	v5 =	vmul.f32 v2, v5;
	s11 =	smov.u32 s5;
	s5 =	smov.u32 s0;
	v9 =	vld [tilespmem:s25+$0x3D80];
	s0 =	smov.u32 s25  }
0x2e7: {  	v3 =	vmul.f32 v3, v2;
	[tilespmem:s11+$0x180] =	vst v4;
	v7 =	vmul.f32 v7, v2;
	v11 =	vld [tilespmem:s11+$0x1F0]  }
0x2e8: {  	v4 =	vld [tilespmem:s5+$0x180];
	[tilespmem:s11+$0x190] =	vst v5;
	v6 =	vmul.f32 v6, v2  }
.Ltmp6:
0x2e9: {  	v5 =	vld [tilespmem:s5+$0x190];
	[tilespmem:s11+$0x1B0] =	vst v3;
	v8 =	vmul.f32 v8, v2;
	(pc) =	sbr.rel @p0 .LBB2_14-.Ltmp6, $4  }
0x2ea: {  	v3 =	vld [tilespmem:s5+$0x1B0];
	[tilespmem:s11+$0x1A0] =	vst v7;
	v10 =	vmul.f32 v10, v2  }
0x2eb: {  	vm0 =	vgt.f32 v9, $0.0e+00;
	v7 =	vld [tilespmem:s5+$0x1A0];
	[tilespmem:s11+$0x1C0] =	vst v6  }
0x2ec: {  	v12 =	vnsel vm0, $0x3F800000, v9;
	v6 =	vld [tilespmem:s5+$0x1C0];
	[tilespmem:s11+$0x1D0] =	vst v8;
	v9 =	vmul.f32 v11, v2  }
0x2ed: {  	(erf) = vrcp.f32 v12;
	v8 =	vld [tilespmem:s5+$0x1D0];
	v2 =	vpop (erf);
	[tilespmem:s11+$0x1E0] =	vst v10  }
0x2ee: {  	v4 =	vmul.f32 v2, v4  }
0x2ef: {  	v10 =	vld [tilespmem:s5+$0x1E0];
	[tilespmem:s11+$0x1F0] =	vst v9  }
0x2f0: {  	[tilespmem:s5+$0x180] =	vst v4;
	v4 =	vmul.f32 v2, v5  }
0x2f1: {  	v3 =	vmul.f32 v3, v2;
	v5 =	vld [tilespmem:s5+$0x1F0]  }
0x2f2: {  	v7 =	vmul.f32 v7, v2;
	v9 =	vld [tilespmem:s0+$0x180];
	[tilespmem:s5+$0x190] =	vst v4  }
0x2f3: {  	v6 =	vmul.f32 v6, v2;
	v4 =	vld [tilespmem:s0+$0x190];
	[tilespmem:s5+$0x1B0] =	vst v3  }
0x2f4: {  	v8 =	vmul.f32 v8, v2;
	v3 =	vld [tilespmem:s0+$0x1B0];
	[tilespmem:s5+$0x1A0] =	vst v7  }
0x2f5: {  	v10 =	vmul.f32 v10, v2;
	v7 =	vld [tilespmem:s0+$0x1A0];
	[tilespmem:s5+$0x1C0] =	vst v6  }
0x2f6: {  	v2 =	vmul.f32 v5, v2;
	v6 =	vld [tilespmem:s0+$0x1C0];
	[tilespmem:s5+$0x1D0] =	vst v8;
	v5 =	vpop (erf)  }
0x2f7: {  	v8 =	vld [tilespmem:s0+$0x1D0];
	[tilespmem:s5+$0x1E0] =	vst v10;
	v9 =	vmul.f32 v5, v9  }
0x2f8: {  	v10 =	vld [tilespmem:s0+$0x1E0];
	[tilespmem:s5+$0x1F0] =	vst v2;
	v2 =	vmul.f32 v5, v4  }
0x2f9: {  	[tilespmem:s0+$0x180] =	vst v9;
	v3 =	vmul.f32 v3, v5;
	v4 =	vld [tilespmem:s0+$0x1F0]  }
0x2fa: {  	v7 =	vmul.f32 v7, v5;
	[tilespmem:s0+$0x190] =	vst v2  }
0x2fb: {  	v2 =	vmul.f32 v6, v5;
	[tilespmem:s0+$0x1B0] =	vst v3  }
0x2fc: {  	v3 =	vmul.f32 v8, v5;
	[tilespmem:s0+$0x1A0] =	vst v7  }
0x2fd: {  	v6 =	vmul.f32 v10, v5;
	[tilespmem:s0+$0x1C0] =	vst v2  }
0x2fe: {  	s25 =	sld [smem:$0x7F7];
	[tilespmem:s0+$0x1D0] =	vst v3;
	v2 =	vmul.f32 v4, v5  }
0x2ff: {  	[tilespmem:s0+$0x1E0] =	vst v6  }
0x300: {  	s14 =	simm.s32 $0x0;
	[tilespmem:s0+$0x1F0] =	vst v2  }
0x301: {  	[hbm4b:s25+s14] =	stream.linear.scatter [tilespmem:s26], [sflag:$0x7], $0x1400, $0x38;
	[tilespmem:$0x1EB80] =	vst v63  }
0x302: {  	_ =	swait.ge [sflag:s9], $0x1400  }
0x303: {  	[sflag:s9] =	ssyncset.done $0x0  }
0x304: {  	s28 =	rddreg [dreg:$0x1e];
	[sflag:s9] =	ssyncadd.s32 $0xFFFFEC00  }
0x305: {  	[tilespmem:s26], [sflag:$0x7] =	stream.linear.gather [spmem:s28], $0x1400, $0x38;
	[tilespmem:$0x1EB80] =	vst v63  }
0x306: {  	_ =	swait.ge [sflag:s9], $0x1400  }
0x307: {  	[sflag:s9] =	ssyncset.done $0x0  }
0x308: {  	s29 =	rddreg [dreg:$0x1f];
	[sflag:s9] =	ssyncadd.s32 $0xFFFFEC00  }
0x309: {  	[tilespmem:s19], [sflag:$0x7] =	stream.linear.gather [spmem:s29], $0x1400, $0x38;
	[tilespmem:$0x1EB80] =	vst v63  }
0x30a: {  	_ =	swait.ge [sflag:s9], $0x1400  }
0x30b: {  	[sflag:s9] =	ssyncset.done $0x0  }
0x30c: {  	s11 =	simm.s32 $0x0;
	[sflag:s9] =	ssyncadd.s32 $0xFFFFEC00  }
0x30d: {  	v2 =	vld [tilespmem:s11+$0x3D80];
	_ =	sdelay $0x4  }
0x30e: {  	vm0 =	vgt.f32 v2, $0.0e+00  }
0x30f: {  	v2 =	vnsel vm0, $0x3F800000, v2  }
0x310: {  	(erf) = vrcp.f32 v2;
	_ =	sdelay $0x4  }
0x311: {  	s5 =	simm.s32 $0x80;
	v3 =	vld [tilespmem:s11+$0x180]  }
0x312: {  	v2 =	vld [tilespmem:s5+$0x3D80]  }
0x313: {  	v4 =	vld [tilespmem:s11+$0x190]  }
0x314: {  	v5 =	vld [tilespmem:s11+$0x1B0]  }
0x315: {  	v6 =	vld [tilespmem:s11+$0x1A0];
	v9 =	vpop (erf)  }
0x316: {  	v7 =	vld [tilespmem:s11+$0x1C0];
	v3 =	vmul.f32 v9, v3  }
0x317: {  	s0 =	simm.s32 $0x100;
	v8 =	vld [tilespmem:s11+$0x1D0];
	vm14 =	vgt.f32 v2, $0.0e+00  }
0x318: {  	v11 =	vld [tilespmem:s0+$0x3D80];
	v2 =	vnsel vm14, $0x3F800000, v2;
	[tilespmem:s11+$0x180] =	vst v3;
	v3 =	vmul.f32 v9, v4  }
0x319: {  	v10 =	vld [tilespmem:s11+$0x1E0];
	(erf) = vrcp.f32 v2  }
0x31a: {  	v4 =	vld [tilespmem:s5+$0x180];
	[tilespmem:s11+$0x190] =	vst v3;
	v3 =	vmul.f32 v5, v9  }
0x31b: {  	v12 =	vld [tilespmem:s11+$0x1F0];
	v2 =	vmul.f32 v6, v9  }
0x31c: {  	v6 =	vmul.f32 v7, v9;
	v5 =	vld [tilespmem:s5+$0x190];
	[tilespmem:s11+$0x1B0] =	vst v3  }
0x31d: {  	v3 =	vld [tilespmem:s5+$0x1B0];
	[tilespmem:s11+$0x1A0] =	vst v2;
	v2 =	vmul.f32 v8, v9  }
0x31e: {  	vm15 =	vgt.f32 v11, $0.0e+00;
	v7 =	vld [tilespmem:s5+$0x1A0];
	[tilespmem:s11+$0x1C0] =	vst v6  }
0x31f: {  	v6 =	vld [tilespmem:s5+$0x1C0];
	[tilespmem:s11+$0x1D0] =	vst v2;
	v2 =	vnsel vm15, $0x3F800000, v11  }
0x320: {  	v10 =	vmul.f32 v10, v9  }
0x321: {  	v9 =	vmul.f32 v12, v9  }
0x322: {  	s14 =	simm.s32 $0x600;
	v8 =	vld [tilespmem:s5+$0x1D0];
	(erf) = vrcp.f32 v2;
	[tilespmem:s11+$0x1E0] =	vst v10;
	v2 =	vpop (erf)  }
.LBB2_16:
0x323: {  	s25 =	sshra.s32 s14, $0x2;
	p0 =	sne.s32 s14, $0x4E00;
	s14 =	sadd.s32 $0x200, s14;
	v4 =	vmul.f32 v2, v4;
	v10 =	vld [tilespmem:s5+$0x1E0];
	[tilespmem:s11+$0x1F0] =	vst v9  }
0x324: {  	v5 =	vmul.f32 v2, v5;
	s11 =	smov.u32 s5;
	s5 =	smov.u32 s0;
	v9 =	vld [tilespmem:s25+$0x3D80];
	s0 =	smov.u32 s25  }
0x325: {  	v3 =	vmul.f32 v3, v2;
	[tilespmem:s11+$0x180] =	vst v4;
	v7 =	vmul.f32 v7, v2;
	v11 =	vld [tilespmem:s11+$0x1F0]  }
0x326: {  	v4 =	vld [tilespmem:s5+$0x180];
	[tilespmem:s11+$0x190] =	vst v5;
	v6 =	vmul.f32 v6, v2  }
.Ltmp7:
0x327: {  	v5 =	vld [tilespmem:s5+$0x190];
	[tilespmem:s11+$0x1B0] =	vst v3;
	v8 =	vmul.f32 v8, v2;
	(pc) =	sbr.rel @p0 .LBB2_16-.Ltmp7, $4  }
0x328: {  	v3 =	vld [tilespmem:s5+$0x1B0];
	[tilespmem:s11+$0x1A0] =	vst v7;
	v10 =	vmul.f32 v10, v2  }
0x329: {  	vm0 =	vgt.f32 v9, $0.0e+00;
	v7 =	vld [tilespmem:s5+$0x1A0];
	[tilespmem:s11+$0x1C0] =	vst v6  }
0x32a: {  	v12 =	vnsel vm0, $0x3F800000, v9;
	v6 =	vld [tilespmem:s5+$0x1C0];
	[tilespmem:s11+$0x1D0] =	vst v8;
	v9 =	vmul.f32 v11, v2  }
0x32b: {  	(erf) = vrcp.f32 v12;
	v8 =	vld [tilespmem:s5+$0x1D0];
	v2 =	vpop (erf);
	[tilespmem:s11+$0x1E0] =	vst v10  }
0x32c: {  	v4 =	vmul.f32 v2, v4  }
0x32d: {  	v10 =	vld [tilespmem:s5+$0x1E0];
	[tilespmem:s11+$0x1F0] =	vst v9  }
0x32e: {  	[tilespmem:s5+$0x180] =	vst v4;
	v4 =	vmul.f32 v2, v5  }
0x32f: {  	v3 =	vmul.f32 v3, v2;
	v5 =	vld [tilespmem:s5+$0x1F0]  }
0x330: {  	v7 =	vmul.f32 v7, v2;
	v9 =	vld [tilespmem:s0+$0x180];
	[tilespmem:s5+$0x190] =	vst v4  }
0x331: {  	v6 =	vmul.f32 v6, v2;
	v4 =	vld [tilespmem:s0+$0x190];
	[tilespmem:s5+$0x1B0] =	vst v3  }
0x332: {  	v8 =	vmul.f32 v8, v2;
	v3 =	vld [tilespmem:s0+$0x1B0];
	[tilespmem:s5+$0x1A0] =	vst v7  }
0x333: {  	v10 =	vmul.f32 v10, v2;
	v7 =	vld [tilespmem:s0+$0x1A0];
	[tilespmem:s5+$0x1C0] =	vst v6  }
0x334: {  	v2 =	vmul.f32 v5, v2;
	v6 =	vld [tilespmem:s0+$0x1C0];
	[tilespmem:s5+$0x1D0] =	vst v8;
	v5 =	vpop (erf)  }
0x335: {  	v8 =	vld [tilespmem:s0+$0x1D0];
	[tilespmem:s5+$0x1E0] =	vst v10;
	v9 =	vmul.f32 v5, v9  }
0x336: {  	v10 =	vld [tilespmem:s0+$0x1E0];
	[tilespmem:s5+$0x1F0] =	vst v2;
	v2 =	vmul.f32 v5, v4  }
0x337: {  	[tilespmem:s0+$0x180] =	vst v9;
	v3 =	vmul.f32 v3, v5;
	v4 =	vld [tilespmem:s0+$0x1F0]  }
0x338: {  	v7 =	vmul.f32 v7, v5;
	[tilespmem:s0+$0x190] =	vst v2  }
0x339: {  	v2 =	vmul.f32 v6, v5;
	[tilespmem:s0+$0x1B0] =	vst v3  }
0x33a: {  	v3 =	vmul.f32 v8, v5;
	[tilespmem:s0+$0x1A0] =	vst v7  }
0x33b: {  	v6 =	vmul.f32 v10, v5;
	[tilespmem:s0+$0x1C0] =	vst v2  }
0x33c: {  	s25 =	sld [smem:$0x7F8];
	[tilespmem:s0+$0x1D0] =	vst v3;
	v2 =	vmul.f32 v4, v5  }
0x33d: {  	[tilespmem:s0+$0x1E0] =	vst v6  }
0x33e: {  	s14 =	simm.s32 $0x0;
	[tilespmem:s0+$0x1F0] =	vst v2  }
0x33f: {  	[hbm4b:s25+s14] =	stream.linear.scatter [tilespmem:s26], [sflag:$0x7], $0x1400, $0x38;
	[tilespmem:$0x1EB80] =	vst v63  }
0x340: {  	_ =	swait.ge [sflag:s9], $0x1400  }
0x341: {  	s28 =	sld [smem:$0x7EB]  }
0x342: {  	[sflag:s9] =	ssyncset.done $0x0  }
0x343: {  	[sflag:s9] =	ssyncadd.s32 $0xFFFFEC00  }
0x344: {  	[tilespmem:s26], [sflag:$0x7] =	stream.linear.gather [spmem:s28], $0x1400, $0x38;
	[tilespmem:$0x1EB80] =	vst v63  }
0x345: {  	_ =	swait.ge [sflag:s9], $0x1400  }
0x346: {  	s29 =	sld [smem:$0x7EC]  }
0x347: {  	[sflag:s9] =	ssyncset.done $0x0  }
0x348: {  	[sflag:s9] =	ssyncadd.s32 $0xFFFFEC00  }
0x349: {  	[tilespmem:s19], [sflag:$0x7] =	stream.linear.gather [spmem:s29], $0x1400, $0x38;
	[tilespmem:$0x1EB80] =	vst v63  }
0x34a: {  	_ =	swait.ge [sflag:s9], $0x1400  }
0x34b: {  	[sflag:s9] =	ssyncset.done $0x0  }
0x34c: {  	s11 =	simm.s32 $0x0;
	[sflag:s9] =	ssyncadd.s32 $0xFFFFEC00  }
0x34d: {  	v2 =	vld [tilespmem:s11+$0x3D80];
	_ =	sdelay $0x4  }
0x34e: {  	vm0 =	vgt.f32 v2, $0.0e+00  }
0x34f: {  	v2 =	vnsel vm0, $0x3F800000, v2  }
0x350: {  	(erf) = vrcp.f32 v2;
	_ =	sdelay $0x4  }
0x351: {  	s5 =	simm.s32 $0x80;
	v3 =	vld [tilespmem:s11+$0x180]  }
0x352: {  	v2 =	vld [tilespmem:s5+$0x3D80]  }
0x353: {  	v4 =	vld [tilespmem:s11+$0x190]  }
0x354: {  	v5 =	vld [tilespmem:s11+$0x1B0]  }
0x355: {  	v6 =	vld [tilespmem:s11+$0x1A0];
	v9 =	vpop (erf)  }
0x356: {  	v7 =	vld [tilespmem:s11+$0x1C0];
	v3 =	vmul.f32 v9, v3  }
0x357: {  	s0 =	simm.s32 $0x100;
	v8 =	vld [tilespmem:s11+$0x1D0];
	vm14 =	vgt.f32 v2, $0.0e+00  }
0x358: {  	v11 =	vld [tilespmem:s0+$0x3D80];
	v2 =	vnsel vm14, $0x3F800000, v2;
	[tilespmem:s11+$0x180] =	vst v3;
	v3 =	vmul.f32 v9, v4  }
0x359: {  	v10 =	vld [tilespmem:s11+$0x1E0];
	(erf) = vrcp.f32 v2  }
0x35a: {  	v4 =	vld [tilespmem:s5+$0x180];
	[tilespmem:s11+$0x190] =	vst v3;
	v3 =	vmul.f32 v5, v9  }
0x35b: {  	v12 =	vld [tilespmem:s11+$0x1F0];
	v2 =	vmul.f32 v6, v9  }
0x35c: {  	v6 =	vmul.f32 v7, v9;
	v5 =	vld [tilespmem:s5+$0x190];
	[tilespmem:s11+$0x1B0] =	vst v3  }
0x35d: {  	v3 =	vld [tilespmem:s5+$0x1B0];
	[tilespmem:s11+$0x1A0] =	vst v2;
	v2 =	vmul.f32 v8, v9  }
0x35e: {  	vm15 =	vgt.f32 v11, $0.0e+00;
	v7 =	vld [tilespmem:s5+$0x1A0];
	[tilespmem:s11+$0x1C0] =	vst v6  }
0x35f: {  	v6 =	vld [tilespmem:s5+$0x1C0];
	[tilespmem:s11+$0x1D0] =	vst v2;
	v2 =	vnsel vm15, $0x3F800000, v11  }
0x360: {  	v10 =	vmul.f32 v10, v9  }
0x361: {  	v9 =	vmul.f32 v12, v9  }
0x362: {  	s14 =	simm.s32 $0x600;
	v8 =	vld [tilespmem:s5+$0x1D0];
	(erf) = vrcp.f32 v2;
	[tilespmem:s11+$0x1E0] =	vst v10;
	v2 =	vpop (erf)  }
.LBB2_18:
0x363: {  	s25 =	sshra.s32 s14, $0x2;
	p0 =	sne.s32 s14, $0x4E00;
	s14 =	sadd.s32 $0x200, s14;
	v4 =	vmul.f32 v2, v4;
	v10 =	vld [tilespmem:s5+$0x1E0];
	[tilespmem:s11+$0x1F0] =	vst v9  }
0x364: {  	v5 =	vmul.f32 v2, v5;
	s11 =	smov.u32 s5;
	s5 =	smov.u32 s0;
	v9 =	vld [tilespmem:s25+$0x3D80];
	s0 =	smov.u32 s25  }
0x365: {  	v3 =	vmul.f32 v3, v2;
	[tilespmem:s11+$0x180] =	vst v4;
	v7 =	vmul.f32 v7, v2;
	v11 =	vld [tilespmem:s11+$0x1F0]  }
0x366: {  	v4 =	vld [tilespmem:s5+$0x180];
	[tilespmem:s11+$0x190] =	vst v5;
	v6 =	vmul.f32 v6, v2  }
.Ltmp8:
0x367: {  	v5 =	vld [tilespmem:s5+$0x190];
	[tilespmem:s11+$0x1B0] =	vst v3;
	v8 =	vmul.f32 v8, v2;
	(pc) =	sbr.rel @p0 .LBB2_18-.Ltmp8, $4  }
0x368: {  	v3 =	vld [tilespmem:s5+$0x1B0];
	[tilespmem:s11+$0x1A0] =	vst v7;
	v10 =	vmul.f32 v10, v2  }
0x369: {  	vm0 =	vgt.f32 v9, $0.0e+00;
	v7 =	vld [tilespmem:s5+$0x1A0];
	[tilespmem:s11+$0x1C0] =	vst v6  }
0x36a: {  	v12 =	vnsel vm0, $0x3F800000, v9;
	v6 =	vld [tilespmem:s5+$0x1C0];
	[tilespmem:s11+$0x1D0] =	vst v8;
	v9 =	vmul.f32 v11, v2  }
0x36b: {  	(erf) = vrcp.f32 v12;
	v8 =	vld [tilespmem:s5+$0x1D0];
	v2 =	vpop (erf);
	[tilespmem:s11+$0x1E0] =	vst v10  }
0x36c: {  	v4 =	vmul.f32 v2, v4  }
0x36d: {  	v10 =	vld [tilespmem:s5+$0x1E0];
	[tilespmem:s11+$0x1F0] =	vst v9  }
0x36e: {  	[tilespmem:s5+$0x180] =	vst v4;
	v4 =	vmul.f32 v2, v5  }
0x36f: {  	v3 =	vmul.f32 v3, v2;
	v5 =	vld [tilespmem:s5+$0x1F0]  }
0x370: {  	v7 =	vmul.f32 v7, v2;
	v9 =	vld [tilespmem:s0+$0x180];
	[tilespmem:s5+$0x190] =	vst v4  }
0x371: {  	v6 =	vmul.f32 v6, v2;
	v4 =	vld [tilespmem:s0+$0x190];
	[tilespmem:s5+$0x1B0] =	vst v3  }
0x372: {  	v8 =	vmul.f32 v8, v2;
	v3 =	vld [tilespmem:s0+$0x1B0];
	[tilespmem:s5+$0x1A0] =	vst v7  }
0x373: {  	v10 =	vmul.f32 v10, v2;
	v7 =	vld [tilespmem:s0+$0x1A0];
	[tilespmem:s5+$0x1C0] =	vst v6  }
0x374: {  	v2 =	vmul.f32 v5, v2;
	v6 =	vld [tilespmem:s0+$0x1C0];
	[tilespmem:s5+$0x1D0] =	vst v8;
	v5 =	vpop (erf)  }
0x375: {  	v8 =	vld [tilespmem:s0+$0x1D0];
	[tilespmem:s5+$0x1E0] =	vst v10;
	v9 =	vmul.f32 v5, v9  }
0x376: {  	v10 =	vld [tilespmem:s0+$0x1E0];
	[tilespmem:s5+$0x1F0] =	vst v2;
	v2 =	vmul.f32 v5, v4  }
0x377: {  	[tilespmem:s0+$0x180] =	vst v9;
	v3 =	vmul.f32 v3, v5;
	v4 =	vld [tilespmem:s0+$0x1F0]  }
0x378: {  	v7 =	vmul.f32 v7, v5;
	[tilespmem:s0+$0x190] =	vst v2  }
0x379: {  	v2 =	vmul.f32 v6, v5;
	[tilespmem:s0+$0x1B0] =	vst v3  }
0x37a: {  	v3 =	vmul.f32 v8, v5;
	[tilespmem:s0+$0x1A0] =	vst v7  }
0x37b: {  	v6 =	vmul.f32 v10, v5;
	[tilespmem:s0+$0x1C0] =	vst v2  }
0x37c: {  	s25 =	sld [smem:$0x7F9];
	[tilespmem:s0+$0x1D0] =	vst v3;
	v2 =	vmul.f32 v4, v5  }
0x37d: {  	[tilespmem:s0+$0x1E0] =	vst v6  }
0x37e: {  	s14 =	simm.s32 $0x0;
	[tilespmem:s0+$0x1F0] =	vst v2  }
0x37f: {  	[hbm4b:s25+s14] =	stream.linear.scatter [tilespmem:s26], [sflag:$0x7], $0x1400, $0x38;
	[tilespmem:$0x1EB80] =	vst v63  }
0x380: {  	_ =	swait.ge [sflag:s9], $0x1400  }
0x381: {  	s28 =	sld [smem:$0x7ED]  }
0x382: {  	[sflag:s9] =	ssyncset.done $0x0  }
0x383: {  	[sflag:s9] =	ssyncadd.s32 $0xFFFFEC00  }
0x384: {  	[tilespmem:s26], [sflag:$0x7] =	stream.linear.gather [spmem:s28], $0x1400, $0x38;
	[tilespmem:$0x1EB80] =	vst v63  }
0x385: {  	_ =	swait.ge [sflag:s9], $0x1400  }
0x386: {  	s29 =	sld [smem:$0x7EE]  }
0x387: {  	[sflag:s9] =	ssyncset.done $0x0  }
0x388: {  	[sflag:s9] =	ssyncadd.s32 $0xFFFFEC00  }
0x389: {  	[tilespmem:s19], [sflag:$0x7] =	stream.linear.gather [spmem:s29], $0x1400, $0x38;
	[tilespmem:$0x1EB80] =	vst v63  }
0x38a: {  	_ =	swait.ge [sflag:s9], $0x1400  }
0x38b: {  	[sflag:s9] =	ssyncset.done $0x0  }
0x38c: {  	s11 =	simm.s32 $0x0;
	[sflag:s9] =	ssyncadd.s32 $0xFFFFEC00  }
0x38d: {  	v2 =	vld [tilespmem:s11+$0x3D80];
	_ =	sdelay $0x4  }
0x38e: {  	vm0 =	vgt.f32 v2, $0.0e+00  }
0x38f: {  	v2 =	vnsel vm0, $0x3F800000, v2  }
0x390: {  	(erf) = vrcp.f32 v2;
	_ =	sdelay $0x4  }
0x391: {  	s5 =	simm.s32 $0x80;
	v3 =	vld [tilespmem:s11+$0x180]  }
0x392: {  	v2 =	vld [tilespmem:s5+$0x3D80]  }
0x393: {  	v4 =	vld [tilespmem:s11+$0x190]  }
0x394: {  	v5 =	vld [tilespmem:s11+$0x1B0]  }
0x395: {  	v6 =	vld [tilespmem:s11+$0x1A0];
	v9 =	vpop (erf)  }
0x396: {  	v7 =	vld [tilespmem:s11+$0x1C0];
	v3 =	vmul.f32 v9, v3  }
0x397: {  	s0 =	simm.s32 $0x100;
	v8 =	vld [tilespmem:s11+$0x1D0];
	vm14 =	vgt.f32 v2, $0.0e+00  }
0x398: {  	v11 =	vld [tilespmem:s0+$0x3D80];
	v2 =	vnsel vm14, $0x3F800000, v2;
	[tilespmem:s11+$0x180] =	vst v3;
	v3 =	vmul.f32 v9, v4  }
0x399: {  	v10 =	vld [tilespmem:s11+$0x1E0];
	(erf) = vrcp.f32 v2  }
0x39a: {  	v4 =	vld [tilespmem:s5+$0x180];
	[tilespmem:s11+$0x190] =	vst v3;
	v3 =	vmul.f32 v5, v9  }
0x39b: {  	v12 =	vld [tilespmem:s11+$0x1F0];
	v2 =	vmul.f32 v6, v9  }
0x39c: {  	v6 =	vmul.f32 v7, v9;
	v5 =	vld [tilespmem:s5+$0x190];
	[tilespmem:s11+$0x1B0] =	vst v3  }
0x39d: {  	v3 =	vld [tilespmem:s5+$0x1B0];
	[tilespmem:s11+$0x1A0] =	vst v2;
	v2 =	vmul.f32 v8, v9  }
0x39e: {  	vm15 =	vgt.f32 v11, $0.0e+00;
	v7 =	vld [tilespmem:s5+$0x1A0];
	[tilespmem:s11+$0x1C0] =	vst v6  }
0x39f: {  	v6 =	vld [tilespmem:s5+$0x1C0];
	[tilespmem:s11+$0x1D0] =	vst v2;
	v2 =	vnsel vm15, $0x3F800000, v11  }
0x3a0: {  	v10 =	vmul.f32 v10, v9  }
0x3a1: {  	v9 =	vmul.f32 v12, v9  }
0x3a2: {  	s14 =	simm.s32 $0x600;
	v8 =	vld [tilespmem:s5+$0x1D0];
	(erf) = vrcp.f32 v2;
	[tilespmem:s11+$0x1E0] =	vst v10;
	v2 =	vpop (erf)  }
.LBB2_20:
0x3a3: {  	s25 =	sshra.s32 s14, $0x2;
	p0 =	sne.s32 s14, $0x4E00;
	s14 =	sadd.s32 $0x200, s14;
	v4 =	vmul.f32 v2, v4;
	v10 =	vld [tilespmem:s5+$0x1E0];
	[tilespmem:s11+$0x1F0] =	vst v9  }
0x3a4: {  	v5 =	vmul.f32 v2, v5;
	s11 =	smov.u32 s5;
	s5 =	smov.u32 s0;
	v9 =	vld [tilespmem:s25+$0x3D80];
	s0 =	smov.u32 s25  }
0x3a5: {  	v3 =	vmul.f32 v3, v2;
	[tilespmem:s11+$0x180] =	vst v4;
	v7 =	vmul.f32 v7, v2;
	v11 =	vld [tilespmem:s11+$0x1F0]  }
0x3a6: {  	v4 =	vld [tilespmem:s5+$0x180];
	[tilespmem:s11+$0x190] =	vst v5;
	v6 =	vmul.f32 v6, v2  }
.Ltmp9:
0x3a7: {  	v5 =	vld [tilespmem:s5+$0x190];
	[tilespmem:s11+$0x1B0] =	vst v3;
	v8 =	vmul.f32 v8, v2;
	(pc) =	sbr.rel @p0 .LBB2_20-.Ltmp9, $4  }
0x3a8: {  	v3 =	vld [tilespmem:s5+$0x1B0];
	[tilespmem:s11+$0x1A0] =	vst v7;
	v10 =	vmul.f32 v10, v2  }
0x3a9: {  	vm0 =	vgt.f32 v9, $0.0e+00;
	v7 =	vld [tilespmem:s5+$0x1A0];
	[tilespmem:s11+$0x1C0] =	vst v6  }
0x3aa: {  	v12 =	vnsel vm0, $0x3F800000, v9;
	v6 =	vld [tilespmem:s5+$0x1C0];
	[tilespmem:s11+$0x1D0] =	vst v8;
	v9 =	vmul.f32 v11, v2  }
0x3ab: {  	(erf) = vrcp.f32 v12;
	v8 =	vld [tilespmem:s5+$0x1D0];
	v2 =	vpop (erf);
	[tilespmem:s11+$0x1E0] =	vst v10  }
0x3ac: {  	v4 =	vmul.f32 v2, v4  }
0x3ad: {  	v10 =	vld [tilespmem:s5+$0x1E0];
	[tilespmem:s11+$0x1F0] =	vst v9  }
0x3ae: {  	[tilespmem:s5+$0x180] =	vst v4;
	v4 =	vmul.f32 v2, v5  }
0x3af: {  	v3 =	vmul.f32 v3, v2;
	v5 =	vld [tilespmem:s5+$0x1F0]  }
0x3b0: {  	v7 =	vmul.f32 v7, v2;
	v9 =	vld [tilespmem:s0+$0x180];
	[tilespmem:s5+$0x190] =	vst v4  }
0x3b1: {  	v6 =	vmul.f32 v6, v2;
	v4 =	vld [tilespmem:s0+$0x190];
	[tilespmem:s5+$0x1B0] =	vst v3  }
0x3b2: {  	v8 =	vmul.f32 v8, v2;
	v3 =	vld [tilespmem:s0+$0x1B0];
	[tilespmem:s5+$0x1A0] =	vst v7  }
0x3b3: {  	v10 =	vmul.f32 v10, v2;
	v7 =	vld [tilespmem:s0+$0x1A0];
	[tilespmem:s5+$0x1C0] =	vst v6  }
0x3b4: {  	v2 =	vmul.f32 v5, v2;
	v6 =	vld [tilespmem:s0+$0x1C0];
	[tilespmem:s5+$0x1D0] =	vst v8;
	v5 =	vpop (erf)  }
0x3b5: {  	v8 =	vld [tilespmem:s0+$0x1D0];
	[tilespmem:s5+$0x1E0] =	vst v10;
	v9 =	vmul.f32 v5, v9  }
0x3b6: {  	v10 =	vld [tilespmem:s0+$0x1E0];
	[tilespmem:s5+$0x1F0] =	vst v2;
	v2 =	vmul.f32 v5, v4  }
0x3b7: {  	[tilespmem:s0+$0x180] =	vst v9;
	v3 =	vmul.f32 v3, v5;
	v4 =	vld [tilespmem:s0+$0x1F0]  }
0x3b8: {  	v7 =	vmul.f32 v7, v5;
	[tilespmem:s0+$0x190] =	vst v2  }
0x3b9: {  	v2 =	vmul.f32 v6, v5;
	[tilespmem:s0+$0x1B0] =	vst v3  }
0x3ba: {  	v3 =	vmul.f32 v8, v5;
	[tilespmem:s0+$0x1A0] =	vst v7  }
0x3bb: {  	v6 =	vmul.f32 v10, v5;
	[tilespmem:s0+$0x1C0] =	vst v2  }
0x3bc: {  	s25 =	sld [smem:$0x7FA];
	[tilespmem:s0+$0x1D0] =	vst v3;
	v2 =	vmul.f32 v4, v5  }
0x3bd: {  	[tilespmem:s0+$0x1E0] =	vst v6  }
0x3be: {  	s14 =	simm.s32 $0x0;
	[tilespmem:s0+$0x1F0] =	vst v2  }
0x3bf: {  	[hbm4b:s25+s14] =	stream.linear.scatter [tilespmem:s26], [sflag:$0x7], $0x1400, $0x38;
	[tilespmem:$0x1EB80] =	vst v63  }
0x3c0: {  	_ =	swait.ge [sflag:s9], $0x1400  }
0x3c1: {  	s28 =	sld [smem:$0x7F1]  }
0x3c2: {  	[sflag:s9] =	ssyncset.done $0x0  }
0x3c3: {  	[sflag:s9] =	ssyncadd.s32 $0xFFFFEC00  }
0x3c4: {  	[tilespmem:s26], [sflag:$0x7] =	stream.linear.gather [spmem:s28], $0x1400, $0x38;
	[tilespmem:$0x1EB80] =	vst v63  }
0x3c5: {  	_ =	swait.ge [sflag:s9], $0x1400  }
0x3c6: {  	s29 =	sld [smem:$0x7F2]  }
0x3c7: {  	[sflag:s9] =	ssyncset.done $0x0  }
0x3c8: {  	[sflag:s9] =	ssyncadd.s32 $0xFFFFEC00  }
0x3c9: {  	[tilespmem:s19], [sflag:$0x7] =	stream.linear.gather [spmem:s29], $0x1400, $0x38;
	[tilespmem:$0x1EB80] =	vst v63  }
0x3ca: {  	_ =	swait.ge [sflag:s9], $0x1400  }
0x3cb: {  	[sflag:s9] =	ssyncset.done $0x0  }
0x3cc: {  	s11 =	simm.s32 $0x0;
	[sflag:s9] =	ssyncadd.s32 $0xFFFFEC00  }
0x3cd: {  	v2 =	vld [tilespmem:s11+$0x3D80];
	_ =	sdelay $0x4  }
0x3ce: {  	vm0 =	vgt.f32 v2, $0.0e+00  }
0x3cf: {  	v2 =	vnsel vm0, $0x3F800000, v2  }
0x3d0: {  	(erf) = vrcp.f32 v2;
	_ =	sdelay $0x4  }
0x3d1: {  	s5 =	simm.s32 $0x80;
	v3 =	vld [tilespmem:s11+$0x180]  }
0x3d2: {  	v2 =	vld [tilespmem:s5+$0x3D80]  }
0x3d3: {  	v4 =	vld [tilespmem:s11+$0x190]  }
0x3d4: {  	v5 =	vld [tilespmem:s11+$0x1B0]  }
0x3d5: {  	v6 =	vld [tilespmem:s11+$0x1A0];
	v9 =	vpop (erf)  }
0x3d6: {  	v7 =	vld [tilespmem:s11+$0x1C0];
	v3 =	vmul.f32 v9, v3  }
0x3d7: {  	s0 =	simm.s32 $0x100;
	v8 =	vld [tilespmem:s11+$0x1D0];
	vm14 =	vgt.f32 v2, $0.0e+00  }
0x3d8: {  	v11 =	vld [tilespmem:s0+$0x3D80];
	v2 =	vnsel vm14, $0x3F800000, v2;
	[tilespmem:s11+$0x180] =	vst v3;
	v3 =	vmul.f32 v9, v4  }
0x3d9: {  	v10 =	vld [tilespmem:s11+$0x1E0];
	(erf) = vrcp.f32 v2  }
0x3da: {  	v4 =	vld [tilespmem:s5+$0x180];
	[tilespmem:s11+$0x190] =	vst v3;
	v3 =	vmul.f32 v5, v9  }
0x3db: {  	v12 =	vld [tilespmem:s11+$0x1F0];
	v2 =	vmul.f32 v6, v9  }
0x3dc: {  	v6 =	vmul.f32 v7, v9;
	v5 =	vld [tilespmem:s5+$0x190];
	[tilespmem:s11+$0x1B0] =	vst v3  }
0x3dd: {  	v3 =	vld [tilespmem:s5+$0x1B0];
	[tilespmem:s11+$0x1A0] =	vst v2;
	v2 =	vmul.f32 v8, v9  }
0x3de: {  	vm15 =	vgt.f32 v11, $0.0e+00;
	v7 =	vld [tilespmem:s5+$0x1A0];
	[tilespmem:s11+$0x1C0] =	vst v6  }
0x3df: {  	v6 =	vld [tilespmem:s5+$0x1C0];
	[tilespmem:s11+$0x1D0] =	vst v2;
	v2 =	vnsel vm15, $0x3F800000, v11  }
0x3e0: {  	v10 =	vmul.f32 v10, v9  }
0x3e1: {  	v9 =	vmul.f32 v12, v9  }
0x3e2: {  	s14 =	simm.s32 $0x600;
	v8 =	vld [tilespmem:s5+$0x1D0];
	(erf) = vrcp.f32 v2;
	[tilespmem:s11+$0x1E0] =	vst v10;
	v2 =	vpop (erf)  }
.LBB2_22:
0x3e3: {  	s25 =	sshra.s32 s14, $0x2;
	p0 =	sne.s32 s14, $0x4E00;
	s14 =	sadd.s32 $0x200, s14;
	v4 =	vmul.f32 v2, v4;
	v10 =	vld [tilespmem:s5+$0x1E0];
	[tilespmem:s11+$0x1F0] =	vst v9  }
0x3e4: {  	v5 =	vmul.f32 v2, v5;
	s11 =	smov.u32 s5;
	s5 =	smov.u32 s0;
	v9 =	vld [tilespmem:s25+$0x3D80];
	s0 =	smov.u32 s25  }
0x3e5: {  	v3 =	vmul.f32 v3, v2;
	[tilespmem:s11+$0x180] =	vst v4;
	v7 =	vmul.f32 v7, v2;
	v11 =	vld [tilespmem:s11+$0x1F0]  }
0x3e6: {  	v4 =	vld [tilespmem:s5+$0x180];
	[tilespmem:s11+$0x190] =	vst v5;
	v6 =	vmul.f32 v6, v2  }
.Ltmp10:
0x3e7: {  	v5 =	vld [tilespmem:s5+$0x190];
	[tilespmem:s11+$0x1B0] =	vst v3;
	v8 =	vmul.f32 v8, v2;
	(pc) =	sbr.rel @p0 .LBB2_22-.Ltmp10, $4  }
0x3e8: {  	v3 =	vld [tilespmem:s5+$0x1B0];
	[tilespmem:s11+$0x1A0] =	vst v7;
	v10 =	vmul.f32 v10, v2  }
0x3e9: {  	vm0 =	vgt.f32 v9, $0.0e+00;
	v7 =	vld [tilespmem:s5+$0x1A0];
	[tilespmem:s11+$0x1C0] =	vst v6  }
0x3ea: {  	v12 =	vnsel vm0, $0x3F800000, v9;
	v6 =	vld [tilespmem:s5+$0x1C0];
	[tilespmem:s11+$0x1D0] =	vst v8;
	v9 =	vmul.f32 v11, v2  }
0x3eb: {  	(erf) = vrcp.f32 v12;
	v8 =	vld [tilespmem:s5+$0x1D0];
	v2 =	vpop (erf);
	[tilespmem:s11+$0x1E0] =	vst v10  }
0x3ec: {  	v4 =	vmul.f32 v2, v4  }
0x3ed: {  	v10 =	vld [tilespmem:s5+$0x1E0];
	[tilespmem:s11+$0x1F0] =	vst v9  }
0x3ee: {  	[tilespmem:s5+$0x180] =	vst v4;
	v4 =	vmul.f32 v2, v5  }
0x3ef: {  	v3 =	vmul.f32 v3, v2;
	v5 =	vld [tilespmem:s5+$0x1F0]  }
0x3f0: {  	v7 =	vmul.f32 v7, v2;
	v9 =	vld [tilespmem:s0+$0x180];
	[tilespmem:s5+$0x190] =	vst v4  }
0x3f1: {  	v6 =	vmul.f32 v6, v2;
	v4 =	vld [tilespmem:s0+$0x190];
	[tilespmem:s5+$0x1B0] =	vst v3  }
0x3f2: {  	v8 =	vmul.f32 v8, v2;
	v3 =	vld [tilespmem:s0+$0x1B0];
	[tilespmem:s5+$0x1A0] =	vst v7  }
0x3f3: {  	v10 =	vmul.f32 v10, v2;
	v7 =	vld [tilespmem:s0+$0x1A0];
	[tilespmem:s5+$0x1C0] =	vst v6  }
0x3f4: {  	v2 =	vmul.f32 v5, v2;
	v6 =	vld [tilespmem:s0+$0x1C0];
	[tilespmem:s5+$0x1D0] =	vst v8;
	v5 =	vpop (erf)  }
0x3f5: {  	v8 =	vld [tilespmem:s0+$0x1D0];
	[tilespmem:s5+$0x1E0] =	vst v10;
	v9 =	vmul.f32 v5, v9  }
0x3f6: {  	v10 =	vld [tilespmem:s0+$0x1E0];
	[tilespmem:s5+$0x1F0] =	vst v2;
	v2 =	vmul.f32 v5, v4  }
0x3f7: {  	[tilespmem:s0+$0x180] =	vst v9;
	v3 =	vmul.f32 v3, v5;
	v4 =	vld [tilespmem:s0+$0x1F0]  }
0x3f8: {  	v7 =	vmul.f32 v7, v5;
	[tilespmem:s0+$0x190] =	vst v2  }
0x3f9: {  	v2 =	vmul.f32 v6, v5;
	[tilespmem:s0+$0x1B0] =	vst v3  }
0x3fa: {  	v3 =	vmul.f32 v8, v5;
	[tilespmem:s0+$0x1A0] =	vst v7  }
0x3fb: {  	v6 =	vmul.f32 v10, v5;
	[tilespmem:s0+$0x1C0] =	vst v2  }
0x3fc: {  	s25 =	sld [smem:$0x7FB];
	[tilespmem:s0+$0x1D0] =	vst v3;
	v2 =	vmul.f32 v4, v5  }
0x3fd: {  	[tilespmem:s0+$0x1E0] =	vst v6  }
0x3fe: {  	s14 =	simm.s32 $0x0;
	[tilespmem:s0+$0x1F0] =	vst v2  }
0x3ff: {  	[hbm4b:s25+s14] =	stream.linear.scatter [tilespmem:s26], [sflag:$0x7], $0x1400, $0x38;
	[tilespmem:$0x1EB80] =	vst v63  }
0x400: {  	_ =	swait.ge [sflag:s9], $0x1400  }
0x401: {  	s28 =	sld [smem:$0x7F3]  }
0x402: {  	[sflag:s9] =	ssyncset.done $0x0  }
0x403: {  	[sflag:s9] =	ssyncadd.s32 $0xFFFFEC00  }
0x404: {  	[tilespmem:s26], [sflag:$0x7] =	stream.linear.gather [spmem:s28], $0x1400, $0x38;
	[tilespmem:$0x1EB80] =	vst v63  }
0x405: {  	_ =	swait.ge [sflag:s9], $0x1400  }
0x406: {  	s29 =	sld [smem:$0x7F4]  }
0x407: {  	[sflag:s9] =	ssyncset.done $0x0  }
0x408: {  	[sflag:s9] =	ssyncadd.s32 $0xFFFFEC00  }
0x409: {  	[tilespmem:s19], [sflag:$0x7] =	stream.linear.gather [spmem:s29], $0x1400, $0x38;
	[tilespmem:$0x1EB80] =	vst v63  }
0x40a: {  	_ =	swait.ge [sflag:s9], $0x1400  }
0x40b: {  	[sflag:s9] =	ssyncset.done $0x0  }
0x40c: {  	s11 =	simm.s32 $0x0;
	[sflag:s9] =	ssyncadd.s32 $0xFFFFEC00  }
0x40d: {  	v2 =	vld [tilespmem:s11+$0x3D80];
	_ =	sdelay $0x4  }
0x40e: {  	vm0 =	vgt.f32 v2, $0.0e+00  }
0x40f: {  	v2 =	vnsel vm0, $0x3F800000, v2  }
0x410: {  	(erf) = vrcp.f32 v2;
	_ =	sdelay $0x4  }
0x411: {  	s5 =	simm.s32 $0x80;
	v3 =	vld [tilespmem:s11+$0x180]  }
0x412: {  	v2 =	vld [tilespmem:s5+$0x3D80]  }
0x413: {  	v4 =	vld [tilespmem:s11+$0x190]  }
0x414: {  	v5 =	vld [tilespmem:s11+$0x1B0]  }
0x415: {  	v6 =	vld [tilespmem:s11+$0x1A0];
	v9 =	vpop (erf)  }
0x416: {  	v7 =	vld [tilespmem:s11+$0x1C0];
	v3 =	vmul.f32 v9, v3  }
0x417: {  	s0 =	simm.s32 $0x100;
	v8 =	vld [tilespmem:s11+$0x1D0];
	vm14 =	vgt.f32 v2, $0.0e+00  }
0x418: {  	v11 =	vld [tilespmem:s0+$0x3D80];
	v2 =	vnsel vm14, $0x3F800000, v2;
	[tilespmem:s11+$0x180] =	vst v3;
	v3 =	vmul.f32 v9, v4  }
0x419: {  	v10 =	vld [tilespmem:s11+$0x1E0];
	(erf) = vrcp.f32 v2  }
0x41a: {  	v4 =	vld [tilespmem:s5+$0x180];
	[tilespmem:s11+$0x190] =	vst v3;
	v3 =	vmul.f32 v5, v9  }
0x41b: {  	v12 =	vld [tilespmem:s11+$0x1F0];
	v2 =	vmul.f32 v6, v9  }
0x41c: {  	v6 =	vmul.f32 v7, v9;
	v5 =	vld [tilespmem:s5+$0x190];
	[tilespmem:s11+$0x1B0] =	vst v3  }
0x41d: {  	v3 =	vld [tilespmem:s5+$0x1B0];
	[tilespmem:s11+$0x1A0] =	vst v2;
	v2 =	vmul.f32 v8, v9  }
0x41e: {  	vm15 =	vgt.f32 v11, $0.0e+00;
	v7 =	vld [tilespmem:s5+$0x1A0];
	[tilespmem:s11+$0x1C0] =	vst v6  }
0x41f: {  	v6 =	vld [tilespmem:s5+$0x1C0];
	[tilespmem:s11+$0x1D0] =	vst v2;
	v2 =	vnsel vm15, $0x3F800000, v11  }
0x420: {  	v10 =	vmul.f32 v10, v9  }
0x421: {  	v9 =	vmul.f32 v12, v9  }
0x422: {  	s14 =	simm.s32 $0x600;
	v8 =	vld [tilespmem:s5+$0x1D0];
	(erf) = vrcp.f32 v2;
	[tilespmem:s11+$0x1E0] =	vst v10;
	v2 =	vpop (erf)  }
.LBB2_24:
0x423: {  	s25 =	sshra.s32 s14, $0x2;
	p0 =	sne.s32 s14, $0x4E00;
	s14 =	sadd.s32 $0x200, s14;
	v4 =	vmul.f32 v2, v4;
	v10 =	vld [tilespmem:s5+$0x1E0];
	[tilespmem:s11+$0x1F0] =	vst v9  }
0x424: {  	v5 =	vmul.f32 v2, v5;
	s11 =	smov.u32 s5;
	s5 =	smov.u32 s0;
	v9 =	vld [tilespmem:s25+$0x3D80];
	s0 =	smov.u32 s25  }
0x425: {  	v3 =	vmul.f32 v3, v2;
	[tilespmem:s11+$0x180] =	vst v4;
	v7 =	vmul.f32 v7, v2;
	v11 =	vld [tilespmem:s11+$0x1F0]  }
0x426: {  	v4 =	vld [tilespmem:s5+$0x180];
	[tilespmem:s11+$0x190] =	vst v5;
	v6 =	vmul.f32 v6, v2  }
.Ltmp11:
0x427: {  	v5 =	vld [tilespmem:s5+$0x190];
	[tilespmem:s11+$0x1B0] =	vst v3;
	v8 =	vmul.f32 v8, v2;
	(pc) =	sbr.rel @p0 .LBB2_24-.Ltmp11, $4  }
0x428: {  	v3 =	vld [tilespmem:s5+$0x1B0];
	[tilespmem:s11+$0x1A0] =	vst v7;
	v10 =	vmul.f32 v10, v2  }
0x429: {  	vm0 =	vgt.f32 v9, $0.0e+00;
	v7 =	vld [tilespmem:s5+$0x1A0];
	[tilespmem:s11+$0x1C0] =	vst v6  }
0x42a: {  	v12 =	vnsel vm0, $0x3F800000, v9;
	v6 =	vld [tilespmem:s5+$0x1C0];
	[tilespmem:s11+$0x1D0] =	vst v8;
	v9 =	vmul.f32 v11, v2  }
0x42b: {  	(erf) = vrcp.f32 v12;
	v8 =	vld [tilespmem:s5+$0x1D0];
	v2 =	vpop (erf);
	[tilespmem:s11+$0x1E0] =	vst v10  }
0x42c: {  	_ = 	snop  }
0x42d: {  	v4 =	vmul.f32 v2, v4  }
0x42e: {  	v10 =	vld [tilespmem:s5+$0x1E0];
	[tilespmem:s11+$0x1F0] =	vst v9;
	v59 =	vmul.f32 v2, v5  }
0x42f: {  	v60 =	vld [tilespmem:s5+$0x1F0];
	v3 =	vmul.f32 v3, v2;
	[tilespmem:s5+$0x180] =	vst v4  }
0x430: {  	v7 =	vmul.f32 v7, v2;
	v9 =	vld [tilespmem:s0+$0x180];
	[tilespmem:s5+$0x190] =	vst v59  }
0x431: {  	v6 =	vmul.f32 v6, v2;
	v4 =	vld [tilespmem:s0+$0x190];
	[tilespmem:s5+$0x1B0] =	vst v3  }
0x432: {  	v8 =	vmul.f32 v8, v2;
	v3 =	vld [tilespmem:s0+$0x1B0];
	[tilespmem:s5+$0x1A0] =	vst v7  }
0x433: {  	v10 =	vmul.f32 v10, v2;
	v7 =	vld [tilespmem:s0+$0x1A0];
	[tilespmem:s5+$0x1C0] =	vst v6  }
0x434: {  	v2 =	vmul.f32 v60, v2;
	v6 =	vld [tilespmem:s0+$0x1C0];
	[tilespmem:s5+$0x1D0] =	vst v8;
	v61 =	vpop (erf)  }
0x435: {  	v8 =	vld [tilespmem:s0+$0x1D0];
	[tilespmem:s5+$0x1E0] =	vst v10;
	v9 =	vmul.f32 v61, v9  }
0x436: {  	v10 =	vld [tilespmem:s0+$0x1E0];
	[tilespmem:s5+$0x1F0] =	vst v2;
	v2 =	vmul.f32 v61, v4  }
0x437: {  	v3 =	vmul.f32 v3, v61;
	v62 =	vld [tilespmem:s0+$0x1F0];
	[tilespmem:s0+$0x180] =	vst v9  }
0x438: {  	v7 =	vmul.f32 v7, v61;
	[tilespmem:s0+$0x190] =	vst v2  }
0x439: {  	v2 =	vmul.f32 v6, v61;
	[tilespmem:s0+$0x1B0] =	vst v3  }
0x43a: {  	v3 =	vmul.f32 v8, v61;
	[tilespmem:s0+$0x1A0] =	vst v7  }
0x43b: {  	v63 =	vmul.f32 v10, v61;
	[tilespmem:s0+$0x1C0] =	vst v2  }
0x43c: {  	s25 =	sld [smem:$0x7FC];
	[tilespmem:s0+$0x1D0] =	vst v3;
	v2 =	vmul.f32 v62, v61  }
0x43d: {  	[tilespmem:s0+$0x1E0] =	vst v63  }
0x43e: {  	[tilespmem:s0+$0x1F0] =	vst v2  }
0x43f: {  	[hbm4b:s25+s6] =	stream.linear.scatter [tilespmem:s26], [sflag:$0x7], $0x1400, $0x38;
	[tilespmem:$0x1EB80] =	vst v63  }
0x440: {  	_ =	swait.ge [sflag:s9], $0x1400  }
0x441: {  	s28 =	sld [smem:$0x7EA]  }
0x442: {  	s29 =	sld [smem:$0x7FD];
	_ =	sdelay $0x1  }
0x443: {  	s5 =	sadd.s32 $0x1, s28  }
0x444: {  	p0 =	sne.s32 s5, s29  }
.Ltmp12:
0x445: {  	_ = 	snop;
	(pc) =	sbr.rel @p0 .LBB2_1-.Ltmp12, $3  }
0x446: {  	_ =	sdelay $0x1  }
0x447: {  	[sflag:s9] =	ssyncset.done $0x0  }
0x448: {  	[sflag:s9] =	ssyncadd.s32 $0xFFFFEC00  }
0x449: {  	_ =	sfence.sel $0x180000  }
0x44a: {  	[bflag:$0x0] =	sbarrier.arrive $0xFFFF  }
0x44b: {  	_ =	strace $0x9000004A  }
0x44c: {  	s0 =	stileid.u32;
	[bflag:$0x2] =	sbarrier.arrive $0xFFFF  }
0x44d: {  	p0 =	sne.s32 s0, $0x0;
	s0 =	rddreg [dreg:$0x5]  }
0x44e: {  	s0 =	sadd.s32 @!p0 $0x100000, s0  }
0x44f: {  	[sflag:s0] =	ssyncadd.tile.s32 @!p0 $0x1;
	_ =	shalt  }
.Lfunc_end2:
_tile_overlayer_lowered:
.L_overlay_start_2:
0x450: {  	(tag) =	ssettag $0x2  }
0x451: {  	s0 =	rddreg [dreg:$0x0];
	s2 =	stileid.u32  }
0x452: {  	s1 =	rddreg [dreg:$0x1];
	p0 =	sne.s32 s2, $0x0  }
0x453: {  	s3 =	rddreg [dreg:$0x2];
	[bflag:$0x3] =	sbarrier.arrive $0xFFFF;
	s2 =	simm.s32 @!p0 $0x1C07  }
0x454: {  	[timem:s3], [sflag:s2] =	dma.local @!p0 [hbm:s0], s1  }
0x455: {  	s0 =	simm.s32 @!p0 $0x7  }
0x456: {  	_ =	swait.ge @!p0 [sflag:s0], s1  }
0x457: {  	s1 =	ssub.s32 @!p0 $0x0, s1;
	[sflag:s0] =	ssyncset.done @!p0 $0x0  }
0x458: {  	[sflag:s0] =	ssyncadd.s32 @!p0 s1  }
0x459: {  	[bflag:$0x3] =	sbarrier.arrive $0xFFFF  }
0x45a: {  	_ =	shalt  }

// kernel: kernel.13.cloned.1.call-start
scs
__scs_entry_jumppad:
0x0: {  	(pc) =	sbr.rel $0x88, $3  }
0x1: {  	(tag) =	ssettag $0x0;
	lr =	simm.s32 $0x1  }
0x2: {  	[smem:$0x3F96] =	sst lr;
	_ =	strace $0xD0000000  }
0x3: {  	_ = 	snop  }
0x4: {  	_ = 	snop  }
0x5: {  	_ = 	snop  }
0x6: {  	_ = 	snop  }
0x7: {  	_ = 	snop  }
__scs_overlays_trampoline_lowered:
0x8: {  	[smem:$0x3FA5] =	sst s0  }
0x9: {  	[smem:$0x3FA6] =	sst s1  }
0xa: {  	[smem:$0x3FA7] =	sst s2  }
0xb: {  	[smem:$0x3FA8] =	sst s3  }
0xc: {  	[smem:$0x3FA9] =	sst s4  }
0xd: {  	[smem:$0x3FAA] =	sst s5  }
0xe: {  	[smem:$0x3FAB] =	sst s6  }
0xf: {  	[smem:$0x3FAC] =	sst s7  }
0x10: {  	[smem:$0x3FAD] =	sst s8  }
0x11: {  	[smem:$0x3FAE] =	sst s9;
	s0 =	simm.s32 @!p0 $0x0  }
0x12: {  	s1 =	sld [smem:$0x3F94];
	s0 =	simm.s32 @p0 $0x1  }
0x13: {  	[smem:$0x3FAF] =	sst s0;
	s0 =	simm.s32 @!p1 $0x0  }
0x14: {  	s2 =	sld [smem:$0x3F93];
	s0 =	simm.s32 @p1 $0x1  }
0x15: {  	[smem:$0x3FB0] =	sst s0;
	s0 =	simm.s32 @!p2 $0x0  }
0x16: {  	s3 =	sld [smem:$0x3FDB];
	s0 =	simm.s32 @p2 $0x1  }
0x17: {  	s4 =	simm.s32 $0x1BF5;
	[smem:$0x3FB2] =	sst s0  }
0x18: {  	s0 =	sld [smem:$0x3F95];
	_ =	swait.ge [sflag:s4], $0x0  }
0x19: {  	s7 =	sld [smem:$0x3F96]  }
0x1a: {  	s8 =	sadd.s32 $0xFFFFE003, lr  }
0x1b: {  	s9 =	sadd.s32 $0xFFFFFEF7, lr;
	s5 =	simm.s32 $0xFFFFFFFF;
	p2 =	slt.u32 s8, $0xFFFFF086  }
0x1c: {  	p1 =	slt.u32 s9, $0xF7A;
	s5 =	simm.s32 @!p2 $0x0  }
0x1d: {  	s5 =	simm.s32 @p1 $0x1;
	p0 =	seq.s32 s7, s2  }
0x1e: {  	s7 =	smul.u32 @!p0 $0xF7A, s2;
	p2 =	seq.s32 @!p0 s5, $0x0  }
0x1f: {  	s9 =	smul.u32 $0xF7A, s1;
	s8 =	simm.s32 @!p0 $0x1BF5;
	p2 =	por !p2, p0  }
0x20: {  	[sflag:s8] =	ssyncset.s32 @!p0 $0xFFFFF086;
	s6 =	sadd.s32 @!p0 s3, s7;
	s7 =	simm.s32 @!p0 $0x108  }
0x21: {  	s3 =	sadd.s32 s3, s9;
	s6 =	sadd.s32 @!p0 $0x88, s6;
	s7 =	simm.s32 @p2 $0x1082  }
0x22: {  	[simem:s7], [sflag:s8] =	dma.local @!p0 [hbm:s6], $0xF7A  }
0x23: {  	s9 =	sor.u32 $0xD0000000, s2;
	s6 =	simm.s32 $0x108;
	_ =	swait.ge @!p0 [sflag:s8], $0x0  }
0x24: {  	s3 =	sadd.s32 $0x88, s3;
	s6 =	simm.s32 @!p1 $0x1082;
	[sflag:s4] =	ssyncset.s32 $0xFFFFF086  }
0x25: {  	[simem:s6], [sflag:s4] =	dma.local [hbm:s3], $0xF7A  }
0x26: {  	[smem:$0x3F96] =	sst s1;
	(tag) =	ssettag s2;
	_ =	strace s9  }
0x27: {  	s1 =	sld [smem:$0x3FA6]  }
0x28: {  	s2 =	sld [smem:$0x3FA7]  }
0x29: {  	s4 =	sld [smem:$0x3FA9]  }
0x2a: {  	p0 =	seq.s32 s5, $0x0;
	s5 =	sld [smem:$0x3FAA]  }
0x2b: {  	s6 =	sld [smem:$0x3FAB]  }
0x2c: {  	s7 =	sld [smem:$0x3FAC]  }
0x2d: {  	s3 =	simm.s32 $0x108;
	s8 =	sld [smem:$0x3FAD]  }
0x2e: {  	s3 =	simm.s32 @!p0 $0x1082;
	s9 =	sld [smem:$0x3FAE]  }
0x2f: {  	lr =	sadd.s32 s0, s3;
	s0 =	sld [smem:$0x3FA5]  }
0x30: {  	s3 =	sld [smem:$0x3FA8]  }
0x31: {  	[smem:$0x3FB1] =	sst s10  }
0x32: {  	s10 =	sld [smem:$0x3FAF];
	_ =	sdelay $0x3  }
0x33: {  	p0 =	seq.s32 s10, $0x1;
	s10 =	sld [smem:$0x3FB1];
	_ =	sdelay $0x3  }
0x34: {  	[smem:$0x3FB1] =	sst s10  }
0x35: {  	s10 =	sld [smem:$0x3FB0];
	_ =	sdelay $0x3  }
0x36: {  	p1 =	seq.s32 s10, $0x1;
	s10 =	sld [smem:$0x3FB1];
	_ =	sdelay $0x3  }
0x37: {  	[smem:$0x3FB1] =	sst s10  }
0x38: {  	s10 =	sld [smem:$0x3FB2]  }
0x39: {  	_ = 	snop;
	(pc) =	sbr.ind lr, $3  }
0x3a: {  	_ = 	snop  }
0x3b: {  	_ = 	snop  }
0x3c: {  	p2 =	seq.s32 s10, $0x1;
	s10 =	sld [smem:$0x3FB1]  }
0x3d: {  	_ =	shalt  }
0x3e: {  	_ =	shalt  }
0x3f: {  	_ =	shalt  }
0x40: {  	_ =	shalt  }
0x41: {  	_ =	shalt  }
0x42: {  	_ =	shalt  }
0x43: {  	_ =	shalt  }
0x44: {  	_ =	shalt  }
0x45: {  	_ =	shalt  }
0x46: {  	_ =	shalt  }
0x47: {  	_ =	shalt  }
0x48: {  	_ =	shalt  }
0x49: {  	_ =	shalt  }
0x4a: {  	_ =	shalt  }
0x4b: {  	_ =	shalt  }
0x4c: {  	_ =	shalt  }
0x4d: {  	_ =	shalt  }
0x4e: {  	_ =	shalt  }
0x4f: {  	_ =	shalt  }
0x50: {  	_ =	shalt  }
0x51: {  	_ =	shalt  }
0x52: {  	_ =	shalt  }
0x53: {  	_ =	shalt  }
0x54: {  	_ =	shalt  }
0x55: {  	_ =	shalt  }
0x56: {  	_ =	shalt  }
0x57: {  	_ =	shalt  }
0x58: {  	_ =	shalt  }
0x59: {  	_ =	shalt  }
0x5a: {  	_ =	shalt  }
0x5b: {  	_ =	shalt  }
0x5c: {  	_ =	shalt  }
0x5d: {  	_ =	shalt  }
0x5e: {  	_ =	shalt  }
0x5f: {  	_ =	shalt  }
0x60: {  	_ =	shalt  }
0x61: {  	_ =	shalt  }
0x62: {  	_ =	shalt  }
0x63: {  	_ =	shalt  }
0x64: {  	_ =	shalt  }
0x65: {  	_ =	shalt  }
0x66: {  	_ =	shalt  }
0x67: {  	_ =	shalt  }
0x68: {  	_ =	shalt  }
0x69: {  	_ =	shalt  }
0x6a: {  	_ =	shalt  }
0x6b: {  	_ =	shalt  }
0x6c: {  	_ =	shalt  }
0x6d: {  	_ =	shalt  }
0x6e: {  	_ =	shalt  }
0x6f: {  	_ =	shalt  }
0x70: {  	_ =	shalt  }
0x71: {  	_ =	shalt  }
0x72: {  	_ =	shalt  }
0x73: {  	_ =	shalt  }
0x74: {  	_ =	shalt  }
0x75: {  	_ =	shalt  }
0x76: {  	_ =	shalt  }
0x77: {  	_ =	shalt  }
0x78: {  	_ =	shalt  }
0x79: {  	_ =	shalt  }
0x7a: {  	_ =	shalt  }
0x7b: {  	_ =	shalt  }
0x7c: {  	_ =	shalt  }
0x7d: {  	_ =	shalt  }
0x7e: {  	_ =	shalt  }
0x7f: {  	_ =	shalt  }
0x80: {  	_ =	shalt  }
0x81: {  	_ =	shalt  }
0x82: {  	_ =	shalt  }
0x83: {  	_ =	shalt  }
0x84: {  	_ =	shalt  }
0x85: {  	_ =	shalt  }
0x86: {  	_ =	shalt  }
0x87: {  	_ =	shalt  }
.Lfunc_end0:
.L_simem_size_0:
called_computation.2_lowered:
.L_overlay_start_0:
0x88: {  	s2 =	sld [smem:$0x3FD9]  }
0x89: {  	s3 =	sld [smem:$0x3FFE];
	_ =	sdelay $0x1  }
0x8a: {  	s1 =	srdreg.scid  }
0x8b: {  	s0 =	sand.u32 $0x1, s1  }
0x8c: {  	s17 =	sshll.u32 s0, $0xA;
	s2 =	sadd.s32 s3, s2  }
0x8d: {  	s2 =	sadd.s32 s2, s17  }
0x8e: {  	[smem:$0x3FBD] =	sst s2  }
0x8f: {  	_ = 	snop  }
0x90: {  	s2 =	sld [smem:$0x3FC7];
	(tm) =	ssettm $0x1  }
0x91: {  	s18 =	sld [smem:$0x3FFB];
	_ =	sdelay $0x3  }
0x92: {  	_ =	strace s18  }
0x93: {  	s3 =	sld [smem:$0x3FFC];
	_ =	sdelay $0x3  }
0x94: {  	_ =	strace s3  }
0x95: {  	s3 =	sld [smem:$0x3FFD];
	_ =	sdelay $0x3  }
0x96: {  	_ =	strace s3  }
0x97: {  	_ =	strace $0x8FFFFFFF  }
0x98: {  	s19 =	sld [smem:$0x3FDB];
	_ =	sdelay $0x1  }
0x99: {  	s4 =	simm.s32 $_scs_section_size  }
0x9a: {  	s5 =	simm.s32 $_size__tile_overlayer_lowered;
	s6 =	simm.s32 $_tile_overlayer_lowered  }
0x9b: {  	s22 =	simm.s32 $0x1BFF;
	s21 =	sshll.u32 s6, $0x1;
	s3 =	sadd.s32 s4, s19  }
0x9c: {  	s7 =	simm.s32 $0x0;
	s20 =	sshll.u32 s5, $0x1;
	s5 =	sadd.s32 s21, s3  }
0x9d: {  	[timem:s7], [sflag:s22] =	dma.local [hbm:s5], s20  }
0x9e: {  	_ =	swait.ge [sflag:s22], s20  }
0x9f: {  	s4 =	ssub.s32 $0x0, s20;
	[sflag:s22] =	ssyncset.done $0x0  }
0xa0: {  	[sflag:s22] =	ssyncadd.s32 s4;
	_ =	sdelay $0x1  }
0xa1: {  	s23 =	simm.s32 $0x1B8B  }
0xa2: {  	_ =	swait.ge [sflag:s23], $0x1  }
0xa3: {  	[sflag:s23] =	ssyncset.done $0x0  }
0xa4: {  	s25 =	simm.s32 $0x1B8E;
	s24 =	sld [smem:$0x3FFE];
	[sflag:s23] =	ssyncadd.s32 $0xFFFFFFFF  }
0xa5: {  	s26 =	simm.s32 $execute0_lowered;
	[smem:$0x3FD2] =	sst s25  }
0xa6: {  	s5 =	sshll.u32 s26, $0x1;
	_ =	strace $0x8000004C;
	[dreg:$0x1] =	wrdreg $0xFFFFFFFF  }
0xa7: {  	s28 =	simm.s32 $_size_execute0_lowered;
	s3 =	sadd.s32 s3, s5;
	[dreg:$0x0] =	wrdreg $0x0  }
0xa8: {  	s5 =	sshll.u32 s28, $0x1;
	[dreg:$0x2] =	wrdreg s3  }
0xa9: {  	[dreg:$0x3] =	wrdreg s5  }
0xaa: {  	[dreg:$0x4] =	wrdreg $0xC0  }
0xab: {  	_ =	task [dreg:s7], $0x5FFFF  }
0xac: {  	[dreg:$0x1] =	wrdreg $0xFFFFFFFF  }
0xad: {  	[dreg:$0x0] =	wrdreg $0x60  }
0xae: {  	[dreg:$0x2] =	wrdreg s24  }
0xaf: {  	[dreg:$0x3] =	wrdreg s2  }
0xb0: {  	[dreg:$0x4] =	wrdreg $0x9  }
0xb1: {  	_ =	task.clear_ibuf [dreg:s7], $0x5FFFF;
	_ =	strace $0x9000004C  }
0xb2: {  	s29 =	simm.s32 $0x9;
	_ =	strace $0x8000004E  }
0xb3: {  	_ =	swait.ge [sflag:s29], $0x1  }
0xb4: {  	[sflag:s29] =	ssyncadd.s32 $0xFFFFFFFF  }
0xb5: {  	_ =	strace $0x9000004E  }
0xb6: {  	_ =	sfence  }
0xb7: {  	s30 =	sld [smem:$0x0];
	_ =	sdelay $0x2  }
0xb8: {  	s31 =	sshll.u32 s1, $0xD;
	s1 =	sshrl.u32 s1, $0x2  }
0xb9: {  	s3 =	sand.u32 $0x4000, s31;
	s1 =	sadd.s32 s1, s30  }
0xba: {  	s0 =	sor.u32 s3, s0;
	s1 =	sshll.u32 s1, $0x11  }
0xbb: {  	s0 =	sor.u32 s1, s0  }
0xbc: {  	s0 =	sadd.s32 $0x8F2B, s0  }
0xbd: {  	[sflag:s0] =	ssyncadd.remote.s32 $0x1  }
0xbe: {  	_ =	sfence.sel $0xFFFF  }
0xbf: {  	[dreg:$0x0] =	wrdreg $0xFFFFFFFF;
	(pc) =	sbr.abs _section_cstart, $3  }
0xc0: {  	[dreg:$0x1] =	wrdreg $0xFFFFFFFF  }
0xc1: {  	_ =	task.clear_ibuf [dreg:s7], $0x2FFFF;
	_ =	strace $0x9FFFFFFF  }
0xc2: {  	(tm) =	ssettm $0x7FFFFFFF  }
0xc3: {  	_ =	shalt  }
tec
execute0_lowered:
.L_overlay_start_1:
0x0: {  	(tag) =	ssettag $0x1  }
0x1: {  	s4 =	rddreg [dreg:$0x0]  }
0x2: {  	s0 =	stileid.u32;
	s1 =	srdreg.scid  }
0x3: {  	s6 =	rddreg [dreg:$0x1];
	s5 =	smul.u32 $0xC800, s0  }
0x4: {  	s2 =	simm.s32 $0x0;
	s3 =	sand.u32 $0x1, s1;
	s8 =	smul.u32 $0xC80, s0  }
0x5: {  	s11 =	simm.s32 $0x0;
	s1 =	rddreg [dreg:$0x2];
	s7 =	smul.u32 $0x6400, s3  }
0x6: {  	[smem:$0x7FF] =	sst s2;
	s9 =	ssub.s32 $0x2, s3;
	s10 =	smul.u32 $0x640, s3  }
0x7: {  	s3 =	sadd.s32 $0x15400, s4;
	s4 =	sadd.s32 s5, s4;
	s30 =	sshrl.u32 s9, $0x1  }
0x8: {  	_ =	strace $0x8000004D;
	s5 =	ssub.s32 s9, s30;
	s7 =	sadd.s32 s7, s4  }
0x9: {  	s8 =	sadd.s32 s10, s8;
	s9 =	simm.s32 $0x100;
	s10 =	simm.s32 $0x1  }
0xa: {  	s4 =	smax.u32 s5, $0x1;
	s5 =	sadd.s32 $0x3D400, s7;
	s31 =	sshrl.u32 s8, $0x3  }
0xb: {  	s7 =	simm.s32 $0x2;
	s8 =	simm.s32 $0xC8;
	s6 =	sadd.s32 s31, s6  }
.LBB2_1:
0xc: {  	s12 =	sadd.s32 $0x0, s6  }
0xd: {  	[tilespmem:s2], [sflag:$0x2] =	stream.linear.gather [hbm4b:s12+s2], $0xC8, $0x38;
	[tilespmem:$0x6500] =	vst v63  }
0xe: {  	_ =	swait.ge [sflag:s7], $0xC8  }
0xf: {  	[sflag:s7] =	ssyncset.done $0x0  }
0x10: {  	[sflag:s7] =	ssyncadd.s32 $0xFFFFFF38  }
0x11: {  	[tilespmem:s9], [sflag:$0x1] =	stream.indirect.gather [hbm4b:s3+s8], $0x80, s2, s8, $0xb8;
	[tilespmem:$0x6500] =	vst v63  }
0x12: {  	_ =	swait.ge [sflag:s10], $0x6400  }
0x13: {  	[sflag:s10] =	ssyncset.done $0x0  }
0x14: {  	[sflag:s10] =	ssyncadd.s32 $0xFFFF9C00  }
0x15: {  	[hbm4b:s5+s2] =	stream.linear.scatter [tilespmem:s9], [sflag:$0x2], $0x6400, $0x38;
	[tilespmem:$0x6500] =	vst v63  }
0x16: {  	s13 =	simm.s32 $0x19;
	_ =	swait.ge [sflag:s7], $0x6400  }
0x17: {  	s14 =	simm.s32 $0x32;
	s12 =	sadd.s32 $0xC80, s5;
	[sflag:s7] =	ssyncset.done $0x0  }
.LBB2_2:
0x18: {  	s15 =	sadd.s32 s13, s6  }
0x19: {  	[sflag:s7] =	ssyncadd.s32 $0xFFFF9C00;
	s13 =	smov.u32 s14;
	s16 =	sadd.s32 $0x19, s14  }
0x1a: {  	[tilespmem:s2], [sflag:$0x2] =	stream.linear.gather [hbm4b:s15+s2], $0xC8, $0x38;
	[tilespmem:$0x6500] =	vst v63  }
0x1b: {  	p0 =	sne.s32 s14, $0xAF;
	_ =	swait.ge [sflag:s7], $0xC8  }
0x1c: {  	[sflag:s7] =	ssyncset.done $0x0  }
0x1d: {  	[sflag:s7] =	ssyncadd.s32 $0xFFFFFF38  }
0x1e: {  	[tilespmem:s9], [sflag:$0x1] =	stream.indirect.gather [hbm4b:s3+s8], $0x80, s2, s8, $0xb8;
	[tilespmem:$0x6500] =	vst v63  }
0x1f: {  	_ =	swait.ge [sflag:s10], $0x6400  }
.Ltmp0:
0x20: {  	[sflag:s10] =	ssyncset.done $0x0;
	(pc) =	sbr.rel @p0 .LBB2_2-.Ltmp0, $4  }
0x21: {  	[sflag:s10] =	ssyncadd.s32 $0xFFFF9C00  }
0x22: {  	[hbm4b:s12+s2] =	stream.linear.scatter [tilespmem:s9], [sflag:$0x2], $0x6400, $0x38;
	[tilespmem:$0x6500] =	vst v63  }
0x23: {  	_ =	swait.ge [sflag:s7], $0x6400  }
0x24: {  	s14 =	smov.u32 s16;
	s12 =	sadd.s32 $0xC80, s12;
	[sflag:s7] =	ssyncset.done $0x0  }
0x25: {  	s13 =	sadd.s32 s13, s6;
	[sflag:s7] =	ssyncadd.s32 $0xFFFF9C00  }
0x26: {  	[tilespmem:s2], [sflag:$0x2] =	stream.linear.gather [hbm4b:s13+s2], $0xC8, $0x38;
	[tilespmem:$0x6500] =	vst v63  }
0x27: {  	_ =	swait.ge [sflag:s7], $0xC8  }
0x28: {  	[sflag:s7] =	ssyncset.done $0x0  }
0x29: {  	[sflag:s7] =	ssyncadd.s32 $0xFFFFFF38  }
0x2a: {  	[tilespmem:s9], [sflag:$0x1] =	stream.indirect.gather [hbm4b:s3+s8], $0x80, s2, s8, $0xb8;
	[tilespmem:$0x6500] =	vst v63  }
0x2b: {  	s11 =	sadd.s32 $0x1, s11;
	_ =	swait.ge [sflag:s10], $0x6400  }
0x2c: {  	p0 =	sne.s32 s11, s4;
	[sflag:s10] =	ssyncset.done $0x0  }
.Ltmp1:
0x2d: {  	[sflag:s10] =	ssyncadd.s32 $0xFFFF9C00;
	(pc) =	sbr.rel @p0 .LBB2_1-.Ltmp1, $4  }
0x2e: {  	[hbm4b:s12+s2] =	stream.linear.scatter [tilespmem:s9], [sflag:$0x2], $0x6400, $0x38;
	[tilespmem:$0x6500] =	vst v63  }
0x2f: {  	_ =	swait.ge [sflag:s7], $0x6400  }
0x30: {  	[sflag:s7] =	ssyncset.done $0x0  }
0x31: {  	[sflag:s7] =	ssyncadd.s32 $0xFFFF9C00  }
0x32: {  	_ =	sfence.sel $0x180000  }
0x33: {  	[bflag:$0x0] =	sbarrier.arrive $0xFFFF  }
0x34: {  	p0 =	sne.s32 s0, $0x0;
	_ =	strace $0x9000004D  }
0x35: {  	s0 =	sadd.s32 @!p0 $0x100000, s1;
	[bflag:$0x2] =	sbarrier.arrive $0xFFFF  }
0x36: {  	[sflag:s0] =	ssyncadd.tile.s32 @!p0 $0x1;
	_ =	shalt  }
.Lfunc_end2:
_tile_overlayer_lowered:
.L_overlay_start_2:
0x37: {  	(tag) =	ssettag $0x2  }
0x38: {  	s0 =	rddreg [dreg:$0x0];
	s2 =	stileid.u32  }
0x39: {  	s1 =	rddreg [dreg:$0x1];
	p0 =	sne.s32 s2, $0x0  }
0x3a: {  	s3 =	rddreg [dreg:$0x2];
	[bflag:$0x3] =	sbarrier.arrive $0xFFFF;
	s2 =	simm.s32 @!p0 $0x1C02  }
0x3b: {  	[timem:s3], [sflag:s2] =	dma.local @!p0 [hbm:s0], s1  }
0x3c: {  	s0 =	simm.s32 @!p0 $0x2  }
0x3d: {  	_ =	swait.ge @!p0 [sflag:s0], s1  }
0x3e: {  	s1 =	ssub.s32 @!p0 $0x0, s1;
	[sflag:s0] =	ssyncset.done @!p0 $0x0  }
0x3f: {  	[sflag:s0] =	ssyncadd.s32 @!p0 s1  }
0x40: {  	[bflag:$0x3] =	sbarrier.arrive $0xFFFF  }
0x41: {  	_ =	shalt  }

// kernel: kernel.7.cloned.1.call-start
scs
__scs_entry_jumppad:
0x0: {  	(pc) =	sbr.rel $0x88, $3  }
0x1: {  	(tag) =	ssettag $0x0;
	lr =	simm.s32 $0x1  }
0x2: {  	[smem:$0x3F96] =	sst lr;
	_ =	strace $0xD0000000  }
0x3: {  	_ = 	snop  }
0x4: {  	_ = 	snop  }
0x5: {  	_ = 	snop  }
0x6: {  	_ = 	snop  }
0x7: {  	_ = 	snop  }
__scs_overlays_trampoline_lowered:
0x8: {  	[smem:$0x3FA5] =	sst s0  }
0x9: {  	[smem:$0x3FA6] =	sst s1  }
0xa: {  	[smem:$0x3FA7] =	sst s2  }
0xb: {  	[smem:$0x3FA8] =	sst s3  }
0xc: {  	[smem:$0x3FA9] =	sst s4  }
0xd: {  	[smem:$0x3FAA] =	sst s5  }
0xe: {  	[smem:$0x3FAB] =	sst s6  }
0xf: {  	[smem:$0x3FAC] =	sst s7  }
0x10: {  	[smem:$0x3FAD] =	sst s8  }
0x11: {  	[smem:$0x3FAE] =	sst s9;
	s0 =	simm.s32 @!p0 $0x0  }
0x12: {  	s1 =	sld [smem:$0x3F94];
	s0 =	simm.s32 @p0 $0x1  }
0x13: {  	[smem:$0x3FAF] =	sst s0;
	s0 =	simm.s32 @!p1 $0x0  }
0x14: {  	s2 =	sld [smem:$0x3F93];
	s0 =	simm.s32 @p1 $0x1  }
0x15: {  	[smem:$0x3FB0] =	sst s0;
	s0 =	simm.s32 @!p2 $0x0  }
0x16: {  	s3 =	sld [smem:$0x3FDB];
	s0 =	simm.s32 @p2 $0x1  }
0x17: {  	s4 =	simm.s32 $0x1BF5;
	[smem:$0x3FB2] =	sst s0  }
0x18: {  	s0 =	sld [smem:$0x3F95];
	_ =	swait.ge [sflag:s4], $0x0  }
0x19: {  	s7 =	sld [smem:$0x3F96]  }
0x1a: {  	s8 =	sadd.s32 $0xFFFFE003, lr  }
0x1b: {  	s9 =	sadd.s32 $0xFFFFFEF7, lr;
	s5 =	simm.s32 $0xFFFFFFFF;
	p2 =	slt.u32 s8, $0xFFFFF086  }
0x1c: {  	p1 =	slt.u32 s9, $0xF7A;
	s5 =	simm.s32 @!p2 $0x0  }
0x1d: {  	s5 =	simm.s32 @p1 $0x1;
	p0 =	seq.s32 s7, s2  }
0x1e: {  	s7 =	smul.u32 @!p0 $0xF7A, s2;
	p2 =	seq.s32 @!p0 s5, $0x0  }
0x1f: {  	s9 =	smul.u32 $0xF7A, s1;
	s8 =	simm.s32 @!p0 $0x1BF5;
	p2 =	por !p2, p0  }
0x20: {  	[sflag:s8] =	ssyncset.s32 @!p0 $0xFFFFF086;
	s6 =	sadd.s32 @!p0 s3, s7;
	s7 =	simm.s32 @!p0 $0x108  }
0x21: {  	s3 =	sadd.s32 s3, s9;
	s6 =	sadd.s32 @!p0 $0x88, s6;
	s7 =	simm.s32 @p2 $0x1082  }
0x22: {  	[simem:s7], [sflag:s8] =	dma.local @!p0 [hbm:s6], $0xF7A  }
0x23: {  	s9 =	sor.u32 $0xD0000000, s2;
	s6 =	simm.s32 $0x108;
	_ =	swait.ge @!p0 [sflag:s8], $0x0  }
0x24: {  	s3 =	sadd.s32 $0x88, s3;
	s6 =	simm.s32 @!p1 $0x1082;
	[sflag:s4] =	ssyncset.s32 $0xFFFFF086  }
0x25: {  	[simem:s6], [sflag:s4] =	dma.local [hbm:s3], $0xF7A  }
0x26: {  	[smem:$0x3F96] =	sst s1;
	(tag) =	ssettag s2;
	_ =	strace s9  }
0x27: {  	s1 =	sld [smem:$0x3FA6]  }
0x28: {  	s2 =	sld [smem:$0x3FA7]  }
0x29: {  	s4 =	sld [smem:$0x3FA9]  }
0x2a: {  	p0 =	seq.s32 s5, $0x0;
	s5 =	sld [smem:$0x3FAA]  }
0x2b: {  	s6 =	sld [smem:$0x3FAB]  }
0x2c: {  	s7 =	sld [smem:$0x3FAC]  }
0x2d: {  	s3 =	simm.s32 $0x108;
	s8 =	sld [smem:$0x3FAD]  }
0x2e: {  	s3 =	simm.s32 @!p0 $0x1082;
	s9 =	sld [smem:$0x3FAE]  }
0x2f: {  	lr =	sadd.s32 s0, s3;
	s0 =	sld [smem:$0x3FA5]  }
0x30: {  	s3 =	sld [smem:$0x3FA8]  }
0x31: {  	[smem:$0x3FB1] =	sst s10  }
0x32: {  	s10 =	sld [smem:$0x3FAF];
	_ =	sdelay $0x3  }
0x33: {  	p0 =	seq.s32 s10, $0x1;
	s10 =	sld [smem:$0x3FB1];
	_ =	sdelay $0x3  }
0x34: {  	[smem:$0x3FB1] =	sst s10  }
0x35: {  	s10 =	sld [smem:$0x3FB0];
	_ =	sdelay $0x3  }
0x36: {  	p1 =	seq.s32 s10, $0x1;
	s10 =	sld [smem:$0x3FB1];
	_ =	sdelay $0x3  }
0x37: {  	[smem:$0x3FB1] =	sst s10  }
0x38: {  	s10 =	sld [smem:$0x3FB2]  }
0x39: {  	_ = 	snop;
	(pc) =	sbr.ind lr, $3  }
0x3a: {  	_ = 	snop  }
0x3b: {  	_ = 	snop  }
0x3c: {  	p2 =	seq.s32 s10, $0x1;
	s10 =	sld [smem:$0x3FB1]  }
0x3d: {  	_ =	shalt  }
0x3e: {  	_ =	shalt  }
0x3f: {  	_ =	shalt  }
0x40: {  	_ =	shalt  }
0x41: {  	_ =	shalt  }
0x42: {  	_ =	shalt  }
0x43: {  	_ =	shalt  }
0x44: {  	_ =	shalt  }
0x45: {  	_ =	shalt  }
0x46: {  	_ =	shalt  }
0x47: {  	_ =	shalt  }
0x48: {  	_ =	shalt  }
0x49: {  	_ =	shalt  }
0x4a: {  	_ =	shalt  }
0x4b: {  	_ =	shalt  }
0x4c: {  	_ =	shalt  }
0x4d: {  	_ =	shalt  }
0x4e: {  	_ =	shalt  }
0x4f: {  	_ =	shalt  }
0x50: {  	_ =	shalt  }
0x51: {  	_ =	shalt  }
0x52: {  	_ =	shalt  }
0x53: {  	_ =	shalt  }
0x54: {  	_ =	shalt  }
0x55: {  	_ =	shalt  }
0x56: {  	_ =	shalt  }
0x57: {  	_ =	shalt  }
0x58: {  	_ =	shalt  }
0x59: {  	_ =	shalt  }
0x5a: {  	_ =	shalt  }
0x5b: {  	_ =	shalt  }
0x5c: {  	_ =	shalt  }
0x5d: {  	_ =	shalt  }
0x5e: {  	_ =	shalt  }
0x5f: {  	_ =	shalt  }
0x60: {  	_ =	shalt  }
0x61: {  	_ =	shalt  }
0x62: {  	_ =	shalt  }
0x63: {  	_ =	shalt  }
0x64: {  	_ =	shalt  }
0x65: {  	_ =	shalt  }
0x66: {  	_ =	shalt  }
0x67: {  	_ =	shalt  }
0x68: {  	_ =	shalt  }
0x69: {  	_ =	shalt  }
0x6a: {  	_ =	shalt  }
0x6b: {  	_ =	shalt  }
0x6c: {  	_ =	shalt  }
0x6d: {  	_ =	shalt  }
0x6e: {  	_ =	shalt  }
0x6f: {  	_ =	shalt  }
0x70: {  	_ =	shalt  }
0x71: {  	_ =	shalt  }
0x72: {  	_ =	shalt  }
0x73: {  	_ =	shalt  }
0x74: {  	_ =	shalt  }
0x75: {  	_ =	shalt  }
0x76: {  	_ =	shalt  }
0x77: {  	_ =	shalt  }
0x78: {  	_ =	shalt  }
0x79: {  	_ =	shalt  }
0x7a: {  	_ =	shalt  }
0x7b: {  	_ =	shalt  }
0x7c: {  	_ =	shalt  }
0x7d: {  	_ =	shalt  }
0x7e: {  	_ =	shalt  }
0x7f: {  	_ =	shalt  }
0x80: {  	_ =	shalt  }
0x81: {  	_ =	shalt  }
0x82: {  	_ =	shalt  }
0x83: {  	_ =	shalt  }
0x84: {  	_ =	shalt  }
0x85: {  	_ =	shalt  }
0x86: {  	_ =	shalt  }
0x87: {  	_ =	shalt  }
.Lfunc_end0:
.L_simem_size_0:
called_computation_lowered:
.L_overlay_start_0:
0x88: {  	s2 =	sld [smem:$0x3FD9]  }
0x89: {  	s3 =	sld [smem:$0x3FFE];
	_ =	sdelay $0x1  }
0x8a: {  	s1 =	srdreg.scid  }
0x8b: {  	s0 =	sand.u32 $0x1, s1  }
0x8c: {  	s17 =	sshll.u32 s0, $0xA;
	s2 =	sadd.s32 s3, s2  }
0x8d: {  	s2 =	sadd.s32 s2, s17  }
0x8e: {  	[smem:$0x3FBD] =	sst s2  }
0x8f: {  	_ = 	snop  }
0x90: {  	s2 =	sld [smem:$0x3FC4]  }
0x91: {  	s18 =	sld [smem:$0x3FD0];
	(tm) =	ssettm $0x1  }
0x92: {  	s4 =	sld [smem:$0x3FFB];
	_ =	sdelay $0x3  }
0x93: {  	_ =	strace s4  }
0x94: {  	s4 =	sld [smem:$0x3FFC];
	_ =	sdelay $0x3  }
0x95: {  	_ =	strace s4  }
0x96: {  	s4 =	sld [smem:$0x3FFD];
	_ =	sdelay $0x3  }
0x97: {  	_ =	strace s4  }
0x98: {  	_ =	strace $0x8FFFFFFF  }
0x99: {  	s19 =	sld [smem:$0x3FDB];
	_ =	sdelay $0x1  }
0x9a: {  	s5 =	simm.s32 $_scs_section_size  }
0x9b: {  	s6 =	simm.s32 $_size__tile_overlayer_lowered;
	s7 =	simm.s32 $_tile_overlayer_lowered  }
0x9c: {  	s22 =	simm.s32 $0x1BFF;
	s21 =	sshll.u32 s7, $0x1;
	s4 =	sadd.s32 s5, s19  }
0x9d: {  	s8 =	simm.s32 $0x0;
	s20 =	sshll.u32 s6, $0x1;
	s6 =	sadd.s32 s21, s4  }
0x9e: {  	[timem:s8], [sflag:s22] =	dma.local [hbm:s6], s20  }
0x9f: {  	_ =	swait.ge [sflag:s22], s20  }
0xa0: {  	s5 =	ssub.s32 $0x0, s20;
	[sflag:s22] =	ssyncset.done $0x0  }
0xa1: {  	[sflag:s22] =	ssyncadd.s32 s5;
	_ =	sdelay $0x1  }
0xa2: {  	s23 =	simm.s32 $0x1B8B  }
0xa3: {  	_ =	swait.ge [sflag:s23], $0x1  }
0xa4: {  	[sflag:s23] =	ssyncset.done $0x0  }
0xa5: {  	s25 =	simm.s32 $0x1B8E;
	s24 =	sld [smem:$0x3FFE];
	[sflag:s23] =	ssyncadd.s32 $0xFFFFFFFF  }
0xa6: {  	s26 =	simm.s32 $execute0_lowered;
	[smem:$0x3FD2] =	sst s25  }
0xa7: {  	s6 =	sshll.u32 s26, $0x1;
	_ =	strace $0x80000046;
	[dreg:$0x1] =	wrdreg $0xFFFFFFFF  }
0xa8: {  	s28 =	simm.s32 $_size_execute0_lowered;
	s4 =	sadd.s32 s4, s6;
	[dreg:$0x0] =	wrdreg $0x0  }
0xa9: {  	s6 =	sshll.u32 s28, $0x1;
	[dreg:$0x2] =	wrdreg s4  }
0xaa: {  	[dreg:$0x3] =	wrdreg s6  }
0xab: {  	[dreg:$0x4] =	wrdreg $0xC0  }
0xac: {  	_ =	task [dreg:s8], $0x5FFFF  }
0xad: {  	[dreg:$0x1] =	wrdreg $0xFFFFFFFF  }
0xae: {  	[dreg:$0x0] =	wrdreg $0x60  }
0xaf: {  	[dreg:$0x2] =	wrdreg s2  }
0xb0: {  	[dreg:$0x3] =	wrdreg s24  }
0xb1: {  	[dreg:$0x4] =	wrdreg s18  }
0xb2: {  	[dreg:$0x5] =	wrdreg $0x9  }
0xb3: {  	_ =	task.clear_ibuf [dreg:s8], $0x6FFFF;
	_ =	strace $0x90000046  }
0xb4: {  	s29 =	simm.s32 $0x9;
	_ =	strace $0x80000048  }
0xb5: {  	_ =	swait.ge [sflag:s29], $0x1  }
0xb6: {  	[sflag:s29] =	ssyncadd.s32 $0xFFFFFFFF  }
0xb7: {  	_ =	strace $0x90000048  }
0xb8: {  	_ =	sfence  }
0xb9: {  	s30 =	sld [smem:$0x0];
	_ =	sdelay $0x2  }
0xba: {  	s31 =	sshll.u32 s1, $0xD;
	s1 =	sshrl.u32 s1, $0x2  }
0xbb: {  	s3 =	sand.u32 $0x4000, s31;
	s1 =	sadd.s32 s1, s30  }
0xbc: {  	s0 =	sor.u32 s3, s0;
	s1 =	sshll.u32 s1, $0x11  }
0xbd: {  	s0 =	sor.u32 s1, s0  }
0xbe: {  	s0 =	sadd.s32 $0x8F2B, s0  }
0xbf: {  	[sflag:s0] =	ssyncadd.remote.s32 $0x1  }
0xc0: {  	_ =	sfence.sel $0xFFFF  }
0xc1: {  	[dreg:$0x0] =	wrdreg $0xFFFFFFFF;
	(pc) =	sbr.abs _section_cstart, $3  }
0xc2: {  	[dreg:$0x1] =	wrdreg $0xFFFFFFFF  }
0xc3: {  	_ =	task.clear_ibuf [dreg:s8], $0x2FFFF;
	_ =	strace $0x9FFFFFFF  }
0xc4: {  	(tm) =	ssettm $0x7FFFFFFF  }
0xc5: {  	_ =	shalt  }
tec
execute0_lowered:
.L_overlay_start_1:
0x0: {  	(tag) =	ssettag $0x1  }
0x1: {  	s1 =	srdreg.scid;
	s0 =	stileid.u32  }
0x2: {  	s2 =	rddreg [dreg:$0x0];
	s6 =	sand.u32 $0x1, s1;
	s30 =	sshll.u32 s0, $0x1  }
0x3: {  	s4 =	rddreg [dreg:$0x1];
	s9 =	sor.u32 s6, s30  }
0x4: {  	s10 =	rddreg [dreg:$0x2];
	s3 =	simm.s32 $0x0;
	s5 =	smul.u32 $0x28, s9  }
0x5: {  	[smem:$0x7FF] =	sst s3  }
0x6: {  	s1 =	rddreg [dreg:$0x3];
	_ =	strace $0x80000047;
	s4 =	sadd.s32 s5, s4  }
0x7: {  	s11 =	ssub.s32 $0x2, s6;
	s5 =	sadd.s32 $0x1200, s4;
	s4 =	simm.s32 $0x2  }
0x8: {  	[tilespmem:s3], [sflag:$0x2] =	stream.linear.gather [hbm4b:s5+s3], $0x140, $0x38;
	[tilespmem:$0xA180] =	vst v63  }
0x9: {  	s7 =	simm.s32 $0x180;
	s12 =	sshrl.u32 s11, $0x1;
	_ =	swait.ge [sflag:s4], $0x140  }
0xa: {  	s8 =	simm.s32 $0x1;
	s11 =	ssub.s32 s11, s12;
	[sflag:s4] =	ssyncset.done $0x0  }
0xb: {  	s6 =	simm.s32 $0x140;
	s31 =	smax.u32 s11, $0x1;
	[sflag:s4] =	ssyncadd.s32 $0xFFFFFEC0  }
0xc: {  	[tilespmem:s7], [sflag:$0x1] =	stream.indirect.gather [hbm4b:s2+s6], $0x80, s3, s6, $0xb8;
	[tilespmem:$0xA180] =	vst v63  }
0xd: {  	s9 =	smul.u32 $0x1400, s9;
	p0 =	sne.s32 s31, $0x1;
	_ =	swait.ge [sflag:s8], $0xA000  }
.Ltmp0:
0xe: {  	[sflag:s8] =	ssyncset.done $0x0;
	(pc) =	sbr.rel @!p0 .LBB2_2-.Ltmp0, $4  }
0xf: {  	s9 =	sadd.s32 s10, s9;
	[sflag:s8] =	ssyncadd.s32 $0xFFFF6000  }
0x10: {  	[hbm4b:s9+s3] =	stream.linear.scatter [tilespmem:s7], [sflag:$0x2], $0xA000, $0x38;
	[tilespmem:$0xA180] =	vst v63  }
0x11: {  	_ =	swait.ge [sflag:s4], $0xA000  }
0x12: {  	s10 =	sadd.s32 $0xFFFFFFFF, s31;
	[sflag:s4] =	ssyncset.done $0x0  }
.LBB2_1:
0x13: {  	p0 =	sne.s32 s10, $0x1;
	s10 =	sadd.s32 $0xFFFFFFFF, s10;
	[sflag:s4] =	ssyncadd.s32 $0xFFFF6000  }
0x14: {  	[tilespmem:s3], [sflag:$0x2] =	stream.linear.gather [hbm4b:s5+s3], $0x140, $0x38;
	[tilespmem:$0xA180] =	vst v63  }
0x15: {  	_ =	swait.ge [sflag:s4], $0x140  }
0x16: {  	[sflag:s4] =	ssyncset.done $0x0  }
0x17: {  	[sflag:s4] =	ssyncadd.s32 $0xFFFFFEC0  }
0x18: {  	[tilespmem:s7], [sflag:$0x1] =	stream.indirect.gather [hbm4b:s2+s6], $0x80, s3, s6, $0xb8;
	[tilespmem:$0xA180] =	vst v63  }
0x19: {  	_ =	swait.ge [sflag:s8], $0xA000  }
.Ltmp1:
0x1a: {  	[sflag:s8] =	ssyncset.done $0x0;
	(pc) =	sbr.rel @p0 .LBB2_1-.Ltmp1, $4  }
0x1b: {  	[sflag:s8] =	ssyncadd.s32 $0xFFFF6000  }
0x1c: {  	[hbm4b:s9+s3] =	stream.linear.scatter [tilespmem:s7], [sflag:$0x2], $0xA000, $0x38;
	[tilespmem:$0xA180] =	vst v63  }
0x1d: {  	_ =	swait.ge [sflag:s4], $0xA000  }
0x1e: {  	[sflag:s4] =	ssyncset.done $0x0  }
.LBB2_2:
0x1f: {  	[sflag:s4] =	ssyncadd.s32 $0xFFFF6000  }
0x20: {  	_ =	sfence.sel $0x180000  }
0x21: {  	[bflag:$0x0] =	sbarrier.arrive $0xFFFF  }
0x22: {  	p0 =	sne.s32 s0, $0x0;
	_ =	strace $0x90000047  }
0x23: {  	s0 =	sadd.s32 @!p0 $0x100000, s1;
	[bflag:$0x2] =	sbarrier.arrive $0xFFFF  }
0x24: {  	[sflag:s0] =	ssyncadd.tile.s32 @!p0 $0x1;
	_ =	shalt  }
.Lfunc_end2:
_tile_overlayer_lowered:
.L_overlay_start_2:
0x25: {  	(tag) =	ssettag $0x2  }
0x26: {  	s0 =	rddreg [dreg:$0x0];
	s2 =	stileid.u32  }
0x27: {  	s1 =	rddreg [dreg:$0x1];
	p0 =	sne.s32 s2, $0x0  }
0x28: {  	s3 =	rddreg [dreg:$0x2];
	[bflag:$0x3] =	sbarrier.arrive $0xFFFF;
	s2 =	simm.s32 @!p0 $0x1C02  }
0x29: {  	[timem:s3], [sflag:s2] =	dma.local @!p0 [hbm:s0], s1  }
0x2a: {  	s0 =	simm.s32 @!p0 $0x2  }
0x2b: {  	_ =	swait.ge @!p0 [sflag:s0], s1  }
0x2c: {  	s1 =	ssub.s32 @!p0 $0x0, s1;
	[sflag:s0] =	ssyncset.done @!p0 $0x0  }
0x2d: {  	[sflag:s0] =	ssyncadd.s32 @!p0 s1  }
0x2e: {  	[bflag:$0x3] =	sbarrier.arrive $0xFFFF  }
0x2f: {  	_ =	shalt  }

</sc_bundles>
